<compile_context>
chip_gen: v7x
topology: tpu7x:2x2x1
jax: 0.10.2.dev20260603
libtpu: 0.0.44.dev20260713+nightly
codegen_flags: <defaults>
</compile_context>

<pallas_src>
import functools

import jax
import jax.numpy as jnp
from jax import lax
from jax.experimental import pallas as pl
from jax.experimental.pallas import tpu as pltpu
from jax.experimental.pallas import tpu_sc as plsc

NC = 2
NS = 16
NW = NC * NS
L = 16
U = 5


def _wid():
    return lax.axis_index("s") * NC + lax.axis_index("c")


def _pass1_body(M, T, B, BP, seg_hbm, qa_hbm, sums_hbm, cnts_hbm,
                seg0, seg1, qa0, qa1, accs_a, accc_a, row_v, sems):
    wid = _wid()
    base = wid * M
    lane_off = lax.iota(jnp.int32, L) * BP
    ones = jnp.ones((L,), jnp.float32)
    zeros = jnp.zeros((L,), jnp.float32)
    bufs = ((seg0, qa0), (seg1, qa1))
    nchunks = M // T

    def issue(k, slot):
        off = base + k * T
        sb, qb = bufs[slot]
        c1 = pltpu.async_copy(seg_hbm.at[pl.ds(off, T)], sb, sems.at[slot])
        c2 = pltpu.async_copy(qa_hbm.at[pl.ds(off, T)], qb, sems.at[slot])
        return (c1, c2)

    copies = [issue(0, 0), None]

    @plsc.parallel_loop(0, (L * BP) // L, unroll=U)
    def zero_body(j):
        sl = pl.ds(j * L, L)
        accs_a[sl] = zeros
        accc_a[sl] = zeros

    for k in range(nchunks):
        slot = k % 2
        if k + 1 < nchunks:
            copies[(k + 1) % 2] = issue(k + 1, (k + 1) % 2)
        for c in copies[slot]:
            c.wait()
        sb, qb = bufs[slot]

        @plsc.parallel_loop(0, T // L, U, unroll=2)
        def vec_body(v0):
            for u in range(U):
                sl = pl.ds((v0 + u) * L, L)
                s = sb[sl]
                q = qb[sl]
                idx = lane_off + s
                plsc.addupdate_scatter(accs_a, [idx], q)
                plsc.addupdate_scatter(accc_a, [idx], ones)

    @plsc.parallel_loop(0, B // L, unroll=2)
    def red_sums(j):
        sl = pl.ds(j * L, L)
        tot = accs_a[sl]
        for i in range(1, L):
            tot = tot + accs_a[pl.ds(i * BP + j * L, L)]
        row_v[sl] = tot

    pltpu.sync_copy(row_v, sums_hbm.at[pl.ds(wid * B, B)])

    @plsc.parallel_loop(0, B // L, unroll=2)
    def red_cnts(j):
        sl = pl.ds(j * L, L)
        tot = accc_a[sl]
        for i in range(1, L):
            tot = tot + accc_a[pl.ds(i * BP + j * L, L)]
        row_v[sl] = tot

    pltpu.sync_copy(row_v, cnts_hbm.at[pl.ds(wid * B, B)])


def _sload(ref, i):
    return ref[pl.ds(i, L)][0]


def _count_lt(ref, n_items, x, strict):

    def body(_, c):
        lo, hi = c
        mid = (lo + hi) // 2
        v = _sload(ref, mid)
        pred = (v < x) if strict else (v <= x)
        go = hi > lo
        lo = jnp.where(go & pred, mid + 1, lo)
        hi = jnp.where(go & jnp.logical_not(pred), mid, hi)
        return (lo, hi)

    lo, _ = lax.fori_loop(0, 11, body, (jnp.int32(0), jnp.int32(n_items)))
    return lo


def _pass2_body(M, T, B, N, qa_hbm, q_hbm, sums_hbm, cnts_hbm,
                out_hbm, rawq_hbm, qa0, qa1, out0, out1,
                big_v, corr_v, cnt_v, qv_v, raw_v, starts_v, sems, osems):
    wid = _wid()
    base = wid * M
    lanes = lax.iota(jnp.int32, L)
    bufs = ((qa0, out0), (qa1, out1))
    nchunks = M // T

    def issue(k, slot):
        off = base + k * T
        qb, _ = bufs[slot]
        return pltpu.async_copy(qa_hbm.at[pl.ds(off, T)], qb, sems.at[slot])

    copies = [issue(0, 0), None]

    pltpu.sync_copy(q_hbm, qv_v)
    pltpu.sync_copy(sums_hbm, big_v)

    @plsc.parallel_loop(0, B // L, unroll=2)
    def comb_sums(j):
        sl = pl.ds(j * L, L)
        s = big_v[sl]
        for i in range(1, NW):
            s = s + big_v[pl.ds(i * B + j * L, L)]
        raw_v[sl] = s

    pltpu.sync_copy(cnts_hbm, big_v)

    @plsc.parallel_loop(0, B // L, unroll=2)
    def comb_cnts(j):
        sl = pl.ds(j * L, L)
        c = big_v[sl]
        for i in range(1, NW):
            c = c + big_v[pl.ds(i * B + j * L, L)]
        cnt_v[sl] = c
        corr_v[sl] = (qv_v[sl] - raw_v[sl]) / c

    @pl.when(wid == 0)
    def _():
        pltpu.sync_copy(raw_v, rawq_hbm)

    def cum_body(j, carry):
        sl = pl.ds(j * L, L)
        c = cnt_v[sl]
        cum = plsc.cumsum(c)
        starts_v[sl] = ((cum - c) + carry).astype(jnp.int32)
        return carry + jnp.sum(c)

    lax.fori_loop(0, B // L, cum_body, jnp.float32(0.0))
    starts_v[pl.ds(B, L)] = jnp.full((L,), N, jnp.int32)

    outcp = [None, None]
    for k in range(nchunks):
        slot = k % 2
        if k + 1 < nchunks:
            copies[(k + 1) % 2] = issue(k + 1, (k + 1) % 2)
        copies[slot].wait()
        if outcp[slot] is not None:
            outcp[slot].wait()
        qb, ob = bufs[slot]
        cb = base + k * T

        s_lo = _count_lt(starts_v, B, cb, strict=False) - 1
        s_hi = _count_lt(starts_v, B, cb + T, strict=True)

        def seg_body(s, _):
            l = jnp.maximum(_sload(starts_v, s), cb) - cb
            h = jnp.minimum(_sload(starts_v, s + 1), cb + T) - cb
            vsv = jnp.broadcast_to(_sload(corr_v, s), (L,))

            @pl.when(h > l)
            def _():
                hv = l // L
                tv = (h - 1) // L
                m = (lanes >= l - hv * L) & (lanes < h - hv * L)
                sl = pl.ds(hv * L, L)
                bv = jnp.where(l == hv * L, qb[sl], ob[sl])
                ob[sl] = bv + jnp.where(m, vsv, 0.0)

                @pl.when(tv > hv)
                def _():
                    slt = pl.ds(tv * L, L)
                    mt = lanes < h - tv * L
                    ob[slt] = qb[slt] + jnp.where(mt, vsv, 0.0)

                @plsc.parallel_loop(hv + 1, tv, unroll=4)
                def full(v):
                    slv = pl.ds(v * L, L)
                    ob[slv] = qb[slv] + vsv

            return 0

        lax.fori_loop(s_lo, s_hi, seg_body, 0)
        outcp[slot] = pltpu.async_copy(ob, out_hbm.at[pl.ds(cb, T)],
                                       osems.at[slot])
    for cp in outcp:
        if cp is not None:
            cp.wait()


def kernel(Za, Qa, Q, batch_seg):
    del Za
    N = Qa.shape[0]
    B = Q.shape[0]
    assert N % NW == 0
    M = N // NW
    T1 = 20000
    T2 = 20000
    assert M % T1 == 0 and (T1 // L) % U == 0
    assert M % T2 == 0 and T2 % L == 0

    seg = batch_seg.astype(jnp.int32)
    qa = Qa.astype(jnp.float32)

    BP = B + 1

    mesh = plsc.VectorSubcoreMesh(core_axis_name="c", subcore_axis_name="s")

    pass1 = pl.kernel(
        functools.partial(_pass1_body, M, T1, B, BP),
        out_type=(
            jax.ShapeDtypeStruct((NW * B,), jnp.float32),
            jax.ShapeDtypeStruct((NW * B,), jnp.float32),
        ),
        mesh=mesh,
        compiler_params=pltpu.CompilerParams(needs_layout_passes=False),
        scratch_types=[
            pltpu.VMEM((T1,), jnp.int32),
            pltpu.VMEM((T1,), jnp.int32),
            pltpu.VMEM((T1,), jnp.float32),
            pltpu.VMEM((T1,), jnp.float32),
            pltpu.VMEM((L * BP,), jnp.float32),
            pltpu.VMEM((L * BP,), jnp.float32),
            pltpu.VMEM((B,), jnp.float32),
            pltpu.SemaphoreType.DMA((2,)),
        ],
    )
    sums, cnts = pass1(seg, qa)

    pass2 = pl.kernel(
        functools.partial(_pass2_body, M, T2, B, N),
        out_type=(
            jax.ShapeDtypeStruct((N,), jnp.float32),
            jax.ShapeDtypeStruct((B,), jnp.float32),
        ),
        mesh=mesh,
        compiler_params=pltpu.CompilerParams(needs_layout_passes=False),
        scratch_types=[
            pltpu.VMEM((T2,), jnp.float32),
            pltpu.VMEM((T2,), jnp.float32),
            pltpu.VMEM((T2,), jnp.float32),
            pltpu.VMEM((T2,), jnp.float32),
            pltpu.VMEM((NW * B,), jnp.float32),
            pltpu.VMEM((B + L,), jnp.float32),
            pltpu.VMEM((B,), jnp.float32),
            pltpu.VMEM((B,), jnp.float32),
            pltpu.VMEM((B,), jnp.float32),
            pltpu.VMEM((B + L,), jnp.int32),
            pltpu.SemaphoreType.DMA((2,)),
            pltpu.SemaphoreType.DMA((2,)),
        ],
    )
    out, rawq = pass2(qa, Q.astype(jnp.float32), sums, cnts)
    return (out, rawq)

# --- scband reference (transcript-rebuilt; emitter-appended) ---
"""Pipeline reference for scband-charge-conservation-layer-74440373175029 (READ-ONLY COPY).

The authoritative reference and input builder live on the scoring server;
editing this copy changes nothing except your own understanding.
"""

import jax, jax.numpy as jnp
import numpy as np

N = 3200000
B = 1024

def setup_inputs(seed: int = 0) -> dict:
    key = jax.random.key(seed)
    k1, k2, k3, k4 = jax.random.split(key, 4)
    Za = jax.random.randint(k1, (N,), 0, 100, dtype=jnp.int64)
    Qa = jax.random.normal(k2, (N,), dtype=jnp.float32)
    Q = jax.random.normal(k3, (B,), dtype=jnp.float32)
    batch_seg = jnp.sort(jax.random.randint(k4, (N,), 0, B, dtype=jnp.int64))
    return {"Za": Za, "Qa": Qa, "Q": Q, "batch_seg": batch_seg}

def reference(Za, Qa, Q, batch_seg):
    # ChargeConservationLayer.get_corrected_Qa
    num_segments = Q.shape[0]
    # N_per_batch = segment_sum(ones_like(batch_seg), batch_seg)
    N_per_batch = jax.ops.segment_sum(jnp.ones_like(Qa), batch_seg, num_segments=num_segments)
    # raw_Q = segment_sum(Qa, batch_seg)
    raw_Q = jax.ops.segment_sum(Qa, batch_seg, num_segments=num_segments)
    # Qa_corrected = Qa + ((Q - raw_Q) / N_per_batch).gather(0, batch_seg)
    correction = (Q - raw_Q) / N_per_batch
    Qa_corrected = Qa + jnp.take(correction, batch_seg, axis=0)
    return (Qa_corrected, raw_Q)

if __name__ == "__main__":
    import jax
    _d = setup_inputs()
    print(jax.jit(kernel)(*tuple(_d.values())))

</pallas_src>

<mosaic_0001>
#map = affine_map<(d0, d1) -> (0)>
module attributes {stable_mosaic.version = 14 : i64} {
  func.func @_pass2_body(%arg0: i32, %arg1: i32, %arg2: memref<3200000xf32, #tpu.memory_space<hbm>>, %arg3: memref<1024xf32, #tpu.memory_space<hbm>>, %arg4: memref<32768xf32, #tpu.memory_space<hbm>>, %arg5: memref<32768xf32, #tpu.memory_space<hbm>>, %arg6: memref<3200000xf32, #tpu.memory_space<hbm>>, %arg7: memref<1024xf32, #tpu.memory_space<hbm>>, %arg8: memref<20000xf32, #tpu.memory_space<vmem>>, %arg9: memref<20000xf32, #tpu.memory_space<vmem>>, %arg10: memref<20000xf32, #tpu.memory_space<vmem>>, %arg11: memref<20000xf32, #tpu.memory_space<vmem>>, %arg12: memref<32768xf32, #tpu.memory_space<vmem>>, %arg13: memref<1040xf32, #tpu.memory_space<vmem>>, %arg14: memref<1024xf32, #tpu.memory_space<vmem>>, %arg15: memref<1024xf32, #tpu.memory_space<vmem>>, %arg16: memref<1024xf32, #tpu.memory_space<vmem>>, %arg17: memref<1040xi32, #tpu.memory_space<vmem>>, %arg18: memref<2x!tpu.dma_semaphore, #tpu.memory_space<semaphore_mem>>, %arg19: memref<2x!tpu.dma_semaphore, #tpu.memory_space<semaphore_mem>>) attributes {dimension_semantics = [#tpu.dimension_semantics<core_parallel>, #tpu.dimension_semantics<subcore_parallel>], iteration_bounds = array<i64: 2, 16>, scalar_prefetch = 0 : i64, scratch_operands = 12 : i64, tpu.core_type = #tpu.core_type<sc_vector_subcore>, window_params = [{transform_indices = #map}, {transform_indices = #map}, {transform_indices = #map}, {transform_indices = #map}, {transform_indices = #map}, {transform_indices = #map}]} {
    %mul3A = arith.constant 2 : i32
    %mul3A_0 = arith.muli %arg1, %mul3A : i32
    %add3A = arith.addi %mul3A_0, %arg0 : i32
    %mul3A_1 = arith.constant 100000 : i32
    %mul3A_2 = arith.muli %add3A, %mul3A_1 : i32
    %iota3A = tpu.iota {dimensions = array<i32: 0>} : vector<16xi32>
    %add3A_3 = arith.constant 0 : i32
    %add3A_4 = arith.addi %mul3A_2, %add3A_3 : i32
    %dma_start3A = arith.constant 0 : i32
    %dma_start3A_5 = tpu.memref_slice %arg2[%add3A_4] : memref<3200000xf32, #tpu.memory_space<hbm>> -> memref<20000xf32, #tpu.memory_space<hbm>>
    %dma_start3A_6 = tpu.memref_slice %arg18[%dma_start3A] : memref<2x!tpu.dma_semaphore, #tpu.memory_space<semaphore_mem>> -> memref<1x!tpu.dma_semaphore, #tpu.memory_space<semaphore_mem>>
    %dma_start3A_7 = tpu.memref_squeeze %dma_start3A_6 : memref<1x!tpu.dma_semaphore, #tpu.memory_space<semaphore_mem>> -> memref<!tpu.dma_semaphore, #tpu.memory_space<semaphore_mem>>
    %dma_start3A_8 = tpu.memref_slice %arg2[%add3A_4] : memref<3200000xf32, #tpu.memory_space<hbm>> -> memref<20000xf32, #tpu.memory_space<hbm>>
    tpu.enqueue_dma source(%dma_start3A_8 : memref<20000xf32, #tpu.memory_space<hbm>>) target(%arg8 : memref<20000xf32, #tpu.memory_space<vmem>>) target_semaphore(%dma_start3A_7 : memref<!tpu.dma_semaphore, #tpu.memory_space<semaphore_mem>>)
    "tpu.region"() ({
      %run_scoped3A = tpu.sem_alloc : memref<!tpu.dma_semaphore, #tpu.memory_space<semaphore_mem>>
      tpu.enqueue_dma source(%arg3 : memref<1024xf32, #tpu.memory_space<hbm>>) target(%arg15 : memref<1024xf32, #tpu.memory_space<vmem>>) target_semaphore(%run_scoped3A : memref<!tpu.dma_semaphore, #tpu.memory_space<semaphore_mem>>)
      tpu.wait_dma2 semaphore(%run_scoped3A : memref<!tpu.dma_semaphore, #tpu.memory_space<semaphore_mem>>) src(%arg3 : memref<1024xf32, #tpu.memory_space<hbm>>) dst(%arg15 : memref<1024xf32, #tpu.memory_space<vmem>>)
      tpu.yield
    }) : () -> ()
    "tpu.region"() ({
      %run_scoped3A = tpu.sem_alloc : memref<!tpu.dma_semaphore, #tpu.memory_space<semaphore_mem>>
      tpu.enqueue_dma source(%arg4 : memref<32768xf32, #tpu.memory_space<hbm>>) target(%arg12 : memref<32768xf32, #tpu.memory_space<vmem>>) target_semaphore(%run_scoped3A : memref<!tpu.dma_semaphore, #tpu.memory_space<semaphore_mem>>)
      tpu.wait_dma2 semaphore(%run_scoped3A : memref<!tpu.dma_semaphore, #tpu.memory_space<semaphore_mem>>) src(%arg4 : memref<32768xf32, #tpu.memory_space<hbm>>) dst(%arg12 : memref<32768xf32, #tpu.memory_space<vmem>>)
      tpu.yield
    }) : () -> ()
    %parallel_loop3A = arith.constant 0 : i32
    %parallel_loop3A_9 = arith.constant 64 : i32
    %parallel_loop3A_10 = arith.constant 1 : i32
    scf.for %parallel_loop3A_289 = %parallel_loop3A to %parallel_loop3A_9 step %parallel_loop3A_10  : i32 {
      %parallel_loop3A_290 = arith.constant 16 : i32
      %parallel_loop3A_291 = arith.muli %parallel_loop3A_289, %parallel_loop3A_290 : i32
      %parallel_loop3A_292 = arith.index_cast %parallel_loop3A_291 : i32 to index
      %parallel_loop3A_293 = tpu.vector_load %arg12[%parallel_loop3A_292] {strides = array<i32>} : memref<32768xf32, #tpu.memory_space<vmem>>, vector<16xf32>,
      %parallel_loop3A_294 = arith.constant 16 : i32
      %parallel_loop3A_295 = arith.muli %parallel_loop3A_289, %parallel_loop3A_294 : i32
      %parallel_loop3A_296 = arith.constant 1024 : i32
      %parallel_loop3A_297 = arith.addi %parallel_loop3A_296, %parallel_loop3A_295 : i32
      %parallel_loop3A_298 = arith.index_cast %parallel_loop3A_297 : i32 to index
      %parallel_loop3A_299 = tpu.vector_load %arg12[%parallel_loop3A_298] {strides = array<i32>} : memref<32768xf32, #tpu.memory_space<vmem>>, vector<16xf32>,
      %parallel_loop3A_300 = arith.addf %parallel_loop3A_293, %parallel_loop3A_299 : vector<16xf32>
      %parallel_loop3A_301 = arith.constant 16 : i32
      %parallel_loop3A_302 = arith.muli %parallel_loop3A_289, %parallel_loop3A_301 : i32
      %parallel_loop3A_303 = arith.constant 2048 : i32
      %parallel_loop3A_304 = arith.addi %parallel_loop3A_303, %parallel_loop3A_302 : i32
      %parallel_loop3A_305 = arith.index_cast %parallel_loop3A_304 : i32 to index
      %parallel_loop3A_306 = tpu.vector_load %arg12[%parallel_loop3A_305] {strides = array<i32>} : memref<32768xf32, #tpu.memory_space<vmem>>, vector<16xf32>,
      %parallel_loop3A_307 = arith.addf %parallel_loop3A_300, %parallel_loop3A_306 : vector<16xf32>
      %parallel_loop3A_308 = arith.constant 16 : i32
      %parallel_loop3A_309 = arith.muli %parallel_loop3A_289, %parallel_loop3A_308 : i32
      %parallel_loop3A_310 = arith.constant 3072 : i32
      %parallel_loop3A_311 = arith.addi %parallel_loop3A_310, %parallel_loop3A_309 : i32
      %parallel_loop3A_312 = arith.index_cast %parallel_loop3A_311 : i32 to index
      %parallel_loop3A_313 = tpu.vector_load %arg12[%parallel_loop3A_312] {strides = array<i32>} : memref<32768xf32, #tpu.memory_space<vmem>>, vector<16xf32>,
      %parallel_loop3A_314 = arith.addf %parallel_loop3A_307, %parallel_loop3A_313 : vector<16xf32>
      %parallel_loop3A_315 = arith.constant 16 : i32
      %parallel_loop3A_316 = arith.muli %parallel_loop3A_289, %parallel_loop3A_315 : i32
      %parallel_loop3A_317 = arith.constant 4096 : i32
      %parallel_loop3A_318 = arith.addi %parallel_loop3A_317, %parallel_loop3A_316 : i32
      %parallel_loop3A_319 = arith.index_cast %parallel_loop3A_318 : i32 to index
      %parallel_loop3A_320 = tpu.vector_load %arg12[%parallel_loop3A_319] {strides = array<i32>} : memref<32768xf32, #tpu.memory_space<vmem>>, vector<16xf32>,
      %parallel_loop3A_321 = arith.addf %parallel_loop3A_314, %parallel_loop3A_320 : vector<16xf32>
      %parallel_loop3A_322 = arith.constant 16 : i32
      %parallel_loop3A_323 = arith.muli %parallel_loop3A_289, %parallel_loop3A_322 : i32
      %parallel_loop3A_324 = arith.constant 5120 : i32
      %parallel_loop3A_325 = arith.addi %parallel_loop3A_324, %parallel_loop3A_323 : i32
      %parallel_loop3A_326 = arith.index_cast %parallel_loop3A_325 : i32 to index
      %parallel_loop3A_327 = tpu.vector_load %arg12[%parallel_loop3A_326] {strides = array<i32>} : memref<32768xf32, #tpu.memory_space<vmem>>, vector<16xf32>,
      %parallel_loop3A_328 = arith.addf %parallel_loop3A_321, %parallel_loop3A_327 : vector<16xf32>
      %parallel_loop3A_329 = arith.constant 16 : i32
      %parallel_loop3A_330 = arith.muli %parallel_loop3A_289, %parallel_loop3A_329 : i32
      %parallel_loop3A_331 = arith.constant 6144 : i32
      %parallel_loop3A_332 = arith.addi %parallel_loop3A_331, %parallel_loop3A_330 : i32
      %parallel_loop3A_333 = arith.index_cast %parallel_loop3A_332 : i32 to index
      %parallel_loop3A_334 = tpu.vector_load %arg12[%parallel_loop3A_333] {strides = array<i32>} : memref<32768xf32, #tpu.memory_space<vmem>>, vector<16xf32>,
      %parallel_loop3A_335 = arith.addf %parallel_loop3A_328, %parallel_loop3A_334 : vector<16xf32>
      %parallel_loop3A_336 = arith.constant 16 : i32
      %parallel_loop3A_337 = arith.muli %parallel_loop3A_289, %parallel_loop3A_336 : i32
      %parallel_loop3A_338 = arith.constant 7168 : i32
      %parallel_loop3A_339 = arith.addi %parallel_loop3A_338, %parallel_loop3A_337 : i32
      %parallel_loop3A_340 = arith.index_cast %parallel_loop3A_339 : i32 to index
      %parallel_loop3A_341 = tpu.vector_load %arg12[%parallel_loop3A_340] {strides = array<i32>} : memref<32768xf32, #tpu.memory_space<vmem>>, vector<16xf32>,
      %parallel_loop3A_342 = arith.addf %parallel_loop3A_335, %parallel_loop3A_341 : vector<16xf32>
      %parallel_loop3A_343 = arith.constant 16 : i32
      %parallel_loop3A_344 = arith.muli %parallel_loop3A_289, %parallel_loop3A_343 : i32
      %parallel_loop3A_345 = arith.constant 8192 : i32
      %parallel_loop3A_346 = arith.addi %parallel_loop3A_345, %parallel_loop3A_344 : i32
      %parallel_loop3A_347 = arith.index_cast %parallel_loop3A_346 : i32 to index
      %parallel_loop3A_348 = tpu.vector_load %arg12[%parallel_loop3A_347] {strides = array<i32>} : memref<32768xf32, #tpu.memory_space<vmem>>, vector<16xf32>,
      %parallel_loop3A_349 = arith.addf %parallel_loop3A_342, %parallel_loop3A_348 : vector<16xf32>
      %parallel_loop3A_350 = arith.constant 16 : i32
      %parallel_loop3A_351 = arith.muli %parallel_loop3A_289, %parallel_loop3A_350 : i32
      %parallel_loop3A_352 = arith.constant 9216 : i32
      %parallel_loop3A_353 = arith.addi %parallel_loop3A_352, %parallel_loop3A_351 : i32
      %parallel_loop3A_354 = arith.index_cast %parallel_loop3A_353 : i32 to index
      %parallel_loop3A_355 = tpu.vector_load %arg12[%parallel_loop3A_354] {strides = array<i32>} : memref<32768xf32, #tpu.memory_space<vmem>>, vector<16xf32>,
      %parallel_loop3A_356 = arith.addf %parallel_loop3A_349, %parallel_loop3A_355 : vector<16xf32>
      %parallel_loop3A_357 = arith.constant 16 : i32
      %parallel_loop3A_358 = arith.muli %parallel_loop3A_289, %parallel_loop3A_357 : i32
      %parallel_loop3A_359 = arith.constant 10240 : i32
      %parallel_loop3A_360 = arith.addi %parallel_loop3A_359, %parallel_loop3A_358 : i32
      %parallel_loop3A_361 = arith.index_cast %parallel_loop3A_360 : i32 to index
      %parallel_loop3A_362 = tpu.vector_load %arg12[%parallel_loop3A_361] {strides = array<i32>} : memref<32768xf32, #tpu.memory_space<vmem>>, vector<16xf32>,
      %parallel_loop3A_363 = arith.addf %parallel_loop3A_356, %parallel_loop3A_362 : vector<16xf32>
      %parallel_loop3A_364 = arith.constant 16 : i32
      %parallel_loop3A_365 = arith.muli %parallel_loop3A_289, %parallel_loop3A_364 : i32
      %parallel_loop3A_366 = arith.constant 11264 : i32
      %parallel_loop3A_367 = arith.addi %parallel_loop3A_366, %parallel_loop3A_365 : i32
      %parallel_loop3A_368 = arith.index_cast %parallel_loop3A_367 : i32 to index
      %parallel_loop3A_369 = tpu.vector_load %arg12[%parallel_loop3A_368] {strides = array<i32>} : memref<32768xf32, #tpu.memory_space<vmem>>, vector<16xf32>,
      %parallel_loop3A_370 = arith.addf %parallel_loop3A_363, %parallel_loop3A_369 : vector<16xf32>
      %parallel_loop3A_371 = arith.constant 16 : i32
      %parallel_loop3A_372 = arith.muli %parallel_loop3A_289, %parallel_loop3A_371 : i32
      %parallel_loop3A_373 = arith.constant 12288 : i32
      %parallel_loop3A_374 = arith.addi %parallel_loop3A_373, %parallel_loop3A_372 : i32
      %parallel_loop3A_375 = arith.index_cast %parallel_loop3A_374 : i32 to index
      %parallel_loop3A_376 = tpu.vector_load %arg12[%parallel_loop3A_375] {strides = array<i32>} : memref<32768xf32, #tpu.memory_space<vmem>>, vector<16xf32>,
      %parallel_loop3A_377 = arith.addf %parallel_loop3A_370, %parallel_loop3A_376 : vector<16xf32>
      %parallel_loop3A_378 = arith.constant 16 : i32
      %parallel_loop3A_379 = arith.muli %parallel_loop3A_289, %parallel_loop3A_378 : i32
      %parallel_loop3A_380 = arith.constant 13312 : i32
      %parallel_loop3A_381 = arith.addi %parallel_loop3A_380, %parallel_loop3A_379 : i32
      %parallel_loop3A_382 = arith.index_cast %parallel_loop3A_381 : i32 to index
      %parallel_loop3A_383 = tpu.vector_load %arg12[%parallel_loop3A_382] {strides = array<i32>} : memref<32768xf32, #tpu.memory_space<vmem>>, vector<16xf32>,
      %parallel_loop3A_384 = arith.addf %parallel_loop3A_377, %parallel_loop3A_383 : vector<16xf32>
      %parallel_loop3A_385 = arith.constant 16 : i32
      %parallel_loop3A_386 = arith.muli %parallel_loop3A_289, %parallel_loop3A_385 : i32
      %parallel_loop3A_387 = arith.constant 14336 : i32
      %parallel_loop3A_388 = arith.addi %parallel_loop3A_387, %parallel_loop3A_386 : i32
      %parallel_loop3A_389 = arith.index_cast %parallel_loop3A_388 : i32 to index
      %parallel_loop3A_390 = tpu.vector_load %arg12[%parallel_loop3A_389] {strides = array<i32>} : memref<32768xf32, #tpu.memory_space<vmem>>, vector<16xf32>,
      %parallel_loop3A_391 = arith.addf %parallel_loop3A_384, %parallel_loop3A_390 : vector<16xf32>
      %parallel_loop3A_392 = arith.constant 16 : i32
      %parallel_loop3A_393 = arith.muli %parallel_loop3A_289, %parallel_loop3A_392 : i32
      %parallel_loop3A_394 = arith.constant 15360 : i32
      %parallel_loop3A_395 = arith.addi %parallel_loop3A_394, %parallel_loop3A_393 : i32
      %parallel_loop3A_396 = arith.index_cast %parallel_loop3A_395 : i32 to index
      %parallel_loop3A_397 = tpu.vector_load %arg12[%parallel_loop3A_396] {strides = array<i32>} : memref<32768xf32, #tpu.memory_space<vmem>>, vector<16xf32>,
      %parallel_loop3A_398 = arith.addf %parallel_loop3A_391, %parallel_loop3A_397 : vector<16xf32>
      %parallel_loop3A_399 = arith.constant 16 : i32
      %parallel_loop3A_400 = arith.muli %parallel_loop3A_289, %parallel_loop3A_399 : i32
      %parallel_loop3A_401 = arith.constant 16384 : i32
      %parallel_loop3A_402 = arith.addi %parallel_loop3A_401, %parallel_loop3A_400 : i32
      %parallel_loop3A_403 = arith.index_cast %parallel_loop3A_402 : i32 to index
      %parallel_loop3A_404 = tpu.vector_load %arg12[%parallel_loop3A_403] {strides = array<i32>} : memref<32768xf32, #tpu.memory_space<vmem>>, vector<16xf32>,
      %parallel_loop3A_405 = arith.addf %parallel_loop3A_398, %parallel_loop3A_404 : vector<16xf32>
      %parallel_loop3A_406 = arith.constant 16 : i32
      %parallel_loop3A_407 = arith.muli %parallel_loop3A_289, %parallel_loop3A_406 : i32
      %parallel_loop3A_408 = arith.constant 17408 : i32
      %parallel_loop3A_409 = arith.addi %parallel_loop3A_408, %parallel_loop3A_407 : i32
      %parallel_loop3A_410 = arith.index_cast %parallel_loop3A_409 : i32 to index
      %parallel_loop3A_411 = tpu.vector_load %arg12[%parallel_loop3A_410] {strides = array<i32>} : memref<32768xf32, #tpu.memory_space<vmem>>, vector<16xf32>,
      %parallel_loop3A_412 = arith.addf %parallel_loop3A_405, %parallel_loop3A_411 : vector<16xf32>
      %parallel_loop3A_413 = arith.constant 16 : i32
      %parallel_loop3A_414 = arith.muli %parallel_loop3A_289, %parallel_loop3A_413 : i32
      %parallel_loop3A_415 = arith.constant 18432 : i32
      %parallel_loop3A_416 = arith.addi %parallel_loop3A_415, %parallel_loop3A_414 : i32
      %parallel_loop3A_417 = arith.index_cast %parallel_loop3A_416 : i32 to index
      %parallel_loop3A_418 = tpu.vector_load %arg12[%parallel_loop3A_417] {strides = array<i32>} : memref<32768xf32, #tpu.memory_space<vmem>>, vector<16xf32>,
      %parallel_loop3A_419 = arith.addf %parallel_loop3A_412, %parallel_loop3A_418 : vector<16xf32>
      %parallel_loop3A_420 = arith.constant 16 : i32
      %parallel_loop3A_421 = arith.muli %parallel_loop3A_289, %parallel_loop3A_420 : i32
      %parallel_loop3A_422 = arith.constant 19456 : i32
      %parallel_loop3A_423 = arith.addi %parallel_loop3A_422, %parallel_loop3A_421 : i32
      %parallel_loop3A_424 = arith.index_cast %parallel_loop3A_423 : i32 to index
      %parallel_loop3A_425 = tpu.vector_load %arg12[%parallel_loop3A_424] {strides = array<i32>} : memref<32768xf32, #tpu.memory_space<vmem>>, vector<16xf32>,
      %parallel_loop3A_426 = arith.addf %parallel_loop3A_419, %parallel_loop3A_425 : vector<16xf32>
      %parallel_loop3A_427 = arith.constant 16 : i32
      %parallel_loop3A_428 = arith.muli %parallel_loop3A_289, %parallel_loop3A_427 : i32
      %parallel_loop3A_429 = arith.constant 20480 : i32
      %parallel_loop3A_430 = arith.addi %parallel_loop3A_429, %parallel_loop3A_428 : i32
      %parallel_loop3A_431 = arith.index_cast %parallel_loop3A_430 : i32 to index
      %parallel_loop3A_432 = tpu.vector_load %arg12[%parallel_loop3A_431] {strides = array<i32>} : memref<32768xf32, #tpu.memory_space<vmem>>, vector<16xf32>,
      %parallel_loop3A_433 = arith.addf %parallel_loop3A_426, %parallel_loop3A_432 : vector<16xf32>
      %parallel_loop3A_434 = arith.constant 16 : i32
      %parallel_loop3A_435 = arith.muli %parallel_loop3A_289, %parallel_loop3A_434 : i32
      %parallel_loop3A_436 = arith.constant 21504 : i32
      %parallel_loop3A_437 = arith.addi %parallel_loop3A_436, %parallel_loop3A_435 : i32
      %parallel_loop3A_438 = arith.index_cast %parallel_loop3A_437 : i32 to index
      %parallel_loop3A_439 = tpu.vector_load %arg12[%parallel_loop3A_438] {strides = array<i32>} : memref<32768xf32, #tpu.memory_space<vmem>>, vector<16xf32>,
      %parallel_loop3A_440 = arith.addf %parallel_loop3A_433, %parallel_loop3A_439 : vector<16xf32>
      %parallel_loop3A_441 = arith.constant 16 : i32
      %parallel_loop3A_442 = arith.muli %parallel_loop3A_289, %parallel_loop3A_441 : i32
      %parallel_loop3A_443 = arith.constant 22528 : i32
      %parallel_loop3A_444 = arith.addi %parallel_loop3A_443, %parallel_loop3A_442 : i32
      %parallel_loop3A_445 = arith.index_cast %parallel_loop3A_444 : i32 to index
      %parallel_loop3A_446 = tpu.vector_load %arg12[%parallel_loop3A_445] {strides = array<i32>} : memref<32768xf32, #tpu.memory_space<vmem>>, vector<16xf32>,
      %parallel_loop3A_447 = arith.addf %parallel_loop3A_440, %parallel_loop3A_446 : vector<16xf32>
      %parallel_loop3A_448 = arith.constant 16 : i32
      %parallel_loop3A_449 = arith.muli %parallel_loop3A_289, %parallel_loop3A_448 : i32
      %parallel_loop3A_450 = arith.constant 23552 : i32
      %parallel_loop3A_451 = arith.addi %parallel_loop3A_450, %parallel_loop3A_449 : i32
      %parallel_loop3A_452 = arith.index_cast %parallel_loop3A_451 : i32 to index
      %parallel_loop3A_453 = tpu.vector_load %arg12[%parallel_loop3A_452] {strides = array<i32>} : memref<32768xf32, #tpu.memory_space<vmem>>, vector<16xf32>,
      %parallel_loop3A_454 = arith.addf %parallel_loop3A_447, %parallel_loop3A_453 : vector<16xf32>
      %parallel_loop3A_455 = arith.constant 16 : i32
      %parallel_loop3A_456 = arith.muli %parallel_loop3A_289, %parallel_loop3A_455 : i32
      %parallel_loop3A_457 = arith.constant 24576 : i32
      %parallel_loop3A_458 = arith.addi %parallel_loop3A_457, %parallel_loop3A_456 : i32
      %parallel_loop3A_459 = arith.index_cast %parallel_loop3A_458 : i32 to index
      %parallel_loop3A_460 = tpu.vector_load %arg12[%parallel_loop3A_459] {strides = array<i32>} : memref<32768xf32, #tpu.memory_space<vmem>>, vector<16xf32>,
      %parallel_loop3A_461 = arith.addf %parallel_loop3A_454, %parallel_loop3A_460 : vector<16xf32>
      %parallel_loop3A_462 = arith.constant 16 : i32
      %parallel_loop3A_463 = arith.muli %parallel_loop3A_289, %parallel_loop3A_462 : i32
      %parallel_loop3A_464 = arith.constant 25600 : i32
      %parallel_loop3A_465 = arith.addi %parallel_loop3A_464, %parallel_loop3A_463 : i32
      %parallel_loop3A_466 = arith.index_cast %parallel_loop3A_465 : i32 to index
      %parallel_loop3A_467 = tpu.vector_load %arg12[%parallel_loop3A_466] {strides = array<i32>} : memref<32768xf32, #tpu.memory_space<vmem>>, vector<16xf32>,
      %parallel_loop3A_468 = arith.addf %parallel_loop3A_461, %parallel_loop3A_467 : vector<16xf32>
      %parallel_loop3A_469 = arith.constant 16 : i32
      %parallel_loop3A_470 = arith.muli %parallel_loop3A_289, %parallel_loop3A_469 : i32
      %parallel_loop3A_471 = arith.constant 26624 : i32
      %parallel_loop3A_472 = arith.addi %parallel_loop3A_471, %parallel_loop3A_470 : i32
      %parallel_loop3A_473 = arith.index_cast %parallel_loop3A_472 : i32 to index
      %parallel_loop3A_474 = tpu.vector_load %arg12[%parallel_loop3A_473] {strides = array<i32>} : memref<32768xf32, #tpu.memory_space<vmem>>, vector<16xf32>,
      %parallel_loop3A_475 = arith.addf %parallel_loop3A_468, %parallel_loop3A_474 : vector<16xf32>
      %parallel_loop3A_476 = arith.constant 16 : i32
      %parallel_loop3A_477 = arith.muli %parallel_loop3A_289, %parallel_loop3A_476 : i32
      %parallel_loop3A_478 = arith.constant 27648 : i32
      %parallel_loop3A_479 = arith.addi %parallel_loop3A_478, %parallel_loop3A_477 : i32
      %parallel_loop3A_480 = arith.index_cast %parallel_loop3A_479 : i32 to index
      %parallel_loop3A_481 = tpu.vector_load %arg12[%parallel_loop3A_480] {strides = array<i32>} : memref<32768xf32, #tpu.memory_space<vmem>>, vector<16xf32>,
      %parallel_loop3A_482 = arith.addf %parallel_loop3A_475, %parallel_loop3A_481 : vector<16xf32>
      %parallel_loop3A_483 = arith.constant 16 : i32
      %parallel_loop3A_484 = arith.muli %parallel_loop3A_289, %parallel_loop3A_483 : i32
      %parallel_loop3A_485 = arith.constant 28672 : i32
      %parallel_loop3A_486 = arith.addi %parallel_loop3A_485, %parallel_loop3A_484 : i32
      %parallel_loop3A_487 = arith.index_cast %parallel_loop3A_486 : i32 to index
      %parallel_loop3A_488 = tpu.vector_load %arg12[%parallel_loop3A_487] {strides = array<i32>} : memref<32768xf32, #tpu.memory_space<vmem>>, vector<16xf32>,
      %parallel_loop3A_489 = arith.addf %parallel_loop3A_482, %parallel_loop3A_488 : vector<16xf32>
      %parallel_loop3A_490 = arith.constant 16 : i32
      %parallel_loop3A_491 = arith.muli %parallel_loop3A_289, %parallel_loop3A_490 : i32
      %parallel_loop3A_492 = arith.constant 29696 : i32
      %parallel_loop3A_493 = arith.addi %parallel_loop3A_492, %parallel_loop3A_491 : i32
      %parallel_loop3A_494 = arith.index_cast %parallel_loop3A_493 : i32 to index
      %parallel_loop3A_495 = tpu.vector_load %arg12[%parallel_loop3A_494] {strides = array<i32>} : memref<32768xf32, #tpu.memory_space<vmem>>, vector<16xf32>,
      %parallel_loop3A_496 = arith.addf %parallel_loop3A_489, %parallel_loop3A_495 : vector<16xf32>
      %parallel_loop3A_497 = arith.constant 16 : i32
      %parallel_loop3A_498 = arith.muli %parallel_loop3A_289, %parallel_loop3A_497 : i32
      %parallel_loop3A_499 = arith.constant 30720 : i32
      %parallel_loop3A_500 = arith.addi %parallel_loop3A_499, %parallel_loop3A_498 : i32
      %parallel_loop3A_501 = arith.index_cast %parallel_loop3A_500 : i32 to index
      %parallel_loop3A_502 = tpu.vector_load %arg12[%parallel_loop3A_501] {strides = array<i32>} : memref<32768xf32, #tpu.memory_space<vmem>>, vector<16xf32>,
      %parallel_loop3A_503 = arith.addf %parallel_loop3A_496, %parallel_loop3A_502 : vector<16xf32>
      %parallel_loop3A_504 = arith.constant 16 : i32
      %parallel_loop3A_505 = arith.muli %parallel_loop3A_289, %parallel_loop3A_504 : i32
      %parallel_loop3A_506 = arith.constant 31744 : i32
      %parallel_loop3A_507 = arith.addi %parallel_loop3A_506, %parallel_loop3A_505 : i32
      %parallel_loop3A_508 = arith.index_cast %parallel_loop3A_507 : i32 to index
      %parallel_loop3A_509 = tpu.vector_load %arg12[%parallel_loop3A_508] {strides = array<i32>} : memref<32768xf32, #tpu.memory_space<vmem>>, vector<16xf32>,
      %parallel_loop3A_510 = arith.addf %parallel_loop3A_503, %parallel_loop3A_509 : vector<16xf32>
      %parallel_loop3A_511 = arith.index_cast %parallel_loop3A_291 : i32 to index
      %parallel_loop3A_512 = tpu.vector_load %arg16[%parallel_loop3A_511] {strides = array<i32>} : memref<1024xf32, #tpu.memory_space<vmem>>, vector<16xf32>,
      tpu.vector_store %arg16[%parallel_loop3A_511], %parallel_loop3A_510 {strides = array<i32>} : memref<1024xf32, #tpu.memory_space<vmem>>, vector<16xf32>,
    } {sc.loop_unroll_factor = 2 : i64, sc.parallel_access}
    "tpu.region"() ({
      %run_scoped3A = tpu.sem_alloc : memref<!tpu.dma_semaphore, #tpu.memory_space<semaphore_mem>>
      tpu.enqueue_dma source(%arg5 : memref<32768xf32, #tpu.memory_space<hbm>>) target(%arg12 : memref<32768xf32, #tpu.memory_space<vmem>>) target_semaphore(%run_scoped3A : memref<!tpu.dma_semaphore, #tpu.memory_space<semaphore_mem>>)
      tpu.wait_dma2 semaphore(%run_scoped3A : memref<!tpu.dma_semaphore, #tpu.memory_space<semaphore_mem>>) src(%arg5 : memref<32768xf32, #tpu.memory_space<hbm>>) dst(%arg12 : memref<32768xf32, #tpu.memory_space<vmem>>)
      tpu.yield
    }) : () -> ()
    %parallel_loop3A_11 = arith.constant 0 : i32
    %parallel_loop3A_12 = arith.constant 64 : i32
    %parallel_loop3A_13 = arith.constant 1 : i32
    scf.for %parallel_loop3A_289 = %parallel_loop3A_11 to %parallel_loop3A_12 step %parallel_loop3A_13  : i32 {
      %parallel_loop3A_290 = arith.constant 16 : i32
      %parallel_loop3A_291 = arith.muli %parallel_loop3A_289, %parallel_loop3A_290 : i32
      %parallel_loop3A_292 = arith.index_cast %parallel_loop3A_291 : i32 to index
      %parallel_loop3A_293 = tpu.vector_load %arg12[%parallel_loop3A_292] {strides = array<i32>} : memref<32768xf32, #tpu.memory_space<vmem>>, vector<16xf32>,
      %parallel_loop3A_294 = arith.constant 16 : i32
      %parallel_loop3A_295 = arith.muli %parallel_loop3A_289, %parallel_loop3A_294 : i32
      %parallel_loop3A_296 = arith.constant 1024 : i32
      %parallel_loop3A_297 = arith.addi %parallel_loop3A_296, %parallel_loop3A_295 : i32
      %parallel_loop3A_298 = arith.index_cast %parallel_loop3A_297 : i32 to index
      %parallel_loop3A_299 = tpu.vector_load %arg12[%parallel_loop3A_298] {strides = array<i32>} : memref<32768xf32, #tpu.memory_space<vmem>>, vector<16xf32>,
      %parallel_loop3A_300 = arith.addf %parallel_loop3A_293, %parallel_loop3A_299 : vector<16xf32>
      %parallel_loop3A_301 = arith.constant 16 : i32
      %parallel_loop3A_302 = arith.muli %parallel_loop3A_289, %parallel_loop3A_301 : i32
      %parallel_loop3A_303 = arith.constant 2048 : i32
      %parallel_loop3A_304 = arith.addi %parallel_loop3A_303, %parallel_loop3A_302 : i32
      %parallel_loop3A_305 = arith.index_cast %parallel_loop3A_304 : i32 to index
      %parallel_loop3A_306 = tpu.vector_load %arg12[%parallel_loop3A_305] {strides = array<i32>} : memref<32768xf32, #tpu.memory_space<vmem>>, vector<16xf32>,
      %parallel_loop3A_307 = arith.addf %parallel_loop3A_300, %parallel_loop3A_306 : vector<16xf32>
      %parallel_loop3A_308 = arith.constant 16 : i32
      %parallel_loop3A_309 = arith.muli %parallel_loop3A_289, %parallel_loop3A_308 : i32
      %parallel_loop3A_310 = arith.constant 3072 : i32
      %parallel_loop3A_311 = arith.addi %parallel_loop3A_310, %parallel_loop3A_309 : i32
      %parallel_loop3A_312 = arith.index_cast %parallel_loop3A_311 : i32 to index
      %parallel_loop3A_313 = tpu.vector_load %arg12[%parallel_loop3A_312] {strides = array<i32>} : memref<32768xf32, #tpu.memory_space<vmem>>, vector<16xf32>,
      %parallel_loop3A_314 = arith.addf %parallel_loop3A_307, %parallel_loop3A_313 : vector<16xf32>
      %parallel_loop3A_315 = arith.constant 16 : i32
      %parallel_loop3A_316 = arith.muli %parallel_loop3A_289, %parallel_loop3A_315 : i32
      %parallel_loop3A_317 = arith.constant 4096 : i32
      %parallel_loop3A_318 = arith.addi %parallel_loop3A_317, %parallel_loop3A_316 : i32
      %parallel_loop3A_319 = arith.index_cast %parallel_loop3A_318 : i32 to index
      %parallel_loop3A_320 = tpu.vector_load %arg12[%parallel_loop3A_319] {strides = array<i32>} : memref<32768xf32, #tpu.memory_space<vmem>>, vector<16xf32>,
      %parallel_loop3A_321 = arith.addf %parallel_loop3A_314, %parallel_loop3A_320 : vector<16xf32>
      %parallel_loop3A_322 = arith.constant 16 : i32
      %parallel_loop3A_323 = arith.muli %parallel_loop3A_289, %parallel_loop3A_322 : i32
      %parallel_loop3A_324 = arith.constant 5120 : i32
      %parallel_loop3A_325 = arith.addi %parallel_loop3A_324, %parallel_loop3A_323 : i32
      %parallel_loop3A_326 = arith.index_cast %parallel_loop3A_325 : i32 to index
      %parallel_loop3A_327 = tpu.vector_load %arg12[%parallel_loop3A_326] {strides = array<i32>} : memref<32768xf32, #tpu.memory_space<vmem>>, vector<16xf32>,
      %parallel_loop3A_328 = arith.addf %parallel_loop3A_321, %parallel_loop3A_327 : vector<16xf32>
      %parallel_loop3A_329 = arith.constant 16 : i32
      %parallel_loop3A_330 = arith.muli %parallel_loop3A_289, %parallel_loop3A_329 : i32
      %parallel_loop3A_331 = arith.constant 6144 : i32
      %parallel_loop3A_332 = arith.addi %parallel_loop3A_331, %parallel_loop3A_330 : i32
      %parallel_loop3A_333 = arith.index_cast %parallel_loop3A_332 : i32 to index
      %parallel_loop3A_334 = tpu.vector_load %arg12[%parallel_loop3A_333] {strides = array<i32>} : memref<32768xf32, #tpu.memory_space<vmem>>, vector<16xf32>,
      %parallel_loop3A_335 = arith.addf %parallel_loop3A_328, %parallel_loop3A_334 : vector<16xf32>
      %parallel_loop3A_336 = arith.constant 16 : i32
      %parallel_loop3A_337 = arith.muli %parallel_loop3A_289, %parallel_loop3A_336 : i32
      %parallel_loop3A_338 = arith.constant 7168 : i32
      %parallel_loop3A_339 = arith.addi %parallel_loop3A_338, %parallel_loop3A_337 : i32
      %parallel_loop3A_340 = arith.index_cast %parallel_loop3A_339 : i32 to index
      %parallel_loop3A_341 = tpu.vector_load %arg12[%parallel_loop3A_340] {strides = array<i32>} : memref<32768xf32, #tpu.memory_space<vmem>>, vector<16xf32>,
      %parallel_loop3A_342 = arith.addf %parallel_loop3A_335, %parallel_loop3A_341 : vector<16xf32>
      %parallel_loop3A_343 = arith.constant 16 : i32
      %parallel_loop3A_344 = arith.muli %parallel_loop3A_289, %parallel_loop3A_343 : i32
      %parallel_loop3A_345 = arith.constant 8192 : i32
      %parallel_loop3A_346 = arith.addi %parallel_loop3A_345, %parallel_loop3A_344 : i32
      %parallel_loop3A_347 = arith.index_cast %parallel_loop3A_346 : i32 to index
      %parallel_loop3A_348 = tpu.vector_load %arg12[%parallel_loop3A_347] {strides = array<i32>} : memref<32768xf32, #tpu.memory_space<vmem>>, vector<16xf32>,
      %parallel_loop3A_349 = arith.addf %parallel_loop3A_342, %parallel_loop3A_348 : vector<16xf32>
      %parallel_loop3A_350 = arith.constant 16 : i32
      %parallel_loop3A_351 = arith.muli %parallel_loop3A_289, %parallel_loop3A_350 : i32
      %parallel_loop3A_352 = arith.constant 9216 : i32
      %parallel_loop3A_353 = arith.addi %parallel_loop3A_352, %parallel_loop3A_351 : i32
      %parallel_loop3A_354 = arith.index_cast %parallel_loop3A_353 : i32 to index
      %parallel_loop3A_355 = tpu.vector_load %arg12[%parallel_loop3A_354] {strides = array<i32>} : memref<32768xf32, #tpu.memory_space<vmem>>, vector<16xf32>,
      %parallel_loop3A_356 = arith.addf %parallel_loop3A_349, %parallel_loop3A_355 : vector<16xf32>
      %parallel_loop3A_357 = arith.constant 16 : i32
      %parallel_loop3A_358 = arith.muli %parallel_loop3A_289, %parallel_loop3A_357 : i32
      %parallel_loop3A_359 = arith.constant 10240 : i32
      %parallel_loop3A_360 = arith.addi %parallel_loop3A_359, %parallel_loop3A_358 : i32
      %parallel_loop3A_361 = arith.index_cast %parallel_loop3A_360 : i32 to index
      %parallel_loop3A_362 = tpu.vector_load %arg12[%parallel_loop3A_361] {strides = array<i32>} : memref<32768xf32, #tpu.memory_space<vmem>>, vector<16xf32>,
      %parallel_loop3A_363 = arith.addf %parallel_loop3A_356, %parallel_loop3A_362 : vector<16xf32>
      %parallel_loop3A_364 = arith.constant 16 : i32
      %parallel_loop3A_365 = arith.muli %parallel_loop3A_289, %parallel_loop3A_364 : i32
      %parallel_loop3A_366 = arith.constant 11264 : i32
      %parallel_loop3A_367 = arith.addi %parallel_loop3A_366, %parallel_loop3A_365 : i32
      %parallel_loop3A_368 = arith.index_cast %parallel_loop3A_367 : i32 to index
      %parallel_loop3A_369 = tpu.vector_load %arg12[%parallel_loop3A_368] {strides = array<i32>} : memref<32768xf32, #tpu.memory_space<vmem>>, vector<16xf32>,
      %parallel_loop3A_370 = arith.addf %parallel_loop3A_363, %parallel_loop3A_369 : vector<16xf32>
      %parallel_loop3A_371 = arith.constant 16 : i32
      %parallel_loop3A_372 = arith.muli %parallel_loop3A_289, %parallel_loop3A_371 : i32
      %parallel_loop3A_373 = arith.constant 12288 : i32
      %parallel_loop3A_374 = arith.addi %parallel_loop3A_373, %parallel_loop3A_372 : i32
      %parallel_loop3A_375 = arith.index_cast %parallel_loop3A_374 : i32 to index
      %parallel_loop3A_376 = tpu.vector_load %arg12[%parallel_loop3A_375] {strides = array<i32>} : memref<32768xf32, #tpu.memory_space<vmem>>, vector<16xf32>,
      %parallel_loop3A_377 = arith.addf %parallel_loop3A_370, %parallel_loop3A_376 : vector<16xf32>
      %parallel_loop3A_378 = arith.constant 16 : i32
      %parallel_loop3A_379 = arith.muli %parallel_loop3A_289, %parallel_loop3A_378 : i32
      %parallel_loop3A_380 = arith.constant 13312 : i32
      %parallel_loop3A_381 = arith.addi %parallel_loop3A_380, %parallel_loop3A_379 : i32
      %parallel_loop3A_382 = arith.index_cast %parallel_loop3A_381 : i32 to index
      %parallel_loop3A_383 = tpu.vector_load %arg12[%parallel_loop3A_382] {strides = array<i32>} : memref<32768xf32, #tpu.memory_space<vmem>>, vector<16xf32>,
      %parallel_loop3A_384 = arith.addf %parallel_loop3A_377, %parallel_loop3A_383 : vector<16xf32>
      %parallel_loop3A_385 = arith.constant 16 : i32
      %parallel_loop3A_386 = arith.muli %parallel_loop3A_289, %parallel_loop3A_385 : i32
      %parallel_loop3A_387 = arith.constant 14336 : i32
      %parallel_loop3A_388 = arith.addi %parallel_loop3A_387, %parallel_loop3A_386 : i32
      %parallel_loop3A_389 = arith.index_cast %parallel_loop3A_388 : i32 to index
      %parallel_loop3A_390 = tpu.vector_load %arg12[%parallel_loop3A_389] {strides = array<i32>} : memref<32768xf32, #tpu.memory_space<vmem>>, vector<16xf32>,
      %parallel_loop3A_391 = arith.addf %parallel_loop3A_384, %parallel_loop3A_390 : vector<16xf32>
      %parallel_loop3A_392 = arith.constant 16 : i32
      %parallel_loop3A_393 = arith.muli %parallel_loop3A_289, %parallel_loop3A_392 : i32
      %parallel_loop3A_394 = arith.constant 15360 : i32
      %parallel_loop3A_395 = arith.addi %parallel_loop3A_394, %parallel_loop3A_393 : i32
      %parallel_loop3A_396 = arith.index_cast %parallel_loop3A_395 : i32 to index
      %parallel_loop3A_397 = tpu.vector_load %arg12[%parallel_loop3A_396] {strides = array<i32>} : memref<32768xf32, #tpu.memory_space<vmem>>, vector<16xf32>,
      %parallel_loop3A_398 = arith.addf %parallel_loop3A_391, %parallel_loop3A_397 : vector<16xf32>
      %parallel_loop3A_399 = arith.constant 16 : i32
      %parallel_loop3A_400 = arith.muli %parallel_loop3A_289, %parallel_loop3A_399 : i32
      %parallel_loop3A_401 = arith.constant 16384 : i32
      %parallel_loop3A_402 = arith.addi %parallel_loop3A_401, %parallel_loop3A_400 : i32
      %parallel_loop3A_403 = arith.index_cast %parallel_loop3A_402 : i32 to index
      %parallel_loop3A_404 = tpu.vector_load %arg12[%parallel_loop3A_403] {strides = array<i32>} : memref<32768xf32, #tpu.memory_space<vmem>>, vector<16xf32>,
      %parallel_loop3A_405 = arith.addf %parallel_loop3A_398, %parallel_loop3A_404 : vector<16xf32>
      %parallel_loop3A_406 = arith.constant 16 : i32
      %parallel_loop3A_407 = arith.muli %parallel_loop3A_289, %parallel_loop3A_406 : i32
      %parallel_loop3A_408 = arith.constant 17408 : i32
      %parallel_loop3A_409 = arith.addi %parallel_loop3A_408, %parallel_loop3A_407 : i32
      %parallel_loop3A_410 = arith.index_cast %parallel_loop3A_409 : i32 to index
      %parallel_loop3A_411 = tpu.vector_load %arg12[%parallel_loop3A_410] {strides = array<i32>} : memref<32768xf32, #tpu.memory_space<vmem>>, vector<16xf32>,
      %parallel_loop3A_412 = arith.addf %parallel_loop3A_405, %parallel_loop3A_411 : vector<16xf32>
      %parallel_loop3A_413 = arith.constant 16 : i32
      %parallel_loop3A_414 = arith.muli %parallel_loop3A_289, %parallel_loop3A_413 : i32
      %parallel_loop3A_415 = arith.constant 18432 : i32
      %parallel_loop3A_416 = arith.addi %parallel_loop3A_415, %parallel_loop3A_414 : i32
      %parallel_loop3A_417 = arith.index_cast %parallel_loop3A_416 : i32 to index
      %parallel_loop3A_418 = tpu.vector_load %arg12[%parallel_loop3A_417] {strides = array<i32>} : memref<32768xf32, #tpu.memory_space<vmem>>, vector<16xf32>,
      %parallel_loop3A_419 = arith.addf %parallel_loop3A_412, %parallel_loop3A_418 : vector<16xf32>
      %parallel_loop3A_420 = arith.constant 16 : i32
      %parallel_loop3A_421 = arith.muli %parallel_loop3A_289, %parallel_loop3A_420 : i32
      %parallel_loop3A_422 = arith.constant 19456 : i32
      %parallel_loop3A_423 = arith.addi %parallel_loop3A_422, %parallel_loop3A_421 : i32
      %parallel_loop3A_424 = arith.index_cast %parallel_loop3A_423 : i32 to index
      %parallel_loop3A_425 = tpu.vector_load %arg12[%parallel_loop3A_424] {strides = array<i32>} : memref<32768xf32, #tpu.memory_space<vmem>>, vector<16xf32>,
      %parallel_loop3A_426 = arith.addf %parallel_loop3A_419, %parallel_loop3A_425 : vector<16xf32>
      %parallel_loop3A_427 = arith.constant 16 : i32
      %parallel_loop3A_428 = arith.muli %parallel_loop3A_289, %parallel_loop3A_427 : i32
      %parallel_loop3A_429 = arith.constant 20480 : i32
      %parallel_loop3A_430 = arith.addi %parallel_loop3A_429, %parallel_loop3A_428 : i32
      %parallel_loop3A_431 = arith.index_cast %parallel_loop3A_430 : i32 to index
      %parallel_loop3A_432 = tpu.vector_load %arg12[%parallel_loop3A_431] {strides = array<i32>} : memref<32768xf32, #tpu.memory_space<vmem>>, vector<16xf32>,
      %parallel_loop3A_433 = arith.addf %parallel_loop3A_426, %parallel_loop3A_432 : vector<16xf32>
      %parallel_loop3A_434 = arith.constant 16 : i32
      %parallel_loop3A_435 = arith.muli %parallel_loop3A_289, %parallel_loop3A_434 : i32
      %parallel_loop3A_436 = arith.constant 21504 : i32
      %parallel_loop3A_437 = arith.addi %parallel_loop3A_436, %parallel_loop3A_435 : i32
      %parallel_loop3A_438 = arith.index_cast %parallel_loop3A_437 : i32 to index
      %parallel_loop3A_439 = tpu.vector_load %arg12[%parallel_loop3A_438] {strides = array<i32>} : memref<32768xf32, #tpu.memory_space<vmem>>, vector<16xf32>,
      %parallel_loop3A_440 = arith.addf %parallel_loop3A_433, %parallel_loop3A_439 : vector<16xf32>
      %parallel_loop3A_441 = arith.constant 16 : i32
      %parallel_loop3A_442 = arith.muli %parallel_loop3A_289, %parallel_loop3A_441 : i32
      %parallel_loop3A_443 = arith.constant 22528 : i32
      %parallel_loop3A_444 = arith.addi %parallel_loop3A_443, %parallel_loop3A_442 : i32
      %parallel_loop3A_445 = arith.index_cast %parallel_loop3A_444 : i32 to index
      %parallel_loop3A_446 = tpu.vector_load %arg12[%parallel_loop3A_445] {strides = array<i32>} : memref<32768xf32, #tpu.memory_space<vmem>>, vector<16xf32>,
      %parallel_loop3A_447 = arith.addf %parallel_loop3A_440, %parallel_loop3A_446 : vector<16xf32>
      %parallel_loop3A_448 = arith.constant 16 : i32
      %parallel_loop3A_449 = arith.muli %parallel_loop3A_289, %parallel_loop3A_448 : i32
      %parallel_loop3A_450 = arith.constant 23552 : i32
      %parallel_loop3A_451 = arith.addi %parallel_loop3A_450, %parallel_loop3A_449 : i32
      %parallel_loop3A_452 = arith.index_cast %parallel_loop3A_451 : i32 to index
      %parallel_loop3A_453 = tpu.vector_load %arg12[%parallel_loop3A_452] {strides = array<i32>} : memref<32768xf32, #tpu.memory_space<vmem>>, vector<16xf32>,
      %parallel_loop3A_454 = arith.addf %parallel_loop3A_447, %parallel_loop3A_453 : vector<16xf32>
      %parallel_loop3A_455 = arith.constant 16 : i32
      %parallel_loop3A_456 = arith.muli %parallel_loop3A_289, %parallel_loop3A_455 : i32
      %parallel_loop3A_457 = arith.constant 24576 : i32
      %parallel_loop3A_458 = arith.addi %parallel_loop3A_457, %parallel_loop3A_456 : i32
      %parallel_loop3A_459 = arith.index_cast %parallel_loop3A_458 : i32 to index
      %parallel_loop3A_460 = tpu.vector_load %arg12[%parallel_loop3A_459] {strides = array<i32>} : memref<32768xf32, #tpu.memory_space<vmem>>, vector<16xf32>,
      %parallel_loop3A_461 = arith.addf %parallel_loop3A_454, %parallel_loop3A_460 : vector<16xf32>
      %parallel_loop3A_462 = arith.constant 16 : i32
      %parallel_loop3A_463 = arith.muli %parallel_loop3A_289, %parallel_loop3A_462 : i32
      %parallel_loop3A_464 = arith.constant 25600 : i32
      %parallel_loop3A_465 = arith.addi %parallel_loop3A_464, %parallel_loop3A_463 : i32
      %parallel_loop3A_466 = arith.index_cast %parallel_loop3A_465 : i32 to index
      %parallel_loop3A_467 = tpu.vector_load %arg12[%parallel_loop3A_466] {strides = array<i32>} : memref<32768xf32, #tpu.memory_space<vmem>>, vector<16xf32>,
      %parallel_loop3A_468 = arith.addf %parallel_loop3A_461, %parallel_loop3A_467 : vector<16xf32>
      %parallel_loop3A_469 = arith.constant 16 : i32
      %parallel_loop3A_470 = arith.muli %parallel_loop3A_289, %parallel_loop3A_469 : i32
      %parallel_loop3A_471 = arith.constant 26624 : i32
      %parallel_loop3A_472 = arith.addi %parallel_loop3A_471, %parallel_loop3A_470 : i32
      %parallel_loop3A_473 = arith.index_cast %parallel_loop3A_472 : i32 to index
      %parallel_loop3A_474 = tpu.vector_load %arg12[%parallel_loop3A_473] {strides = array<i32>} : memref<32768xf32, #tpu.memory_space<vmem>>, vector<16xf32>,
      %parallel_loop3A_475 = arith.addf %parallel_loop3A_468, %parallel_loop3A_474 : vector<16xf32>
      %parallel_loop3A_476 = arith.constant 16 : i32
      %parallel_loop3A_477 = arith.muli %parallel_loop3A_289, %parallel_loop3A_476 : i32
      %parallel_loop3A_478 = arith.constant 27648 : i32
      %parallel_loop3A_479 = arith.addi %parallel_loop3A_478, %parallel_loop3A_477 : i32
      %parallel_loop3A_480 = arith.index_cast %parallel_loop3A_479 : i32 to index
      %parallel_loop3A_481 = tpu.vector_load %arg12[%parallel_loop3A_480] {strides = array<i32>} : memref<32768xf32, #tpu.memory_space<vmem>>, vector<16xf32>,
      %parallel_loop3A_482 = arith.addf %parallel_loop3A_475, %parallel_loop3A_481 : vector<16xf32>
      %parallel_loop3A_483 = arith.constant 16 : i32
      %parallel_loop3A_484 = arith.muli %parallel_loop3A_289, %parallel_loop3A_483 : i32
      %parallel_loop3A_485 = arith.constant 28672 : i32
      %parallel_loop3A_486 = arith.addi %parallel_loop3A_485, %parallel_loop3A_484 : i32
      %parallel_loop3A_487 = arith.index_cast %parallel_loop3A_486 : i32 to index
      %parallel_loop3A_488 = tpu.vector_load %arg12[%parallel_loop3A_487] {strides = array<i32>} : memref<32768xf32, #tpu.memory_space<vmem>>, vector<16xf32>,
      %parallel_loop3A_489 = arith.addf %parallel_loop3A_482, %parallel_loop3A_488 : vector<16xf32>
      %parallel_loop3A_490 = arith.constant 16 : i32
      %parallel_loop3A_491 = arith.muli %parallel_loop3A_289, %parallel_loop3A_490 : i32
      %parallel_loop3A_492 = arith.constant 29696 : i32
      %parallel_loop3A_493 = arith.addi %parallel_loop3A_492, %parallel_loop3A_491 : i32
      %parallel_loop3A_494 = arith.index_cast %parallel_loop3A_493 : i32 to index
      %parallel_loop3A_495 = tpu.vector_load %arg12[%parallel_loop3A_494] {strides = array<i32>} : memref<32768xf32, #tpu.memory_space<vmem>>, vector<16xf32>,
      %parallel_loop3A_496 = arith.addf %parallel_loop3A_489, %parallel_loop3A_495 : vector<16xf32>
      %parallel_loop3A_497 = arith.constant 16 : i32
      %parallel_loop3A_498 = arith.muli %parallel_loop3A_289, %parallel_loop3A_497 : i32
      %parallel_loop3A_499 = arith.constant 30720 : i32
      %parallel_loop3A_500 = arith.addi %parallel_loop3A_499, %parallel_loop3A_498 : i32
      %parallel_loop3A_501 = arith.index_cast %parallel_loop3A_500 : i32 to index
      %parallel_loop3A_502 = tpu.vector_load %arg12[%parallel_loop3A_501] {strides = array<i32>} : memref<32768xf32, #tpu.memory_space<vmem>>, vector<16xf32>,
      %parallel_loop3A_503 = arith.addf %parallel_loop3A_496, %parallel_loop3A_502 : vector<16xf32>
      %parallel_loop3A_504 = arith.constant 16 : i32
      %parallel_loop3A_505 = arith.muli %parallel_loop3A_289, %parallel_loop3A_504 : i32
      %parallel_loop3A_506 = arith.constant 31744 : i32
      %parallel_loop3A_507 = arith.addi %parallel_loop3A_506, %parallel_loop3A_505 : i32
      %parallel_loop3A_508 = arith.index_cast %parallel_loop3A_507 : i32 to index
      %parallel_loop3A_509 = tpu.vector_load %arg12[%parallel_loop3A_508] {strides = array<i32>} : memref<32768xf32, #tpu.memory_space<vmem>>, vector<16xf32>,
      %parallel_loop3A_510 = arith.addf %parallel_loop3A_503, %parallel_loop3A_509 : vector<16xf32>
      %parallel_loop3A_511 = arith.index_cast %parallel_loop3A_291 : i32 to index
      %parallel_loop3A_512 = tpu.vector_load %arg14[%parallel_loop3A_511] {strides = array<i32>} : memref<1024xf32, #tpu.memory_space<vmem>>, vector<16xf32>,
      tpu.vector_store %arg14[%parallel_loop3A_511], %parallel_loop3A_510 {strides = array<i32>} : memref<1024xf32, #tpu.memory_space<vmem>>, vector<16xf32>,
      %parallel_loop3A_513 = arith.index_cast %parallel_loop3A_291 : i32 to index
      %parallel_loop3A_514 = tpu.vector_load %arg15[%parallel_loop3A_513] {strides = array<i32>} : memref<1024xf32, #tpu.memory_space<vmem>>, vector<16xf32>,
      %parallel_loop3A_515 = arith.index_cast %parallel_loop3A_291 : i32 to index
      %parallel_loop3A_516 = tpu.vector_load %arg16[%parallel_loop3A_515] {strides = array<i32>} : memref<1024xf32, #tpu.memory_space<vmem>>, vector<16xf32>,
      %parallel_loop3A_517 = arith.subf %parallel_loop3A_514, %parallel_loop3A_516 : vector<16xf32>
      %parallel_loop3A_518 = arith.divf %parallel_loop3A_517, %parallel_loop3A_510 : vector<16xf32>
      %parallel_loop3A_519 = arith.index_cast %parallel_loop3A_291 : i32 to index
      %parallel_loop3A_520 = tpu.vector_load %arg13[%parallel_loop3A_519] {strides = array<i32>} : memref<1040xf32, #tpu.memory_space<vmem>>, vector<16xf32>,
      tpu.vector_store %arg13[%parallel_loop3A_519], %parallel_loop3A_518 {strides = array<i32>} : memref<1040xf32, #tpu.memory_space<vmem>>, vector<16xf32>,
    } {sc.loop_unroll_factor = 2 : i64, sc.parallel_access}
    %eq3A = arith.constant 0 : i32
    %eq3A_14 = arith.cmpi eq, %add3A, %eq3A : i32
    %convert_element_type3A = arith.extui %eq3A_14 : i1 to i32
    %cond3A = arith.constant 0 : i32
    %cond3A_15 = arith.cmpi ne, %convert_element_type3A, %cond3A : i32
    scf.if %cond3A_15 {
      "tpu.region"() ({
        %run_scoped3A = tpu.sem_alloc : memref<!tpu.dma_semaphore, #tpu.memory_space<semaphore_mem>>
        tpu.enqueue_dma source(%arg16 : memref<1024xf32, #tpu.memory_space<vmem>>) target(%arg7 : memref<1024xf32, #tpu.memory_space<hbm>>) target_semaphore(%run_scoped3A : memref<!tpu.dma_semaphore, #tpu.memory_space<semaphore_mem>>)
        tpu.wait_dma2 semaphore(%run_scoped3A : memref<!tpu.dma_semaphore, #tpu.memory_space<semaphore_mem>>) src(%arg16 : memref<1024xf32, #tpu.memory_space<vmem>>) dst(%arg7 : memref<1024xf32, #tpu.memory_space<hbm>>)
        tpu.yield
      }) : () -> ()
    } else {
    }
    %scan3A = arith.constant 0.000000e+00 : f32
    %scan3A_16 = arith.constant 0 : i32
    %scan3A_17 = arith.constant 64 : i32
    %scan3A_18 = arith.addi %scan3A_16, %scan3A_17 : i32
    %scan3A_19 = arith.constant 1 : i32
    %scan3A_20 = scf.for %scan3A_289 = %scan3A_16 to %scan3A_18 step %scan3A_19 iter_args(%scan3A_290 = %scan3A) -> (f32)  : i32 {
      %mul3A_291 = arith.constant 16 : i32
      %mul3A_292 = arith.muli %scan3A_289, %mul3A_291 : i32
      %get3A = arith.index_cast %mul3A_292 : i32 to index
      %get3A_293 = tpu.vector_load %arg14[%get3A] {strides = array<i32>} : memref<1024xf32, #tpu.memory_space<vmem>>, vector<16xf32>,
      %broadcast_in_dim3A_294 = arith.constant true
      %broadcast_in_dim3A_295 = vector.broadcast %broadcast_in_dim3A_294 : i1 to vector<16xi1>
      %masked_cumsum3A = tpu.scan <sum>, %get3A_293 masked %broadcast_in_dim3A_295 : vector<16xf32>, vector<16xi1> -> vector<16xf32>
      %sub3A_296 = arith.subf %masked_cumsum3A, %get3A_293 : vector<16xf32>
      %add3A_297 = vector.broadcast %scan3A_290 : f32 to vector<16xf32>
      %add3A_298 = arith.addf %sub3A_296, %add3A_297 : vector<16xf32>
      %convert_element_type3A_299 = arith.fptosi %add3A_298 : vector<16xf32> to vector<16xi32>
      %swap3A_300 = arith.index_cast %mul3A_292 : i32 to index
      %swap3A_301 = tpu.vector_load %arg17[%swap3A_300] {strides = array<i32>} : memref<1040xi32, #tpu.memory_space<vmem>>, vector<16xi32>,
      tpu.vector_store %arg17[%swap3A_300], %convert_element_type3A_299 {strides = array<i32>} : memref<1040xi32, #tpu.memory_space<vmem>>, vector<16xi32>,
      %reduce_sum3A = arith.constant true
      %reduce_sum3A_302 = vector.broadcast %reduce_sum3A : i1 to vector<16xi1>
      %reduce_sum3A_303 = tpu.scan <sum>, %get3A_293 masked %reduce_sum3A_302 : vector<16xf32>, vector<16xi1> -> vector<16xf32>
      %reduce_sum3A_304 = vector.extract %reduce_sum3A_303[15] : f32 from vector<16xf32>
      %add3A_305 = arith.addf %scan3A_290, %reduce_sum3A_304 : f32
      scf.yield %add3A_305 : f32
    }
    %scan3A_21 = arith.constant 64 : i32
    %broadcast_in_dim3A = arith.constant 3200000 : i32
    %broadcast_in_dim3A_22 = vector.broadcast %broadcast_in_dim3A : i32 to vector<16xi32>
    %swap3A = arith.constant 1024 : index
    %swap3A_23 = tpu.vector_load %arg17[%swap3A] {strides = array<i32>} : memref<1040xi32, #tpu.memory_space<vmem>>, vector<16xi32>,
    tpu.vector_store %arg17[%swap3A], %broadcast_in_dim3A_22 {strides = array<i32>} : memref<1040xi32, #tpu.memory_space<vmem>>, vector<16xi32>,
    %add3A_24 = arith.constant 20000 : i32
    %add3A_25 = arith.addi %mul3A_2, %add3A_24 : i32
    %dma_start3A_26 = arith.constant 1 : i32
    %dma_start3A_27 = tpu.memref_slice %arg2[%add3A_25] : memref<3200000xf32, #tpu.memory_space<hbm>> -> memref<20000xf32, #tpu.memory_space<hbm>>
    %dma_start3A_28 = tpu.memref_slice %arg18[%dma_start3A_26] : memref<2x!tpu.dma_semaphore, #tpu.memory_space<semaphore_mem>> -> memref<1x!tpu.dma_semaphore, #tpu.memory_space<semaphore_mem>>
    %dma_start3A_29 = tpu.memref_squeeze %dma_start3A_28 : memref<1x!tpu.dma_semaphore, #tpu.memory_space<semaphore_mem>> -> memref<!tpu.dma_semaphore, #tpu.memory_space<semaphore_mem>>
    %dma_start3A_30 = tpu.memref_slice %arg2[%add3A_25] : memref<3200000xf32, #tpu.memory_space<hbm>> -> memref<20000xf32, #tpu.memory_space<hbm>>
    tpu.enqueue_dma source(%dma_start3A_30 : memref<20000xf32, #tpu.memory_space<hbm>>) target(%arg9 : memref<20000xf32, #tpu.memory_space<vmem>>) target_semaphore(%dma_start3A_29 : memref<!tpu.dma_semaphore, #tpu.memory_space<semaphore_mem>>)
    %dma_wait3A = arith.constant 0 : i32
    %dma_wait3A_31 = tpu.memref_slice %arg2[%add3A_4] : memref<3200000xf32, #tpu.memory_space<hbm>> -> memref<20000xf32, #tpu.memory_space<hbm>>
    %dma_wait3A_32 = tpu.memref_slice %arg18[%dma_wait3A] : memref<2x!tpu.dma_semaphore, #tpu.memory_space<semaphore_mem>> -> memref<1x!tpu.dma_semaphore, #tpu.memory_space<semaphore_mem>>
    %dma_wait3A_33 = tpu.memref_squeeze %dma_wait3A_32 : memref<1x!tpu.dma_semaphore, #tpu.memory_space<semaphore_mem>> -> memref<!tpu.dma_semaphore, #tpu.memory_space<semaphore_mem>>
    %dma_wait3A_34 = tpu.memref_slice %arg2[%add3A_4] : memref<3200000xf32, #tpu.memory_space<hbm>> -> memref<20000xf32, #tpu.memory_space<hbm>>
    tpu.wait_dma2 semaphore(%dma_wait3A_33 : memref<!tpu.dma_semaphore, #tpu.memory_space<semaphore_mem>>) src(%dma_wait3A_34 : memref<20000xf32, #tpu.memory_space<hbm>>) dst(%arg8 : memref<20000xf32, #tpu.memory_space<vmem>>)
    %add3A_35 = arith.constant 0 : i32
    %add3A_36 = arith.addi %mul3A_2, %add3A_35 : i32
    %scan3A_37 = arith.constant 0 : i32
    %scan3A_38 = arith.constant 1024 : i32
    %scan3A_39 = arith.constant 0 : i32
    %scan3A_40 = arith.constant 11 : i32
    %scan3A_41 = arith.addi %scan3A_39, %scan3A_40 : i32
    %scan3A_42 = arith.constant 1 : i32
    %scan3A_43:2 = scf.for %scan3A_289 = %scan3A_39 to %scan3A_41 step %scan3A_42 iter_args(%scan3A_290 = %scan3A_37, %scan3A_291 = %scan3A_38) -> (i32, i32)  : i32 {
      %add3A_292 = arith.addi %scan3A_290, %scan3A_291 : i32
      %jit3A = arith.constant 2 : i32
      %div3A = arith.divsi %add3A_292, %jit3A : i32
      %sign3A = arith.constant 0 : i32
      %sign3A_293 = arith.cmpi sgt, %add3A_292, %sign3A : i32
      %sign3A_294 = arith.extui %sign3A_293 : i1 to i32
      %sign3A_295 = arith.constant 0 : i32
      %sign3A_296 = arith.cmpi slt, %add3A_292, %sign3A_295 : i32
      %sign3A_297 = arith.extui %sign3A_296 : i1 to i32
      %sign3A_298 = arith.subi %sign3A_294, %sign3A_297 : i32
      %sign3A_299 = arith.constant 0 : i32
      %sign3A_300 = arith.cmpi sgt, %jit3A, %sign3A_299 : i32
      %sign3A_301 = arith.extui %sign3A_300 : i1 to i32
      %sign3A_302 = arith.constant 0 : i32
      %sign3A_303 = arith.cmpi slt, %jit3A, %sign3A_302 : i32
      %sign3A_304 = arith.extui %sign3A_303 : i1 to i32
      %sign3A_305 = arith.subi %sign3A_301, %sign3A_304 : i32
      %ne3A = arith.cmpi ne, %sign3A_298, %sign3A_305 : i32
      %rem3A = arith.remsi %add3A_292, %jit3A : i32
      %ne3A_306 = arith.constant 0 : i32
      %ne3A_307 = arith.cmpi ne, %rem3A, %ne3A_306 : i32
      %and3A = arith.andi %ne3A, %ne3A_307 : i1
      %sub3A_308 = arith.constant 1 : i32
      %sub3A_309 = arith.subi %div3A, %sub3A_308 : i32
      %select_n3A = arith.select %and3A, %sub3A_309, %div3A : i32
      %get3A = arith.index_cast %select_n3A : i32 to index
      %get3A_310 = tpu.vector_load %arg17[%get3A] {strides = array<i32>} : memref<1040xi32, #tpu.memory_space<vmem>>, vector<16xi32>,
      %slice3A = vector.extract_strided_slice %get3A_310 {offsets = [0], sizes = [1], strides = [1]} : vector<16xi32> to vector<1xi32>
      %squeeze3A = vector.extract %slice3A[0] : i32 from vector<1xi32>
      %le3A = arith.cmpi sle, %squeeze3A, %add3A_36 : i32
      %gt3A = arith.cmpi sgt, %scan3A_291, %scan3A_290 : i32
      %and3A_311 = arith.andi %gt3A, %le3A : i1
      %add3A_312 = arith.constant 1 : i32
      %add3A_313 = arith.addi %select_n3A, %add3A_312 : i32
      %select_n3A_314 = arith.select %and3A_311, %add3A_313, %scan3A_290 : i32
      %not3A = arith.constant true
      %not3A_315 = arith.xori %le3A, %not3A : i1
      %and3A_316 = arith.andi %gt3A, %not3A_315 : i1
      %select_n3A_317 = arith.select %and3A_316, %select_n3A, %scan3A_291 : i32
      scf.yield %select_n3A_314, %select_n3A_317 : i32, i32
    }
    %scan3A_44 = arith.constant 11 : i32
    %sub3A = arith.constant 1 : i32
    %sub3A_45 = arith.subi %scan3A_43#0, %sub3A : i32
    %add3A_46 = arith.constant 20000 : i32
    %add3A_47 = arith.addi %add3A_36, %add3A_46 : i32
    %scan3A_48 = arith.constant 0 : i32
    %scan3A_49 = arith.constant 1024 : i32
    %scan3A_50 = arith.constant 0 : i32
    %scan3A_51 = arith.constant 11 : i32
    %scan3A_52 = arith.addi %scan3A_50, %scan3A_51 : i32
    %scan3A_53 = arith.constant 1 : i32
    %scan3A_54:2 = scf.for %scan3A_289 = %scan3A_50 to %scan3A_52 step %scan3A_53 iter_args(%scan3A_290 = %scan3A_48, %scan3A_291 = %scan3A_49) -> (i32, i32)  : i32 {
      %add3A_292 = arith.addi %scan3A_290, %scan3A_291 : i32
      %jit3A = arith.constant 2 : i32
      %div3A = arith.divsi %add3A_292, %jit3A : i32
      %sign3A = arith.constant 0 : i32
      %sign3A_293 = arith.cmpi sgt, %add3A_292, %sign3A : i32
      %sign3A_294 = arith.extui %sign3A_293 : i1 to i32
      %sign3A_295 = arith.constant 0 : i32
      %sign3A_296 = arith.cmpi slt, %add3A_292, %sign3A_295 : i32
      %sign3A_297 = arith.extui %sign3A_296 : i1 to i32
      %sign3A_298 = arith.subi %sign3A_294, %sign3A_297 : i32
      %sign3A_299 = arith.constant 0 : i32
      %sign3A_300 = arith.cmpi sgt, %jit3A, %sign3A_299 : i32
      %sign3A_301 = arith.extui %sign3A_300 : i1 to i32
      %sign3A_302 = arith.constant 0 : i32
      %sign3A_303 = arith.cmpi slt, %jit3A, %sign3A_302 : i32
      %sign3A_304 = arith.extui %sign3A_303 : i1 to i32
      %sign3A_305 = arith.subi %sign3A_301, %sign3A_304 : i32
      %ne3A = arith.cmpi ne, %sign3A_298, %sign3A_305 : i32
      %rem3A = arith.remsi %add3A_292, %jit3A : i32
      %ne3A_306 = arith.constant 0 : i32
      %ne3A_307 = arith.cmpi ne, %rem3A, %ne3A_306 : i32
      %and3A = arith.andi %ne3A, %ne3A_307 : i1
      %sub3A_308 = arith.constant 1 : i32
      %sub3A_309 = arith.subi %div3A, %sub3A_308 : i32
      %select_n3A = arith.select %and3A, %sub3A_309, %div3A : i32
      %get3A = arith.index_cast %select_n3A : i32 to index
      %get3A_310 = tpu.vector_load %arg17[%get3A] {strides = array<i32>} : memref<1040xi32, #tpu.memory_space<vmem>>, vector<16xi32>,
      %slice3A = vector.extract_strided_slice %get3A_310 {offsets = [0], sizes = [1], strides = [1]} : vector<16xi32> to vector<1xi32>
      %squeeze3A = vector.extract %slice3A[0] : i32 from vector<1xi32>
      %lt3A = arith.cmpi slt, %squeeze3A, %add3A_47 : i32
      %gt3A = arith.cmpi sgt, %scan3A_291, %scan3A_290 : i32
      %and3A_311 = arith.andi %gt3A, %lt3A : i1
      %add3A_312 = arith.constant 1 : i32
      %add3A_313 = arith.addi %select_n3A, %add3A_312 : i32
      %select_n3A_314 = arith.select %and3A_311, %add3A_313, %scan3A_290 : i32
      %not3A = arith.constant true
      %not3A_315 = arith.xori %lt3A, %not3A : i1
      %and3A_316 = arith.andi %gt3A, %not3A_315 : i1
      %select_n3A_317 = arith.select %and3A_316, %select_n3A, %scan3A_291 : i32
      scf.yield %select_n3A_314, %select_n3A_317 : i32, i32
    }
    %scan3A_55 = arith.constant 11 : i32
    %while3A = arith.constant 0 : i32
    %while3A_56 = arith.subi %scan3A_54#0, %sub3A_45 : i32
    %while3A_57 = arith.addi %sub3A_45, %while3A_56 : i32
    %while3A_58 = arith.constant 1 : i32
    %while3A_59 = arith.divsi %while3A_56, %while3A_58 : i32
    %while3A_60 = arith.muli %while3A_59, %while3A_58 : i32
    %while3A_61 = arith.addi %sub3A_45, %while3A_60 : i32
    %while3A_62 = arith.constant 1 : i32
    %while3A_63 = scf.for %while3A_289 = %sub3A_45 to %while3A_61 step %while3A_62 iter_args(%while3A_290 = %while3A) -> (i32)  : i32 {
      %get3A = arith.index_cast %while3A_289 : i32 to index
      %get3A_291 = tpu.vector_load %arg17[%get3A] {strides = array<i32>} : memref<1040xi32, #tpu.memory_space<vmem>>, vector<16xi32>,
      %slice3A = vector.extract_strided_slice %get3A_291 {offsets = [0], sizes = [1], strides = [1]} : vector<16xi32> to vector<1xi32>
      %squeeze3A = vector.extract %slice3A[0] : i32 from vector<1xi32>
      %max3A = arith.maxsi %squeeze3A, %add3A_36 : i32
      %sub3A_292 = arith.subi %max3A, %add3A_36 : i32
      %add3A_293 = arith.constant 1 : i32
      %add3A_294 = arith.addi %while3A_289, %add3A_293 : i32
      %get3A_295 = arith.index_cast %add3A_294 : i32 to index
      %get3A_296 = tpu.vector_load %arg17[%get3A_295] {strides = array<i32>} : memref<1040xi32, #tpu.memory_space<vmem>>, vector<16xi32>,
      %slice3A_297 = vector.extract_strided_slice %get3A_296 {offsets = [0], sizes = [1], strides = [1]} : vector<16xi32> to vector<1xi32>
      %squeeze3A_298 = vector.extract %slice3A_297[0] : i32 from vector<1xi32>
      %add3A_299 = arith.constant 20000 : i32
      %add3A_300 = arith.addi %add3A_36, %add3A_299 : i32
      %min3A = arith.minsi %squeeze3A_298, %add3A_300 : i32
      %sub3A_301 = arith.subi %min3A, %add3A_36 : i32
      %get3A_302 = arith.index_cast %while3A_289 : i32 to index
      %get3A_303 = tpu.vector_load %arg13[%get3A_302] {strides = array<i32>} : memref<1040xf32, #tpu.memory_space<vmem>>, vector<16xf32>,
      %slice3A_304 = vector.extract_strided_slice %get3A_303 {offsets = [0], sizes = [1], strides = [1]} : vector<16xf32> to vector<1xf32>
      %squeeze3A_305 = vector.extract %slice3A_304[0] : f32 from vector<1xf32>
      %broadcast_in_dim3A_306 = vector.broadcast %squeeze3A_305 : f32 to vector<16xf32>
      %gt3A = arith.cmpi sgt, %sub3A_301, %sub3A_292 : i32
      %convert_element_type3A_307 = arith.extui %gt3A : i1 to i32
      %cond3A_308 = arith.constant 0 : i32
      %cond3A_309 = arith.cmpi ne, %convert_element_type3A_307, %cond3A_308 : i32
      scf.if %cond3A_309 {
        %jit3A = arith.constant 16 : i32
        %div3A = arith.divsi %sub3A_292, %jit3A : i32
        %sign3A = arith.constant 0 : i32
        %sign3A_311 = arith.cmpi sgt, %sub3A_292, %sign3A : i32
        %sign3A_312 = arith.extui %sign3A_311 : i1 to i32
        %sign3A_313 = arith.constant 0 : i32
        %sign3A_314 = arith.cmpi slt, %sub3A_292, %sign3A_313 : i32
        %sign3A_315 = arith.extui %sign3A_314 : i1 to i32
        %sign3A_316 = arith.subi %sign3A_312, %sign3A_315 : i32
        %sign3A_317 = arith.constant 0 : i32
        %sign3A_318 = arith.cmpi sgt, %jit3A, %sign3A_317 : i32
        %sign3A_319 = arith.extui %sign3A_318 : i1 to i32
        %sign3A_320 = arith.constant 0 : i32
        %sign3A_321 = arith.cmpi slt, %jit3A, %sign3A_320 : i32
        %sign3A_322 = arith.extui %sign3A_321 : i1 to i32
        %sign3A_323 = arith.subi %sign3A_319, %sign3A_322 : i32
        %ne3A = arith.cmpi ne, %sign3A_316, %sign3A_323 : i32
        %rem3A = arith.remsi %sub3A_292, %jit3A : i32
        %ne3A_324 = arith.constant 0 : i32
        %ne3A_325 = arith.cmpi ne, %rem3A, %ne3A_324 : i32
        %and3A = arith.andi %ne3A, %ne3A_325 : i1
        %sub3A_326 = arith.constant 1 : i32
        %sub3A_327 = arith.subi %div3A, %sub3A_326 : i32
        %select_n3A = arith.select %and3A, %sub3A_327, %div3A : i32
        %sub3A_328 = arith.constant 1 : i32
        %sub3A_329 = arith.subi %sub3A_301, %sub3A_328 : i32
        %jit3A_330 = arith.constant 16 : i32
        %div3A_331 = arith.divsi %sub3A_329, %jit3A_330 : i32
        %sign3A_332 = arith.constant 0 : i32
        %sign3A_333 = arith.cmpi sgt, %sub3A_329, %sign3A_332 : i32
        %sign3A_334 = arith.extui %sign3A_333 : i1 to i32
        %sign3A_335 = arith.constant 0 : i32
        %sign3A_336 = arith.cmpi slt, %sub3A_329, %sign3A_335 : i32
        %sign3A_337 = arith.extui %sign3A_336 : i1 to i32
        %sign3A_338 = arith.subi %sign3A_334, %sign3A_337 : i32
        %sign3A_339 = arith.constant 0 : i32
        %sign3A_340 = arith.cmpi sgt, %jit3A_330, %sign3A_339 : i32
        %sign3A_341 = arith.extui %sign3A_340 : i1 to i32
        %sign3A_342 = arith.constant 0 : i32
        %sign3A_343 = arith.cmpi slt, %jit3A_330, %sign3A_342 : i32
        %sign3A_344 = arith.extui %sign3A_343 : i1 to i32
        %sign3A_345 = arith.subi %sign3A_341, %sign3A_344 : i32
        %ne3A_346 = arith.cmpi ne, %sign3A_338, %sign3A_345 : i32
        %rem3A_347 = arith.remsi %sub3A_329, %jit3A_330 : i32
        %ne3A_348 = arith.constant 0 : i32
        %ne3A_349 = arith.cmpi ne, %rem3A_347, %ne3A_348 : i32
        %and3A_350 = arith.andi %ne3A_346, %ne3A_349 : i1
        %sub3A_351 = arith.constant 1 : i32
        %sub3A_352 = arith.subi %div3A_331, %sub3A_351 : i32
        %select_n3A_353 = arith.select %and3A_350, %sub3A_352, %div3A_331 : i32
        %mul3A_354 = arith.constant 16 : i32
        %mul3A_355 = arith.muli %select_n3A, %mul3A_354 : i32
        %sub3A_356 = arith.subi %sub3A_292, %mul3A_355 : i32
        %ge3A = vector.broadcast %sub3A_356 : i32 to vector<16xi32>
        %ge3A_357 = arith.cmpi sge, %iota3A, %ge3A : vector<16xi32>
        %mul3A_358 = arith.constant 16 : i32
        %mul3A_359 = arith.muli %select_n3A, %mul3A_358 : i32
        %sub3A_360 = arith.subi %sub3A_301, %mul3A_359 : i32
        %lt3A = vector.broadcast %sub3A_360 : i32 to vector<16xi32>
        %lt3A_361 = arith.cmpi slt, %iota3A, %lt3A : vector<16xi32>
        %and3A_362 = arith.andi %ge3A_357, %lt3A_361 : vector<16xi1>
        %mul3A_363 = arith.constant 16 : i32
        %mul3A_364 = arith.muli %select_n3A, %mul3A_363 : i32
        %mul3A_365 = arith.constant 16 : i32
        %mul3A_366 = arith.muli %select_n3A, %mul3A_365 : i32
        %eq3A_367 = arith.cmpi eq, %sub3A_292, %mul3A_366 : i32
        %get3A_368 = arith.index_cast %mul3A_364 : i32 to index
        %get3A_369 = tpu.vector_load %arg8[%get3A_368] {strides = array<i32>} : memref<20000xf32, #tpu.memory_space<vmem>>, vector<16xf32>,
        %get3A_370 = arith.index_cast %mul3A_364 : i32 to index
        %get3A_371 = tpu.vector_load %arg10[%get3A_370] {strides = array<i32>} : memref<20000xf32, #tpu.memory_space<vmem>>, vector<16xf32>,
        %select_n3A_372 = arith.select %eq3A_367, %get3A_369, %get3A_371 : vector<16xf32>
        %jit3A_373 = arith.constant 0.000000e+00 : f32
        %broadcast_in_dim3A_374 = vector.broadcast %jit3A_373 : f32 to vector<16xf32>
        %select_n3A_375 = arith.select %and3A_362, %broadcast_in_dim3A_306, %broadcast_in_dim3A_374 : vector<16xi1>, vector<16xf32>
        %add3A_376 = arith.addf %select_n3A_372, %select_n3A_375 : vector<16xf32>
        %swap3A_377 = arith.index_cast %mul3A_364 : i32 to index
        %swap3A_378 = tpu.vector_load %arg10[%swap3A_377] {strides = array<i32>} : memref<20000xf32, #tpu.memory_space<vmem>>, vector<16xf32>,
        tpu.vector_store %arg10[%swap3A_377], %add3A_376 {strides = array<i32>} : memref<20000xf32, #tpu.memory_space<vmem>>, vector<16xf32>,
        %gt3A_379 = arith.cmpi sgt, %select_n3A_353, %select_n3A : i32
        %convert_element_type3A_380 = arith.extui %gt3A_379 : i1 to i32
        %cond3A_381 = arith.constant 0 : i32
        %cond3A_382 = arith.cmpi ne, %convert_element_type3A_380, %cond3A_381 : i32
        scf.if %cond3A_382 {
          %mul3A_386 = arith.constant 16 : i32
          %mul3A_387 = arith.muli %select_n3A_353, %mul3A_386 : i32
          %mul3A_388 = arith.constant 16 : i32
          %mul3A_389 = arith.muli %select_n3A_353, %mul3A_388 : i32
          %sub3A_390 = arith.subi %sub3A_301, %mul3A_389 : i32
          %lt3A_391 = vector.broadcast %sub3A_390 : i32 to vector<16xi32>
          %lt3A_392 = arith.cmpi slt, %iota3A, %lt3A_391 : vector<16xi32>
          %get3A_393 = arith.index_cast %mul3A_387 : i32 to index
          %get3A_394 = tpu.vector_load %arg8[%get3A_393] {strides = array<i32>} : memref<20000xf32, #tpu.memory_space<vmem>>, vector<16xf32>,
          %jit3A_395 = arith.constant 0.000000e+00 : f32
          %broadcast_in_dim3A_396 = vector.broadcast %jit3A_395 : f32 to vector<16xf32>
          %select_n3A_397 = arith.select %lt3A_392, %broadcast_in_dim3A_306, %broadcast_in_dim3A_396 : vector<16xi1>, vector<16xf32>
          %add3A_398 = arith.addf %get3A_394, %select_n3A_397 : vector<16xf32>
          %swap3A_399 = arith.index_cast %mul3A_387 : i32 to index
          %swap3A_400 = tpu.vector_load %arg10[%swap3A_399] {strides = array<i32>} : memref<20000xf32, #tpu.memory_space<vmem>>, vector<16xf32>,
          tpu.vector_store %arg10[%swap3A_399], %add3A_398 {strides = array<i32>} : memref<20000xf32, #tpu.memory_space<vmem>>, vector<16xf32>,
        } else {
        }
        %add3A_383 = arith.constant 1 : i32
        %add3A_384 = arith.addi %select_n3A, %add3A_383 : i32
        %parallel_loop3A_385 = arith.constant 1 : i32
        scf.for %parallel_loop3A_386 = %add3A_384 to %select_n3A_353 step %parallel_loop3A_385  : i32 {
          %parallel_loop3A_387 = arith.constant 16 : i32
          %parallel_loop3A_388 = arith.muli %parallel_loop3A_386, %parallel_loop3A_387 : i32
          %parallel_loop3A_389 = arith.index_cast %parallel_loop3A_388 : i32 to index
          %parallel_loop3A_390 = tpu.vector_load %arg8[%parallel_loop3A_389] {strides = array<i32>} : memref<20000xf32, #tpu.memory_space<vmem>>, vector<16xf32>,
          %parallel_loop3A_391 = arith.addf %parallel_loop3A_390, %broadcast_in_dim3A_306 : vector<16xf32>
          %parallel_loop3A_392 = arith.index_cast %parallel_loop3A_388 : i32 to index
          %parallel_loop3A_393 = tpu.vector_load %arg10[%parallel_loop3A_392] {strides = array<i32>} : memref<20000xf32, #tpu.memory_space<vmem>>, vector<16xf32>,
          tpu.vector_store %arg10[%parallel_loop3A_392], %parallel_loop3A_391 {strides = array<i32>} : memref<20000xf32, #tpu.memory_space<vmem>>, vector<16xf32>,
        } {sc.loop_unroll_factor = 4 : i64, sc.parallel_access}
      } else {
      }
      %while3A_310 = arith.constant 0 : i32
      scf.yield %while3A_310 : i32
    }
    %while3A_64 = arith.constant 1 : i32
    %while3A_65 = scf.for %while3A_289 = %while3A_61 to %while3A_57 step %while3A_64 iter_args(%while3A_290 = %while3A_63) -> (i32)  : i32 {
      %get3A = arith.index_cast %while3A_289 : i32 to index
      %get3A_291 = tpu.vector_load %arg17[%get3A] {strides = array<i32>} : memref<1040xi32, #tpu.memory_space<vmem>>, vector<16xi32>,
      %slice3A = vector.extract_strided_slice %get3A_291 {offsets = [0], sizes = [1], strides = [1]} : vector<16xi32> to vector<1xi32>
      %squeeze3A = vector.extract %slice3A[0] : i32 from vector<1xi32>
      %max3A = arith.maxsi %squeeze3A, %add3A_36 : i32
      %sub3A_292 = arith.subi %max3A, %add3A_36 : i32
      %add3A_293 = arith.constant 1 : i32
      %add3A_294 = arith.addi %while3A_289, %add3A_293 : i32
      %get3A_295 = arith.index_cast %add3A_294 : i32 to index
      %get3A_296 = tpu.vector_load %arg17[%get3A_295] {strides = array<i32>} : memref<1040xi32, #tpu.memory_space<vmem>>, vector<16xi32>,
      %slice3A_297 = vector.extract_strided_slice %get3A_296 {offsets = [0], sizes = [1], strides = [1]} : vector<16xi32> to vector<1xi32>
      %squeeze3A_298 = vector.extract %slice3A_297[0] : i32 from vector<1xi32>
      %add3A_299 = arith.constant 20000 : i32
      %add3A_300 = arith.addi %add3A_36, %add3A_299 : i32
      %min3A = arith.minsi %squeeze3A_298, %add3A_300 : i32
      %sub3A_301 = arith.subi %min3A, %add3A_36 : i32
      %get3A_302 = arith.index_cast %while3A_289 : i32 to index
      %get3A_303 = tpu.vector_load %arg13[%get3A_302] {strides = array<i32>} : memref<1040xf32, #tpu.memory_space<vmem>>, vector<16xf32>,
      %slice3A_304 = vector.extract_strided_slice %get3A_303 {offsets = [0], sizes = [1], strides = [1]} : vector<16xf32> to vector<1xf32>
      %squeeze3A_305 = vector.extract %slice3A_304[0] : f32 from vector<1xf32>
      %broadcast_in_dim3A_306 = vector.broadcast %squeeze3A_305 : f32 to vector<16xf32>
      %gt3A = arith.cmpi sgt, %sub3A_301, %sub3A_292 : i32
      %convert_element_type3A_307 = arith.extui %gt3A : i1 to i32
      %cond3A_308 = arith.constant 0 : i32
      %cond3A_309 = arith.cmpi ne, %convert_element_type3A_307, %cond3A_308 : i32
      scf.if %cond3A_309 {
        %jit3A = arith.constant 16 : i32
        %div3A = arith.divsi %sub3A_292, %jit3A : i32
        %sign3A = arith.constant 0 : i32
        %sign3A_311 = arith.cmpi sgt, %sub3A_292, %sign3A : i32
        %sign3A_312 = arith.extui %sign3A_311 : i1 to i32
        %sign3A_313 = arith.constant 0 : i32
        %sign3A_314 = arith.cmpi slt, %sub3A_292, %sign3A_313 : i32
        %sign3A_315 = arith.extui %sign3A_314 : i1 to i32
        %sign3A_316 = arith.subi %sign3A_312, %sign3A_315 : i32
        %sign3A_317 = arith.constant 0 : i32
        %sign3A_318 = arith.cmpi sgt, %jit3A, %sign3A_317 : i32
        %sign3A_319 = arith.extui %sign3A_318 : i1 to i32
        %sign3A_320 = arith.constant 0 : i32
        %sign3A_321 = arith.cmpi slt, %jit3A, %sign3A_320 : i32
        %sign3A_322 = arith.extui %sign3A_321 : i1 to i32
        %sign3A_323 = arith.subi %sign3A_319, %sign3A_322 : i32
        %ne3A = arith.cmpi ne, %sign3A_316, %sign3A_323 : i32
        %rem3A = arith.remsi %sub3A_292, %jit3A : i32
        %ne3A_324 = arith.constant 0 : i32
        %ne3A_325 = arith.cmpi ne, %rem3A, %ne3A_324 : i32
        %and3A = arith.andi %ne3A, %ne3A_325 : i1
        %sub3A_326 = arith.constant 1 : i32
        %sub3A_327 = arith.subi %div3A, %sub3A_326 : i32
        %select_n3A = arith.select %and3A, %sub3A_327, %div3A : i32
        %sub3A_328 = arith.constant 1 : i32
        %sub3A_329 = arith.subi %sub3A_301, %sub3A_328 : i32
        %jit3A_330 = arith.constant 16 : i32
        %div3A_331 = arith.divsi %sub3A_329, %jit3A_330 : i32
        %sign3A_332 = arith.constant 0 : i32
        %sign3A_333 = arith.cmpi sgt, %sub3A_329, %sign3A_332 : i32
        %sign3A_334 = arith.extui %sign3A_333 : i1 to i32
        %sign3A_335 = arith.constant 0 : i32
        %sign3A_336 = arith.cmpi slt, %sub3A_329, %sign3A_335 : i32
        %sign3A_337 = arith.extui %sign3A_336 : i1 to i32
        %sign3A_338 = arith.subi %sign3A_334, %sign3A_337 : i32
        %sign3A_339 = arith.constant 0 : i32
        %sign3A_340 = arith.cmpi sgt, %jit3A_330, %sign3A_339 : i32
        %sign3A_341 = arith.extui %sign3A_340 : i1 to i32
        %sign3A_342 = arith.constant 0 : i32
        %sign3A_343 = arith.cmpi slt, %jit3A_330, %sign3A_342 : i32
        %sign3A_344 = arith.extui %sign3A_343 : i1 to i32
        %sign3A_345 = arith.subi %sign3A_341, %sign3A_344 : i32
        %ne3A_346 = arith.cmpi ne, %sign3A_338, %sign3A_345 : i32
        %rem3A_347 = arith.remsi %sub3A_329, %jit3A_330 : i32
        %ne3A_348 = arith.constant 0 : i32
        %ne3A_349 = arith.cmpi ne, %rem3A_347, %ne3A_348 : i32
        %and3A_350 = arith.andi %ne3A_346, %ne3A_349 : i1
        %sub3A_351 = arith.constant 1 : i32
        %sub3A_352 = arith.subi %div3A_331, %sub3A_351 : i32
        %select_n3A_353 = arith.select %and3A_350, %sub3A_352, %div3A_331 : i32
        %mul3A_354 = arith.constant 16 : i32
        %mul3A_355 = arith.muli %select_n3A, %mul3A_354 : i32
        %sub3A_356 = arith.subi %sub3A_292, %mul3A_355 : i32
        %ge3A = vector.broadcast %sub3A_356 : i32 to vector<16xi32>
        %ge3A_357 = arith.cmpi sge, %iota3A, %ge3A : vector<16xi32>
        %mul3A_358 = arith.constant 16 : i32
        %mul3A_359 = arith.muli %select_n3A, %mul3A_358 : i32
        %sub3A_360 = arith.subi %sub3A_301, %mul3A_359 : i32
        %lt3A = vector.broadcast %sub3A_360 : i32 to vector<16xi32>
        %lt3A_361 = arith.cmpi slt, %iota3A, %lt3A : vector<16xi32>
        %and3A_362 = arith.andi %ge3A_357, %lt3A_361 : vector<16xi1>
        %mul3A_363 = arith.constant 16 : i32
        %mul3A_364 = arith.muli %select_n3A, %mul3A_363 : i32
        %mul3A_365 = arith.constant 16 : i32
        %mul3A_366 = arith.muli %select_n3A, %mul3A_365 : i32
        %eq3A_367 = arith.cmpi eq, %sub3A_292, %mul3A_366 : i32
        %get3A_368 = arith.index_cast %mul3A_364 : i32 to index
        %get3A_369 = tpu.vector_load %arg8[%get3A_368] {strides = array<i32>} : memref<20000xf32, #tpu.memory_space<vmem>>, vector<16xf32>,
        %get3A_370 = arith.index_cast %mul3A_364 : i32 to index
        %get3A_371 = tpu.vector_load %arg10[%get3A_370] {strides = array<i32>} : memref<20000xf32, #tpu.memory_space<vmem>>, vector<16xf32>,
        %select_n3A_372 = arith.select %eq3A_367, %get3A_369, %get3A_371 : vector<16xf32>
        %jit3A_373 = arith.constant 0.000000e+00 : f32
        %broadcast_in_dim3A_374 = vector.broadcast %jit3A_373 : f32 to vector<16xf32>
        %select_n3A_375 = arith.select %and3A_362, %broadcast_in_dim3A_306, %broadcast_in_dim3A_374 : vector<16xi1>, vector<16xf32>
        %add3A_376 = arith.addf %select_n3A_372, %select_n3A_375 : vector<16xf32>
        %swap3A_377 = arith.index_cast %mul3A_364 : i32 to index
        %swap3A_378 = tpu.vector_load %arg10[%swap3A_377] {strides = array<i32>} : memref<20000xf32, #tpu.memory_space<vmem>>, vector<16xf32>,
        tpu.vector_store %arg10[%swap3A_377], %add3A_376 {strides = array<i32>} : memref<20000xf32, #tpu.memory_space<vmem>>, vector<16xf32>,
        %gt3A_379 = arith.cmpi sgt, %select_n3A_353, %select_n3A : i32
        %convert_element_type3A_380 = arith.extui %gt3A_379 : i1 to i32
        %cond3A_381 = arith.constant 0 : i32
        %cond3A_382 = arith.cmpi ne, %convert_element_type3A_380, %cond3A_381 : i32
        scf.if %cond3A_382 {
          %mul3A_386 = arith.constant 16 : i32
          %mul3A_387 = arith.muli %select_n3A_353, %mul3A_386 : i32
          %mul3A_388 = arith.constant 16 : i32
          %mul3A_389 = arith.muli %select_n3A_353, %mul3A_388 : i32
          %sub3A_390 = arith.subi %sub3A_301, %mul3A_389 : i32
          %lt3A_391 = vector.broadcast %sub3A_390 : i32 to vector<16xi32>
          %lt3A_392 = arith.cmpi slt, %iota3A, %lt3A_391 : vector<16xi32>
          %get3A_393 = arith.index_cast %mul3A_387 : i32 to index
          %get3A_394 = tpu.vector_load %arg8[%get3A_393] {strides = array<i32>} : memref<20000xf32, #tpu.memory_space<vmem>>, vector<16xf32>,
          %jit3A_395 = arith.constant 0.000000e+00 : f32
          %broadcast_in_dim3A_396 = vector.broadcast %jit3A_395 : f32 to vector<16xf32>
          %select_n3A_397 = arith.select %lt3A_392, %broadcast_in_dim3A_306, %broadcast_in_dim3A_396 : vector<16xi1>, vector<16xf32>
          %add3A_398 = arith.addf %get3A_394, %select_n3A_397 : vector<16xf32>
          %swap3A_399 = arith.index_cast %mul3A_387 : i32 to index
          %swap3A_400 = tpu.vector_load %arg10[%swap3A_399] {strides = array<i32>} : memref<20000xf32, #tpu.memory_space<vmem>>, vector<16xf32>,
          tpu.vector_store %arg10[%swap3A_399], %add3A_398 {strides = array<i32>} : memref<20000xf32, #tpu.memory_space<vmem>>, vector<16xf32>,
        } else {
        }
        %add3A_383 = arith.constant 1 : i32
        %add3A_384 = arith.addi %select_n3A, %add3A_383 : i32
        %parallel_loop3A_385 = arith.constant 1 : i32
        scf.for %parallel_loop3A_386 = %add3A_384 to %select_n3A_353 step %parallel_loop3A_385  : i32 {
          %parallel_loop3A_387 = arith.constant 16 : i32
          %parallel_loop3A_388 = arith.muli %parallel_loop3A_386, %parallel_loop3A_387 : i32
          %parallel_loop3A_389 = arith.index_cast %parallel_loop3A_388 : i32 to index
          %parallel_loop3A_390 = tpu.vector_load %arg8[%parallel_loop3A_389] {strides = array<i32>} : memref<20000xf32, #tpu.memory_space<vmem>>, vector<16xf32>,
          %parallel_loop3A_391 = arith.addf %parallel_loop3A_390, %broadcast_in_dim3A_306 : vector<16xf32>
          %parallel_loop3A_392 = arith.index_cast %parallel_loop3A_388 : i32 to index
          %parallel_loop3A_393 = tpu.vector_load %arg10[%parallel_loop3A_392] {strides = array<i32>} : memref<20000xf32, #tpu.memory_space<vmem>>, vector<16xf32>,
          tpu.vector_store %arg10[%parallel_loop3A_392], %parallel_loop3A_391 {strides = array<i32>} : memref<20000xf32, #tpu.memory_space<vmem>>, vector<16xf32>,
        } {sc.loop_unroll_factor = 4 : i64, sc.parallel_access}
      } else {
      }
      %while3A_310 = arith.constant 0 : i32
      scf.yield %while3A_310 : i32
    }
    %dma_start3A_66 = arith.constant 0 : i32
    %dma_start3A_67 = tpu.memref_slice %arg6[%add3A_36] : memref<3200000xf32, #tpu.memory_space<hbm>> -> memref<20000xf32, #tpu.memory_space<hbm>>
    %dma_start3A_68 = tpu.memref_slice %arg19[%dma_start3A_66] : memref<2x!tpu.dma_semaphore, #tpu.memory_space<semaphore_mem>> -> memref<1x!tpu.dma_semaphore, #tpu.memory_space<semaphore_mem>>
    %dma_start3A_69 = tpu.memref_squeeze %dma_start3A_68 : memref<1x!tpu.dma_semaphore, #tpu.memory_space<semaphore_mem>> -> memref<!tpu.dma_semaphore, #tpu.memory_space<semaphore_mem>>
    %dma_start3A_70 = tpu.memref_slice %arg6[%add3A_36] : memref<3200000xf32, #tpu.memory_space<hbm>> -> memref<20000xf32, #tpu.memory_space<hbm>>
    tpu.enqueue_dma source(%arg10 : memref<20000xf32, #tpu.memory_space<vmem>>) target(%dma_start3A_70 : memref<20000xf32, #tpu.memory_space<hbm>>) target_semaphore(%dma_start3A_69 : memref<!tpu.dma_semaphore, #tpu.memory_space<semaphore_mem>>)
    %add3A_71 = arith.constant 40000 : i32
    %add3A_72 = arith.addi %mul3A_2, %add3A_71 : i32
    %dma_start3A_73 = arith.constant 0 : i32
    %dma_start3A_74 = tpu.memref_slice %arg2[%add3A_72] : memref<3200000xf32, #tpu.memory_space<hbm>> -> memref<20000xf32, #tpu.memory_space<hbm>>
    %dma_start3A_75 = tpu.memref_slice %arg18[%dma_start3A_73] : memref<2x!tpu.dma_semaphore, #tpu.memory_space<semaphore_mem>> -> memref<1x!tpu.dma_semaphore, #tpu.memory_space<semaphore_mem>>
    %dma_start3A_76 = tpu.memref_squeeze %dma_start3A_75 : memref<1x!tpu.dma_semaphore, #tpu.memory_space<semaphore_mem>> -> memref<!tpu.dma_semaphore, #tpu.memory_space<semaphore_mem>>
    %dma_start3A_77 = tpu.memref_slice %arg2[%add3A_72] : memref<3200000xf32, #tpu.memory_space<hbm>> -> memref<20000xf32, #tpu.memory_space<hbm>>
    tpu.enqueue_dma source(%dma_start3A_77 : memref<20000xf32, #tpu.memory_space<hbm>>) target(%arg8 : memref<20000xf32, #tpu.memory_space<vmem>>) target_semaphore(%dma_start3A_76 : memref<!tpu.dma_semaphore, #tpu.memory_space<semaphore_mem>>)
    %dma_wait3A_78 = arith.constant 1 : i32
    %dma_wait3A_79 = tpu.memref_slice %arg2[%add3A_25] : memref<3200000xf32, #tpu.memory_space<hbm>> -> memref<20000xf32, #tpu.memory_space<hbm>>
    %dma_wait3A_80 = tpu.memref_slice %arg18[%dma_wait3A_78] : memref<2x!tpu.dma_semaphore, #tpu.memory_space<semaphore_mem>> -> memref<1x!tpu.dma_semaphore, #tpu.memory_space<semaphore_mem>>
    %dma_wait3A_81 = tpu.memref_squeeze %dma_wait3A_80 : memref<1x!tpu.dma_semaphore, #tpu.memory_space<semaphore_mem>> -> memref<!tpu.dma_semaphore, #tpu.memory_space<semaphore_mem>>
    %dma_wait3A_82 = tpu.memref_slice %arg2[%add3A_25] : memref<3200000xf32, #tpu.memory_space<hbm>> -> memref<20000xf32, #tpu.memory_space<hbm>>
    tpu.wait_dma2 semaphore(%dma_wait3A_81 : memref<!tpu.dma_semaphore, #tpu.memory_space<semaphore_mem>>) src(%dma_wait3A_82 : memref<20000xf32, #tpu.memory_space<hbm>>) dst(%arg9 : memref<20000xf32, #tpu.memory_space<vmem>>)
    %add3A_83 = arith.constant 20000 : i32
    %add3A_84 = arith.addi %mul3A_2, %add3A_83 : i32
    %scan3A_85 = arith.constant 0 : i32
    %scan3A_86 = arith.constant 1024 : i32
    %scan3A_87 = arith.constant 0 : i32
    %scan3A_88 = arith.constant 11 : i32
    %scan3A_89 = arith.addi %scan3A_87, %scan3A_88 : i32
    %scan3A_90 = arith.constant 1 : i32
    %scan3A_91:2 = scf.for %scan3A_289 = %scan3A_87 to %scan3A_89 step %scan3A_90 iter_args(%scan3A_290 = %scan3A_85, %scan3A_291 = %scan3A_86) -> (i32, i32)  : i32 {
      %add3A_292 = arith.addi %scan3A_290, %scan3A_291 : i32
      %jit3A = arith.constant 2 : i32
      %div3A = arith.divsi %add3A_292, %jit3A : i32
      %sign3A = arith.constant 0 : i32
      %sign3A_293 = arith.cmpi sgt, %add3A_292, %sign3A : i32
      %sign3A_294 = arith.extui %sign3A_293 : i1 to i32
      %sign3A_295 = arith.constant 0 : i32
      %sign3A_296 = arith.cmpi slt, %add3A_292, %sign3A_295 : i32
      %sign3A_297 = arith.extui %sign3A_296 : i1 to i32
      %sign3A_298 = arith.subi %sign3A_294, %sign3A_297 : i32
      %sign3A_299 = arith.constant 0 : i32
      %sign3A_300 = arith.cmpi sgt, %jit3A, %sign3A_299 : i32
      %sign3A_301 = arith.extui %sign3A_300 : i1 to i32
      %sign3A_302 = arith.constant 0 : i32
      %sign3A_303 = arith.cmpi slt, %jit3A, %sign3A_302 : i32
      %sign3A_304 = arith.extui %sign3A_303 : i1 to i32
      %sign3A_305 = arith.subi %sign3A_301, %sign3A_304 : i32
      %ne3A = arith.cmpi ne, %sign3A_298, %sign3A_305 : i32
      %rem3A = arith.remsi %add3A_292, %jit3A : i32
      %ne3A_306 = arith.constant 0 : i32
      %ne3A_307 = arith.cmpi ne, %rem3A, %ne3A_306 : i32
      %and3A = arith.andi %ne3A, %ne3A_307 : i1
      %sub3A_308 = arith.constant 1 : i32
      %sub3A_309 = arith.subi %div3A, %sub3A_308 : i32
      %select_n3A = arith.select %and3A, %sub3A_309, %div3A : i32
      %get3A = arith.index_cast %select_n3A : i32 to index
      %get3A_310 = tpu.vector_load %arg17[%get3A] {strides = array<i32>} : memref<1040xi32, #tpu.memory_space<vmem>>, vector<16xi32>,
      %slice3A = vector.extract_strided_slice %get3A_310 {offsets = [0], sizes = [1], strides = [1]} : vector<16xi32> to vector<1xi32>
      %squeeze3A = vector.extract %slice3A[0] : i32 from vector<1xi32>
      %le3A = arith.cmpi sle, %squeeze3A, %add3A_84 : i32
      %gt3A = arith.cmpi sgt, %scan3A_291, %scan3A_290 : i32
      %and3A_311 = arith.andi %gt3A, %le3A : i1
      %add3A_312 = arith.constant 1 : i32
      %add3A_313 = arith.addi %select_n3A, %add3A_312 : i32
      %select_n3A_314 = arith.select %and3A_311, %add3A_313, %scan3A_290 : i32
      %not3A = arith.constant true
      %not3A_315 = arith.xori %le3A, %not3A : i1
      %and3A_316 = arith.andi %gt3A, %not3A_315 : i1
      %select_n3A_317 = arith.select %and3A_316, %select_n3A, %scan3A_291 : i32
      scf.yield %select_n3A_314, %select_n3A_317 : i32, i32
    }
    %scan3A_92 = arith.constant 11 : i32
    %sub3A_93 = arith.constant 1 : i32
    %sub3A_94 = arith.subi %scan3A_91#0, %sub3A_93 : i32
    %add3A_95 = arith.constant 20000 : i32
    %add3A_96 = arith.addi %add3A_84, %add3A_95 : i32
    %scan3A_97 = arith.constant 0 : i32
    %scan3A_98 = arith.constant 1024 : i32
    %scan3A_99 = arith.constant 0 : i32
    %scan3A_100 = arith.constant 11 : i32
    %scan3A_101 = arith.addi %scan3A_99, %scan3A_100 : i32
    %scan3A_102 = arith.constant 1 : i32
    %scan3A_103:2 = scf.for %scan3A_289 = %scan3A_99 to %scan3A_101 step %scan3A_102 iter_args(%scan3A_290 = %scan3A_97, %scan3A_291 = %scan3A_98) -> (i32, i32)  : i32 {
      %add3A_292 = arith.addi %scan3A_290, %scan3A_291 : i32
      %jit3A = arith.constant 2 : i32
      %div3A = arith.divsi %add3A_292, %jit3A : i32
      %sign3A = arith.constant 0 : i32
      %sign3A_293 = arith.cmpi sgt, %add3A_292, %sign3A : i32
      %sign3A_294 = arith.extui %sign3A_293 : i1 to i32
      %sign3A_295 = arith.constant 0 : i32
      %sign3A_296 = arith.cmpi slt, %add3A_292, %sign3A_295 : i32
      %sign3A_297 = arith.extui %sign3A_296 : i1 to i32
      %sign3A_298 = arith.subi %sign3A_294, %sign3A_297 : i32
      %sign3A_299 = arith.constant 0 : i32
      %sign3A_300 = arith.cmpi sgt, %jit3A, %sign3A_299 : i32
      %sign3A_301 = arith.extui %sign3A_300 : i1 to i32
      %sign3A_302 = arith.constant 0 : i32
      %sign3A_303 = arith.cmpi slt, %jit3A, %sign3A_302 : i32
      %sign3A_304 = arith.extui %sign3A_303 : i1 to i32
      %sign3A_305 = arith.subi %sign3A_301, %sign3A_304 : i32
      %ne3A = arith.cmpi ne, %sign3A_298, %sign3A_305 : i32
      %rem3A = arith.remsi %add3A_292, %jit3A : i32
      %ne3A_306 = arith.constant 0 : i32
      %ne3A_307 = arith.cmpi ne, %rem3A, %ne3A_306 : i32
      %and3A = arith.andi %ne3A, %ne3A_307 : i1
      %sub3A_308 = arith.constant 1 : i32
      %sub3A_309 = arith.subi %div3A, %sub3A_308 : i32
      %select_n3A = arith.select %and3A, %sub3A_309, %div3A : i32
      %get3A = arith.index_cast %select_n3A : i32 to index
      %get3A_310 = tpu.vector_load %arg17[%get3A] {strides = array<i32>} : memref<1040xi32, #tpu.memory_space<vmem>>, vector<16xi32>,
      %slice3A = vector.extract_strided_slice %get3A_310 {offsets = [0], sizes = [1], strides = [1]} : vector<16xi32> to vector<1xi32>
      %squeeze3A = vector.extract %slice3A[0] : i32 from vector<1xi32>
      %lt3A = arith.cmpi slt, %squeeze3A, %add3A_96 : i32
      %gt3A = arith.cmpi sgt, %scan3A_291, %scan3A_290 : i32
      %and3A_311 = arith.andi %gt3A, %lt3A : i1
      %add3A_312 = arith.constant 1 : i32
      %add3A_313 = arith.addi %select_n3A, %add3A_312 : i32
      %select_n3A_314 = arith.select %and3A_311, %add3A_313, %scan3A_290 : i32
      %not3A = arith.constant true
      %not3A_315 = arith.xori %lt3A, %not3A : i1
      %and3A_316 = arith.andi %gt3A, %not3A_315 : i1
      %select_n3A_317 = arith.select %and3A_316, %select_n3A, %scan3A_291 : i32
      scf.yield %select_n3A_314, %select_n3A_317 : i32, i32
    }
    %scan3A_104 = arith.constant 11 : i32
    %while3A_105 = arith.constant 0 : i32
    %while3A_106 = arith.subi %scan3A_103#0, %sub3A_94 : i32
    %while3A_107 = arith.addi %sub3A_94, %while3A_106 : i32
    %while3A_108 = arith.constant 1 : i32
    %while3A_109 = arith.divsi %while3A_106, %while3A_108 : i32
    %while3A_110 = arith.muli %while3A_109, %while3A_108 : i32
    %while3A_111 = arith.addi %sub3A_94, %while3A_110 : i32
    %while3A_112 = arith.constant 1 : i32
    %while3A_113 = scf.for %while3A_289 = %sub3A_94 to %while3A_111 step %while3A_112 iter_args(%while3A_290 = %while3A_105) -> (i32)  : i32 {
      %get3A = arith.index_cast %while3A_289 : i32 to index
      %get3A_291 = tpu.vector_load %arg17[%get3A] {strides = array<i32>} : memref<1040xi32, #tpu.memory_space<vmem>>, vector<16xi32>,
      %slice3A = vector.extract_strided_slice %get3A_291 {offsets = [0], sizes = [1], strides = [1]} : vector<16xi32> to vector<1xi32>
      %squeeze3A = vector.extract %slice3A[0] : i32 from vector<1xi32>
      %max3A = arith.maxsi %squeeze3A, %add3A_84 : i32
      %sub3A_292 = arith.subi %max3A, %add3A_84 : i32
      %add3A_293 = arith.constant 1 : i32
      %add3A_294 = arith.addi %while3A_289, %add3A_293 : i32
      %get3A_295 = arith.index_cast %add3A_294 : i32 to index
      %get3A_296 = tpu.vector_load %arg17[%get3A_295] {strides = array<i32>} : memref<1040xi32, #tpu.memory_space<vmem>>, vector<16xi32>,
      %slice3A_297 = vector.extract_strided_slice %get3A_296 {offsets = [0], sizes = [1], strides = [1]} : vector<16xi32> to vector<1xi32>
      %squeeze3A_298 = vector.extract %slice3A_297[0] : i32 from vector<1xi32>
      %add3A_299 = arith.constant 20000 : i32
      %add3A_300 = arith.addi %add3A_84, %add3A_299 : i32
      %min3A = arith.minsi %squeeze3A_298, %add3A_300 : i32
      %sub3A_301 = arith.subi %min3A, %add3A_84 : i32
      %get3A_302 = arith.index_cast %while3A_289 : i32 to index
      %get3A_303 = tpu.vector_load %arg13[%get3A_302] {strides = array<i32>} : memref<1040xf32, #tpu.memory_space<vmem>>, vector<16xf32>,
      %slice3A_304 = vector.extract_strided_slice %get3A_303 {offsets = [0], sizes = [1], strides = [1]} : vector<16xf32> to vector<1xf32>
      %squeeze3A_305 = vector.extract %slice3A_304[0] : f32 from vector<1xf32>
      %broadcast_in_dim3A_306 = vector.broadcast %squeeze3A_305 : f32 to vector<16xf32>
      %gt3A = arith.cmpi sgt, %sub3A_301, %sub3A_292 : i32
      %convert_element_type3A_307 = arith.extui %gt3A : i1 to i32
      %cond3A_308 = arith.constant 0 : i32
      %cond3A_309 = arith.cmpi ne, %convert_element_type3A_307, %cond3A_308 : i32
      scf.if %cond3A_309 {
        %jit3A = arith.constant 16 : i32
        %div3A = arith.divsi %sub3A_292, %jit3A : i32
        %sign3A = arith.constant 0 : i32
        %sign3A_311 = arith.cmpi sgt, %sub3A_292, %sign3A : i32
        %sign3A_312 = arith.extui %sign3A_311 : i1 to i32
        %sign3A_313 = arith.constant 0 : i32
        %sign3A_314 = arith.cmpi slt, %sub3A_292, %sign3A_313 : i32
        %sign3A_315 = arith.extui %sign3A_314 : i1 to i32
        %sign3A_316 = arith.subi %sign3A_312, %sign3A_315 : i32
        %sign3A_317 = arith.constant 0 : i32
        %sign3A_318 = arith.cmpi sgt, %jit3A, %sign3A_317 : i32
        %sign3A_319 = arith.extui %sign3A_318 : i1 to i32
        %sign3A_320 = arith.constant 0 : i32
        %sign3A_321 = arith.cmpi slt, %jit3A, %sign3A_320 : i32
        %sign3A_322 = arith.extui %sign3A_321 : i1 to i32
        %sign3A_323 = arith.subi %sign3A_319, %sign3A_322 : i32
        %ne3A = arith.cmpi ne, %sign3A_316, %sign3A_323 : i32
        %rem3A = arith.remsi %sub3A_292, %jit3A : i32
        %ne3A_324 = arith.constant 0 : i32
        %ne3A_325 = arith.cmpi ne, %rem3A, %ne3A_324 : i32
        %and3A = arith.andi %ne3A, %ne3A_325 : i1
        %sub3A_326 = arith.constant 1 : i32
        %sub3A_327 = arith.subi %div3A, %sub3A_326 : i32
        %select_n3A = arith.select %and3A, %sub3A_327, %div3A : i32
        %sub3A_328 = arith.constant 1 : i32
        %sub3A_329 = arith.subi %sub3A_301, %sub3A_328 : i32
        %jit3A_330 = arith.constant 16 : i32
        %div3A_331 = arith.divsi %sub3A_329, %jit3A_330 : i32
        %sign3A_332 = arith.constant 0 : i32
        %sign3A_333 = arith.cmpi sgt, %sub3A_329, %sign3A_332 : i32
        %sign3A_334 = arith.extui %sign3A_333 : i1 to i32
        %sign3A_335 = arith.constant 0 : i32
        %sign3A_336 = arith.cmpi slt, %sub3A_329, %sign3A_335 : i32
        %sign3A_337 = arith.extui %sign3A_336 : i1 to i32
        %sign3A_338 = arith.subi %sign3A_334, %sign3A_337 : i32
        %sign3A_339 = arith.constant 0 : i32
        %sign3A_340 = arith.cmpi sgt, %jit3A_330, %sign3A_339 : i32
        %sign3A_341 = arith.extui %sign3A_340 : i1 to i32
        %sign3A_342 = arith.constant 0 : i32
        %sign3A_343 = arith.cmpi slt, %jit3A_330, %sign3A_342 : i32
        %sign3A_344 = arith.extui %sign3A_343 : i1 to i32
        %sign3A_345 = arith.subi %sign3A_341, %sign3A_344 : i32
        %ne3A_346 = arith.cmpi ne, %sign3A_338, %sign3A_345 : i32
        %rem3A_347 = arith.remsi %sub3A_329, %jit3A_330 : i32
        %ne3A_348 = arith.constant 0 : i32
        %ne3A_349 = arith.cmpi ne, %rem3A_347, %ne3A_348 : i32
        %and3A_350 = arith.andi %ne3A_346, %ne3A_349 : i1
        %sub3A_351 = arith.constant 1 : i32
        %sub3A_352 = arith.subi %div3A_331, %sub3A_351 : i32
        %select_n3A_353 = arith.select %and3A_350, %sub3A_352, %div3A_331 : i32
        %mul3A_354 = arith.constant 16 : i32
        %mul3A_355 = arith.muli %select_n3A, %mul3A_354 : i32
        %sub3A_356 = arith.subi %sub3A_292, %mul3A_355 : i32
        %ge3A = vector.broadcast %sub3A_356 : i32 to vector<16xi32>
        %ge3A_357 = arith.cmpi sge, %iota3A, %ge3A : vector<16xi32>
        %mul3A_358 = arith.constant 16 : i32
        %mul3A_359 = arith.muli %select_n3A, %mul3A_358 : i32
        %sub3A_360 = arith.subi %sub3A_301, %mul3A_359 : i32
        %lt3A = vector.broadcast %sub3A_360 : i32 to vector<16xi32>
        %lt3A_361 = arith.cmpi slt, %iota3A, %lt3A : vector<16xi32>
        %and3A_362 = arith.andi %ge3A_357, %lt3A_361 : vector<16xi1>
        %mul3A_363 = arith.constant 16 : i32
        %mul3A_364 = arith.muli %select_n3A, %mul3A_363 : i32
        %mul3A_365 = arith.constant 16 : i32
        %mul3A_366 = arith.muli %select_n3A, %mul3A_365 : i32
        %eq3A_367 = arith.cmpi eq, %sub3A_292, %mul3A_366 : i32
        %get3A_368 = arith.index_cast %mul3A_364 : i32 to index
        %get3A_369 = tpu.vector_load %arg9[%get3A_368] {strides = array<i32>} : memref<20000xf32, #tpu.memory_space<vmem>>, vector<16xf32>,
        %get3A_370 = arith.index_cast %mul3A_364 : i32 to index
        %get3A_371 = tpu.vector_load %arg11[%get3A_370] {strides = array<i32>} : memref<20000xf32, #tpu.memory_space<vmem>>, vector<16xf32>,
        %select_n3A_372 = arith.select %eq3A_367, %get3A_369, %get3A_371 : vector<16xf32>
        %jit3A_373 = arith.constant 0.000000e+00 : f32
        %broadcast_in_dim3A_374 = vector.broadcast %jit3A_373 : f32 to vector<16xf32>
        %select_n3A_375 = arith.select %and3A_362, %broadcast_in_dim3A_306, %broadcast_in_dim3A_374 : vector<16xi1>, vector<16xf32>
        %add3A_376 = arith.addf %select_n3A_372, %select_n3A_375 : vector<16xf32>
        %swap3A_377 = arith.index_cast %mul3A_364 : i32 to index
        %swap3A_378 = tpu.vector_load %arg11[%swap3A_377] {strides = array<i32>} : memref<20000xf32, #tpu.memory_space<vmem>>, vector<16xf32>,
        tpu.vector_store %arg11[%swap3A_377], %add3A_376 {strides = array<i32>} : memref<20000xf32, #tpu.memory_space<vmem>>, vector<16xf32>,
        %gt3A_379 = arith.cmpi sgt, %select_n3A_353, %select_n3A : i32
        %convert_element_type3A_380 = arith.extui %gt3A_379 : i1 to i32
        %cond3A_381 = arith.constant 0 : i32
        %cond3A_382 = arith.cmpi ne, %convert_element_type3A_380, %cond3A_381 : i32
        scf.if %cond3A_382 {
          %mul3A_386 = arith.constant 16 : i32
          %mul3A_387 = arith.muli %select_n3A_353, %mul3A_386 : i32
          %mul3A_388 = arith.constant 16 : i32
          %mul3A_389 = arith.muli %select_n3A_353, %mul3A_388 : i32
          %sub3A_390 = arith.subi %sub3A_301, %mul3A_389 : i32
          %lt3A_391 = vector.broadcast %sub3A_390 : i32 to vector<16xi32>
          %lt3A_392 = arith.cmpi slt, %iota3A, %lt3A_391 : vector<16xi32>
          %get3A_393 = arith.index_cast %mul3A_387 : i32 to index
          %get3A_394 = tpu.vector_load %arg9[%get3A_393] {strides = array<i32>} : memref<20000xf32, #tpu.memory_space<vmem>>, vector<16xf32>,
          %jit3A_395 = arith.constant 0.000000e+00 : f32
          %broadcast_in_dim3A_396 = vector.broadcast %jit3A_395 : f32 to vector<16xf32>
          %select_n3A_397 = arith.select %lt3A_392, %broadcast_in_dim3A_306, %broadcast_in_dim3A_396 : vector<16xi1>, vector<16xf32>
          %add3A_398 = arith.addf %get3A_394, %select_n3A_397 : vector<16xf32>
          %swap3A_399 = arith.index_cast %mul3A_387 : i32 to index
          %swap3A_400 = tpu.vector_load %arg11[%swap3A_399] {strides = array<i32>} : memref<20000xf32, #tpu.memory_space<vmem>>, vector<16xf32>,
          tpu.vector_store %arg11[%swap3A_399], %add3A_398 {strides = array<i32>} : memref<20000xf32, #tpu.memory_space<vmem>>, vector<16xf32>,
        } else {
        }
        %add3A_383 = arith.constant 1 : i32
        %add3A_384 = arith.addi %select_n3A, %add3A_383 : i32
        %parallel_loop3A_385 = arith.constant 1 : i32
        scf.for %parallel_loop3A_386 = %add3A_384 to %select_n3A_353 step %parallel_loop3A_385  : i32 {
          %parallel_loop3A_387 = arith.constant 16 : i32
          %parallel_loop3A_388 = arith.muli %parallel_loop3A_386, %parallel_loop3A_387 : i32
          %parallel_loop3A_389 = arith.index_cast %parallel_loop3A_388 : i32 to index
          %parallel_loop3A_390 = tpu.vector_load %arg9[%parallel_loop3A_389] {strides = array<i32>} : memref<20000xf32, #tpu.memory_space<vmem>>, vector<16xf32>,
          %parallel_loop3A_391 = arith.addf %parallel_loop3A_390, %broadcast_in_dim3A_306 : vector<16xf32>
          %parallel_loop3A_392 = arith.index_cast %parallel_loop3A_388 : i32 to index
          %parallel_loop3A_393 = tpu.vector_load %arg11[%parallel_loop3A_392] {strides = array<i32>} : memref<20000xf32, #tpu.memory_space<vmem>>, vector<16xf32>,
          tpu.vector_store %arg11[%parallel_loop3A_392], %parallel_loop3A_391 {strides = array<i32>} : memref<20000xf32, #tpu.memory_space<vmem>>, vector<16xf32>,
        } {sc.loop_unroll_factor = 4 : i64, sc.parallel_access}
      } else {
      }
      %while3A_310 = arith.constant 0 : i32
      scf.yield %while3A_310 : i32
    }
    %while3A_114 = arith.constant 1 : i32
    %while3A_115 = scf.for %while3A_289 = %while3A_111 to %while3A_107 step %while3A_114 iter_args(%while3A_290 = %while3A_113) -> (i32)  : i32 {
      %get3A = arith.index_cast %while3A_289 : i32 to index
      %get3A_291 = tpu.vector_load %arg17[%get3A] {strides = array<i32>} : memref<1040xi32, #tpu.memory_space<vmem>>, vector<16xi32>,
      %slice3A = vector.extract_strided_slice %get3A_291 {offsets = [0], sizes = [1], strides = [1]} : vector<16xi32> to vector<1xi32>
      %squeeze3A = vector.extract %slice3A[0] : i32 from vector<1xi32>
      %max3A = arith.maxsi %squeeze3A, %add3A_84 : i32
      %sub3A_292 = arith.subi %max3A, %add3A_84 : i32
      %add3A_293 = arith.constant 1 : i32
      %add3A_294 = arith.addi %while3A_289, %add3A_293 : i32
      %get3A_295 = arith.index_cast %add3A_294 : i32 to index
      %get3A_296 = tpu.vector_load %arg17[%get3A_295] {strides = array<i32>} : memref<1040xi32, #tpu.memory_space<vmem>>, vector<16xi32>,
      %slice3A_297 = vector.extract_strided_slice %get3A_296 {offsets = [0], sizes = [1], strides = [1]} : vector<16xi32> to vector<1xi32>
      %squeeze3A_298 = vector.extract %slice3A_297[0] : i32 from vector<1xi32>
      %add3A_299 = arith.constant 20000 : i32
      %add3A_300 = arith.addi %add3A_84, %add3A_299 : i32
      %min3A = arith.minsi %squeeze3A_298, %add3A_300 : i32
      %sub3A_301 = arith.subi %min3A, %add3A_84 : i32
      %get3A_302 = arith.index_cast %while3A_289 : i32 to index
      %get3A_303 = tpu.vector_load %arg13[%get3A_302] {strides = array<i32>} : memref<1040xf32, #tpu.memory_space<vmem>>, vector<16xf32>,
      %slice3A_304 = vector.extract_strided_slice %get3A_303 {offsets = [0], sizes = [1], strides = [1]} : vector<16xf32> to vector<1xf32>
      %squeeze3A_305 = vector.extract %slice3A_304[0] : f32 from vector<1xf32>
      %broadcast_in_dim3A_306 = vector.broadcast %squeeze3A_305 : f32 to vector<16xf32>
      %gt3A = arith.cmpi sgt, %sub3A_301, %sub3A_292 : i32
      %convert_element_type3A_307 = arith.extui %gt3A : i1 to i32
      %cond3A_308 = arith.constant 0 : i32
      %cond3A_309 = arith.cmpi ne, %convert_element_type3A_307, %cond3A_308 : i32
      scf.if %cond3A_309 {
        %jit3A = arith.constant 16 : i32
        %div3A = arith.divsi %sub3A_292, %jit3A : i32
        %sign3A = arith.constant 0 : i32
        %sign3A_311 = arith.cmpi sgt, %sub3A_292, %sign3A : i32
        %sign3A_312 = arith.extui %sign3A_311 : i1 to i32
        %sign3A_313 = arith.constant 0 : i32
        %sign3A_314 = arith.cmpi slt, %sub3A_292, %sign3A_313 : i32
        %sign3A_315 = arith.extui %sign3A_314 : i1 to i32
        %sign3A_316 = arith.subi %sign3A_312, %sign3A_315 : i32
        %sign3A_317 = arith.constant 0 : i32
        %sign3A_318 = arith.cmpi sgt, %jit3A, %sign3A_317 : i32
        %sign3A_319 = arith.extui %sign3A_318 : i1 to i32
        %sign3A_320 = arith.constant 0 : i32
        %sign3A_321 = arith.cmpi slt, %jit3A, %sign3A_320 : i32
        %sign3A_322 = arith.extui %sign3A_321 : i1 to i32
        %sign3A_323 = arith.subi %sign3A_319, %sign3A_322 : i32
        %ne3A = arith.cmpi ne, %sign3A_316, %sign3A_323 : i32
        %rem3A = arith.remsi %sub3A_292, %jit3A : i32
        %ne3A_324 = arith.constant 0 : i32
        %ne3A_325 = arith.cmpi ne, %rem3A, %ne3A_324 : i32
        %and3A = arith.andi %ne3A, %ne3A_325 : i1
        %sub3A_326 = arith.constant 1 : i32
        %sub3A_327 = arith.subi %div3A, %sub3A_326 : i32
        %select_n3A = arith.select %and3A, %sub3A_327, %div3A : i32
        %sub3A_328 = arith.constant 1 : i32
        %sub3A_329 = arith.subi %sub3A_301, %sub3A_328 : i32
        %jit3A_330 = arith.constant 16 : i32
        %div3A_331 = arith.divsi %sub3A_329, %jit3A_330 : i32
        %sign3A_332 = arith.constant 0 : i32
        %sign3A_333 = arith.cmpi sgt, %sub3A_329, %sign3A_332 : i32
        %sign3A_334 = arith.extui %sign3A_333 : i1 to i32
        %sign3A_335 = arith.constant 0 : i32
        %sign3A_336 = arith.cmpi slt, %sub3A_329, %sign3A_335 : i32
        %sign3A_337 = arith.extui %sign3A_336 : i1 to i32
        %sign3A_338 = arith.subi %sign3A_334, %sign3A_337 : i32
        %sign3A_339 = arith.constant 0 : i32
        %sign3A_340 = arith.cmpi sgt, %jit3A_330, %sign3A_339 : i32
        %sign3A_341 = arith.extui %sign3A_340 : i1 to i32
        %sign3A_342 = arith.constant 0 : i32
        %sign3A_343 = arith.cmpi slt, %jit3A_330, %sign3A_342 : i32
        %sign3A_344 = arith.extui %sign3A_343 : i1 to i32
        %sign3A_345 = arith.subi %sign3A_341, %sign3A_344 : i32
        %ne3A_346 = arith.cmpi ne, %sign3A_338, %sign3A_345 : i32
        %rem3A_347 = arith.remsi %sub3A_329, %jit3A_330 : i32
        %ne3A_348 = arith.constant 0 : i32
        %ne3A_349 = arith.cmpi ne, %rem3A_347, %ne3A_348 : i32
        %and3A_350 = arith.andi %ne3A_346, %ne3A_349 : i1
        %sub3A_351 = arith.constant 1 : i32
        %sub3A_352 = arith.subi %div3A_331, %sub3A_351 : i32
        %select_n3A_353 = arith.select %and3A_350, %sub3A_352, %div3A_331 : i32
        %mul3A_354 = arith.constant 16 : i32
        %mul3A_355 = arith.muli %select_n3A, %mul3A_354 : i32
        %sub3A_356 = arith.subi %sub3A_292, %mul3A_355 : i32
        %ge3A = vector.broadcast %sub3A_356 : i32 to vector<16xi32>
        %ge3A_357 = arith.cmpi sge, %iota3A, %ge3A : vector<16xi32>
        %mul3A_358 = arith.constant 16 : i32
        %mul3A_359 = arith.muli %select_n3A, %mul3A_358 : i32
        %sub3A_360 = arith.subi %sub3A_301, %mul3A_359 : i32
        %lt3A = vector.broadcast %sub3A_360 : i32 to vector<16xi32>
        %lt3A_361 = arith.cmpi slt, %iota3A, %lt3A : vector<16xi32>
        %and3A_362 = arith.andi %ge3A_357, %lt3A_361 : vector<16xi1>
        %mul3A_363 = arith.constant 16 : i32
        %mul3A_364 = arith.muli %select_n3A, %mul3A_363 : i32
        %mul3A_365 = arith.constant 16 : i32
        %mul3A_366 = arith.muli %select_n3A, %mul3A_365 : i32
        %eq3A_367 = arith.cmpi eq, %sub3A_292, %mul3A_366 : i32
        %get3A_368 = arith.index_cast %mul3A_364 : i32 to index
        %get3A_369 = tpu.vector_load %arg9[%get3A_368] {strides = array<i32>} : memref<20000xf32, #tpu.memory_space<vmem>>, vector<16xf32>,
        %get3A_370 = arith.index_cast %mul3A_364 : i32 to index
        %get3A_371 = tpu.vector_load %arg11[%get3A_370] {strides = array<i32>} : memref<20000xf32, #tpu.memory_space<vmem>>, vector<16xf32>,
        %select_n3A_372 = arith.select %eq3A_367, %get3A_369, %get3A_371 : vector<16xf32>
        %jit3A_373 = arith.constant 0.000000e+00 : f32
        %broadcast_in_dim3A_374 = vector.broadcast %jit3A_373 : f32 to vector<16xf32>
        %select_n3A_375 = arith.select %and3A_362, %broadcast_in_dim3A_306, %broadcast_in_dim3A_374 : vector<16xi1>, vector<16xf32>
        %add3A_376 = arith.addf %select_n3A_372, %select_n3A_375 : vector<16xf32>
        %swap3A_377 = arith.index_cast %mul3A_364 : i32 to index
        %swap3A_378 = tpu.vector_load %arg11[%swap3A_377] {strides = array<i32>} : memref<20000xf32, #tpu.memory_space<vmem>>, vector<16xf32>,
        tpu.vector_store %arg11[%swap3A_377], %add3A_376 {strides = array<i32>} : memref<20000xf32, #tpu.memory_space<vmem>>, vector<16xf32>,
        %gt3A_379 = arith.cmpi sgt, %select_n3A_353, %select_n3A : i32
        %convert_element_type3A_380 = arith.extui %gt3A_379 : i1 to i32
        %cond3A_381 = arith.constant 0 : i32
        %cond3A_382 = arith.cmpi ne, %convert_element_type3A_380, %cond3A_381 : i32
        scf.if %cond3A_382 {
          %mul3A_386 = arith.constant 16 : i32
          %mul3A_387 = arith.muli %select_n3A_353, %mul3A_386 : i32
          %mul3A_388 = arith.constant 16 : i32
          %mul3A_389 = arith.muli %select_n3A_353, %mul3A_388 : i32
          %sub3A_390 = arith.subi %sub3A_301, %mul3A_389 : i32
          %lt3A_391 = vector.broadcast %sub3A_390 : i32 to vector<16xi32>
          %lt3A_392 = arith.cmpi slt, %iota3A, %lt3A_391 : vector<16xi32>
          %get3A_393 = arith.index_cast %mul3A_387 : i32 to index
          %get3A_394 = tpu.vector_load %arg9[%get3A_393] {strides = array<i32>} : memref<20000xf32, #tpu.memory_space<vmem>>, vector<16xf32>,
          %jit3A_395 = arith.constant 0.000000e+00 : f32
          %broadcast_in_dim3A_396 = vector.broadcast %jit3A_395 : f32 to vector<16xf32>
          %select_n3A_397 = arith.select %lt3A_392, %broadcast_in_dim3A_306, %broadcast_in_dim3A_396 : vector<16xi1>, vector<16xf32>
          %add3A_398 = arith.addf %get3A_394, %select_n3A_397 : vector<16xf32>
          %swap3A_399 = arith.index_cast %mul3A_387 : i32 to index
          %swap3A_400 = tpu.vector_load %arg11[%swap3A_399] {strides = array<i32>} : memref<20000xf32, #tpu.memory_space<vmem>>, vector<16xf32>,
          tpu.vector_store %arg11[%swap3A_399], %add3A_398 {strides = array<i32>} : memref<20000xf32, #tpu.memory_space<vmem>>, vector<16xf32>,
        } else {
        }
        %add3A_383 = arith.constant 1 : i32
        %add3A_384 = arith.addi %select_n3A, %add3A_383 : i32
        %parallel_loop3A_385 = arith.constant 1 : i32
        scf.for %parallel_loop3A_386 = %add3A_384 to %select_n3A_353 step %parallel_loop3A_385  : i32 {
          %parallel_loop3A_387 = arith.constant 16 : i32
          %parallel_loop3A_388 = arith.muli %parallel_loop3A_386, %parallel_loop3A_387 : i32
          %parallel_loop3A_389 = arith.index_cast %parallel_loop3A_388 : i32 to index
          %parallel_loop3A_390 = tpu.vector_load %arg9[%parallel_loop3A_389] {strides = array<i32>} : memref<20000xf32, #tpu.memory_space<vmem>>, vector<16xf32>,
          %parallel_loop3A_391 = arith.addf %parallel_loop3A_390, %broadcast_in_dim3A_306 : vector<16xf32>
          %parallel_loop3A_392 = arith.index_cast %parallel_loop3A_388 : i32 to index
          %parallel_loop3A_393 = tpu.vector_load %arg11[%parallel_loop3A_392] {strides = array<i32>} : memref<20000xf32, #tpu.memory_space<vmem>>, vector<16xf32>,
          tpu.vector_store %arg11[%parallel_loop3A_392], %parallel_loop3A_391 {strides = array<i32>} : memref<20000xf32, #tpu.memory_space<vmem>>, vector<16xf32>,
        } {sc.loop_unroll_factor = 4 : i64, sc.parallel_access}
      } else {
      }
      %while3A_310 = arith.constant 0 : i32
      scf.yield %while3A_310 : i32
    }
    %dma_start3A_116 = arith.constant 1 : i32
    %dma_start3A_117 = tpu.memref_slice %arg6[%add3A_84] : memref<3200000xf32, #tpu.memory_space<hbm>> -> memref<20000xf32, #tpu.memory_space<hbm>>
    %dma_start3A_118 = tpu.memref_slice %arg19[%dma_start3A_116] : memref<2x!tpu.dma_semaphore, #tpu.memory_space<semaphore_mem>> -> memref<1x!tpu.dma_semaphore, #tpu.memory_space<semaphore_mem>>
    %dma_start3A_119 = tpu.memref_squeeze %dma_start3A_118 : memref<1x!tpu.dma_semaphore, #tpu.memory_space<semaphore_mem>> -> memref<!tpu.dma_semaphore, #tpu.memory_space<semaphore_mem>>
    %dma_start3A_120 = tpu.memref_slice %arg6[%add3A_84] : memref<3200000xf32, #tpu.memory_space<hbm>> -> memref<20000xf32, #tpu.memory_space<hbm>>
    tpu.enqueue_dma source(%arg11 : memref<20000xf32, #tpu.memory_space<vmem>>) target(%dma_start3A_120 : memref<20000xf32, #tpu.memory_space<hbm>>) target_semaphore(%dma_start3A_119 : memref<!tpu.dma_semaphore, #tpu.memory_space<semaphore_mem>>)
    %add3A_121 = arith.constant 60000 : i32
    %add3A_122 = arith.addi %mul3A_2, %add3A_121 : i32
    %dma_start3A_123 = arith.constant 1 : i32
    %dma_start3A_124 = tpu.memref_slice %arg2[%add3A_122] : memref<3200000xf32, #tpu.memory_space<hbm>> -> memref<20000xf32, #tpu.memory_space<hbm>>
    %dma_start3A_125 = tpu.memref_slice %arg18[%dma_start3A_123] : memref<2x!tpu.dma_semaphore, #tpu.memory_space<semaphore_mem>> -> memref<1x!tpu.dma_semaphore, #tpu.memory_space<semaphore_mem>>
    %dma_start3A_126 = tpu.memref_squeeze %dma_start3A_125 : memref<1x!tpu.dma_semaphore, #tpu.memory_space<semaphore_mem>> -> memref<!tpu.dma_semaphore, #tpu.memory_space<semaphore_mem>>
    %dma_start3A_127 = tpu.memref_slice %arg2[%add3A_122] : memref<3200000xf32, #tpu.memory_space<hbm>> -> memref<20000xf32, #tpu.memory_space<hbm>>
    tpu.enqueue_dma source(%dma_start3A_127 : memref<20000xf32, #tpu.memory_space<hbm>>) target(%arg9 : memref<20000xf32, #tpu.memory_space<vmem>>) target_semaphore(%dma_start3A_126 : memref<!tpu.dma_semaphore, #tpu.memory_space<semaphore_mem>>)
    %dma_wait3A_128 = arith.constant 0 : i32
    %dma_wait3A_129 = tpu.memref_slice %arg2[%add3A_72] : memref<3200000xf32, #tpu.memory_space<hbm>> -> memref<20000xf32, #tpu.memory_space<hbm>>
    %dma_wait3A_130 = tpu.memref_slice %arg18[%dma_wait3A_128] : memref<2x!tpu.dma_semaphore, #tpu.memory_space<semaphore_mem>> -> memref<1x!tpu.dma_semaphore, #tpu.memory_space<semaphore_mem>>
    %dma_wait3A_131 = tpu.memref_squeeze %dma_wait3A_130 : memref<1x!tpu.dma_semaphore, #tpu.memory_space<semaphore_mem>> -> memref<!tpu.dma_semaphore, #tpu.memory_space<semaphore_mem>>
    %dma_wait3A_132 = tpu.memref_slice %arg2[%add3A_72] : memref<3200000xf32, #tpu.memory_space<hbm>> -> memref<20000xf32, #tpu.memory_space<hbm>>
    tpu.wait_dma2 semaphore(%dma_wait3A_131 : memref<!tpu.dma_semaphore, #tpu.memory_space<semaphore_mem>>) src(%dma_wait3A_132 : memref<20000xf32, #tpu.memory_space<hbm>>) dst(%arg8 : memref<20000xf32, #tpu.memory_space<vmem>>)
    %dma_wait3A_133 = arith.constant 0 : i32
    %dma_wait3A_134 = tpu.memref_slice %arg6[%add3A_36] : memref<3200000xf32, #tpu.memory_space<hbm>> -> memref<20000xf32, #tpu.memory_space<hbm>>
    %dma_wait3A_135 = tpu.memref_slice %arg19[%dma_wait3A_133] : memref<2x!tpu.dma_semaphore, #tpu.memory_space<semaphore_mem>> -> memref<1x!tpu.dma_semaphore, #tpu.memory_space<semaphore_mem>>
    %dma_wait3A_136 = tpu.memref_squeeze %dma_wait3A_135 : memref<1x!tpu.dma_semaphore, #tpu.memory_space<semaphore_mem>> -> memref<!tpu.dma_semaphore, #tpu.memory_space<semaphore_mem>>
    %dma_wait3A_137 = tpu.memref_slice %arg6[%add3A_36] : memref<3200000xf32, #tpu.memory_space<hbm>> -> memref<20000xf32, #tpu.memory_space<hbm>>
    tpu.wait_dma2 semaphore(%dma_wait3A_136 : memref<!tpu.dma_semaphore, #tpu.memory_space<semaphore_mem>>) src(%arg10 : memref<20000xf32, #tpu.memory_space<vmem>>) dst(%dma_wait3A_137 : memref<20000xf32, #tpu.memory_space<hbm>>)
    %add3A_138 = arith.constant 40000 : i32
    %add3A_139 = arith.addi %mul3A_2, %add3A_138 : i32
    %scan3A_140 = arith.constant 0 : i32
    %scan3A_141 = arith.constant 1024 : i32
    %scan3A_142 = arith.constant 0 : i32
    %scan3A_143 = arith.constant 11 : i32
    %scan3A_144 = arith.addi %scan3A_142, %scan3A_143 : i32
    %scan3A_145 = arith.constant 1 : i32
    %scan3A_146:2 = scf.for %scan3A_289 = %scan3A_142 to %scan3A_144 step %scan3A_145 iter_args(%scan3A_290 = %scan3A_140, %scan3A_291 = %scan3A_141) -> (i32, i32)  : i32 {
      %add3A_292 = arith.addi %scan3A_290, %scan3A_291 : i32
      %jit3A = arith.constant 2 : i32
      %div3A = arith.divsi %add3A_292, %jit3A : i32
      %sign3A = arith.constant 0 : i32
      %sign3A_293 = arith.cmpi sgt, %add3A_292, %sign3A : i32
      %sign3A_294 = arith.extui %sign3A_293 : i1 to i32
      %sign3A_295 = arith.constant 0 : i32
      %sign3A_296 = arith.cmpi slt, %add3A_292, %sign3A_295 : i32
      %sign3A_297 = arith.extui %sign3A_296 : i1 to i32
      %sign3A_298 = arith.subi %sign3A_294, %sign3A_297 : i32
      %sign3A_299 = arith.constant 0 : i32
      %sign3A_300 = arith.cmpi sgt, %jit3A, %sign3A_299 : i32
      %sign3A_301 = arith.extui %sign3A_300 : i1 to i32
      %sign3A_302 = arith.constant 0 : i32
      %sign3A_303 = arith.cmpi slt, %jit3A, %sign3A_302 : i32
      %sign3A_304 = arith.extui %sign3A_303 : i1 to i32
      %sign3A_305 = arith.subi %sign3A_301, %sign3A_304 : i32
      %ne3A = arith.cmpi ne, %sign3A_298, %sign3A_305 : i32
      %rem3A = arith.remsi %add3A_292, %jit3A : i32
      %ne3A_306 = arith.constant 0 : i32
      %ne3A_307 = arith.cmpi ne, %rem3A, %ne3A_306 : i32
      %and3A = arith.andi %ne3A, %ne3A_307 : i1
      %sub3A_308 = arith.constant 1 : i32
      %sub3A_309 = arith.subi %div3A, %sub3A_308 : i32
      %select_n3A = arith.select %and3A, %sub3A_309, %div3A : i32
      %get3A = arith.index_cast %select_n3A : i32 to index
      %get3A_310 = tpu.vector_load %arg17[%get3A] {strides = array<i32>} : memref<1040xi32, #tpu.memory_space<vmem>>, vector<16xi32>,
      %slice3A = vector.extract_strided_slice %get3A_310 {offsets = [0], sizes = [1], strides = [1]} : vector<16xi32> to vector<1xi32>
      %squeeze3A = vector.extract %slice3A[0] : i32 from vector<1xi32>
      %le3A = arith.cmpi sle, %squeeze3A, %add3A_139 : i32
      %gt3A = arith.cmpi sgt, %scan3A_291, %scan3A_290 : i32
      %and3A_311 = arith.andi %gt3A, %le3A : i1
      %add3A_312 = arith.constant 1 : i32
      %add3A_313 = arith.addi %select_n3A, %add3A_312 : i32
      %select_n3A_314 = arith.select %and3A_311, %add3A_313, %scan3A_290 : i32
      %not3A = arith.constant true
      %not3A_315 = arith.xori %le3A, %not3A : i1
      %and3A_316 = arith.andi %gt3A, %not3A_315 : i1
      %select_n3A_317 = arith.select %and3A_316, %select_n3A, %scan3A_291 : i32
      scf.yield %select_n3A_314, %select_n3A_317 : i32, i32
    }
    %scan3A_147 = arith.constant 11 : i32
    %sub3A_148 = arith.constant 1 : i32
    %sub3A_149 = arith.subi %scan3A_146#0, %sub3A_148 : i32
    %add3A_150 = arith.constant 20000 : i32
    %add3A_151 = arith.addi %add3A_139, %add3A_150 : i32
    %scan3A_152 = arith.constant 0 : i32
    %scan3A_153 = arith.constant 1024 : i32
    %scan3A_154 = arith.constant 0 : i32
    %scan3A_155 = arith.constant 11 : i32
    %scan3A_156 = arith.addi %scan3A_154, %scan3A_155 : i32
    %scan3A_157 = arith.constant 1 : i32
    %scan3A_158:2 = scf.for %scan3A_289 = %scan3A_154 to %scan3A_156 step %scan3A_157 iter_args(%scan3A_290 = %scan3A_152, %scan3A_291 = %scan3A_153) -> (i32, i32)  : i32 {
      %add3A_292 = arith.addi %scan3A_290, %scan3A_291 : i32
      %jit3A = arith.constant 2 : i32
      %div3A = arith.divsi %add3A_292, %jit3A : i32
      %sign3A = arith.constant 0 : i32
      %sign3A_293 = arith.cmpi sgt, %add3A_292, %sign3A : i32
      %sign3A_294 = arith.extui %sign3A_293 : i1 to i32
      %sign3A_295 = arith.constant 0 : i32
      %sign3A_296 = arith.cmpi slt, %add3A_292, %sign3A_295 : i32
      %sign3A_297 = arith.extui %sign3A_296 : i1 to i32
      %sign3A_298 = arith.subi %sign3A_294, %sign3A_297 : i32
      %sign3A_299 = arith.constant 0 : i32
      %sign3A_300 = arith.cmpi sgt, %jit3A, %sign3A_299 : i32
      %sign3A_301 = arith.extui %sign3A_300 : i1 to i32
      %sign3A_302 = arith.constant 0 : i32
      %sign3A_303 = arith.cmpi slt, %jit3A, %sign3A_302 : i32
      %sign3A_304 = arith.extui %sign3A_303 : i1 to i32
      %sign3A_305 = arith.subi %sign3A_301, %sign3A_304 : i32
      %ne3A = arith.cmpi ne, %sign3A_298, %sign3A_305 : i32
      %rem3A = arith.remsi %add3A_292, %jit3A : i32
      %ne3A_306 = arith.constant 0 : i32
      %ne3A_307 = arith.cmpi ne, %rem3A, %ne3A_306 : i32
      %and3A = arith.andi %ne3A, %ne3A_307 : i1
      %sub3A_308 = arith.constant 1 : i32
      %sub3A_309 = arith.subi %div3A, %sub3A_308 : i32
      %select_n3A = arith.select %and3A, %sub3A_309, %div3A : i32
      %get3A = arith.index_cast %select_n3A : i32 to index
      %get3A_310 = tpu.vector_load %arg17[%get3A] {strides = array<i32>} : memref<1040xi32, #tpu.memory_space<vmem>>, vector<16xi32>,
      %slice3A = vector.extract_strided_slice %get3A_310 {offsets = [0], sizes = [1], strides = [1]} : vector<16xi32> to vector<1xi32>
      %squeeze3A = vector.extract %slice3A[0] : i32 from vector<1xi32>
      %lt3A = arith.cmpi slt, %squeeze3A, %add3A_151 : i32
      %gt3A = arith.cmpi sgt, %scan3A_291, %scan3A_290 : i32
      %and3A_311 = arith.andi %gt3A, %lt3A : i1
      %add3A_312 = arith.constant 1 : i32
      %add3A_313 = arith.addi %select_n3A, %add3A_312 : i32
      %select_n3A_314 = arith.select %and3A_311, %add3A_313, %scan3A_290 : i32
      %not3A = arith.constant true
      %not3A_315 = arith.xori %lt3A, %not3A : i1
      %and3A_316 = arith.andi %gt3A, %not3A_315 : i1
      %select_n3A_317 = arith.select %and3A_316, %select_n3A, %scan3A_291 : i32
      scf.yield %select_n3A_314, %select_n3A_317 : i32, i32
    }
    %scan3A_159 = arith.constant 11 : i32
    %while3A_160 = arith.constant 0 : i32
    %while3A_161 = arith.subi %scan3A_158#0, %sub3A_149 : i32
    %while3A_162 = arith.addi %sub3A_149, %while3A_161 : i32
    %while3A_163 = arith.constant 1 : i32
    %while3A_164 = arith.divsi %while3A_161, %while3A_163 : i32
    %while3A_165 = arith.muli %while3A_164, %while3A_163 : i32
    %while3A_166 = arith.addi %sub3A_149, %while3A_165 : i32
    %while3A_167 = arith.constant 1 : i32
    %while3A_168 = scf.for %while3A_289 = %sub3A_149 to %while3A_166 step %while3A_167 iter_args(%while3A_290 = %while3A_160) -> (i32)  : i32 {
      %get3A = arith.index_cast %while3A_289 : i32 to index
      %get3A_291 = tpu.vector_load %arg17[%get3A] {strides = array<i32>} : memref<1040xi32, #tpu.memory_space<vmem>>, vector<16xi32>,
      %slice3A = vector.extract_strided_slice %get3A_291 {offsets = [0], sizes = [1], strides = [1]} : vector<16xi32> to vector<1xi32>
      %squeeze3A = vector.extract %slice3A[0] : i32 from vector<1xi32>
      %max3A = arith.maxsi %squeeze3A, %add3A_139 : i32
      %sub3A_292 = arith.subi %max3A, %add3A_139 : i32
      %add3A_293 = arith.constant 1 : i32
      %add3A_294 = arith.addi %while3A_289, %add3A_293 : i32
      %get3A_295 = arith.index_cast %add3A_294 : i32 to index
      %get3A_296 = tpu.vector_load %arg17[%get3A_295] {strides = array<i32>} : memref<1040xi32, #tpu.memory_space<vmem>>, vector<16xi32>,
      %slice3A_297 = vector.extract_strided_slice %get3A_296 {offsets = [0], sizes = [1], strides = [1]} : vector<16xi32> to vector<1xi32>
      %squeeze3A_298 = vector.extract %slice3A_297[0] : i32 from vector<1xi32>
      %add3A_299 = arith.constant 20000 : i32
      %add3A_300 = arith.addi %add3A_139, %add3A_299 : i32
      %min3A = arith.minsi %squeeze3A_298, %add3A_300 : i32
      %sub3A_301 = arith.subi %min3A, %add3A_139 : i32
      %get3A_302 = arith.index_cast %while3A_289 : i32 to index
      %get3A_303 = tpu.vector_load %arg13[%get3A_302] {strides = array<i32>} : memref<1040xf32, #tpu.memory_space<vmem>>, vector<16xf32>,
      %slice3A_304 = vector.extract_strided_slice %get3A_303 {offsets = [0], sizes = [1], strides = [1]} : vector<16xf32> to vector<1xf32>
      %squeeze3A_305 = vector.extract %slice3A_304[0] : f32 from vector<1xf32>
      %broadcast_in_dim3A_306 = vector.broadcast %squeeze3A_305 : f32 to vector<16xf32>
      %gt3A = arith.cmpi sgt, %sub3A_301, %sub3A_292 : i32
      %convert_element_type3A_307 = arith.extui %gt3A : i1 to i32
      %cond3A_308 = arith.constant 0 : i32
      %cond3A_309 = arith.cmpi ne, %convert_element_type3A_307, %cond3A_308 : i32
      scf.if %cond3A_309 {
        %jit3A = arith.constant 16 : i32
        %div3A = arith.divsi %sub3A_292, %jit3A : i32
        %sign3A = arith.constant 0 : i32
        %sign3A_311 = arith.cmpi sgt, %sub3A_292, %sign3A : i32
        %sign3A_312 = arith.extui %sign3A_311 : i1 to i32
        %sign3A_313 = arith.constant 0 : i32
        %sign3A_314 = arith.cmpi slt, %sub3A_292, %sign3A_313 : i32
        %sign3A_315 = arith.extui %sign3A_314 : i1 to i32
        %sign3A_316 = arith.subi %sign3A_312, %sign3A_315 : i32
        %sign3A_317 = arith.constant 0 : i32
        %sign3A_318 = arith.cmpi sgt, %jit3A, %sign3A_317 : i32
        %sign3A_319 = arith.extui %sign3A_318 : i1 to i32
        %sign3A_320 = arith.constant 0 : i32
        %sign3A_321 = arith.cmpi slt, %jit3A, %sign3A_320 : i32
        %sign3A_322 = arith.extui %sign3A_321 : i1 to i32
        %sign3A_323 = arith.subi %sign3A_319, %sign3A_322 : i32
        %ne3A = arith.cmpi ne, %sign3A_316, %sign3A_323 : i32
        %rem3A = arith.remsi %sub3A_292, %jit3A : i32
        %ne3A_324 = arith.constant 0 : i32
        %ne3A_325 = arith.cmpi ne, %rem3A, %ne3A_324 : i32
        %and3A = arith.andi %ne3A, %ne3A_325 : i1
        %sub3A_326 = arith.constant 1 : i32
        %sub3A_327 = arith.subi %div3A, %sub3A_326 : i32
        %select_n3A = arith.select %and3A, %sub3A_327, %div3A : i32
        %sub3A_328 = arith.constant 1 : i32
        %sub3A_329 = arith.subi %sub3A_301, %sub3A_328 : i32
        %jit3A_330 = arith.constant 16 : i32
        %div3A_331 = arith.divsi %sub3A_329, %jit3A_330 : i32
        %sign3A_332 = arith.constant 0 : i32
        %sign3A_333 = arith.cmpi sgt, %sub3A_329, %sign3A_332 : i32
        %sign3A_334 = arith.extui %sign3A_333 : i1 to i32
        %sign3A_335 = arith.constant 0 : i32
        %sign3A_336 = arith.cmpi slt, %sub3A_329, %sign3A_335 : i32
        %sign3A_337 = arith.extui %sign3A_336 : i1 to i32
        %sign3A_338 = arith.subi %sign3A_334, %sign3A_337 : i32
        %sign3A_339 = arith.constant 0 : i32
        %sign3A_340 = arith.cmpi sgt, %jit3A_330, %sign3A_339 : i32
        %sign3A_341 = arith.extui %sign3A_340 : i1 to i32
        %sign3A_342 = arith.constant 0 : i32
        %sign3A_343 = arith.cmpi slt, %jit3A_330, %sign3A_342 : i32
        %sign3A_344 = arith.extui %sign3A_343 : i1 to i32
        %sign3A_345 = arith.subi %sign3A_341, %sign3A_344 : i32
        %ne3A_346 = arith.cmpi ne, %sign3A_338, %sign3A_345 : i32
        %rem3A_347 = arith.remsi %sub3A_329, %jit3A_330 : i32
        %ne3A_348 = arith.constant 0 : i32
        %ne3A_349 = arith.cmpi ne, %rem3A_347, %ne3A_348 : i32
        %and3A_350 = arith.andi %ne3A_346, %ne3A_349 : i1
        %sub3A_351 = arith.constant 1 : i32
        %sub3A_352 = arith.subi %div3A_331, %sub3A_351 : i32
        %select_n3A_353 = arith.select %and3A_350, %sub3A_352, %div3A_331 : i32
        %mul3A_354 = arith.constant 16 : i32
        %mul3A_355 = arith.muli %select_n3A, %mul3A_354 : i32
        %sub3A_356 = arith.subi %sub3A_292, %mul3A_355 : i32
        %ge3A = vector.broadcast %sub3A_356 : i32 to vector<16xi32>
        %ge3A_357 = arith.cmpi sge, %iota3A, %ge3A : vector<16xi32>
        %mul3A_358 = arith.constant 16 : i32
        %mul3A_359 = arith.muli %select_n3A, %mul3A_358 : i32
        %sub3A_360 = arith.subi %sub3A_301, %mul3A_359 : i32
        %lt3A = vector.broadcast %sub3A_360 : i32 to vector<16xi32>
        %lt3A_361 = arith.cmpi slt, %iota3A, %lt3A : vector<16xi32>
        %and3A_362 = arith.andi %ge3A_357, %lt3A_361 : vector<16xi1>
        %mul3A_363 = arith.constant 16 : i32
        %mul3A_364 = arith.muli %select_n3A, %mul3A_363 : i32
        %mul3A_365 = arith.constant 16 : i32
        %mul3A_366 = arith.muli %select_n3A, %mul3A_365 : i32
        %eq3A_367 = arith.cmpi eq, %sub3A_292, %mul3A_366 : i32
        %get3A_368 = arith.index_cast %mul3A_364 : i32 to index
        %get3A_369 = tpu.vector_load %arg8[%get3A_368] {strides = array<i32>} : memref<20000xf32, #tpu.memory_space<vmem>>, vector<16xf32>,
        %get3A_370 = arith.index_cast %mul3A_364 : i32 to index
        %get3A_371 = tpu.vector_load %arg10[%get3A_370] {strides = array<i32>} : memref<20000xf32, #tpu.memory_space<vmem>>, vector<16xf32>,
        %select_n3A_372 = arith.select %eq3A_367, %get3A_369, %get3A_371 : vector<16xf32>
        %jit3A_373 = arith.constant 0.000000e+00 : f32
        %broadcast_in_dim3A_374 = vector.broadcast %jit3A_373 : f32 to vector<16xf32>
        %select_n3A_375 = arith.select %and3A_362, %broadcast_in_dim3A_306, %broadcast_in_dim3A_374 : vector<16xi1>, vector<16xf32>
        %add3A_376 = arith.addf %select_n3A_372, %select_n3A_375 : vector<16xf32>
        %swap3A_377 = arith.index_cast %mul3A_364 : i32 to index
        %swap3A_378 = tpu.vector_load %arg10[%swap3A_377] {strides = array<i32>} : memref<20000xf32, #tpu.memory_space<vmem>>, vector<16xf32>,
        tpu.vector_store %arg10[%swap3A_377], %add3A_376 {strides = array<i32>} : memref<20000xf32, #tpu.memory_space<vmem>>, vector<16xf32>,
        %gt3A_379 = arith.cmpi sgt, %select_n3A_353, %select_n3A : i32
        %convert_element_type3A_380 = arith.extui %gt3A_379 : i1 to i32
        %cond3A_381 = arith.constant 0 : i32
        %cond3A_382 = arith.cmpi ne, %convert_element_type3A_380, %cond3A_381 : i32
        scf.if %cond3A_382 {
          %mul3A_386 = arith.constant 16 : i32
          %mul3A_387 = arith.muli %select_n3A_353, %mul3A_386 : i32
          %mul3A_388 = arith.constant 16 : i32
          %mul3A_389 = arith.muli %select_n3A_353, %mul3A_388 : i32
          %sub3A_390 = arith.subi %sub3A_301, %mul3A_389 : i32
          %lt3A_391 = vector.broadcast %sub3A_390 : i32 to vector<16xi32>
          %lt3A_392 = arith.cmpi slt, %iota3A, %lt3A_391 : vector<16xi32>
          %get3A_393 = arith.index_cast %mul3A_387 : i32 to index
          %get3A_394 = tpu.vector_load %arg8[%get3A_393] {strides = array<i32>} : memref<20000xf32, #tpu.memory_space<vmem>>, vector<16xf32>,
          %jit3A_395 = arith.constant 0.000000e+00 : f32
          %broadcast_in_dim3A_396 = vector.broadcast %jit3A_395 : f32 to vector<16xf32>
          %select_n3A_397 = arith.select %lt3A_392, %broadcast_in_dim3A_306, %broadcast_in_dim3A_396 : vector<16xi1>, vector<16xf32>
          %add3A_398 = arith.addf %get3A_394, %select_n3A_397 : vector<16xf32>
          %swap3A_399 = arith.index_cast %mul3A_387 : i32 to index
          %swap3A_400 = tpu.vector_load %arg10[%swap3A_399] {strides = array<i32>} : memref<20000xf32, #tpu.memory_space<vmem>>, vector<16xf32>,
          tpu.vector_store %arg10[%swap3A_399], %add3A_398 {strides = array<i32>} : memref<20000xf32, #tpu.memory_space<vmem>>, vector<16xf32>,
        } else {
        }
        %add3A_383 = arith.constant 1 : i32
        %add3A_384 = arith.addi %select_n3A, %add3A_383 : i32
        %parallel_loop3A_385 = arith.constant 1 : i32
        scf.for %parallel_loop3A_386 = %add3A_384 to %select_n3A_353 step %parallel_loop3A_385  : i32 {
          %parallel_loop3A_387 = arith.constant 16 : i32
          %parallel_loop3A_388 = arith.muli %parallel_loop3A_386, %parallel_loop3A_387 : i32
          %parallel_loop3A_389 = arith.index_cast %parallel_loop3A_388 : i32 to index
          %parallel_loop3A_390 = tpu.vector_load %arg8[%parallel_loop3A_389] {strides = array<i32>} : memref<20000xf32, #tpu.memory_space<vmem>>, vector<16xf32>,
          %parallel_loop3A_391 = arith.addf %parallel_loop3A_390, %broadcast_in_dim3A_306 : vector<16xf32>
          %parallel_loop3A_392 = arith.index_cast %parallel_loop3A_388 : i32 to index
          %parallel_loop3A_393 = tpu.vector_load %arg10[%parallel_loop3A_392] {strides = array<i32>} : memref<20000xf32, #tpu.memory_space<vmem>>, vector<16xf32>,
          tpu.vector_store %arg10[%parallel_loop3A_392], %parallel_loop3A_391 {strides = array<i32>} : memref<20000xf32, #tpu.memory_space<vmem>>, vector<16xf32>,
        } {sc.loop_unroll_factor = 4 : i64, sc.parallel_access}
      } else {
      }
      %while3A_310 = arith.constant 0 : i32
      scf.yield %while3A_310 : i32
    }
    %while3A_169 = arith.constant 1 : i32
    %while3A_170 = scf.for %while3A_289 = %while3A_166 to %while3A_162 step %while3A_169 iter_args(%while3A_290 = %while3A_168) -> (i32)  : i32 {
      %get3A = arith.index_cast %while3A_289 : i32 to index
      %get3A_291 = tpu.vector_load %arg17[%get3A] {strides = array<i32>} : memref<1040xi32, #tpu.memory_space<vmem>>, vector<16xi32>,
      %slice3A = vector.extract_strided_slice %get3A_291 {offsets = [0], sizes = [1], strides = [1]} : vector<16xi32> to vector<1xi32>
      %squeeze3A = vector.extract %slice3A[0] : i32 from vector<1xi32>
      %max3A = arith.maxsi %squeeze3A, %add3A_139 : i32
      %sub3A_292 = arith.subi %max3A, %add3A_139 : i32
      %add3A_293 = arith.constant 1 : i32
      %add3A_294 = arith.addi %while3A_289, %add3A_293 : i32
      %get3A_295 = arith.index_cast %add3A_294 : i32 to index
      %get3A_296 = tpu.vector_load %arg17[%get3A_295] {strides = array<i32>} : memref<1040xi32, #tpu.memory_space<vmem>>, vector<16xi32>,
      %slice3A_297 = vector.extract_strided_slice %get3A_296 {offsets = [0], sizes = [1], strides = [1]} : vector<16xi32> to vector<1xi32>
      %squeeze3A_298 = vector.extract %slice3A_297[0] : i32 from vector<1xi32>
      %add3A_299 = arith.constant 20000 : i32
      %add3A_300 = arith.addi %add3A_139, %add3A_299 : i32
      %min3A = arith.minsi %squeeze3A_298, %add3A_300 : i32
      %sub3A_301 = arith.subi %min3A, %add3A_139 : i32
      %get3A_302 = arith.index_cast %while3A_289 : i32 to index
      %get3A_303 = tpu.vector_load %arg13[%get3A_302] {strides = array<i32>} : memref<1040xf32, #tpu.memory_space<vmem>>, vector<16xf32>,
      %slice3A_304 = vector.extract_strided_slice %get3A_303 {offsets = [0], sizes = [1], strides = [1]} : vector<16xf32> to vector<1xf32>
      %squeeze3A_305 = vector.extract %slice3A_304[0] : f32 from vector<1xf32>
      %broadcast_in_dim3A_306 = vector.broadcast %squeeze3A_305 : f32 to vector<16xf32>
      %gt3A = arith.cmpi sgt, %sub3A_301, %sub3A_292 : i32
      %convert_element_type3A_307 = arith.extui %gt3A : i1 to i32
      %cond3A_308 = arith.constant 0 : i32
      %cond3A_309 = arith.cmpi ne, %convert_element_type3A_307, %cond3A_308 : i32
      scf.if %cond3A_309 {
        %jit3A = arith.constant 16 : i32
        %div3A = arith.divsi %sub3A_292, %jit3A : i32
        %sign3A = arith.constant 0 : i32
        %sign3A_311 = arith.cmpi sgt, %sub3A_292, %sign3A : i32
        %sign3A_312 = arith.extui %sign3A_311 : i1 to i32
        %sign3A_313 = arith.constant 0 : i32
        %sign3A_314 = arith.cmpi slt, %sub3A_292, %sign3A_313 : i32
        %sign3A_315 = arith.extui %sign3A_314 : i1 to i32
        %sign3A_316 = arith.subi %sign3A_312, %sign3A_315 : i32
        %sign3A_317 = arith.constant 0 : i32
        %sign3A_318 = arith.cmpi sgt, %jit3A, %sign3A_317 : i32
        %sign3A_319 = arith.extui %sign3A_318 : i1 to i32
        %sign3A_320 = arith.constant 0 : i32
        %sign3A_321 = arith.cmpi slt, %jit3A, %sign3A_320 : i32
        %sign3A_322 = arith.extui %sign3A_321 : i1 to i32
        %sign3A_323 = arith.subi %sign3A_319, %sign3A_322 : i32
        %ne3A = arith.cmpi ne, %sign3A_316, %sign3A_323 : i32
        %rem3A = arith.remsi %sub3A_292, %jit3A : i32
        %ne3A_324 = arith.constant 0 : i32
        %ne3A_325 = arith.cmpi ne, %rem3A, %ne3A_324 : i32
        %and3A = arith.andi %ne3A, %ne3A_325 : i1
        %sub3A_326 = arith.constant 1 : i32
        %sub3A_327 = arith.subi %div3A, %sub3A_326 : i32
        %select_n3A = arith.select %and3A, %sub3A_327, %div3A : i32
        %sub3A_328 = arith.constant 1 : i32
        %sub3A_329 = arith.subi %sub3A_301, %sub3A_328 : i32
        %jit3A_330 = arith.constant 16 : i32
        %div3A_331 = arith.divsi %sub3A_329, %jit3A_330 : i32
        %sign3A_332 = arith.constant 0 : i32
        %sign3A_333 = arith.cmpi sgt, %sub3A_329, %sign3A_332 : i32
        %sign3A_334 = arith.extui %sign3A_333 : i1 to i32
        %sign3A_335 = arith.constant 0 : i32
        %sign3A_336 = arith.cmpi slt, %sub3A_329, %sign3A_335 : i32
        %sign3A_337 = arith.extui %sign3A_336 : i1 to i32
        %sign3A_338 = arith.subi %sign3A_334, %sign3A_337 : i32
        %sign3A_339 = arith.constant 0 : i32
        %sign3A_340 = arith.cmpi sgt, %jit3A_330, %sign3A_339 : i32
        %sign3A_341 = arith.extui %sign3A_340 : i1 to i32
        %sign3A_342 = arith.constant 0 : i32
        %sign3A_343 = arith.cmpi slt, %jit3A_330, %sign3A_342 : i32
        %sign3A_344 = arith.extui %sign3A_343 : i1 to i32
        %sign3A_345 = arith.subi %sign3A_341, %sign3A_344 : i32
        %ne3A_346 = arith.cmpi ne, %sign3A_338, %sign3A_345 : i32
        %rem3A_347 = arith.remsi %sub3A_329, %jit3A_330 : i32
        %ne3A_348 = arith.constant 0 : i32
        %ne3A_349 = arith.cmpi ne, %rem3A_347, %ne3A_348 : i32
        %and3A_350 = arith.andi %ne3A_346, %ne3A_349 : i1
        %sub3A_351 = arith.constant 1 : i32
        %sub3A_352 = arith.subi %div3A_331, %sub3A_351 : i32
        %select_n3A_353 = arith.select %and3A_350, %sub3A_352, %div3A_331 : i32
        %mul3A_354 = arith.constant 16 : i32
        %mul3A_355 = arith.muli %select_n3A, %mul3A_354 : i32
        %sub3A_356 = arith.subi %sub3A_292, %mul3A_355 : i32
        %ge3A = vector.broadcast %sub3A_356 : i32 to vector<16xi32>
        %ge3A_357 = arith.cmpi sge, %iota3A, %ge3A : vector<16xi32>
        %mul3A_358 = arith.constant 16 : i32
        %mul3A_359 = arith.muli %select_n3A, %mul3A_358 : i32
        %sub3A_360 = arith.subi %sub3A_301, %mul3A_359 : i32
        %lt3A = vector.broadcast %sub3A_360 : i32 to vector<16xi32>
        %lt3A_361 = arith.cmpi slt, %iota3A, %lt3A : vector<16xi32>
        %and3A_362 = arith.andi %ge3A_357, %lt3A_361 : vector<16xi1>
        %mul3A_363 = arith.constant 16 : i32
        %mul3A_364 = arith.muli %select_n3A, %mul3A_363 : i32
        %mul3A_365 = arith.constant 16 : i32
        %mul3A_366 = arith.muli %select_n3A, %mul3A_365 : i32
        %eq3A_367 = arith.cmpi eq, %sub3A_292, %mul3A_366 : i32
        %get3A_368 = arith.index_cast %mul3A_364 : i32 to index
        %get3A_369 = tpu.vector_load %arg8[%get3A_368] {strides = array<i32>} : memref<20000xf32, #tpu.memory_space<vmem>>, vector<16xf32>,
        %get3A_370 = arith.index_cast %mul3A_364 : i32 to index
        %get3A_371 = tpu.vector_load %arg10[%get3A_370] {strides = array<i32>} : memref<20000xf32, #tpu.memory_space<vmem>>, vector<16xf32>,
        %select_n3A_372 = arith.select %eq3A_367, %get3A_369, %get3A_371 : vector<16xf32>
        %jit3A_373 = arith.constant 0.000000e+00 : f32
        %broadcast_in_dim3A_374 = vector.broadcast %jit3A_373 : f32 to vector<16xf32>
        %select_n3A_375 = arith.select %and3A_362, %broadcast_in_dim3A_306, %broadcast_in_dim3A_374 : vector<16xi1>, vector<16xf32>
        %add3A_376 = arith.addf %select_n3A_372, %select_n3A_375 : vector<16xf32>
        %swap3A_377 = arith.index_cast %mul3A_364 : i32 to index
        %swap3A_378 = tpu.vector_load %arg10[%swap3A_377] {strides = array<i32>} : memref<20000xf32, #tpu.memory_space<vmem>>, vector<16xf32>,
        tpu.vector_store %arg10[%swap3A_377], %add3A_376 {strides = array<i32>} : memref<20000xf32, #tpu.memory_space<vmem>>, vector<16xf32>,
        %gt3A_379 = arith.cmpi sgt, %select_n3A_353, %select_n3A : i32
        %convert_element_type3A_380 = arith.extui %gt3A_379 : i1 to i32
        %cond3A_381 = arith.constant 0 : i32
        %cond3A_382 = arith.cmpi ne, %convert_element_type3A_380, %cond3A_381 : i32
        scf.if %cond3A_382 {
          %mul3A_386 = arith.constant 16 : i32
          %mul3A_387 = arith.muli %select_n3A_353, %mul3A_386 : i32
          %mul3A_388 = arith.constant 16 : i32
          %mul3A_389 = arith.muli %select_n3A_353, %mul3A_388 : i32
          %sub3A_390 = arith.subi %sub3A_301, %mul3A_389 : i32
          %lt3A_391 = vector.broadcast %sub3A_390 : i32 to vector<16xi32>
          %lt3A_392 = arith.cmpi slt, %iota3A, %lt3A_391 : vector<16xi32>
          %get3A_393 = arith.index_cast %mul3A_387 : i32 to index
          %get3A_394 = tpu.vector_load %arg8[%get3A_393] {strides = array<i32>} : memref<20000xf32, #tpu.memory_space<vmem>>, vector<16xf32>,
          %jit3A_395 = arith.constant 0.000000e+00 : f32
          %broadcast_in_dim3A_396 = vector.broadcast %jit3A_395 : f32 to vector<16xf32>
          %select_n3A_397 = arith.select %lt3A_392, %broadcast_in_dim3A_306, %broadcast_in_dim3A_396 : vector<16xi1>, vector<16xf32>
          %add3A_398 = arith.addf %get3A_394, %select_n3A_397 : vector<16xf32>
          %swap3A_399 = arith.index_cast %mul3A_387 : i32 to index
          %swap3A_400 = tpu.vector_load %arg10[%swap3A_399] {strides = array<i32>} : memref<20000xf32, #tpu.memory_space<vmem>>, vector<16xf32>,
          tpu.vector_store %arg10[%swap3A_399], %add3A_398 {strides = array<i32>} : memref<20000xf32, #tpu.memory_space<vmem>>, vector<16xf32>,
        } else {
        }
        %add3A_383 = arith.constant 1 : i32
        %add3A_384 = arith.addi %select_n3A, %add3A_383 : i32
        %parallel_loop3A_385 = arith.constant 1 : i32
        scf.for %parallel_loop3A_386 = %add3A_384 to %select_n3A_353 step %parallel_loop3A_385  : i32 {
          %parallel_loop3A_387 = arith.constant 16 : i32
          %parallel_loop3A_388 = arith.muli %parallel_loop3A_386, %parallel_loop3A_387 : i32
          %parallel_loop3A_389 = arith.index_cast %parallel_loop3A_388 : i32 to index
          %parallel_loop3A_390 = tpu.vector_load %arg8[%parallel_loop3A_389] {strides = array<i32>} : memref<20000xf32, #tpu.memory_space<vmem>>, vector<16xf32>,
          %parallel_loop3A_391 = arith.addf %parallel_loop3A_390, %broadcast_in_dim3A_306 : vector<16xf32>
          %parallel_loop3A_392 = arith.index_cast %parallel_loop3A_388 : i32 to index
          %parallel_loop3A_393 = tpu.vector_load %arg10[%parallel_loop3A_392] {strides = array<i32>} : memref<20000xf32, #tpu.memory_space<vmem>>, vector<16xf32>,
          tpu.vector_store %arg10[%parallel_loop3A_392], %parallel_loop3A_391 {strides = array<i32>} : memref<20000xf32, #tpu.memory_space<vmem>>, vector<16xf32>,
        } {sc.loop_unroll_factor = 4 : i64, sc.parallel_access}
      } else {
      }
      %while3A_310 = arith.constant 0 : i32
      scf.yield %while3A_310 : i32
    }
    %dma_start3A_171 = arith.constant 0 : i32
    %dma_start3A_172 = tpu.memref_slice %arg6[%add3A_139] : memref<3200000xf32, #tpu.memory_space<hbm>> -> memref<20000xf32, #tpu.memory_space<hbm>>
    %dma_start3A_173 = tpu.memref_slice %arg19[%dma_start3A_171] : memref<2x!tpu.dma_semaphore, #tpu.memory_space<semaphore_mem>> -> memref<1x!tpu.dma_semaphore, #tpu.memory_space<semaphore_mem>>
    %dma_start3A_174 = tpu.memref_squeeze %dma_start3A_173 : memref<1x!tpu.dma_semaphore, #tpu.memory_space<semaphore_mem>> -> memref<!tpu.dma_semaphore, #tpu.memory_space<semaphore_mem>>
    %dma_start3A_175 = tpu.memref_slice %arg6[%add3A_139] : memref<3200000xf32, #tpu.memory_space<hbm>> -> memref<20000xf32, #tpu.memory_space<hbm>>
    tpu.enqueue_dma source(%arg10 : memref<20000xf32, #tpu.memory_space<vmem>>) target(%dma_start3A_175 : memref<20000xf32, #tpu.memory_space<hbm>>) target_semaphore(%dma_start3A_174 : memref<!tpu.dma_semaphore, #tpu.memory_space<semaphore_mem>>)
    %add3A_176 = arith.constant 80000 : i32
    %add3A_177 = arith.addi %mul3A_2, %add3A_176 : i32
    %dma_start3A_178 = arith.constant 0 : i32
    %dma_start3A_179 = tpu.memref_slice %arg2[%add3A_177] : memref<3200000xf32, #tpu.memory_space<hbm>> -> memref<20000xf32, #tpu.memory_space<hbm>>
    %dma_start3A_180 = tpu.memref_slice %arg18[%dma_start3A_178] : memref<2x!tpu.dma_semaphore, #tpu.memory_space<semaphore_mem>> -> memref<1x!tpu.dma_semaphore, #tpu.memory_space<semaphore_mem>>
    %dma_start3A_181 = tpu.memref_squeeze %dma_start3A_180 : memref<1x!tpu.dma_semaphore, #tpu.memory_space<semaphore_mem>> -> memref<!tpu.dma_semaphore, #tpu.memory_space<semaphore_mem>>
    %dma_start3A_182 = tpu.memref_slice %arg2[%add3A_177] : memref<3200000xf32, #tpu.memory_space<hbm>> -> memref<20000xf32, #tpu.memory_space<hbm>>
    tpu.enqueue_dma source(%dma_start3A_182 : memref<20000xf32, #tpu.memory_space<hbm>>) target(%arg8 : memref<20000xf32, #tpu.memory_space<vmem>>) target_semaphore(%dma_start3A_181 : memref<!tpu.dma_semaphore, #tpu.memory_space<semaphore_mem>>)
    %dma_wait3A_183 = arith.constant 1 : i32
    %dma_wait3A_184 = tpu.memref_slice %arg2[%add3A_122] : memref<3200000xf32, #tpu.memory_space<hbm>> -> memref<20000xf32, #tpu.memory_space<hbm>>
    %dma_wait3A_185 = tpu.memref_slice %arg18[%dma_wait3A_183] : memref<2x!tpu.dma_semaphore, #tpu.memory_space<semaphore_mem>> -> memref<1x!tpu.dma_semaphore, #tpu.memory_space<semaphore_mem>>
    %dma_wait3A_186 = tpu.memref_squeeze %dma_wait3A_185 : memref<1x!tpu.dma_semaphore, #tpu.memory_space<semaphore_mem>> -> memref<!tpu.dma_semaphore, #tpu.memory_space<semaphore_mem>>
    %dma_wait3A_187 = tpu.memref_slice %arg2[%add3A_122] : memref<3200000xf32, #tpu.memory_space<hbm>> -> memref<20000xf32, #tpu.memory_space<hbm>>
    tpu.wait_dma2 semaphore(%dma_wait3A_186 : memref<!tpu.dma_semaphore, #tpu.memory_space<semaphore_mem>>) src(%dma_wait3A_187 : memref<20000xf32, #tpu.memory_space<hbm>>) dst(%arg9 : memref<20000xf32, #tpu.memory_space<vmem>>)
    %dma_wait3A_188 = arith.constant 1 : i32
    %dma_wait3A_189 = tpu.memref_slice %arg6[%add3A_84] : memref<3200000xf32, #tpu.memory_space<hbm>> -> memref<20000xf32, #tpu.memory_space<hbm>>
    %dma_wait3A_190 = tpu.memref_slice %arg19[%dma_wait3A_188] : memref<2x!tpu.dma_semaphore, #tpu.memory_space<semaphore_mem>> -> memref<1x!tpu.dma_semaphore, #tpu.memory_space<semaphore_mem>>
    %dma_wait3A_191 = tpu.memref_squeeze %dma_wait3A_190 : memref<1x!tpu.dma_semaphore, #tpu.memory_space<semaphore_mem>> -> memref<!tpu.dma_semaphore, #tpu.memory_space<semaphore_mem>>
    %dma_wait3A_192 = tpu.memref_slice %arg6[%add3A_84] : memref<3200000xf32, #tpu.memory_space<hbm>> -> memref<20000xf32, #tpu.memory_space<hbm>>
    tpu.wait_dma2 semaphore(%dma_wait3A_191 : memref<!tpu.dma_semaphore, #tpu.memory_space<semaphore_mem>>) src(%arg11 : memref<20000xf32, #tpu.memory_space<vmem>>) dst(%dma_wait3A_192 : memref<20000xf32, #tpu.memory_space<hbm>>)
    %add3A_193 = arith.constant 60000 : i32
    %add3A_194 = arith.addi %mul3A_2, %add3A_193 : i32
    %scan3A_195 = arith.constant 0 : i32
    %scan3A_196 = arith.constant 1024 : i32
    %scan3A_197 = arith.constant 0 : i32
    %scan3A_198 = arith.constant 11 : i32
    %scan3A_199 = arith.addi %scan3A_197, %scan3A_198 : i32
    %scan3A_200 = arith.constant 1 : i32
    %scan3A_201:2 = scf.for %scan3A_289 = %scan3A_197 to %scan3A_199 step %scan3A_200 iter_args(%scan3A_290 = %scan3A_195, %scan3A_291 = %scan3A_196) -> (i32, i32)  : i32 {
      %add3A_292 = arith.addi %scan3A_290, %scan3A_291 : i32
      %jit3A = arith.constant 2 : i32
      %div3A = arith.divsi %add3A_292, %jit3A : i32
      %sign3A = arith.constant 0 : i32
      %sign3A_293 = arith.cmpi sgt, %add3A_292, %sign3A : i32
      %sign3A_294 = arith.extui %sign3A_293 : i1 to i32
      %sign3A_295 = arith.constant 0 : i32
      %sign3A_296 = arith.cmpi slt, %add3A_292, %sign3A_295 : i32
      %sign3A_297 = arith.extui %sign3A_296 : i1 to i32
      %sign3A_298 = arith.subi %sign3A_294, %sign3A_297 : i32
      %sign3A_299 = arith.constant 0 : i32
      %sign3A_300 = arith.cmpi sgt, %jit3A, %sign3A_299 : i32
      %sign3A_301 = arith.extui %sign3A_300 : i1 to i32
      %sign3A_302 = arith.constant 0 : i32
      %sign3A_303 = arith.cmpi slt, %jit3A, %sign3A_302 : i32
      %sign3A_304 = arith.extui %sign3A_303 : i1 to i32
      %sign3A_305 = arith.subi %sign3A_301, %sign3A_304 : i32
      %ne3A = arith.cmpi ne, %sign3A_298, %sign3A_305 : i32
      %rem3A = arith.remsi %add3A_292, %jit3A : i32
      %ne3A_306 = arith.constant 0 : i32
      %ne3A_307 = arith.cmpi ne, %rem3A, %ne3A_306 : i32
      %and3A = arith.andi %ne3A, %ne3A_307 : i1
      %sub3A_308 = arith.constant 1 : i32
      %sub3A_309 = arith.subi %div3A, %sub3A_308 : i32
      %select_n3A = arith.select %and3A, %sub3A_309, %div3A : i32
      %get3A = arith.index_cast %select_n3A : i32 to index
      %get3A_310 = tpu.vector_load %arg17[%get3A] {strides = array<i32>} : memref<1040xi32, #tpu.memory_space<vmem>>, vector<16xi32>,
      %slice3A = vector.extract_strided_slice %get3A_310 {offsets = [0], sizes = [1], strides = [1]} : vector<16xi32> to vector<1xi32>
      %squeeze3A = vector.extract %slice3A[0] : i32 from vector<1xi32>
      %le3A = arith.cmpi sle, %squeeze3A, %add3A_194 : i32
      %gt3A = arith.cmpi sgt, %scan3A_291, %scan3A_290 : i32
      %and3A_311 = arith.andi %gt3A, %le3A : i1
      %add3A_312 = arith.constant 1 : i32
      %add3A_313 = arith.addi %select_n3A, %add3A_312 : i32
      %select_n3A_314 = arith.select %and3A_311, %add3A_313, %scan3A_290 : i32
      %not3A = arith.constant true
      %not3A_315 = arith.xori %le3A, %not3A : i1
      %and3A_316 = arith.andi %gt3A, %not3A_315 : i1
      %select_n3A_317 = arith.select %and3A_316, %select_n3A, %scan3A_291 : i32
      scf.yield %select_n3A_314, %select_n3A_317 : i32, i32
    }
    %scan3A_202 = arith.constant 11 : i32
    %sub3A_203 = arith.constant 1 : i32
    %sub3A_204 = arith.subi %scan3A_201#0, %sub3A_203 : i32
    %add3A_205 = arith.constant 20000 : i32
    %add3A_206 = arith.addi %add3A_194, %add3A_205 : i32
    %scan3A_207 = arith.constant 0 : i32
    %scan3A_208 = arith.constant 1024 : i32
    %scan3A_209 = arith.constant 0 : i32
    %scan3A_210 = arith.constant 11 : i32
    %scan3A_211 = arith.addi %scan3A_209, %scan3A_210 : i32
    %scan3A_212 = arith.constant 1 : i32
    %scan3A_213:2 = scf.for %scan3A_289 = %scan3A_209 to %scan3A_211 step %scan3A_212 iter_args(%scan3A_290 = %scan3A_207, %scan3A_291 = %scan3A_208) -> (i32, i32)  : i32 {
      %add3A_292 = arith.addi %scan3A_290, %scan3A_291 : i32
      %jit3A = arith.constant 2 : i32
      %div3A = arith.divsi %add3A_292, %jit3A : i32
      %sign3A = arith.constant 0 : i32
      %sign3A_293 = arith.cmpi sgt, %add3A_292, %sign3A : i32
      %sign3A_294 = arith.extui %sign3A_293 : i1 to i32
      %sign3A_295 = arith.constant 0 : i32
      %sign3A_296 = arith.cmpi slt, %add3A_292, %sign3A_295 : i32
      %sign3A_297 = arith.extui %sign3A_296 : i1 to i32
      %sign3A_298 = arith.subi %sign3A_294, %sign3A_297 : i32
      %sign3A_299 = arith.constant 0 : i32
      %sign3A_300 = arith.cmpi sgt, %jit3A, %sign3A_299 : i32
      %sign3A_301 = arith.extui %sign3A_300 : i1 to i32
      %sign3A_302 = arith.constant 0 : i32
      %sign3A_303 = arith.cmpi slt, %jit3A, %sign3A_302 : i32
      %sign3A_304 = arith.extui %sign3A_303 : i1 to i32
      %sign3A_305 = arith.subi %sign3A_301, %sign3A_304 : i32
      %ne3A = arith.cmpi ne, %sign3A_298, %sign3A_305 : i32
      %rem3A = arith.remsi %add3A_292, %jit3A : i32
      %ne3A_306 = arith.constant 0 : i32
      %ne3A_307 = arith.cmpi ne, %rem3A, %ne3A_306 : i32
      %and3A = arith.andi %ne3A, %ne3A_307 : i1
      %sub3A_308 = arith.constant 1 : i32
      %sub3A_309 = arith.subi %div3A, %sub3A_308 : i32
      %select_n3A = arith.select %and3A, %sub3A_309, %div3A : i32
      %get3A = arith.index_cast %select_n3A : i32 to index
      %get3A_310 = tpu.vector_load %arg17[%get3A] {strides = array<i32>} : memref<1040xi32, #tpu.memory_space<vmem>>, vector<16xi32>,
      %slice3A = vector.extract_strided_slice %get3A_310 {offsets = [0], sizes = [1], strides = [1]} : vector<16xi32> to vector<1xi32>
      %squeeze3A = vector.extract %slice3A[0] : i32 from vector<1xi32>
      %lt3A = arith.cmpi slt, %squeeze3A, %add3A_206 : i32
      %gt3A = arith.cmpi sgt, %scan3A_291, %scan3A_290 : i32
      %and3A_311 = arith.andi %gt3A, %lt3A : i1
      %add3A_312 = arith.constant 1 : i32
      %add3A_313 = arith.addi %select_n3A, %add3A_312 : i32
      %select_n3A_314 = arith.select %and3A_311, %add3A_313, %scan3A_290 : i32
      %not3A = arith.constant true
      %not3A_315 = arith.xori %lt3A, %not3A : i1
      %and3A_316 = arith.andi %gt3A, %not3A_315 : i1
      %select_n3A_317 = arith.select %and3A_316, %select_n3A, %scan3A_291 : i32
      scf.yield %select_n3A_314, %select_n3A_317 : i32, i32
    }
    %scan3A_214 = arith.constant 11 : i32
    %while3A_215 = arith.constant 0 : i32
    %while3A_216 = arith.subi %scan3A_213#0, %sub3A_204 : i32
    %while3A_217 = arith.addi %sub3A_204, %while3A_216 : i32
    %while3A_218 = arith.constant 1 : i32
    %while3A_219 = arith.divsi %while3A_216, %while3A_218 : i32
    %while3A_220 = arith.muli %while3A_219, %while3A_218 : i32
    %while3A_221 = arith.addi %sub3A_204, %while3A_220 : i32
    %while3A_222 = arith.constant 1 : i32
    %while3A_223 = scf.for %while3A_289 = %sub3A_204 to %while3A_221 step %while3A_222 iter_args(%while3A_290 = %while3A_215) -> (i32)  : i32 {
      %get3A = arith.index_cast %while3A_289 : i32 to index
      %get3A_291 = tpu.vector_load %arg17[%get3A] {strides = array<i32>} : memref<1040xi32, #tpu.memory_space<vmem>>, vector<16xi32>,
      %slice3A = vector.extract_strided_slice %get3A_291 {offsets = [0], sizes = [1], strides = [1]} : vector<16xi32> to vector<1xi32>
      %squeeze3A = vector.extract %slice3A[0] : i32 from vector<1xi32>
      %max3A = arith.maxsi %squeeze3A, %add3A_194 : i32
      %sub3A_292 = arith.subi %max3A, %add3A_194 : i32
      %add3A_293 = arith.constant 1 : i32
      %add3A_294 = arith.addi %while3A_289, %add3A_293 : i32
      %get3A_295 = arith.index_cast %add3A_294 : i32 to index
      %get3A_296 = tpu.vector_load %arg17[%get3A_295] {strides = array<i32>} : memref<1040xi32, #tpu.memory_space<vmem>>, vector<16xi32>,
      %slice3A_297 = vector.extract_strided_slice %get3A_296 {offsets = [0], sizes = [1], strides = [1]} : vector<16xi32> to vector<1xi32>
      %squeeze3A_298 = vector.extract %slice3A_297[0] : i32 from vector<1xi32>
      %add3A_299 = arith.constant 20000 : i32
      %add3A_300 = arith.addi %add3A_194, %add3A_299 : i32
      %min3A = arith.minsi %squeeze3A_298, %add3A_300 : i32
      %sub3A_301 = arith.subi %min3A, %add3A_194 : i32
      %get3A_302 = arith.index_cast %while3A_289 : i32 to index
      %get3A_303 = tpu.vector_load %arg13[%get3A_302] {strides = array<i32>} : memref<1040xf32, #tpu.memory_space<vmem>>, vector<16xf32>,
      %slice3A_304 = vector.extract_strided_slice %get3A_303 {offsets = [0], sizes = [1], strides = [1]} : vector<16xf32> to vector<1xf32>
      %squeeze3A_305 = vector.extract %slice3A_304[0] : f32 from vector<1xf32>
      %broadcast_in_dim3A_306 = vector.broadcast %squeeze3A_305 : f32 to vector<16xf32>
      %gt3A = arith.cmpi sgt, %sub3A_301, %sub3A_292 : i32
      %convert_element_type3A_307 = arith.extui %gt3A : i1 to i32
      %cond3A_308 = arith.constant 0 : i32
      %cond3A_309 = arith.cmpi ne, %convert_element_type3A_307, %cond3A_308 : i32
      scf.if %cond3A_309 {
        %jit3A = arith.constant 16 : i32
        %div3A = arith.divsi %sub3A_292, %jit3A : i32
        %sign3A = arith.constant 0 : i32
        %sign3A_311 = arith.cmpi sgt, %sub3A_292, %sign3A : i32
        %sign3A_312 = arith.extui %sign3A_311 : i1 to i32
        %sign3A_313 = arith.constant 0 : i32
        %sign3A_314 = arith.cmpi slt, %sub3A_292, %sign3A_313 : i32
        %sign3A_315 = arith.extui %sign3A_314 : i1 to i32
        %sign3A_316 = arith.subi %sign3A_312, %sign3A_315 : i32
        %sign3A_317 = arith.constant 0 : i32
        %sign3A_318 = arith.cmpi sgt, %jit3A, %sign3A_317 : i32
        %sign3A_319 = arith.extui %sign3A_318 : i1 to i32
        %sign3A_320 = arith.constant 0 : i32
        %sign3A_321 = arith.cmpi slt, %jit3A, %sign3A_320 : i32
        %sign3A_322 = arith.extui %sign3A_321 : i1 to i32
        %sign3A_323 = arith.subi %sign3A_319, %sign3A_322 : i32
        %ne3A = arith.cmpi ne, %sign3A_316, %sign3A_323 : i32
        %rem3A = arith.remsi %sub3A_292, %jit3A : i32
        %ne3A_324 = arith.constant 0 : i32
        %ne3A_325 = arith.cmpi ne, %rem3A, %ne3A_324 : i32
        %and3A = arith.andi %ne3A, %ne3A_325 : i1
        %sub3A_326 = arith.constant 1 : i32
        %sub3A_327 = arith.subi %div3A, %sub3A_326 : i32
        %select_n3A = arith.select %and3A, %sub3A_327, %div3A : i32
        %sub3A_328 = arith.constant 1 : i32
        %sub3A_329 = arith.subi %sub3A_301, %sub3A_328 : i32
        %jit3A_330 = arith.constant 16 : i32
        %div3A_331 = arith.divsi %sub3A_329, %jit3A_330 : i32
        %sign3A_332 = arith.constant 0 : i32
        %sign3A_333 = arith.cmpi sgt, %sub3A_329, %sign3A_332 : i32
        %sign3A_334 = arith.extui %sign3A_333 : i1 to i32
        %sign3A_335 = arith.constant 0 : i32
        %sign3A_336 = arith.cmpi slt, %sub3A_329, %sign3A_335 : i32
        %sign3A_337 = arith.extui %sign3A_336 : i1 to i32
        %sign3A_338 = arith.subi %sign3A_334, %sign3A_337 : i32
        %sign3A_339 = arith.constant 0 : i32
        %sign3A_340 = arith.cmpi sgt, %jit3A_330, %sign3A_339 : i32
        %sign3A_341 = arith.extui %sign3A_340 : i1 to i32
        %sign3A_342 = arith.constant 0 : i32
        %sign3A_343 = arith.cmpi slt, %jit3A_330, %sign3A_342 : i32
        %sign3A_344 = arith.extui %sign3A_343 : i1 to i32
        %sign3A_345 = arith.subi %sign3A_341, %sign3A_344 : i32
        %ne3A_346 = arith.cmpi ne, %sign3A_338, %sign3A_345 : i32
        %rem3A_347 = arith.remsi %sub3A_329, %jit3A_330 : i32
        %ne3A_348 = arith.constant 0 : i32
        %ne3A_349 = arith.cmpi ne, %rem3A_347, %ne3A_348 : i32
        %and3A_350 = arith.andi %ne3A_346, %ne3A_349 : i1
        %sub3A_351 = arith.constant 1 : i32
        %sub3A_352 = arith.subi %div3A_331, %sub3A_351 : i32
        %select_n3A_353 = arith.select %and3A_350, %sub3A_352, %div3A_331 : i32
        %mul3A_354 = arith.constant 16 : i32
        %mul3A_355 = arith.muli %select_n3A, %mul3A_354 : i32
        %sub3A_356 = arith.subi %sub3A_292, %mul3A_355 : i32
        %ge3A = vector.broadcast %sub3A_356 : i32 to vector<16xi32>
        %ge3A_357 = arith.cmpi sge, %iota3A, %ge3A : vector<16xi32>
        %mul3A_358 = arith.constant 16 : i32
        %mul3A_359 = arith.muli %select_n3A, %mul3A_358 : i32
        %sub3A_360 = arith.subi %sub3A_301, %mul3A_359 : i32
        %lt3A = vector.broadcast %sub3A_360 : i32 to vector<16xi32>
        %lt3A_361 = arith.cmpi slt, %iota3A, %lt3A : vector<16xi32>
        %and3A_362 = arith.andi %ge3A_357, %lt3A_361 : vector<16xi1>
        %mul3A_363 = arith.constant 16 : i32
        %mul3A_364 = arith.muli %select_n3A, %mul3A_363 : i32
        %mul3A_365 = arith.constant 16 : i32
        %mul3A_366 = arith.muli %select_n3A, %mul3A_365 : i32
        %eq3A_367 = arith.cmpi eq, %sub3A_292, %mul3A_366 : i32
        %get3A_368 = arith.index_cast %mul3A_364 : i32 to index
        %get3A_369 = tpu.vector_load %arg9[%get3A_368] {strides = array<i32>} : memref<20000xf32, #tpu.memory_space<vmem>>, vector<16xf32>,
        %get3A_370 = arith.index_cast %mul3A_364 : i32 to index
        %get3A_371 = tpu.vector_load %arg11[%get3A_370] {strides = array<i32>} : memref<20000xf32, #tpu.memory_space<vmem>>, vector<16xf32>,
        %select_n3A_372 = arith.select %eq3A_367, %get3A_369, %get3A_371 : vector<16xf32>
        %jit3A_373 = arith.constant 0.000000e+00 : f32
        %broadcast_in_dim3A_374 = vector.broadcast %jit3A_373 : f32 to vector<16xf32>
        %select_n3A_375 = arith.select %and3A_362, %broadcast_in_dim3A_306, %broadcast_in_dim3A_374 : vector<16xi1>, vector<16xf32>
        %add3A_376 = arith.addf %select_n3A_372, %select_n3A_375 : vector<16xf32>
        %swap3A_377 = arith.index_cast %mul3A_364 : i32 to index
        %swap3A_378 = tpu.vector_load %arg11[%swap3A_377] {strides = array<i32>} : memref<20000xf32, #tpu.memory_space<vmem>>, vector<16xf32>,
        tpu.vector_store %arg11[%swap3A_377], %add3A_376 {strides = array<i32>} : memref<20000xf32, #tpu.memory_space<vmem>>, vector<16xf32>,
        %gt3A_379 = arith.cmpi sgt, %select_n3A_353, %select_n3A : i32
        %convert_element_type3A_380 = arith.extui %gt3A_379 : i1 to i32
        %cond3A_381 = arith.constant 0 : i32
        %cond3A_382 = arith.cmpi ne, %convert_element_type3A_380, %cond3A_381 : i32
        scf.if %cond3A_382 {
          %mul3A_386 = arith.constant 16 : i32
          %mul3A_387 = arith.muli %select_n3A_353, %mul3A_386 : i32
          %mul3A_388 = arith.constant 16 : i32
          %mul3A_389 = arith.muli %select_n3A_353, %mul3A_388 : i32
          %sub3A_390 = arith.subi %sub3A_301, %mul3A_389 : i32
          %lt3A_391 = vector.broadcast %sub3A_390 : i32 to vector<16xi32>
          %lt3A_392 = arith.cmpi slt, %iota3A, %lt3A_391 : vector<16xi32>
          %get3A_393 = arith.index_cast %mul3A_387 : i32 to index
          %get3A_394 = tpu.vector_load %arg9[%get3A_393] {strides = array<i32>} : memref<20000xf32, #tpu.memory_space<vmem>>, vector<16xf32>,
          %jit3A_395 = arith.constant 0.000000e+00 : f32
          %broadcast_in_dim3A_396 = vector.broadcast %jit3A_395 : f32 to vector<16xf32>
          %select_n3A_397 = arith.select %lt3A_392, %broadcast_in_dim3A_306, %broadcast_in_dim3A_396 : vector<16xi1>, vector<16xf32>
          %add3A_398 = arith.addf %get3A_394, %select_n3A_397 : vector<16xf32>
          %swap3A_399 = arith.index_cast %mul3A_387 : i32 to index
          %swap3A_400 = tpu.vector_load %arg11[%swap3A_399] {strides = array<i32>} : memref<20000xf32, #tpu.memory_space<vmem>>, vector<16xf32>,
          tpu.vector_store %arg11[%swap3A_399], %add3A_398 {strides = array<i32>} : memref<20000xf32, #tpu.memory_space<vmem>>, vector<16xf32>,
        } else {
        }
        %add3A_383 = arith.constant 1 : i32
        %add3A_384 = arith.addi %select_n3A, %add3A_383 : i32
        %parallel_loop3A_385 = arith.constant 1 : i32
        scf.for %parallel_loop3A_386 = %add3A_384 to %select_n3A_353 step %parallel_loop3A_385  : i32 {
          %parallel_loop3A_387 = arith.constant 16 : i32
          %parallel_loop3A_388 = arith.muli %parallel_loop3A_386, %parallel_loop3A_387 : i32
          %parallel_loop3A_389 = arith.index_cast %parallel_loop3A_388 : i32 to index
          %parallel_loop3A_390 = tpu.vector_load %arg9[%parallel_loop3A_389] {strides = array<i32>} : memref<20000xf32, #tpu.memory_space<vmem>>, vector<16xf32>,
          %parallel_loop3A_391 = arith.addf %parallel_loop3A_390, %broadcast_in_dim3A_306 : vector<16xf32>
          %parallel_loop3A_392 = arith.index_cast %parallel_loop3A_388 : i32 to index
          %parallel_loop3A_393 = tpu.vector_load %arg11[%parallel_loop3A_392] {strides = array<i32>} : memref<20000xf32, #tpu.memory_space<vmem>>, vector<16xf32>,
          tpu.vector_store %arg11[%parallel_loop3A_392], %parallel_loop3A_391 {strides = array<i32>} : memref<20000xf32, #tpu.memory_space<vmem>>, vector<16xf32>,
        } {sc.loop_unroll_factor = 4 : i64, sc.parallel_access}
      } else {
      }
      %while3A_310 = arith.constant 0 : i32
      scf.yield %while3A_310 : i32
    }
    %while3A_224 = arith.constant 1 : i32
    %while3A_225 = scf.for %while3A_289 = %while3A_221 to %while3A_217 step %while3A_224 iter_args(%while3A_290 = %while3A_223) -> (i32)  : i32 {
      %get3A = arith.index_cast %while3A_289 : i32 to index
      %get3A_291 = tpu.vector_load %arg17[%get3A] {strides = array<i32>} : memref<1040xi32, #tpu.memory_space<vmem>>, vector<16xi32>,
      %slice3A = vector.extract_strided_slice %get3A_291 {offsets = [0], sizes = [1], strides = [1]} : vector<16xi32> to vector<1xi32>
      %squeeze3A = vector.extract %slice3A[0] : i32 from vector<1xi32>
      %max3A = arith.maxsi %squeeze3A, %add3A_194 : i32
      %sub3A_292 = arith.subi %max3A, %add3A_194 : i32
      %add3A_293 = arith.constant 1 : i32
      %add3A_294 = arith.addi %while3A_289, %add3A_293 : i32
      %get3A_295 = arith.index_cast %add3A_294 : i32 to index
      %get3A_296 = tpu.vector_load %arg17[%get3A_295] {strides = array<i32>} : memref<1040xi32, #tpu.memory_space<vmem>>, vector<16xi32>,
      %slice3A_297 = vector.extract_strided_slice %get3A_296 {offsets = [0], sizes = [1], strides = [1]} : vector<16xi32> to vector<1xi32>
      %squeeze3A_298 = vector.extract %slice3A_297[0] : i32 from vector<1xi32>
      %add3A_299 = arith.constant 20000 : i32
      %add3A_300 = arith.addi %add3A_194, %add3A_299 : i32
      %min3A = arith.minsi %squeeze3A_298, %add3A_300 : i32
      %sub3A_301 = arith.subi %min3A, %add3A_194 : i32
      %get3A_302 = arith.index_cast %while3A_289 : i32 to index
      %get3A_303 = tpu.vector_load %arg13[%get3A_302] {strides = array<i32>} : memref<1040xf32, #tpu.memory_space<vmem>>, vector<16xf32>,
      %slice3A_304 = vector.extract_strided_slice %get3A_303 {offsets = [0], sizes = [1], strides = [1]} : vector<16xf32> to vector<1xf32>
      %squeeze3A_305 = vector.extract %slice3A_304[0] : f32 from vector<1xf32>
      %broadcast_in_dim3A_306 = vector.broadcast %squeeze3A_305 : f32 to vector<16xf32>
      %gt3A = arith.cmpi sgt, %sub3A_301, %sub3A_292 : i32
      %convert_element_type3A_307 = arith.extui %gt3A : i1 to i32
      %cond3A_308 = arith.constant 0 : i32
      %cond3A_309 = arith.cmpi ne, %convert_element_type3A_307, %cond3A_308 : i32
      scf.if %cond3A_309 {
        %jit3A = arith.constant 16 : i32
        %div3A = arith.divsi %sub3A_292, %jit3A : i32
        %sign3A = arith.constant 0 : i32
        %sign3A_311 = arith.cmpi sgt, %sub3A_292, %sign3A : i32
        %sign3A_312 = arith.extui %sign3A_311 : i1 to i32
        %sign3A_313 = arith.constant 0 : i32
        %sign3A_314 = arith.cmpi slt, %sub3A_292, %sign3A_313 : i32
        %sign3A_315 = arith.extui %sign3A_314 : i1 to i32
        %sign3A_316 = arith.subi %sign3A_312, %sign3A_315 : i32
        %sign3A_317 = arith.constant 0 : i32
        %sign3A_318 = arith.cmpi sgt, %jit3A, %sign3A_317 : i32
        %sign3A_319 = arith.extui %sign3A_318 : i1 to i32
        %sign3A_320 = arith.constant 0 : i32
        %sign3A_321 = arith.cmpi slt, %jit3A, %sign3A_320 : i32
        %sign3A_322 = arith.extui %sign3A_321 : i1 to i32
        %sign3A_323 = arith.subi %sign3A_319, %sign3A_322 : i32
        %ne3A = arith.cmpi ne, %sign3A_316, %sign3A_323 : i32
        %rem3A = arith.remsi %sub3A_292, %jit3A : i32
        %ne3A_324 = arith.constant 0 : i32
        %ne3A_325 = arith.cmpi ne, %rem3A, %ne3A_324 : i32
        %and3A = arith.andi %ne3A, %ne3A_325 : i1
        %sub3A_326 = arith.constant 1 : i32
        %sub3A_327 = arith.subi %div3A, %sub3A_326 : i32
        %select_n3A = arith.select %and3A, %sub3A_327, %div3A : i32
        %sub3A_328 = arith.constant 1 : i32
        %sub3A_329 = arith.subi %sub3A_301, %sub3A_328 : i32
        %jit3A_330 = arith.constant 16 : i32
        %div3A_331 = arith.divsi %sub3A_329, %jit3A_330 : i32
        %sign3A_332 = arith.constant 0 : i32
        %sign3A_333 = arith.cmpi sgt, %sub3A_329, %sign3A_332 : i32
        %sign3A_334 = arith.extui %sign3A_333 : i1 to i32
        %sign3A_335 = arith.constant 0 : i32
        %sign3A_336 = arith.cmpi slt, %sub3A_329, %sign3A_335 : i32
        %sign3A_337 = arith.extui %sign3A_336 : i1 to i32
        %sign3A_338 = arith.subi %sign3A_334, %sign3A_337 : i32
        %sign3A_339 = arith.constant 0 : i32
        %sign3A_340 = arith.cmpi sgt, %jit3A_330, %sign3A_339 : i32
        %sign3A_341 = arith.extui %sign3A_340 : i1 to i32
        %sign3A_342 = arith.constant 0 : i32
        %sign3A_343 = arith.cmpi slt, %jit3A_330, %sign3A_342 : i32
        %sign3A_344 = arith.extui %sign3A_343 : i1 to i32
        %sign3A_345 = arith.subi %sign3A_341, %sign3A_344 : i32
        %ne3A_346 = arith.cmpi ne, %sign3A_338, %sign3A_345 : i32
        %rem3A_347 = arith.remsi %sub3A_329, %jit3A_330 : i32
        %ne3A_348 = arith.constant 0 : i32
        %ne3A_349 = arith.cmpi ne, %rem3A_347, %ne3A_348 : i32
        %and3A_350 = arith.andi %ne3A_346, %ne3A_349 : i1
        %sub3A_351 = arith.constant 1 : i32
        %sub3A_352 = arith.subi %div3A_331, %sub3A_351 : i32
        %select_n3A_353 = arith.select %and3A_350, %sub3A_352, %div3A_331 : i32
        %mul3A_354 = arith.constant 16 : i32
        %mul3A_355 = arith.muli %select_n3A, %mul3A_354 : i32
        %sub3A_356 = arith.subi %sub3A_292, %mul3A_355 : i32
        %ge3A = vector.broadcast %sub3A_356 : i32 to vector<16xi32>
        %ge3A_357 = arith.cmpi sge, %iota3A, %ge3A : vector<16xi32>
        %mul3A_358 = arith.constant 16 : i32
        %mul3A_359 = arith.muli %select_n3A, %mul3A_358 : i32
        %sub3A_360 = arith.subi %sub3A_301, %mul3A_359 : i32
        %lt3A = vector.broadcast %sub3A_360 : i32 to vector<16xi32>
        %lt3A_361 = arith.cmpi slt, %iota3A, %lt3A : vector<16xi32>
        %and3A_362 = arith.andi %ge3A_357, %lt3A_361 : vector<16xi1>
        %mul3A_363 = arith.constant 16 : i32
        %mul3A_364 = arith.muli %select_n3A, %mul3A_363 : i32
        %mul3A_365 = arith.constant 16 : i32
        %mul3A_366 = arith.muli %select_n3A, %mul3A_365 : i32
        %eq3A_367 = arith.cmpi eq, %sub3A_292, %mul3A_366 : i32
        %get3A_368 = arith.index_cast %mul3A_364 : i32 to index
        %get3A_369 = tpu.vector_load %arg9[%get3A_368] {strides = array<i32>} : memref<20000xf32, #tpu.memory_space<vmem>>, vector<16xf32>,
        %get3A_370 = arith.index_cast %mul3A_364 : i32 to index
        %get3A_371 = tpu.vector_load %arg11[%get3A_370] {strides = array<i32>} : memref<20000xf32, #tpu.memory_space<vmem>>, vector<16xf32>,
        %select_n3A_372 = arith.select %eq3A_367, %get3A_369, %get3A_371 : vector<16xf32>
        %jit3A_373 = arith.constant 0.000000e+00 : f32
        %broadcast_in_dim3A_374 = vector.broadcast %jit3A_373 : f32 to vector<16xf32>
        %select_n3A_375 = arith.select %and3A_362, %broadcast_in_dim3A_306, %broadcast_in_dim3A_374 : vector<16xi1>, vector<16xf32>
        %add3A_376 = arith.addf %select_n3A_372, %select_n3A_375 : vector<16xf32>
        %swap3A_377 = arith.index_cast %mul3A_364 : i32 to index
        %swap3A_378 = tpu.vector_load %arg11[%swap3A_377] {strides = array<i32>} : memref<20000xf32, #tpu.memory_space<vmem>>, vector<16xf32>,
        tpu.vector_store %arg11[%swap3A_377], %add3A_376 {strides = array<i32>} : memref<20000xf32, #tpu.memory_space<vmem>>, vector<16xf32>,
        %gt3A_379 = arith.cmpi sgt, %select_n3A_353, %select_n3A : i32
        %convert_element_type3A_380 = arith.extui %gt3A_379 : i1 to i32
        %cond3A_381 = arith.constant 0 : i32
        %cond3A_382 = arith.cmpi ne, %convert_element_type3A_380, %cond3A_381 : i32
        scf.if %cond3A_382 {
          %mul3A_386 = arith.constant 16 : i32
          %mul3A_387 = arith.muli %select_n3A_353, %mul3A_386 : i32
          %mul3A_388 = arith.constant 16 : i32
          %mul3A_389 = arith.muli %select_n3A_353, %mul3A_388 : i32
          %sub3A_390 = arith.subi %sub3A_301, %mul3A_389 : i32
          %lt3A_391 = vector.broadcast %sub3A_390 : i32 to vector<16xi32>
          %lt3A_392 = arith.cmpi slt, %iota3A, %lt3A_391 : vector<16xi32>
          %get3A_393 = arith.index_cast %mul3A_387 : i32 to index
          %get3A_394 = tpu.vector_load %arg9[%get3A_393] {strides = array<i32>} : memref<20000xf32, #tpu.memory_space<vmem>>, vector<16xf32>,
          %jit3A_395 = arith.constant 0.000000e+00 : f32
          %broadcast_in_dim3A_396 = vector.broadcast %jit3A_395 : f32 to vector<16xf32>
          %select_n3A_397 = arith.select %lt3A_392, %broadcast_in_dim3A_306, %broadcast_in_dim3A_396 : vector<16xi1>, vector<16xf32>
          %add3A_398 = arith.addf %get3A_394, %select_n3A_397 : vector<16xf32>
          %swap3A_399 = arith.index_cast %mul3A_387 : i32 to index
          %swap3A_400 = tpu.vector_load %arg11[%swap3A_399] {strides = array<i32>} : memref<20000xf32, #tpu.memory_space<vmem>>, vector<16xf32>,
          tpu.vector_store %arg11[%swap3A_399], %add3A_398 {strides = array<i32>} : memref<20000xf32, #tpu.memory_space<vmem>>, vector<16xf32>,
        } else {
        }
        %add3A_383 = arith.constant 1 : i32
        %add3A_384 = arith.addi %select_n3A, %add3A_383 : i32
        %parallel_loop3A_385 = arith.constant 1 : i32
        scf.for %parallel_loop3A_386 = %add3A_384 to %select_n3A_353 step %parallel_loop3A_385  : i32 {
          %parallel_loop3A_387 = arith.constant 16 : i32
          %parallel_loop3A_388 = arith.muli %parallel_loop3A_386, %parallel_loop3A_387 : i32
          %parallel_loop3A_389 = arith.index_cast %parallel_loop3A_388 : i32 to index
          %parallel_loop3A_390 = tpu.vector_load %arg9[%parallel_loop3A_389] {strides = array<i32>} : memref<20000xf32, #tpu.memory_space<vmem>>, vector<16xf32>,
          %parallel_loop3A_391 = arith.addf %parallel_loop3A_390, %broadcast_in_dim3A_306 : vector<16xf32>
          %parallel_loop3A_392 = arith.index_cast %parallel_loop3A_388 : i32 to index
          %parallel_loop3A_393 = tpu.vector_load %arg11[%parallel_loop3A_392] {strides = array<i32>} : memref<20000xf32, #tpu.memory_space<vmem>>, vector<16xf32>,
          tpu.vector_store %arg11[%parallel_loop3A_392], %parallel_loop3A_391 {strides = array<i32>} : memref<20000xf32, #tpu.memory_space<vmem>>, vector<16xf32>,
        } {sc.loop_unroll_factor = 4 : i64, sc.parallel_access}
      } else {
      }
      %while3A_310 = arith.constant 0 : i32
      scf.yield %while3A_310 : i32
    }
    %dma_start3A_226 = arith.constant 1 : i32
    %dma_start3A_227 = tpu.memref_slice %arg6[%add3A_194] : memref<3200000xf32, #tpu.memory_space<hbm>> -> memref<20000xf32, #tpu.memory_space<hbm>>
    %dma_start3A_228 = tpu.memref_slice %arg19[%dma_start3A_226] : memref<2x!tpu.dma_semaphore, #tpu.memory_space<semaphore_mem>> -> memref<1x!tpu.dma_semaphore, #tpu.memory_space<semaphore_mem>>
    %dma_start3A_229 = tpu.memref_squeeze %dma_start3A_228 : memref<1x!tpu.dma_semaphore, #tpu.memory_space<semaphore_mem>> -> memref<!tpu.dma_semaphore, #tpu.memory_space<semaphore_mem>>
    %dma_start3A_230 = tpu.memref_slice %arg6[%add3A_194] : memref<3200000xf32, #tpu.memory_space<hbm>> -> memref<20000xf32, #tpu.memory_space<hbm>>
    tpu.enqueue_dma source(%arg11 : memref<20000xf32, #tpu.memory_space<vmem>>) target(%dma_start3A_230 : memref<20000xf32, #tpu.memory_space<hbm>>) target_semaphore(%dma_start3A_229 : memref<!tpu.dma_semaphore, #tpu.memory_space<semaphore_mem>>)
    %dma_wait3A_231 = arith.constant 0 : i32
    %dma_wait3A_232 = tpu.memref_slice %arg2[%add3A_177] : memref<3200000xf32, #tpu.memory_space<hbm>> -> memref<20000xf32, #tpu.memory_space<hbm>>
    %dma_wait3A_233 = tpu.memref_slice %arg18[%dma_wait3A_231] : memref<2x!tpu.dma_semaphore, #tpu.memory_space<semaphore_mem>> -> memref<1x!tpu.dma_semaphore, #tpu.memory_space<semaphore_mem>>
    %dma_wait3A_234 = tpu.memref_squeeze %dma_wait3A_233 : memref<1x!tpu.dma_semaphore, #tpu.memory_space<semaphore_mem>> -> memref<!tpu.dma_semaphore, #tpu.memory_space<semaphore_mem>>
    %dma_wait3A_235 = tpu.memref_slice %arg2[%add3A_177] : memref<3200000xf32, #tpu.memory_space<hbm>> -> memref<20000xf32, #tpu.memory_space<hbm>>
    tpu.wait_dma2 semaphore(%dma_wait3A_234 : memref<!tpu.dma_semaphore, #tpu.memory_space<semaphore_mem>>) src(%dma_wait3A_235 : memref<20000xf32, #tpu.memory_space<hbm>>) dst(%arg8 : memref<20000xf32, #tpu.memory_space<vmem>>)
    %dma_wait3A_236 = arith.constant 0 : i32
    %dma_wait3A_237 = tpu.memref_slice %arg6[%add3A_139] : memref<3200000xf32, #tpu.memory_space<hbm>> -> memref<20000xf32, #tpu.memory_space<hbm>>
    %dma_wait3A_238 = tpu.memref_slice %arg19[%dma_wait3A_236] : memref<2x!tpu.dma_semaphore, #tpu.memory_space<semaphore_mem>> -> memref<1x!tpu.dma_semaphore, #tpu.memory_space<semaphore_mem>>
    %dma_wait3A_239 = tpu.memref_squeeze %dma_wait3A_238 : memref<1x!tpu.dma_semaphore, #tpu.memory_space<semaphore_mem>> -> memref<!tpu.dma_semaphore, #tpu.memory_space<semaphore_mem>>
    %dma_wait3A_240 = tpu.memref_slice %arg6[%add3A_139] : memref<3200000xf32, #tpu.memory_space<hbm>> -> memref<20000xf32, #tpu.memory_space<hbm>>
    tpu.wait_dma2 semaphore(%dma_wait3A_239 : memref<!tpu.dma_semaphore, #tpu.memory_space<semaphore_mem>>) src(%arg10 : memref<20000xf32, #tpu.memory_space<vmem>>) dst(%dma_wait3A_240 : memref<20000xf32, #tpu.memory_space<hbm>>)
    %add3A_241 = arith.constant 80000 : i32
    %add3A_242 = arith.addi %mul3A_2, %add3A_241 : i32
    %scan3A_243 = arith.constant 0 : i32
    %scan3A_244 = arith.constant 1024 : i32
    %scan3A_245 = arith.constant 0 : i32
    %scan3A_246 = arith.constant 11 : i32
    %scan3A_247 = arith.addi %scan3A_245, %scan3A_246 : i32
    %scan3A_248 = arith.constant 1 : i32
    %scan3A_249:2 = scf.for %scan3A_289 = %scan3A_245 to %scan3A_247 step %scan3A_248 iter_args(%scan3A_290 = %scan3A_243, %scan3A_291 = %scan3A_244) -> (i32, i32)  : i32 {
      %add3A_292 = arith.addi %scan3A_290, %scan3A_291 : i32
      %jit3A = arith.constant 2 : i32
      %div3A = arith.divsi %add3A_292, %jit3A : i32
      %sign3A = arith.constant 0 : i32
      %sign3A_293 = arith.cmpi sgt, %add3A_292, %sign3A : i32
      %sign3A_294 = arith.extui %sign3A_293 : i1 to i32
      %sign3A_295 = arith.constant 0 : i32
      %sign3A_296 = arith.cmpi slt, %add3A_292, %sign3A_295 : i32
      %sign3A_297 = arith.extui %sign3A_296 : i1 to i32
      %sign3A_298 = arith.subi %sign3A_294, %sign3A_297 : i32
      %sign3A_299 = arith.constant 0 : i32
      %sign3A_300 = arith.cmpi sgt, %jit3A, %sign3A_299 : i32
      %sign3A_301 = arith.extui %sign3A_300 : i1 to i32
      %sign3A_302 = arith.constant 0 : i32
      %sign3A_303 = arith.cmpi slt, %jit3A, %sign3A_302 : i32
      %sign3A_304 = arith.extui %sign3A_303 : i1 to i32
      %sign3A_305 = arith.subi %sign3A_301, %sign3A_304 : i32
      %ne3A = arith.cmpi ne, %sign3A_298, %sign3A_305 : i32
      %rem3A = arith.remsi %add3A_292, %jit3A : i32
      %ne3A_306 = arith.constant 0 : i32
      %ne3A_307 = arith.cmpi ne, %rem3A, %ne3A_306 : i32
      %and3A = arith.andi %ne3A, %ne3A_307 : i1
      %sub3A_308 = arith.constant 1 : i32
      %sub3A_309 = arith.subi %div3A, %sub3A_308 : i32
      %select_n3A = arith.select %and3A, %sub3A_309, %div3A : i32
      %get3A = arith.index_cast %select_n3A : i32 to index
      %get3A_310 = tpu.vector_load %arg17[%get3A] {strides = array<i32>} : memref<1040xi32, #tpu.memory_space<vmem>>, vector<16xi32>,
      %slice3A = vector.extract_strided_slice %get3A_310 {offsets = [0], sizes = [1], strides = [1]} : vector<16xi32> to vector<1xi32>
      %squeeze3A = vector.extract %slice3A[0] : i32 from vector<1xi32>
      %le3A = arith.cmpi sle, %squeeze3A, %add3A_242 : i32
      %gt3A = arith.cmpi sgt, %scan3A_291, %scan3A_290 : i32
      %and3A_311 = arith.andi %gt3A, %le3A : i1
      %add3A_312 = arith.constant 1 : i32
      %add3A_313 = arith.addi %select_n3A, %add3A_312 : i32
      %select_n3A_314 = arith.select %and3A_311, %add3A_313, %scan3A_290 : i32
      %not3A = arith.constant true
      %not3A_315 = arith.xori %le3A, %not3A : i1
      %and3A_316 = arith.andi %gt3A, %not3A_315 : i1
      %select_n3A_317 = arith.select %and3A_316, %select_n3A, %scan3A_291 : i32
      scf.yield %select_n3A_314, %select_n3A_317 : i32, i32
    }
    %scan3A_250 = arith.constant 11 : i32
    %sub3A_251 = arith.constant 1 : i32
    %sub3A_252 = arith.subi %scan3A_249#0, %sub3A_251 : i32
    %add3A_253 = arith.constant 20000 : i32
    %add3A_254 = arith.addi %add3A_242, %add3A_253 : i32
    %scan3A_255 = arith.constant 0 : i32
    %scan3A_256 = arith.constant 1024 : i32
    %scan3A_257 = arith.constant 0 : i32
    %scan3A_258 = arith.constant 11 : i32
    %scan3A_259 = arith.addi %scan3A_257, %scan3A_258 : i32
    %scan3A_260 = arith.constant 1 : i32
    %scan3A_261:2 = scf.for %scan3A_289 = %scan3A_257 to %scan3A_259 step %scan3A_260 iter_args(%scan3A_290 = %scan3A_255, %scan3A_291 = %scan3A_256) -> (i32, i32)  : i32 {
      %add3A_292 = arith.addi %scan3A_290, %scan3A_291 : i32
      %jit3A = arith.constant 2 : i32
      %div3A = arith.divsi %add3A_292, %jit3A : i32
      %sign3A = arith.constant 0 : i32
      %sign3A_293 = arith.cmpi sgt, %add3A_292, %sign3A : i32
      %sign3A_294 = arith.extui %sign3A_293 : i1 to i32
      %sign3A_295 = arith.constant 0 : i32
      %sign3A_296 = arith.cmpi slt, %add3A_292, %sign3A_295 : i32
      %sign3A_297 = arith.extui %sign3A_296 : i1 to i32
      %sign3A_298 = arith.subi %sign3A_294, %sign3A_297 : i32
      %sign3A_299 = arith.constant 0 : i32
      %sign3A_300 = arith.cmpi sgt, %jit3A, %sign3A_299 : i32
      %sign3A_301 = arith.extui %sign3A_300 : i1 to i32
      %sign3A_302 = arith.constant 0 : i32
      %sign3A_303 = arith.cmpi slt, %jit3A, %sign3A_302 : i32
      %sign3A_304 = arith.extui %sign3A_303 : i1 to i32
      %sign3A_305 = arith.subi %sign3A_301, %sign3A_304 : i32
      %ne3A = arith.cmpi ne, %sign3A_298, %sign3A_305 : i32
      %rem3A = arith.remsi %add3A_292, %jit3A : i32
      %ne3A_306 = arith.constant 0 : i32
      %ne3A_307 = arith.cmpi ne, %rem3A, %ne3A_306 : i32
      %and3A = arith.andi %ne3A, %ne3A_307 : i1
      %sub3A_308 = arith.constant 1 : i32
      %sub3A_309 = arith.subi %div3A, %sub3A_308 : i32
      %select_n3A = arith.select %and3A, %sub3A_309, %div3A : i32
      %get3A = arith.index_cast %select_n3A : i32 to index
      %get3A_310 = tpu.vector_load %arg17[%get3A] {strides = array<i32>} : memref<1040xi32, #tpu.memory_space<vmem>>, vector<16xi32>,
      %slice3A = vector.extract_strided_slice %get3A_310 {offsets = [0], sizes = [1], strides = [1]} : vector<16xi32> to vector<1xi32>
      %squeeze3A = vector.extract %slice3A[0] : i32 from vector<1xi32>
      %lt3A = arith.cmpi slt, %squeeze3A, %add3A_254 : i32
      %gt3A = arith.cmpi sgt, %scan3A_291, %scan3A_290 : i32
      %and3A_311 = arith.andi %gt3A, %lt3A : i1
      %add3A_312 = arith.constant 1 : i32
      %add3A_313 = arith.addi %select_n3A, %add3A_312 : i32
      %select_n3A_314 = arith.select %and3A_311, %add3A_313, %scan3A_290 : i32
      %not3A = arith.constant true
      %not3A_315 = arith.xori %lt3A, %not3A : i1
      %and3A_316 = arith.andi %gt3A, %not3A_315 : i1
      %select_n3A_317 = arith.select %and3A_316, %select_n3A, %scan3A_291 : i32
      scf.yield %select_n3A_314, %select_n3A_317 : i32, i32
    }
    %scan3A_262 = arith.constant 11 : i32
    %while3A_263 = arith.constant 0 : i32
    %while3A_264 = arith.subi %scan3A_261#0, %sub3A_252 : i32
    %while3A_265 = arith.addi %sub3A_252, %while3A_264 : i32
    %while3A_266 = arith.constant 1 : i32
    %while3A_267 = arith.divsi %while3A_264, %while3A_266 : i32
    %while3A_268 = arith.muli %while3A_267, %while3A_266 : i32
    %while3A_269 = arith.addi %sub3A_252, %while3A_268 : i32
    %while3A_270 = arith.constant 1 : i32
    %while3A_271 = scf.for %while3A_289 = %sub3A_252 to %while3A_269 step %while3A_270 iter_args(%while3A_290 = %while3A_263) -> (i32)  : i32 {
      %get3A = arith.index_cast %while3A_289 : i32 to index
      %get3A_291 = tpu.vector_load %arg17[%get3A] {strides = array<i32>} : memref<1040xi32, #tpu.memory_space<vmem>>, vector<16xi32>,
      %slice3A = vector.extract_strided_slice %get3A_291 {offsets = [0], sizes = [1], strides = [1]} : vector<16xi32> to vector<1xi32>
      %squeeze3A = vector.extract %slice3A[0] : i32 from vector<1xi32>
      %max3A = arith.maxsi %squeeze3A, %add3A_242 : i32
      %sub3A_292 = arith.subi %max3A, %add3A_242 : i32
      %add3A_293 = arith.constant 1 : i32
      %add3A_294 = arith.addi %while3A_289, %add3A_293 : i32
      %get3A_295 = arith.index_cast %add3A_294 : i32 to index
      %get3A_296 = tpu.vector_load %arg17[%get3A_295] {strides = array<i32>} : memref<1040xi32, #tpu.memory_space<vmem>>, vector<16xi32>,
      %slice3A_297 = vector.extract_strided_slice %get3A_296 {offsets = [0], sizes = [1], strides = [1]} : vector<16xi32> to vector<1xi32>
      %squeeze3A_298 = vector.extract %slice3A_297[0] : i32 from vector<1xi32>
      %add3A_299 = arith.constant 20000 : i32
      %add3A_300 = arith.addi %add3A_242, %add3A_299 : i32
      %min3A = arith.minsi %squeeze3A_298, %add3A_300 : i32
      %sub3A_301 = arith.subi %min3A, %add3A_242 : i32
      %get3A_302 = arith.index_cast %while3A_289 : i32 to index
      %get3A_303 = tpu.vector_load %arg13[%get3A_302] {strides = array<i32>} : memref<1040xf32, #tpu.memory_space<vmem>>, vector<16xf32>,
      %slice3A_304 = vector.extract_strided_slice %get3A_303 {offsets = [0], sizes = [1], strides = [1]} : vector<16xf32> to vector<1xf32>
      %squeeze3A_305 = vector.extract %slice3A_304[0] : f32 from vector<1xf32>
      %broadcast_in_dim3A_306 = vector.broadcast %squeeze3A_305 : f32 to vector<16xf32>
      %gt3A = arith.cmpi sgt, %sub3A_301, %sub3A_292 : i32
      %convert_element_type3A_307 = arith.extui %gt3A : i1 to i32
      %cond3A_308 = arith.constant 0 : i32
      %cond3A_309 = arith.cmpi ne, %convert_element_type3A_307, %cond3A_308 : i32
      scf.if %cond3A_309 {
        %jit3A = arith.constant 16 : i32
        %div3A = arith.divsi %sub3A_292, %jit3A : i32
        %sign3A = arith.constant 0 : i32
        %sign3A_311 = arith.cmpi sgt, %sub3A_292, %sign3A : i32
        %sign3A_312 = arith.extui %sign3A_311 : i1 to i32
        %sign3A_313 = arith.constant 0 : i32
        %sign3A_314 = arith.cmpi slt, %sub3A_292, %sign3A_313 : i32
        %sign3A_315 = arith.extui %sign3A_314 : i1 to i32
        %sign3A_316 = arith.subi %sign3A_312, %sign3A_315 : i32
        %sign3A_317 = arith.constant 0 : i32
        %sign3A_318 = arith.cmpi sgt, %jit3A, %sign3A_317 : i32
        %sign3A_319 = arith.extui %sign3A_318 : i1 to i32
        %sign3A_320 = arith.constant 0 : i32
        %sign3A_321 = arith.cmpi slt, %jit3A, %sign3A_320 : i32
        %sign3A_322 = arith.extui %sign3A_321 : i1 to i32
        %sign3A_323 = arith.subi %sign3A_319, %sign3A_322 : i32
        %ne3A = arith.cmpi ne, %sign3A_316, %sign3A_323 : i32
        %rem3A = arith.remsi %sub3A_292, %jit3A : i32
        %ne3A_324 = arith.constant 0 : i32
        %ne3A_325 = arith.cmpi ne, %rem3A, %ne3A_324 : i32
        %and3A = arith.andi %ne3A, %ne3A_325 : i1
        %sub3A_326 = arith.constant 1 : i32
        %sub3A_327 = arith.subi %div3A, %sub3A_326 : i32
        %select_n3A = arith.select %and3A, %sub3A_327, %div3A : i32
        %sub3A_328 = arith.constant 1 : i32
        %sub3A_329 = arith.subi %sub3A_301, %sub3A_328 : i32
        %jit3A_330 = arith.constant 16 : i32
        %div3A_331 = arith.divsi %sub3A_329, %jit3A_330 : i32
        %sign3A_332 = arith.constant 0 : i32
        %sign3A_333 = arith.cmpi sgt, %sub3A_329, %sign3A_332 : i32
        %sign3A_334 = arith.extui %sign3A_333 : i1 to i32
        %sign3A_335 = arith.constant 0 : i32
        %sign3A_336 = arith.cmpi slt, %sub3A_329, %sign3A_335 : i32
        %sign3A_337 = arith.extui %sign3A_336 : i1 to i32
        %sign3A_338 = arith.subi %sign3A_334, %sign3A_337 : i32
        %sign3A_339 = arith.constant 0 : i32
        %sign3A_340 = arith.cmpi sgt, %jit3A_330, %sign3A_339 : i32
        %sign3A_341 = arith.extui %sign3A_340 : i1 to i32
        %sign3A_342 = arith.constant 0 : i32
        %sign3A_343 = arith.cmpi slt, %jit3A_330, %sign3A_342 : i32
        %sign3A_344 = arith.extui %sign3A_343 : i1 to i32
        %sign3A_345 = arith.subi %sign3A_341, %sign3A_344 : i32
        %ne3A_346 = arith.cmpi ne, %sign3A_338, %sign3A_345 : i32
        %rem3A_347 = arith.remsi %sub3A_329, %jit3A_330 : i32
        %ne3A_348 = arith.constant 0 : i32
        %ne3A_349 = arith.cmpi ne, %rem3A_347, %ne3A_348 : i32
        %and3A_350 = arith.andi %ne3A_346, %ne3A_349 : i1
        %sub3A_351 = arith.constant 1 : i32
        %sub3A_352 = arith.subi %div3A_331, %sub3A_351 : i32
        %select_n3A_353 = arith.select %and3A_350, %sub3A_352, %div3A_331 : i32
        %mul3A_354 = arith.constant 16 : i32
        %mul3A_355 = arith.muli %select_n3A, %mul3A_354 : i32
        %sub3A_356 = arith.subi %sub3A_292, %mul3A_355 : i32
        %ge3A = vector.broadcast %sub3A_356 : i32 to vector<16xi32>
        %ge3A_357 = arith.cmpi sge, %iota3A, %ge3A : vector<16xi32>
        %mul3A_358 = arith.constant 16 : i32
        %mul3A_359 = arith.muli %select_n3A, %mul3A_358 : i32
        %sub3A_360 = arith.subi %sub3A_301, %mul3A_359 : i32
        %lt3A = vector.broadcast %sub3A_360 : i32 to vector<16xi32>
        %lt3A_361 = arith.cmpi slt, %iota3A, %lt3A : vector<16xi32>
        %and3A_362 = arith.andi %ge3A_357, %lt3A_361 : vector<16xi1>
        %mul3A_363 = arith.constant 16 : i32
        %mul3A_364 = arith.muli %select_n3A, %mul3A_363 : i32
        %mul3A_365 = arith.constant 16 : i32
        %mul3A_366 = arith.muli %select_n3A, %mul3A_365 : i32
        %eq3A_367 = arith.cmpi eq, %sub3A_292, %mul3A_366 : i32
        %get3A_368 = arith.index_cast %mul3A_364 : i32 to index
        %get3A_369 = tpu.vector_load %arg8[%get3A_368] {strides = array<i32>} : memref<20000xf32, #tpu.memory_space<vmem>>, vector<16xf32>,
        %get3A_370 = arith.index_cast %mul3A_364 : i32 to index
        %get3A_371 = tpu.vector_load %arg10[%get3A_370] {strides = array<i32>} : memref<20000xf32, #tpu.memory_space<vmem>>, vector<16xf32>,
        %select_n3A_372 = arith.select %eq3A_367, %get3A_369, %get3A_371 : vector<16xf32>
        %jit3A_373 = arith.constant 0.000000e+00 : f32
        %broadcast_in_dim3A_374 = vector.broadcast %jit3A_373 : f32 to vector<16xf32>
        %select_n3A_375 = arith.select %and3A_362, %broadcast_in_dim3A_306, %broadcast_in_dim3A_374 : vector<16xi1>, vector<16xf32>
        %add3A_376 = arith.addf %select_n3A_372, %select_n3A_375 : vector<16xf32>
        %swap3A_377 = arith.index_cast %mul3A_364 : i32 to index
        %swap3A_378 = tpu.vector_load %arg10[%swap3A_377] {strides = array<i32>} : memref<20000xf32, #tpu.memory_space<vmem>>, vector<16xf32>,
        tpu.vector_store %arg10[%swap3A_377], %add3A_376 {strides = array<i32>} : memref<20000xf32, #tpu.memory_space<vmem>>, vector<16xf32>,
        %gt3A_379 = arith.cmpi sgt, %select_n3A_353, %select_n3A : i32
        %convert_element_type3A_380 = arith.extui %gt3A_379 : i1 to i32
        %cond3A_381 = arith.constant 0 : i32
        %cond3A_382 = arith.cmpi ne, %convert_element_type3A_380, %cond3A_381 : i32
        scf.if %cond3A_382 {
          %mul3A_386 = arith.constant 16 : i32
          %mul3A_387 = arith.muli %select_n3A_353, %mul3A_386 : i32
          %mul3A_388 = arith.constant 16 : i32
          %mul3A_389 = arith.muli %select_n3A_353, %mul3A_388 : i32
          %sub3A_390 = arith.subi %sub3A_301, %mul3A_389 : i32
          %lt3A_391 = vector.broadcast %sub3A_390 : i32 to vector<16xi32>
          %lt3A_392 = arith.cmpi slt, %iota3A, %lt3A_391 : vector<16xi32>
          %get3A_393 = arith.index_cast %mul3A_387 : i32 to index
          %get3A_394 = tpu.vector_load %arg8[%get3A_393] {strides = array<i32>} : memref<20000xf32, #tpu.memory_space<vmem>>, vector<16xf32>,
          %jit3A_395 = arith.constant 0.000000e+00 : f32
          %broadcast_in_dim3A_396 = vector.broadcast %jit3A_395 : f32 to vector<16xf32>
          %select_n3A_397 = arith.select %lt3A_392, %broadcast_in_dim3A_306, %broadcast_in_dim3A_396 : vector<16xi1>, vector<16xf32>
          %add3A_398 = arith.addf %get3A_394, %select_n3A_397 : vector<16xf32>
          %swap3A_399 = arith.index_cast %mul3A_387 : i32 to index
          %swap3A_400 = tpu.vector_load %arg10[%swap3A_399] {strides = array<i32>} : memref<20000xf32, #tpu.memory_space<vmem>>, vector<16xf32>,
          tpu.vector_store %arg10[%swap3A_399], %add3A_398 {strides = array<i32>} : memref<20000xf32, #tpu.memory_space<vmem>>, vector<16xf32>,
        } else {
        }
        %add3A_383 = arith.constant 1 : i32
        %add3A_384 = arith.addi %select_n3A, %add3A_383 : i32
        %parallel_loop3A_385 = arith.constant 1 : i32
        scf.for %parallel_loop3A_386 = %add3A_384 to %select_n3A_353 step %parallel_loop3A_385  : i32 {
          %parallel_loop3A_387 = arith.constant 16 : i32
          %parallel_loop3A_388 = arith.muli %parallel_loop3A_386, %parallel_loop3A_387 : i32
          %parallel_loop3A_389 = arith.index_cast %parallel_loop3A_388 : i32 to index
          %parallel_loop3A_390 = tpu.vector_load %arg8[%parallel_loop3A_389] {strides = array<i32>} : memref<20000xf32, #tpu.memory_space<vmem>>, vector<16xf32>,
          %parallel_loop3A_391 = arith.addf %parallel_loop3A_390, %broadcast_in_dim3A_306 : vector<16xf32>
          %parallel_loop3A_392 = arith.index_cast %parallel_loop3A_388 : i32 to index
          %parallel_loop3A_393 = tpu.vector_load %arg10[%parallel_loop3A_392] {strides = array<i32>} : memref<20000xf32, #tpu.memory_space<vmem>>, vector<16xf32>,
          tpu.vector_store %arg10[%parallel_loop3A_392], %parallel_loop3A_391 {strides = array<i32>} : memref<20000xf32, #tpu.memory_space<vmem>>, vector<16xf32>,
        } {sc.loop_unroll_factor = 4 : i64, sc.parallel_access}
      } else {
      }
      %while3A_310 = arith.constant 0 : i32
      scf.yield %while3A_310 : i32
    }
    %while3A_272 = arith.constant 1 : i32
    %while3A_273 = scf.for %while3A_289 = %while3A_269 to %while3A_265 step %while3A_272 iter_args(%while3A_290 = %while3A_271) -> (i32)  : i32 {
      %get3A = arith.index_cast %while3A_289 : i32 to index
      %get3A_291 = tpu.vector_load %arg17[%get3A] {strides = array<i32>} : memref<1040xi32, #tpu.memory_space<vmem>>, vector<16xi32>,
      %slice3A = vector.extract_strided_slice %get3A_291 {offsets = [0], sizes = [1], strides = [1]} : vector<16xi32> to vector<1xi32>
      %squeeze3A = vector.extract %slice3A[0] : i32 from vector<1xi32>
      %max3A = arith.maxsi %squeeze3A, %add3A_242 : i32
      %sub3A_292 = arith.subi %max3A, %add3A_242 : i32
      %add3A_293 = arith.constant 1 : i32
      %add3A_294 = arith.addi %while3A_289, %add3A_293 : i32
      %get3A_295 = arith.index_cast %add3A_294 : i32 to index
      %get3A_296 = tpu.vector_load %arg17[%get3A_295] {strides = array<i32>} : memref<1040xi32, #tpu.memory_space<vmem>>, vector<16xi32>,
      %slice3A_297 = vector.extract_strided_slice %get3A_296 {offsets = [0], sizes = [1], strides = [1]} : vector<16xi32> to vector<1xi32>
      %squeeze3A_298 = vector.extract %slice3A_297[0] : i32 from vector<1xi32>
      %add3A_299 = arith.constant 20000 : i32
      %add3A_300 = arith.addi %add3A_242, %add3A_299 : i32
      %min3A = arith.minsi %squeeze3A_298, %add3A_300 : i32
      %sub3A_301 = arith.subi %min3A, %add3A_242 : i32
      %get3A_302 = arith.index_cast %while3A_289 : i32 to index
      %get3A_303 = tpu.vector_load %arg13[%get3A_302] {strides = array<i32>} : memref<1040xf32, #tpu.memory_space<vmem>>, vector<16xf32>,
      %slice3A_304 = vector.extract_strided_slice %get3A_303 {offsets = [0], sizes = [1], strides = [1]} : vector<16xf32> to vector<1xf32>
      %squeeze3A_305 = vector.extract %slice3A_304[0] : f32 from vector<1xf32>
      %broadcast_in_dim3A_306 = vector.broadcast %squeeze3A_305 : f32 to vector<16xf32>
      %gt3A = arith.cmpi sgt, %sub3A_301, %sub3A_292 : i32
      %convert_element_type3A_307 = arith.extui %gt3A : i1 to i32
      %cond3A_308 = arith.constant 0 : i32
      %cond3A_309 = arith.cmpi ne, %convert_element_type3A_307, %cond3A_308 : i32
      scf.if %cond3A_309 {
        %jit3A = arith.constant 16 : i32
        %div3A = arith.divsi %sub3A_292, %jit3A : i32
        %sign3A = arith.constant 0 : i32
        %sign3A_311 = arith.cmpi sgt, %sub3A_292, %sign3A : i32
        %sign3A_312 = arith.extui %sign3A_311 : i1 to i32
        %sign3A_313 = arith.constant 0 : i32
        %sign3A_314 = arith.cmpi slt, %sub3A_292, %sign3A_313 : i32
        %sign3A_315 = arith.extui %sign3A_314 : i1 to i32
        %sign3A_316 = arith.subi %sign3A_312, %sign3A_315 : i32
        %sign3A_317 = arith.constant 0 : i32
        %sign3A_318 = arith.cmpi sgt, %jit3A, %sign3A_317 : i32
        %sign3A_319 = arith.extui %sign3A_318 : i1 to i32
        %sign3A_320 = arith.constant 0 : i32
        %sign3A_321 = arith.cmpi slt, %jit3A, %sign3A_320 : i32
        %sign3A_322 = arith.extui %sign3A_321 : i1 to i32
        %sign3A_323 = arith.subi %sign3A_319, %sign3A_322 : i32
        %ne3A = arith.cmpi ne, %sign3A_316, %sign3A_323 : i32
        %rem3A = arith.remsi %sub3A_292, %jit3A : i32
        %ne3A_324 = arith.constant 0 : i32
        %ne3A_325 = arith.cmpi ne, %rem3A, %ne3A_324 : i32
        %and3A = arith.andi %ne3A, %ne3A_325 : i1
        %sub3A_326 = arith.constant 1 : i32
        %sub3A_327 = arith.subi %div3A, %sub3A_326 : i32
        %select_n3A = arith.select %and3A, %sub3A_327, %div3A : i32
        %sub3A_328 = arith.constant 1 : i32
        %sub3A_329 = arith.subi %sub3A_301, %sub3A_328 : i32
        %jit3A_330 = arith.constant 16 : i32
        %div3A_331 = arith.divsi %sub3A_329, %jit3A_330 : i32
        %sign3A_332 = arith.constant 0 : i32
        %sign3A_333 = arith.cmpi sgt, %sub3A_329, %sign3A_332 : i32
        %sign3A_334 = arith.extui %sign3A_333 : i1 to i32
        %sign3A_335 = arith.constant 0 : i32
        %sign3A_336 = arith.cmpi slt, %sub3A_329, %sign3A_335 : i32
        %sign3A_337 = arith.extui %sign3A_336 : i1 to i32
        %sign3A_338 = arith.subi %sign3A_334, %sign3A_337 : i32
        %sign3A_339 = arith.constant 0 : i32
        %sign3A_340 = arith.cmpi sgt, %jit3A_330, %sign3A_339 : i32
        %sign3A_341 = arith.extui %sign3A_340 : i1 to i32
        %sign3A_342 = arith.constant 0 : i32
        %sign3A_343 = arith.cmpi slt, %jit3A_330, %sign3A_342 : i32
        %sign3A_344 = arith.extui %sign3A_343 : i1 to i32
        %sign3A_345 = arith.subi %sign3A_341, %sign3A_344 : i32
        %ne3A_346 = arith.cmpi ne, %sign3A_338, %sign3A_345 : i32
        %rem3A_347 = arith.remsi %sub3A_329, %jit3A_330 : i32
        %ne3A_348 = arith.constant 0 : i32
        %ne3A_349 = arith.cmpi ne, %rem3A_347, %ne3A_348 : i32
        %and3A_350 = arith.andi %ne3A_346, %ne3A_349 : i1
        %sub3A_351 = arith.constant 1 : i32
        %sub3A_352 = arith.subi %div3A_331, %sub3A_351 : i32
        %select_n3A_353 = arith.select %and3A_350, %sub3A_352, %div3A_331 : i32
        %mul3A_354 = arith.constant 16 : i32
        %mul3A_355 = arith.muli %select_n3A, %mul3A_354 : i32
        %sub3A_356 = arith.subi %sub3A_292, %mul3A_355 : i32
        %ge3A = vector.broadcast %sub3A_356 : i32 to vector<16xi32>
        %ge3A_357 = arith.cmpi sge, %iota3A, %ge3A : vector<16xi32>
        %mul3A_358 = arith.constant 16 : i32
        %mul3A_359 = arith.muli %select_n3A, %mul3A_358 : i32
        %sub3A_360 = arith.subi %sub3A_301, %mul3A_359 : i32
        %lt3A = vector.broadcast %sub3A_360 : i32 to vector<16xi32>
        %lt3A_361 = arith.cmpi slt, %iota3A, %lt3A : vector<16xi32>
        %and3A_362 = arith.andi %ge3A_357, %lt3A_361 : vector<16xi1>
        %mul3A_363 = arith.constant 16 : i32
        %mul3A_364 = arith.muli %select_n3A, %mul3A_363 : i32
        %mul3A_365 = arith.constant 16 : i32
        %mul3A_366 = arith.muli %select_n3A, %mul3A_365 : i32
        %eq3A_367 = arith.cmpi eq, %sub3A_292, %mul3A_366 : i32
        %get3A_368 = arith.index_cast %mul3A_364 : i32 to index
        %get3A_369 = tpu.vector_load %arg8[%get3A_368] {strides = array<i32>} : memref<20000xf32, #tpu.memory_space<vmem>>, vector<16xf32>,
        %get3A_370 = arith.index_cast %mul3A_364 : i32 to index
        %get3A_371 = tpu.vector_load %arg10[%get3A_370] {strides = array<i32>} : memref<20000xf32, #tpu.memory_space<vmem>>, vector<16xf32>,
        %select_n3A_372 = arith.select %eq3A_367, %get3A_369, %get3A_371 : vector<16xf32>
        %jit3A_373 = arith.constant 0.000000e+00 : f32
        %broadcast_in_dim3A_374 = vector.broadcast %jit3A_373 : f32 to vector<16xf32>
        %select_n3A_375 = arith.select %and3A_362, %broadcast_in_dim3A_306, %broadcast_in_dim3A_374 : vector<16xi1>, vector<16xf32>
        %add3A_376 = arith.addf %select_n3A_372, %select_n3A_375 : vector<16xf32>
        %swap3A_377 = arith.index_cast %mul3A_364 : i32 to index
        %swap3A_378 = tpu.vector_load %arg10[%swap3A_377] {strides = array<i32>} : memref<20000xf32, #tpu.memory_space<vmem>>, vector<16xf32>,
        tpu.vector_store %arg10[%swap3A_377], %add3A_376 {strides = array<i32>} : memref<20000xf32, #tpu.memory_space<vmem>>, vector<16xf32>,
        %gt3A_379 = arith.cmpi sgt, %select_n3A_353, %select_n3A : i32
        %convert_element_type3A_380 = arith.extui %gt3A_379 : i1 to i32
        %cond3A_381 = arith.constant 0 : i32
        %cond3A_382 = arith.cmpi ne, %convert_element_type3A_380, %cond3A_381 : i32
        scf.if %cond3A_382 {
          %mul3A_386 = arith.constant 16 : i32
          %mul3A_387 = arith.muli %select_n3A_353, %mul3A_386 : i32
          %mul3A_388 = arith.constant 16 : i32
          %mul3A_389 = arith.muli %select_n3A_353, %mul3A_388 : i32
          %sub3A_390 = arith.subi %sub3A_301, %mul3A_389 : i32
          %lt3A_391 = vector.broadcast %sub3A_390 : i32 to vector<16xi32>
          %lt3A_392 = arith.cmpi slt, %iota3A, %lt3A_391 : vector<16xi32>
          %get3A_393 = arith.index_cast %mul3A_387 : i32 to index
          %get3A_394 = tpu.vector_load %arg8[%get3A_393] {strides = array<i32>} : memref<20000xf32, #tpu.memory_space<vmem>>, vector<16xf32>,
          %jit3A_395 = arith.constant 0.000000e+00 : f32
          %broadcast_in_dim3A_396 = vector.broadcast %jit3A_395 : f32 to vector<16xf32>
          %select_n3A_397 = arith.select %lt3A_392, %broadcast_in_dim3A_306, %broadcast_in_dim3A_396 : vector<16xi1>, vector<16xf32>
          %add3A_398 = arith.addf %get3A_394, %select_n3A_397 : vector<16xf32>
          %swap3A_399 = arith.index_cast %mul3A_387 : i32 to index
          %swap3A_400 = tpu.vector_load %arg10[%swap3A_399] {strides = array<i32>} : memref<20000xf32, #tpu.memory_space<vmem>>, vector<16xf32>,
          tpu.vector_store %arg10[%swap3A_399], %add3A_398 {strides = array<i32>} : memref<20000xf32, #tpu.memory_space<vmem>>, vector<16xf32>,
        } else {
        }
        %add3A_383 = arith.constant 1 : i32
        %add3A_384 = arith.addi %select_n3A, %add3A_383 : i32
        %parallel_loop3A_385 = arith.constant 1 : i32
        scf.for %parallel_loop3A_386 = %add3A_384 to %select_n3A_353 step %parallel_loop3A_385  : i32 {
          %parallel_loop3A_387 = arith.constant 16 : i32
          %parallel_loop3A_388 = arith.muli %parallel_loop3A_386, %parallel_loop3A_387 : i32
          %parallel_loop3A_389 = arith.index_cast %parallel_loop3A_388 : i32 to index
          %parallel_loop3A_390 = tpu.vector_load %arg8[%parallel_loop3A_389] {strides = array<i32>} : memref<20000xf32, #tpu.memory_space<vmem>>, vector<16xf32>,
          %parallel_loop3A_391 = arith.addf %parallel_loop3A_390, %broadcast_in_dim3A_306 : vector<16xf32>
          %parallel_loop3A_392 = arith.index_cast %parallel_loop3A_388 : i32 to index
          %parallel_loop3A_393 = tpu.vector_load %arg10[%parallel_loop3A_392] {strides = array<i32>} : memref<20000xf32, #tpu.memory_space<vmem>>, vector<16xf32>,
          tpu.vector_store %arg10[%parallel_loop3A_392], %parallel_loop3A_391 {strides = array<i32>} : memref<20000xf32, #tpu.memory_space<vmem>>, vector<16xf32>,
        } {sc.loop_unroll_factor = 4 : i64, sc.parallel_access}
      } else {
      }
      %while3A_310 = arith.constant 0 : i32
      scf.yield %while3A_310 : i32
    }
    %dma_start3A_274 = arith.constant 0 : i32
    %dma_start3A_275 = tpu.memref_slice %arg6[%add3A_242] : memref<3200000xf32, #tpu.memory_space<hbm>> -> memref<20000xf32, #tpu.memory_space<hbm>>
    %dma_start3A_276 = tpu.memref_slice %arg19[%dma_start3A_274] : memref<2x!tpu.dma_semaphore, #tpu.memory_space<semaphore_mem>> -> memref<1x!tpu.dma_semaphore, #tpu.memory_space<semaphore_mem>>
    %dma_start3A_277 = tpu.memref_squeeze %dma_start3A_276 : memref<1x!tpu.dma_semaphore, #tpu.memory_space<semaphore_mem>> -> memref<!tpu.dma_semaphore, #tpu.memory_space<semaphore_mem>>
    %dma_start3A_278 = tpu.memref_slice %arg6[%add3A_242] : memref<3200000xf32, #tpu.memory_space<hbm>> -> memref<20000xf32, #tpu.memory_space<hbm>>
    tpu.enqueue_dma source(%arg10 : memref<20000xf32, #tpu.memory_space<vmem>>) target(%dma_start3A_278 : memref<20000xf32, #tpu.memory_space<hbm>>) target_semaphore(%dma_start3A_277 : memref<!tpu.dma_semaphore, #tpu.memory_space<semaphore_mem>>)
    %dma_wait3A_279 = arith.constant 0 : i32
    %dma_wait3A_280 = tpu.memref_slice %arg6[%add3A_242] : memref<3200000xf32, #tpu.memory_space<hbm>> -> memref<20000xf32, #tpu.memory_space<hbm>>
    %dma_wait3A_281 = tpu.memref_slice %arg19[%dma_wait3A_279] : memref<2x!tpu.dma_semaphore, #tpu.memory_space<semaphore_mem>> -> memref<1x!tpu.dma_semaphore, #tpu.memory_space<semaphore_mem>>
    %dma_wait3A_282 = tpu.memref_squeeze %dma_wait3A_281 : memref<1x!tpu.dma_semaphore, #tpu.memory_space<semaphore_mem>> -> memref<!tpu.dma_semaphore, #tpu.memory_space<semaphore_mem>>
    %dma_wait3A_283 = tpu.memref_slice %arg6[%add3A_242] : memref<3200000xf32, #tpu.memory_space<hbm>> -> memref<20000xf32, #tpu.memory_space<hbm>>
    tpu.wait_dma2 semaphore(%dma_wait3A_282 : memref<!tpu.dma_semaphore, #tpu.memory_space<semaphore_mem>>) src(%arg10 : memref<20000xf32, #tpu.memory_space<vmem>>) dst(%dma_wait3A_283 : memref<20000xf32, #tpu.memory_space<hbm>>)
    %dma_wait3A_284 = arith.constant 1 : i32
    %dma_wait3A_285 = tpu.memref_slice %arg6[%add3A_194] : memref<3200000xf32, #tpu.memory_space<hbm>> -> memref<20000xf32, #tpu.memory_space<hbm>>
    %dma_wait3A_286 = tpu.memref_slice %arg19[%dma_wait3A_284] : memref<2x!tpu.dma_semaphore, #tpu.memory_space<semaphore_mem>> -> memref<1x!tpu.dma_semaphore, #tpu.memory_space<semaphore_mem>>
    %dma_wait3A_287 = tpu.memref_squeeze %dma_wait3A_286 : memref<1x!tpu.dma_semaphore, #tpu.memory_space<semaphore_mem>> -> memref<!tpu.dma_semaphore, #tpu.memory_space<semaphore_mem>>
    %dma_wait3A_288 = tpu.memref_slice %arg6[%add3A_194] : memref<3200000xf32, #tpu.memory_space<hbm>> -> memref<20000xf32, #tpu.memory_space<hbm>>
    tpu.wait_dma2 semaphore(%dma_wait3A_287 : memref<!tpu.dma_semaphore, #tpu.memory_space<semaphore_mem>>) src(%arg11 : memref<20000xf32, #tpu.memory_space<vmem>>) dst(%dma_wait3A_288 : memref<20000xf32, #tpu.memory_space<hbm>>)
    return
  }
}

#map = affine_map<(d0, d1) -> (0)>
module attributes {stable_mosaic.version = 14 : i64} {
  func.func @_pass1_body(%arg0: i32, %arg1: i32, %arg2: memref<3200000xi32, #tpu.memory_space<hbm>>, %arg3: memref<3200000xf32, #tpu.memory_space<hbm>>, %arg4: memref<32768xf32, #tpu.memory_space<hbm>>, %arg5: memref<32768xf32, #tpu.memory_space<hbm>>, %arg6: memref<20000xi32, #tpu.memory_space<vmem>>, %arg7: memref<20000xi32, #tpu.memory_space<vmem>>, %arg8: memref<20000xf32, #tpu.memory_space<vmem>>, %arg9: memref<20000xf32, #tpu.memory_space<vmem>>, %arg10: memref<16400xf32, #tpu.memory_space<vmem>>, %arg11: memref<16400xf32, #tpu.memory_space<vmem>>, %arg12: memref<1024xf32, #tpu.memory_space<vmem>>, %arg13: memref<2x!tpu.dma_semaphore, #tpu.memory_space<semaphore_mem>>) attributes {dimension_semantics = [#tpu.dimension_semantics<core_parallel>, #tpu.dimension_semantics<subcore_parallel>], iteration_bounds = array<i64: 2, 16>, scalar_prefetch = 0 : i64, scratch_operands = 8 : i64, tpu.core_type = #tpu.core_type<sc_vector_subcore>, window_params = [{transform_indices = #map}, {transform_indices = #map}, {transform_indices = #map}, {transform_indices = #map}]} {
    %mul3A = arith.constant 2 : i32
    %mul3A_0 = arith.muli %arg1, %mul3A : i32
    %add3A = arith.addi %mul3A_0, %arg0 : i32
    %mul3A_1 = arith.constant 100000 : i32
    %mul3A_2 = arith.muli %add3A, %mul3A_1 : i32
    %iota3A = tpu.iota {dimensions = array<i32: 0>} : vector<16xi32>
    %mul3A_3 = arith.constant 1025 : i32
    %mul3A_4 = vector.broadcast %mul3A_3 : i32 to vector<16xi32>
    %mul3A_5 = arith.muli %iota3A, %mul3A_4 : vector<16xi32>
    %broadcast_in_dim3A = arith.constant 1.000000e+00 : f32
    %broadcast_in_dim3A_6 = vector.broadcast %broadcast_in_dim3A : f32 to vector<16xf32>
    %broadcast_in_dim3A_7 = arith.constant 0.000000e+00 : f32
    %broadcast_in_dim3A_8 = vector.broadcast %broadcast_in_dim3A_7 : f32 to vector<16xf32>
    %add3A_9 = arith.constant 0 : i32
    %add3A_10 = arith.addi %mul3A_2, %add3A_9 : i32
    %dma_start3A = arith.constant 0 : i32
    %dma_start3A_11 = tpu.memref_slice %arg2[%add3A_10] : memref<3200000xi32, #tpu.memory_space<hbm>> -> memref<20000xi32, #tpu.memory_space<hbm>>
    %dma_start3A_12 = tpu.memref_slice %arg13[%dma_start3A] : memref<2x!tpu.dma_semaphore, #tpu.memory_space<semaphore_mem>> -> memref<1x!tpu.dma_semaphore, #tpu.memory_space<semaphore_mem>>
    %dma_start3A_13 = tpu.memref_squeeze %dma_start3A_12 : memref<1x!tpu.dma_semaphore, #tpu.memory_space<semaphore_mem>> -> memref<!tpu.dma_semaphore, #tpu.memory_space<semaphore_mem>>
    %dma_start3A_14 = tpu.memref_slice %arg2[%add3A_10] : memref<3200000xi32, #tpu.memory_space<hbm>> -> memref<20000xi32, #tpu.memory_space<hbm>>
    tpu.enqueue_dma source(%dma_start3A_14 : memref<20000xi32, #tpu.memory_space<hbm>>) target(%arg6 : memref<20000xi32, #tpu.memory_space<vmem>>) target_semaphore(%dma_start3A_13 : memref<!tpu.dma_semaphore, #tpu.memory_space<semaphore_mem>>)
    %dma_start3A_15 = arith.constant 0 : i32
    %dma_start3A_16 = tpu.memref_slice %arg3[%add3A_10] : memref<3200000xf32, #tpu.memory_space<hbm>> -> memref<20000xf32, #tpu.memory_space<hbm>>
    %dma_start3A_17 = tpu.memref_slice %arg13[%dma_start3A_15] : memref<2x!tpu.dma_semaphore, #tpu.memory_space<semaphore_mem>> -> memref<1x!tpu.dma_semaphore, #tpu.memory_space<semaphore_mem>>
    %dma_start3A_18 = tpu.memref_squeeze %dma_start3A_17 : memref<1x!tpu.dma_semaphore, #tpu.memory_space<semaphore_mem>> -> memref<!tpu.dma_semaphore, #tpu.memory_space<semaphore_mem>>
    %dma_start3A_19 = tpu.memref_slice %arg3[%add3A_10] : memref<3200000xf32, #tpu.memory_space<hbm>> -> memref<20000xf32, #tpu.memory_space<hbm>>
    tpu.enqueue_dma source(%dma_start3A_19 : memref<20000xf32, #tpu.memory_space<hbm>>) target(%arg8 : memref<20000xf32, #tpu.memory_space<vmem>>) target_semaphore(%dma_start3A_18 : memref<!tpu.dma_semaphore, #tpu.memory_space<semaphore_mem>>)
    %parallel_loop3A = arith.constant 0 : i32
    %parallel_loop3A_20 = arith.constant 1025 : i32
    %parallel_loop3A_21 = arith.constant 1 : i32
    scf.for %parallel_loop3A_144 = %parallel_loop3A to %parallel_loop3A_20 step %parallel_loop3A_21  : i32 {
      %parallel_loop3A_145 = arith.constant 16 : i32
      %parallel_loop3A_146 = arith.muli %parallel_loop3A_144, %parallel_loop3A_145 : i32
      %parallel_loop3A_147 = arith.index_cast %parallel_loop3A_146 : i32 to index
      %parallel_loop3A_148 = tpu.vector_load %arg10[%parallel_loop3A_147] {strides = array<i32>} : memref<16400xf32, #tpu.memory_space<vmem>>, vector<16xf32>,
      tpu.vector_store %arg10[%parallel_loop3A_147], %broadcast_in_dim3A_8 {strides = array<i32>} : memref<16400xf32, #tpu.memory_space<vmem>>, vector<16xf32>,
      %parallel_loop3A_149 = arith.index_cast %parallel_loop3A_146 : i32 to index
      %parallel_loop3A_150 = tpu.vector_load %arg11[%parallel_loop3A_149] {strides = array<i32>} : memref<16400xf32, #tpu.memory_space<vmem>>, vector<16xf32>,
      tpu.vector_store %arg11[%parallel_loop3A_149], %broadcast_in_dim3A_8 {strides = array<i32>} : memref<16400xf32, #tpu.memory_space<vmem>>, vector<16xf32>,
    } {sc.loop_unroll_factor = 5 : i64, sc.parallel_access}
    %add3A_22 = arith.constant 20000 : i32
    %add3A_23 = arith.addi %mul3A_2, %add3A_22 : i32
    %dma_start3A_24 = arith.constant 1 : i32
    %dma_start3A_25 = tpu.memref_slice %arg2[%add3A_23] : memref<3200000xi32, #tpu.memory_space<hbm>> -> memref<20000xi32, #tpu.memory_space<hbm>>
    %dma_start3A_26 = tpu.memref_slice %arg13[%dma_start3A_24] : memref<2x!tpu.dma_semaphore, #tpu.memory_space<semaphore_mem>> -> memref<1x!tpu.dma_semaphore, #tpu.memory_space<semaphore_mem>>
    %dma_start3A_27 = tpu.memref_squeeze %dma_start3A_26 : memref<1x!tpu.dma_semaphore, #tpu.memory_space<semaphore_mem>> -> memref<!tpu.dma_semaphore, #tpu.memory_space<semaphore_mem>>
    %dma_start3A_28 = tpu.memref_slice %arg2[%add3A_23] : memref<3200000xi32, #tpu.memory_space<hbm>> -> memref<20000xi32, #tpu.memory_space<hbm>>
    tpu.enqueue_dma source(%dma_start3A_28 : memref<20000xi32, #tpu.memory_space<hbm>>) target(%arg7 : memref<20000xi32, #tpu.memory_space<vmem>>) target_semaphore(%dma_start3A_27 : memref<!tpu.dma_semaphore, #tpu.memory_space<semaphore_mem>>)
    %dma_start3A_29 = arith.constant 1 : i32
    %dma_start3A_30 = tpu.memref_slice %arg3[%add3A_23] : memref<3200000xf32, #tpu.memory_space<hbm>> -> memref<20000xf32, #tpu.memory_space<hbm>>
    %dma_start3A_31 = tpu.memref_slice %arg13[%dma_start3A_29] : memref<2x!tpu.dma_semaphore, #tpu.memory_space<semaphore_mem>> -> memref<1x!tpu.dma_semaphore, #tpu.memory_space<semaphore_mem>>
    %dma_start3A_32 = tpu.memref_squeeze %dma_start3A_31 : memref<1x!tpu.dma_semaphore, #tpu.memory_space<semaphore_mem>> -> memref<!tpu.dma_semaphore, #tpu.memory_space<semaphore_mem>>
    %dma_start3A_33 = tpu.memref_slice %arg3[%add3A_23] : memref<3200000xf32, #tpu.memory_space<hbm>> -> memref<20000xf32, #tpu.memory_space<hbm>>
    tpu.enqueue_dma source(%dma_start3A_33 : memref<20000xf32, #tpu.memory_space<hbm>>) target(%arg9 : memref<20000xf32, #tpu.memory_space<vmem>>) target_semaphore(%dma_start3A_32 : memref<!tpu.dma_semaphore, #tpu.memory_space<semaphore_mem>>)
    %dma_wait3A = arith.constant 0 : i32
    %dma_wait3A_34 = tpu.memref_slice %arg2[%add3A_10] : memref<3200000xi32, #tpu.memory_space<hbm>> -> memref<20000xi32, #tpu.memory_space<hbm>>
    %dma_wait3A_35 = tpu.memref_slice %arg13[%dma_wait3A] : memref<2x!tpu.dma_semaphore, #tpu.memory_space<semaphore_mem>> -> memref<1x!tpu.dma_semaphore, #tpu.memory_space<semaphore_mem>>
    %dma_wait3A_36 = tpu.memref_squeeze %dma_wait3A_35 : memref<1x!tpu.dma_semaphore, #tpu.memory_space<semaphore_mem>> -> memref<!tpu.dma_semaphore, #tpu.memory_space<semaphore_mem>>
    %dma_wait3A_37 = tpu.memref_slice %arg2[%add3A_10] : memref<3200000xi32, #tpu.memory_space<hbm>> -> memref<20000xi32, #tpu.memory_space<hbm>>
    tpu.wait_dma2 semaphore(%dma_wait3A_36 : memref<!tpu.dma_semaphore, #tpu.memory_space<semaphore_mem>>) src(%dma_wait3A_37 : memref<20000xi32, #tpu.memory_space<hbm>>) dst(%arg6 : memref<20000xi32, #tpu.memory_space<vmem>>)
    %dma_wait3A_38 = arith.constant 0 : i32
    %dma_wait3A_39 = tpu.memref_slice %arg3[%add3A_10] : memref<3200000xf32, #tpu.memory_space<hbm>> -> memref<20000xf32, #tpu.memory_space<hbm>>
    %dma_wait3A_40 = tpu.memref_slice %arg13[%dma_wait3A_38] : memref<2x!tpu.dma_semaphore, #tpu.memory_space<semaphore_mem>> -> memref<1x!tpu.dma_semaphore, #tpu.memory_space<semaphore_mem>>
    %dma_wait3A_41 = tpu.memref_squeeze %dma_wait3A_40 : memref<1x!tpu.dma_semaphore, #tpu.memory_space<semaphore_mem>> -> memref<!tpu.dma_semaphore, #tpu.memory_space<semaphore_mem>>
    %dma_wait3A_42 = tpu.memref_slice %arg3[%add3A_10] : memref<3200000xf32, #tpu.memory_space<hbm>> -> memref<20000xf32, #tpu.memory_space<hbm>>
    tpu.wait_dma2 semaphore(%dma_wait3A_41 : memref<!tpu.dma_semaphore, #tpu.memory_space<semaphore_mem>>) src(%dma_wait3A_42 : memref<20000xf32, #tpu.memory_space<hbm>>) dst(%arg8 : memref<20000xf32, #tpu.memory_space<vmem>>)
    %parallel_loop3A_43 = arith.constant 0 : i32
    %parallel_loop3A_44 = arith.constant 1250 : i32
    %parallel_loop3A_45 = arith.constant 5 : i32
    scf.for %parallel_loop3A_144 = %parallel_loop3A_43 to %parallel_loop3A_44 step %parallel_loop3A_45  : i32 {
      %parallel_loop3A_145 = arith.constant 0 : i32
      %parallel_loop3A_146 = arith.addi %parallel_loop3A_144, %parallel_loop3A_145 : i32
      %parallel_loop3A_147 = arith.constant 16 : i32
      %parallel_loop3A_148 = arith.muli %parallel_loop3A_146, %parallel_loop3A_147 : i32
      %parallel_loop3A_149 = arith.index_cast %parallel_loop3A_148 : i32 to index
      %parallel_loop3A_150 = tpu.vector_load %arg6[%parallel_loop3A_149] {strides = array<i32>} : memref<20000xi32, #tpu.memory_space<vmem>>, vector<16xi32>,
      %parallel_loop3A_151 = arith.index_cast %parallel_loop3A_148 : i32 to index
      %parallel_loop3A_152 = tpu.vector_load %arg8[%parallel_loop3A_151] {strides = array<i32>} : memref<20000xf32, #tpu.memory_space<vmem>>, vector<16xf32>,
      %parallel_loop3A_153 = arith.addi %mul3A_5, %parallel_loop3A_150 : vector<16xi32>
      tpu.vector_store_idx %arg10[%parallel_loop3A_153], %parallel_loop3A_152 {add = true} : memref<16400xf32, #tpu.memory_space<vmem>>[vector<16xi32>], vector<16xf32>,
      tpu.vector_store_idx %arg11[%parallel_loop3A_153], %broadcast_in_dim3A_6 {add = true} : memref<16400xf32, #tpu.memory_space<vmem>>[vector<16xi32>], vector<16xf32>,
      %parallel_loop3A_154 = arith.constant 1 : i32
      %parallel_loop3A_155 = arith.addi %parallel_loop3A_144, %parallel_loop3A_154 : i32
      %parallel_loop3A_156 = arith.constant 16 : i32
      %parallel_loop3A_157 = arith.muli %parallel_loop3A_155, %parallel_loop3A_156 : i32
      %parallel_loop3A_158 = arith.index_cast %parallel_loop3A_157 : i32 to index
      %parallel_loop3A_159 = tpu.vector_load %arg6[%parallel_loop3A_158] {strides = array<i32>} : memref<20000xi32, #tpu.memory_space<vmem>>, vector<16xi32>,
      %parallel_loop3A_160 = arith.index_cast %parallel_loop3A_157 : i32 to index
      %parallel_loop3A_161 = tpu.vector_load %arg8[%parallel_loop3A_160] {strides = array<i32>} : memref<20000xf32, #tpu.memory_space<vmem>>, vector<16xf32>,
      %parallel_loop3A_162 = arith.addi %mul3A_5, %parallel_loop3A_159 : vector<16xi32>
      tpu.vector_store_idx %arg10[%parallel_loop3A_162], %parallel_loop3A_161 {add = true} : memref<16400xf32, #tpu.memory_space<vmem>>[vector<16xi32>], vector<16xf32>,
      tpu.vector_store_idx %arg11[%parallel_loop3A_162], %broadcast_in_dim3A_6 {add = true} : memref<16400xf32, #tpu.memory_space<vmem>>[vector<16xi32>], vector<16xf32>,
      %parallel_loop3A_163 = arith.constant 2 : i32
      %parallel_loop3A_164 = arith.addi %parallel_loop3A_144, %parallel_loop3A_163 : i32
      %parallel_loop3A_165 = arith.constant 16 : i32
      %parallel_loop3A_166 = arith.muli %parallel_loop3A_164, %parallel_loop3A_165 : i32
      %parallel_loop3A_167 = arith.index_cast %parallel_loop3A_166 : i32 to index
      %parallel_loop3A_168 = tpu.vector_load %arg6[%parallel_loop3A_167] {strides = array<i32>} : memref<20000xi32, #tpu.memory_space<vmem>>, vector<16xi32>,
      %parallel_loop3A_169 = arith.index_cast %parallel_loop3A_166 : i32 to index
      %parallel_loop3A_170 = tpu.vector_load %arg8[%parallel_loop3A_169] {strides = array<i32>} : memref<20000xf32, #tpu.memory_space<vmem>>, vector<16xf32>,
      %parallel_loop3A_171 = arith.addi %mul3A_5, %parallel_loop3A_168 : vector<16xi32>
      tpu.vector_store_idx %arg10[%parallel_loop3A_171], %parallel_loop3A_170 {add = true} : memref<16400xf32, #tpu.memory_space<vmem>>[vector<16xi32>], vector<16xf32>,
      tpu.vector_store_idx %arg11[%parallel_loop3A_171], %broadcast_in_dim3A_6 {add = true} : memref<16400xf32, #tpu.memory_space<vmem>>[vector<16xi32>], vector<16xf32>,
      %parallel_loop3A_172 = arith.constant 3 : i32
      %parallel_loop3A_173 = arith.addi %parallel_loop3A_144, %parallel_loop3A_172 : i32
      %parallel_loop3A_174 = arith.constant 16 : i32
      %parallel_loop3A_175 = arith.muli %parallel_loop3A_173, %parallel_loop3A_174 : i32
      %parallel_loop3A_176 = arith.index_cast %parallel_loop3A_175 : i32 to index
      %parallel_loop3A_177 = tpu.vector_load %arg6[%parallel_loop3A_176] {strides = array<i32>} : memref<20000xi32, #tpu.memory_space<vmem>>, vector<16xi32>,
      %parallel_loop3A_178 = arith.index_cast %parallel_loop3A_175 : i32 to index
      %parallel_loop3A_179 = tpu.vector_load %arg8[%parallel_loop3A_178] {strides = array<i32>} : memref<20000xf32, #tpu.memory_space<vmem>>, vector<16xf32>,
      %parallel_loop3A_180 = arith.addi %mul3A_5, %parallel_loop3A_177 : vector<16xi32>
      tpu.vector_store_idx %arg10[%parallel_loop3A_180], %parallel_loop3A_179 {add = true} : memref<16400xf32, #tpu.memory_space<vmem>>[vector<16xi32>], vector<16xf32>,
      tpu.vector_store_idx %arg11[%parallel_loop3A_180], %broadcast_in_dim3A_6 {add = true} : memref<16400xf32, #tpu.memory_space<vmem>>[vector<16xi32>], vector<16xf32>,
      %parallel_loop3A_181 = arith.constant 4 : i32
      %parallel_loop3A_182 = arith.addi %parallel_loop3A_144, %parallel_loop3A_181 : i32
      %parallel_loop3A_183 = arith.constant 16 : i32
      %parallel_loop3A_184 = arith.muli %parallel_loop3A_182, %parallel_loop3A_183 : i32
      %parallel_loop3A_185 = arith.index_cast %parallel_loop3A_184 : i32 to index
      %parallel_loop3A_186 = tpu.vector_load %arg6[%parallel_loop3A_185] {strides = array<i32>} : memref<20000xi32, #tpu.memory_space<vmem>>, vector<16xi32>,
      %parallel_loop3A_187 = arith.index_cast %parallel_loop3A_184 : i32 to index
      %parallel_loop3A_188 = tpu.vector_load %arg8[%parallel_loop3A_187] {strides = array<i32>} : memref<20000xf32, #tpu.memory_space<vmem>>, vector<16xf32>,
      %parallel_loop3A_189 = arith.addi %mul3A_5, %parallel_loop3A_186 : vector<16xi32>
      tpu.vector_store_idx %arg10[%parallel_loop3A_189], %parallel_loop3A_188 {add = true} : memref<16400xf32, #tpu.memory_space<vmem>>[vector<16xi32>], vector<16xf32>,
      tpu.vector_store_idx %arg11[%parallel_loop3A_189], %broadcast_in_dim3A_6 {add = true} : memref<16400xf32, #tpu.memory_space<vmem>>[vector<16xi32>], vector<16xf32>,
    } {sc.loop_unroll_factor = 2 : i64, sc.parallel_access}
    %add3A_46 = arith.constant 40000 : i32
    %add3A_47 = arith.addi %mul3A_2, %add3A_46 : i32
    %dma_start3A_48 = arith.constant 0 : i32
    %dma_start3A_49 = tpu.memref_slice %arg2[%add3A_47] : memref<3200000xi32, #tpu.memory_space<hbm>> -> memref<20000xi32, #tpu.memory_space<hbm>>
    %dma_start3A_50 = tpu.memref_slice %arg13[%dma_start3A_48] : memref<2x!tpu.dma_semaphore, #tpu.memory_space<semaphore_mem>> -> memref<1x!tpu.dma_semaphore, #tpu.memory_space<semaphore_mem>>
    %dma_start3A_51 = tpu.memref_squeeze %dma_start3A_50 : memref<1x!tpu.dma_semaphore, #tpu.memory_space<semaphore_mem>> -> memref<!tpu.dma_semaphore, #tpu.memory_space<semaphore_mem>>
    %dma_start3A_52 = tpu.memref_slice %arg2[%add3A_47] : memref<3200000xi32, #tpu.memory_space<hbm>> -> memref<20000xi32, #tpu.memory_space<hbm>>
    tpu.enqueue_dma source(%dma_start3A_52 : memref<20000xi32, #tpu.memory_space<hbm>>) target(%arg6 : memref<20000xi32, #tpu.memory_space<vmem>>) target_semaphore(%dma_start3A_51 : memref<!tpu.dma_semaphore, #tpu.memory_space<semaphore_mem>>)
    %dma_start3A_53 = arith.constant 0 : i32
    %dma_start3A_54 = tpu.memref_slice %arg3[%add3A_47] : memref<3200000xf32, #tpu.memory_space<hbm>> -> memref<20000xf32, #tpu.memory_space<hbm>>
    %dma_start3A_55 = tpu.memref_slice %arg13[%dma_start3A_53] : memref<2x!tpu.dma_semaphore, #tpu.memory_space<semaphore_mem>> -> memref<1x!tpu.dma_semaphore, #tpu.memory_space<semaphore_mem>>
    %dma_start3A_56 = tpu.memref_squeeze %dma_start3A_55 : memref<1x!tpu.dma_semaphore, #tpu.memory_space<semaphore_mem>> -> memref<!tpu.dma_semaphore, #tpu.memory_space<semaphore_mem>>
    %dma_start3A_57 = tpu.memref_slice %arg3[%add3A_47] : memref<3200000xf32, #tpu.memory_space<hbm>> -> memref<20000xf32, #tpu.memory_space<hbm>>
    tpu.enqueue_dma source(%dma_start3A_57 : memref<20000xf32, #tpu.memory_space<hbm>>) target(%arg8 : memref<20000xf32, #tpu.memory_space<vmem>>) target_semaphore(%dma_start3A_56 : memref<!tpu.dma_semaphore, #tpu.memory_space<semaphore_mem>>)
    %dma_wait3A_58 = arith.constant 1 : i32
    %dma_wait3A_59 = tpu.memref_slice %arg2[%add3A_23] : memref<3200000xi32, #tpu.memory_space<hbm>> -> memref<20000xi32, #tpu.memory_space<hbm>>
    %dma_wait3A_60 = tpu.memref_slice %arg13[%dma_wait3A_58] : memref<2x!tpu.dma_semaphore, #tpu.memory_space<semaphore_mem>> -> memref<1x!tpu.dma_semaphore, #tpu.memory_space<semaphore_mem>>
    %dma_wait3A_61 = tpu.memref_squeeze %dma_wait3A_60 : memref<1x!tpu.dma_semaphore, #tpu.memory_space<semaphore_mem>> -> memref<!tpu.dma_semaphore, #tpu.memory_space<semaphore_mem>>
    %dma_wait3A_62 = tpu.memref_slice %arg2[%add3A_23] : memref<3200000xi32, #tpu.memory_space<hbm>> -> memref<20000xi32, #tpu.memory_space<hbm>>
    tpu.wait_dma2 semaphore(%dma_wait3A_61 : memref<!tpu.dma_semaphore, #tpu.memory_space<semaphore_mem>>) src(%dma_wait3A_62 : memref<20000xi32, #tpu.memory_space<hbm>>) dst(%arg7 : memref<20000xi32, #tpu.memory_space<vmem>>)
    %dma_wait3A_63 = arith.constant 1 : i32
    %dma_wait3A_64 = tpu.memref_slice %arg3[%add3A_23] : memref<3200000xf32, #tpu.memory_space<hbm>> -> memref<20000xf32, #tpu.memory_space<hbm>>
    %dma_wait3A_65 = tpu.memref_slice %arg13[%dma_wait3A_63] : memref<2x!tpu.dma_semaphore, #tpu.memory_space<semaphore_mem>> -> memref<1x!tpu.dma_semaphore, #tpu.memory_space<semaphore_mem>>
    %dma_wait3A_66 = tpu.memref_squeeze %dma_wait3A_65 : memref<1x!tpu.dma_semaphore, #tpu.memory_space<semaphore_mem>> -> memref<!tpu.dma_semaphore, #tpu.memory_space<semaphore_mem>>
    %dma_wait3A_67 = tpu.memref_slice %arg3[%add3A_23] : memref<3200000xf32, #tpu.memory_space<hbm>> -> memref<20000xf32, #tpu.memory_space<hbm>>
    tpu.wait_dma2 semaphore(%dma_wait3A_66 : memref<!tpu.dma_semaphore, #tpu.memory_space<semaphore_mem>>) src(%dma_wait3A_67 : memref<20000xf32, #tpu.memory_space<hbm>>) dst(%arg9 : memref<20000xf32, #tpu.memory_space<vmem>>)
    %parallel_loop3A_68 = arith.constant 0 : i32
    %parallel_loop3A_69 = arith.constant 1250 : i32
    %parallel_loop3A_70 = arith.constant 5 : i32
    scf.for %parallel_loop3A_144 = %parallel_loop3A_68 to %parallel_loop3A_69 step %parallel_loop3A_70  : i32 {
      %parallel_loop3A_145 = arith.constant 0 : i32
      %parallel_loop3A_146 = arith.addi %parallel_loop3A_144, %parallel_loop3A_145 : i32
      %parallel_loop3A_147 = arith.constant 16 : i32
      %parallel_loop3A_148 = arith.muli %parallel_loop3A_146, %parallel_loop3A_147 : i32
      %parallel_loop3A_149 = arith.index_cast %parallel_loop3A_148 : i32 to index
      %parallel_loop3A_150 = tpu.vector_load %arg7[%parallel_loop3A_149] {strides = array<i32>} : memref<20000xi32, #tpu.memory_space<vmem>>, vector<16xi32>,
      %parallel_loop3A_151 = arith.index_cast %parallel_loop3A_148 : i32 to index
      %parallel_loop3A_152 = tpu.vector_load %arg9[%parallel_loop3A_151] {strides = array<i32>} : memref<20000xf32, #tpu.memory_space<vmem>>, vector<16xf32>,
      %parallel_loop3A_153 = arith.addi %mul3A_5, %parallel_loop3A_150 : vector<16xi32>
      tpu.vector_store_idx %arg10[%parallel_loop3A_153], %parallel_loop3A_152 {add = true} : memref<16400xf32, #tpu.memory_space<vmem>>[vector<16xi32>], vector<16xf32>,
      tpu.vector_store_idx %arg11[%parallel_loop3A_153], %broadcast_in_dim3A_6 {add = true} : memref<16400xf32, #tpu.memory_space<vmem>>[vector<16xi32>], vector<16xf32>,
      %parallel_loop3A_154 = arith.constant 1 : i32
      %parallel_loop3A_155 = arith.addi %parallel_loop3A_144, %parallel_loop3A_154 : i32
      %parallel_loop3A_156 = arith.constant 16 : i32
      %parallel_loop3A_157 = arith.muli %parallel_loop3A_155, %parallel_loop3A_156 : i32
      %parallel_loop3A_158 = arith.index_cast %parallel_loop3A_157 : i32 to index
      %parallel_loop3A_159 = tpu.vector_load %arg7[%parallel_loop3A_158] {strides = array<i32>} : memref<20000xi32, #tpu.memory_space<vmem>>, vector<16xi32>,
      %parallel_loop3A_160 = arith.index_cast %parallel_loop3A_157 : i32 to index
      %parallel_loop3A_161 = tpu.vector_load %arg9[%parallel_loop3A_160] {strides = array<i32>} : memref<20000xf32, #tpu.memory_space<vmem>>, vector<16xf32>,
      %parallel_loop3A_162 = arith.addi %mul3A_5, %parallel_loop3A_159 : vector<16xi32>
      tpu.vector_store_idx %arg10[%parallel_loop3A_162], %parallel_loop3A_161 {add = true} : memref<16400xf32, #tpu.memory_space<vmem>>[vector<16xi32>], vector<16xf32>,
      tpu.vector_store_idx %arg11[%parallel_loop3A_162], %broadcast_in_dim3A_6 {add = true} : memref<16400xf32, #tpu.memory_space<vmem>>[vector<16xi32>], vector<16xf32>,
      %parallel_loop3A_163 = arith.constant 2 : i32
      %parallel_loop3A_164 = arith.addi %parallel_loop3A_144, %parallel_loop3A_163 : i32
      %parallel_loop3A_165 = arith.constant 16 : i32
      %parallel_loop3A_166 = arith.muli %parallel_loop3A_164, %parallel_loop3A_165 : i32
      %parallel_loop3A_167 = arith.index_cast %parallel_loop3A_166 : i32 to index
      %parallel_loop3A_168 = tpu.vector_load %arg7[%parallel_loop3A_167] {strides = array<i32>} : memref<20000xi32, #tpu.memory_space<vmem>>, vector<16xi32>,
      %parallel_loop3A_169 = arith.index_cast %parallel_loop3A_166 : i32 to index
      %parallel_loop3A_170 = tpu.vector_load %arg9[%parallel_loop3A_169] {strides = array<i32>} : memref<20000xf32, #tpu.memory_space<vmem>>, vector<16xf32>,
      %parallel_loop3A_171 = arith.addi %mul3A_5, %parallel_loop3A_168 : vector<16xi32>
      tpu.vector_store_idx %arg10[%parallel_loop3A_171], %parallel_loop3A_170 {add = true} : memref<16400xf32, #tpu.memory_space<vmem>>[vector<16xi32>], vector<16xf32>,
      tpu.vector_store_idx %arg11[%parallel_loop3A_171], %broadcast_in_dim3A_6 {add = true} : memref<16400xf32, #tpu.memory_space<vmem>>[vector<16xi32>], vector<16xf32>,
      %parallel_loop3A_172 = arith.constant 3 : i32
      %parallel_loop3A_173 = arith.addi %parallel_loop3A_144, %parallel_loop3A_172 : i32
      %parallel_loop3A_174 = arith.constant 16 : i32
      %parallel_loop3A_175 = arith.muli %parallel_loop3A_173, %parallel_loop3A_174 : i32
      %parallel_loop3A_176 = arith.index_cast %parallel_loop3A_175 : i32 to index
      %parallel_loop3A_177 = tpu.vector_load %arg7[%parallel_loop3A_176] {strides = array<i32>} : memref<20000xi32, #tpu.memory_space<vmem>>, vector<16xi32>,
      %parallel_loop3A_178 = arith.index_cast %parallel_loop3A_175 : i32 to index
      %parallel_loop3A_179 = tpu.vector_load %arg9[%parallel_loop3A_178] {strides = array<i32>} : memref<20000xf32, #tpu.memory_space<vmem>>, vector<16xf32>,
      %parallel_loop3A_180 = arith.addi %mul3A_5, %parallel_loop3A_177 : vector<16xi32>
      tpu.vector_store_idx %arg10[%parallel_loop3A_180], %parallel_loop3A_179 {add = true} : memref<16400xf32, #tpu.memory_space<vmem>>[vector<16xi32>], vector<16xf32>,
      tpu.vector_store_idx %arg11[%parallel_loop3A_180], %broadcast_in_dim3A_6 {add = true} : memref<16400xf32, #tpu.memory_space<vmem>>[vector<16xi32>], vector<16xf32>,
      %parallel_loop3A_181 = arith.constant 4 : i32
      %parallel_loop3A_182 = arith.addi %parallel_loop3A_144, %parallel_loop3A_181 : i32
      %parallel_loop3A_183 = arith.constant 16 : i32
      %parallel_loop3A_184 = arith.muli %parallel_loop3A_182, %parallel_loop3A_183 : i32
      %parallel_loop3A_185 = arith.index_cast %parallel_loop3A_184 : i32 to index
      %parallel_loop3A_186 = tpu.vector_load %arg7[%parallel_loop3A_185] {strides = array<i32>} : memref<20000xi32, #tpu.memory_space<vmem>>, vector<16xi32>,
      %parallel_loop3A_187 = arith.index_cast %parallel_loop3A_184 : i32 to index
      %parallel_loop3A_188 = tpu.vector_load %arg9[%parallel_loop3A_187] {strides = array<i32>} : memref<20000xf32, #tpu.memory_space<vmem>>, vector<16xf32>,
      %parallel_loop3A_189 = arith.addi %mul3A_5, %parallel_loop3A_186 : vector<16xi32>
      tpu.vector_store_idx %arg10[%parallel_loop3A_189], %parallel_loop3A_188 {add = true} : memref<16400xf32, #tpu.memory_space<vmem>>[vector<16xi32>], vector<16xf32>,
      tpu.vector_store_idx %arg11[%parallel_loop3A_189], %broadcast_in_dim3A_6 {add = true} : memref<16400xf32, #tpu.memory_space<vmem>>[vector<16xi32>], vector<16xf32>,
    } {sc.loop_unroll_factor = 2 : i64, sc.parallel_access}
    %add3A_71 = arith.constant 60000 : i32
    %add3A_72 = arith.addi %mul3A_2, %add3A_71 : i32
    %dma_start3A_73 = arith.constant 1 : i32
    %dma_start3A_74 = tpu.memref_slice %arg2[%add3A_72] : memref<3200000xi32, #tpu.memory_space<hbm>> -> memref<20000xi32, #tpu.memory_space<hbm>>
    %dma_start3A_75 = tpu.memref_slice %arg13[%dma_start3A_73] : memref<2x!tpu.dma_semaphore, #tpu.memory_space<semaphore_mem>> -> memref<1x!tpu.dma_semaphore, #tpu.memory_space<semaphore_mem>>
    %dma_start3A_76 = tpu.memref_squeeze %dma_start3A_75 : memref<1x!tpu.dma_semaphore, #tpu.memory_space<semaphore_mem>> -> memref<!tpu.dma_semaphore, #tpu.memory_space<semaphore_mem>>
    %dma_start3A_77 = tpu.memref_slice %arg2[%add3A_72] : memref<3200000xi32, #tpu.memory_space<hbm>> -> memref<20000xi32, #tpu.memory_space<hbm>>
    tpu.enqueue_dma source(%dma_start3A_77 : memref<20000xi32, #tpu.memory_space<hbm>>) target(%arg7 : memref<20000xi32, #tpu.memory_space<vmem>>) target_semaphore(%dma_start3A_76 : memref<!tpu.dma_semaphore, #tpu.memory_space<semaphore_mem>>)
    %dma_start3A_78 = arith.constant 1 : i32
    %dma_start3A_79 = tpu.memref_slice %arg3[%add3A_72] : memref<3200000xf32, #tpu.memory_space<hbm>> -> memref<20000xf32, #tpu.memory_space<hbm>>
    %dma_start3A_80 = tpu.memref_slice %arg13[%dma_start3A_78] : memref<2x!tpu.dma_semaphore, #tpu.memory_space<semaphore_mem>> -> memref<1x!tpu.dma_semaphore, #tpu.memory_space<semaphore_mem>>
    %dma_start3A_81 = tpu.memref_squeeze %dma_start3A_80 : memref<1x!tpu.dma_semaphore, #tpu.memory_space<semaphore_mem>> -> memref<!tpu.dma_semaphore, #tpu.memory_space<semaphore_mem>>
    %dma_start3A_82 = tpu.memref_slice %arg3[%add3A_72] : memref<3200000xf32, #tpu.memory_space<hbm>> -> memref<20000xf32, #tpu.memory_space<hbm>>
    tpu.enqueue_dma source(%dma_start3A_82 : memref<20000xf32, #tpu.memory_space<hbm>>) target(%arg9 : memref<20000xf32, #tpu.memory_space<vmem>>) target_semaphore(%dma_start3A_81 : memref<!tpu.dma_semaphore, #tpu.memory_space<semaphore_mem>>)
    %dma_wait3A_83 = arith.constant 0 : i32
    %dma_wait3A_84 = tpu.memref_slice %arg2[%add3A_47] : memref<3200000xi32, #tpu.memory_space<hbm>> -> memref<20000xi32, #tpu.memory_space<hbm>>
    %dma_wait3A_85 = tpu.memref_slice %arg13[%dma_wait3A_83] : memref<2x!tpu.dma_semaphore, #tpu.memory_space<semaphore_mem>> -> memref<1x!tpu.dma_semaphore, #tpu.memory_space<semaphore_mem>>
    %dma_wait3A_86 = tpu.memref_squeeze %dma_wait3A_85 : memref<1x!tpu.dma_semaphore, #tpu.memory_space<semaphore_mem>> -> memref<!tpu.dma_semaphore, #tpu.memory_space<semaphore_mem>>
    %dma_wait3A_87 = tpu.memref_slice %arg2[%add3A_47] : memref<3200000xi32, #tpu.memory_space<hbm>> -> memref<20000xi32, #tpu.memory_space<hbm>>
    tpu.wait_dma2 semaphore(%dma_wait3A_86 : memref<!tpu.dma_semaphore, #tpu.memory_space<semaphore_mem>>) src(%dma_wait3A_87 : memref<20000xi32, #tpu.memory_space<hbm>>) dst(%arg6 : memref<20000xi32, #tpu.memory_space<vmem>>)
    %dma_wait3A_88 = arith.constant 0 : i32
    %dma_wait3A_89 = tpu.memref_slice %arg3[%add3A_47] : memref<3200000xf32, #tpu.memory_space<hbm>> -> memref<20000xf32, #tpu.memory_space<hbm>>
    %dma_wait3A_90 = tpu.memref_slice %arg13[%dma_wait3A_88] : memref<2x!tpu.dma_semaphore, #tpu.memory_space<semaphore_mem>> -> memref<1x!tpu.dma_semaphore, #tpu.memory_space<semaphore_mem>>
    %dma_wait3A_91 = tpu.memref_squeeze %dma_wait3A_90 : memref<1x!tpu.dma_semaphore, #tpu.memory_space<semaphore_mem>> -> memref<!tpu.dma_semaphore, #tpu.memory_space<semaphore_mem>>
    %dma_wait3A_92 = tpu.memref_slice %arg3[%add3A_47] : memref<3200000xf32, #tpu.memory_space<hbm>> -> memref<20000xf32, #tpu.memory_space<hbm>>
    tpu.wait_dma2 semaphore(%dma_wait3A_91 : memref<!tpu.dma_semaphore, #tpu.memory_space<semaphore_mem>>) src(%dma_wait3A_92 : memref<20000xf32, #tpu.memory_space<hbm>>) dst(%arg8 : memref<20000xf32, #tpu.memory_space<vmem>>)
    %parallel_loop3A_93 = arith.constant 0 : i32
    %parallel_loop3A_94 = arith.constant 1250 : i32
    %parallel_loop3A_95 = arith.constant 5 : i32
    scf.for %parallel_loop3A_144 = %parallel_loop3A_93 to %parallel_loop3A_94 step %parallel_loop3A_95  : i32 {
      %parallel_loop3A_145 = arith.constant 0 : i32
      %parallel_loop3A_146 = arith.addi %parallel_loop3A_144, %parallel_loop3A_145 : i32
      %parallel_loop3A_147 = arith.constant 16 : i32
      %parallel_loop3A_148 = arith.muli %parallel_loop3A_146, %parallel_loop3A_147 : i32
      %parallel_loop3A_149 = arith.index_cast %parallel_loop3A_148 : i32 to index
      %parallel_loop3A_150 = tpu.vector_load %arg6[%parallel_loop3A_149] {strides = array<i32>} : memref<20000xi32, #tpu.memory_space<vmem>>, vector<16xi32>,
      %parallel_loop3A_151 = arith.index_cast %parallel_loop3A_148 : i32 to index
      %parallel_loop3A_152 = tpu.vector_load %arg8[%parallel_loop3A_151] {strides = array<i32>} : memref<20000xf32, #tpu.memory_space<vmem>>, vector<16xf32>,
      %parallel_loop3A_153 = arith.addi %mul3A_5, %parallel_loop3A_150 : vector<16xi32>
      tpu.vector_store_idx %arg10[%parallel_loop3A_153], %parallel_loop3A_152 {add = true} : memref<16400xf32, #tpu.memory_space<vmem>>[vector<16xi32>], vector<16xf32>,
      tpu.vector_store_idx %arg11[%parallel_loop3A_153], %broadcast_in_dim3A_6 {add = true} : memref<16400xf32, #tpu.memory_space<vmem>>[vector<16xi32>], vector<16xf32>,
      %parallel_loop3A_154 = arith.constant 1 : i32
      %parallel_loop3A_155 = arith.addi %parallel_loop3A_144, %parallel_loop3A_154 : i32
      %parallel_loop3A_156 = arith.constant 16 : i32
      %parallel_loop3A_157 = arith.muli %parallel_loop3A_155, %parallel_loop3A_156 : i32
      %parallel_loop3A_158 = arith.index_cast %parallel_loop3A_157 : i32 to index
      %parallel_loop3A_159 = tpu.vector_load %arg6[%parallel_loop3A_158] {strides = array<i32>} : memref<20000xi32, #tpu.memory_space<vmem>>, vector<16xi32>,
      %parallel_loop3A_160 = arith.index_cast %parallel_loop3A_157 : i32 to index
      %parallel_loop3A_161 = tpu.vector_load %arg8[%parallel_loop3A_160] {strides = array<i32>} : memref<20000xf32, #tpu.memory_space<vmem>>, vector<16xf32>,
      %parallel_loop3A_162 = arith.addi %mul3A_5, %parallel_loop3A_159 : vector<16xi32>
      tpu.vector_store_idx %arg10[%parallel_loop3A_162], %parallel_loop3A_161 {add = true} : memref<16400xf32, #tpu.memory_space<vmem>>[vector<16xi32>], vector<16xf32>,
      tpu.vector_store_idx %arg11[%parallel_loop3A_162], %broadcast_in_dim3A_6 {add = true} : memref<16400xf32, #tpu.memory_space<vmem>>[vector<16xi32>], vector<16xf32>,
      %parallel_loop3A_163 = arith.constant 2 : i32
      %parallel_loop3A_164 = arith.addi %parallel_loop3A_144, %parallel_loop3A_163 : i32
      %parallel_loop3A_165 = arith.constant 16 : i32
      %parallel_loop3A_166 = arith.muli %parallel_loop3A_164, %parallel_loop3A_165 : i32
      %parallel_loop3A_167 = arith.index_cast %parallel_loop3A_166 : i32 to index
      %parallel_loop3A_168 = tpu.vector_load %arg6[%parallel_loop3A_167] {strides = array<i32>} : memref<20000xi32, #tpu.memory_space<vmem>>, vector<16xi32>,
      %parallel_loop3A_169 = arith.index_cast %parallel_loop3A_166 : i32 to index
      %parallel_loop3A_170 = tpu.vector_load %arg8[%parallel_loop3A_169] {strides = array<i32>} : memref<20000xf32, #tpu.memory_space<vmem>>, vector<16xf32>,
      %parallel_loop3A_171 = arith.addi %mul3A_5, %parallel_loop3A_168 : vector<16xi32>
      tpu.vector_store_idx %arg10[%parallel_loop3A_171], %parallel_loop3A_170 {add = true} : memref<16400xf32, #tpu.memory_space<vmem>>[vector<16xi32>], vector<16xf32>,
      tpu.vector_store_idx %arg11[%parallel_loop3A_171], %broadcast_in_dim3A_6 {add = true} : memref<16400xf32, #tpu.memory_space<vmem>>[vector<16xi32>], vector<16xf32>,
      %parallel_loop3A_172 = arith.constant 3 : i32
      %parallel_loop3A_173 = arith.addi %parallel_loop3A_144, %parallel_loop3A_172 : i32
      %parallel_loop3A_174 = arith.constant 16 : i32
      %parallel_loop3A_175 = arith.muli %parallel_loop3A_173, %parallel_loop3A_174 : i32
      %parallel_loop3A_176 = arith.index_cast %parallel_loop3A_175 : i32 to index
      %parallel_loop3A_177 = tpu.vector_load %arg6[%parallel_loop3A_176] {strides = array<i32>} : memref<20000xi32, #tpu.memory_space<vmem>>, vector<16xi32>,
      %parallel_loop3A_178 = arith.index_cast %parallel_loop3A_175 : i32 to index
      %parallel_loop3A_179 = tpu.vector_load %arg8[%parallel_loop3A_178] {strides = array<i32>} : memref<20000xf32, #tpu.memory_space<vmem>>, vector<16xf32>,
      %parallel_loop3A_180 = arith.addi %mul3A_5, %parallel_loop3A_177 : vector<16xi32>
      tpu.vector_store_idx %arg10[%parallel_loop3A_180], %parallel_loop3A_179 {add = true} : memref<16400xf32, #tpu.memory_space<vmem>>[vector<16xi32>], vector<16xf32>,
      tpu.vector_store_idx %arg11[%parallel_loop3A_180], %broadcast_in_dim3A_6 {add = true} : memref<16400xf32, #tpu.memory_space<vmem>>[vector<16xi32>], vector<16xf32>,
      %parallel_loop3A_181 = arith.constant 4 : i32
      %parallel_loop3A_182 = arith.addi %parallel_loop3A_144, %parallel_loop3A_181 : i32
      %parallel_loop3A_183 = arith.constant 16 : i32
      %parallel_loop3A_184 = arith.muli %parallel_loop3A_182, %parallel_loop3A_183 : i32
      %parallel_loop3A_185 = arith.index_cast %parallel_loop3A_184 : i32 to index
      %parallel_loop3A_186 = tpu.vector_load %arg6[%parallel_loop3A_185] {strides = array<i32>} : memref<20000xi32, #tpu.memory_space<vmem>>, vector<16xi32>,
      %parallel_loop3A_187 = arith.index_cast %parallel_loop3A_184 : i32 to index
      %parallel_loop3A_188 = tpu.vector_load %arg8[%parallel_loop3A_187] {strides = array<i32>} : memref<20000xf32, #tpu.memory_space<vmem>>, vector<16xf32>,
      %parallel_loop3A_189 = arith.addi %mul3A_5, %parallel_loop3A_186 : vector<16xi32>
      tpu.vector_store_idx %arg10[%parallel_loop3A_189], %parallel_loop3A_188 {add = true} : memref<16400xf32, #tpu.memory_space<vmem>>[vector<16xi32>], vector<16xf32>,
      tpu.vector_store_idx %arg11[%parallel_loop3A_189], %broadcast_in_dim3A_6 {add = true} : memref<16400xf32, #tpu.memory_space<vmem>>[vector<16xi32>], vector<16xf32>,
    } {sc.loop_unroll_factor = 2 : i64, sc.parallel_access}
    %add3A_96 = arith.constant 80000 : i32
    %add3A_97 = arith.addi %mul3A_2, %add3A_96 : i32
    %dma_start3A_98 = arith.constant 0 : i32
    %dma_start3A_99 = tpu.memref_slice %arg2[%add3A_97] : memref<3200000xi32, #tpu.memory_space<hbm>> -> memref<20000xi32, #tpu.memory_space<hbm>>
    %dma_start3A_100 = tpu.memref_slice %arg13[%dma_start3A_98] : memref<2x!tpu.dma_semaphore, #tpu.memory_space<semaphore_mem>> -> memref<1x!tpu.dma_semaphore, #tpu.memory_space<semaphore_mem>>
    %dma_start3A_101 = tpu.memref_squeeze %dma_start3A_100 : memref<1x!tpu.dma_semaphore, #tpu.memory_space<semaphore_mem>> -> memref<!tpu.dma_semaphore, #tpu.memory_space<semaphore_mem>>
    %dma_start3A_102 = tpu.memref_slice %arg2[%add3A_97] : memref<3200000xi32, #tpu.memory_space<hbm>> -> memref<20000xi32, #tpu.memory_space<hbm>>
    tpu.enqueue_dma source(%dma_start3A_102 : memref<20000xi32, #tpu.memory_space<hbm>>) target(%arg6 : memref<20000xi32, #tpu.memory_space<vmem>>) target_semaphore(%dma_start3A_101 : memref<!tpu.dma_semaphore, #tpu.memory_space<semaphore_mem>>)
    %dma_start3A_103 = arith.constant 0 : i32
    %dma_start3A_104 = tpu.memref_slice %arg3[%add3A_97] : memref<3200000xf32, #tpu.memory_space<hbm>> -> memref<20000xf32, #tpu.memory_space<hbm>>
    %dma_start3A_105 = tpu.memref_slice %arg13[%dma_start3A_103] : memref<2x!tpu.dma_semaphore, #tpu.memory_space<semaphore_mem>> -> memref<1x!tpu.dma_semaphore, #tpu.memory_space<semaphore_mem>>
    %dma_start3A_106 = tpu.memref_squeeze %dma_start3A_105 : memref<1x!tpu.dma_semaphore, #tpu.memory_space<semaphore_mem>> -> memref<!tpu.dma_semaphore, #tpu.memory_space<semaphore_mem>>
    %dma_start3A_107 = tpu.memref_slice %arg3[%add3A_97] : memref<3200000xf32, #tpu.memory_space<hbm>> -> memref<20000xf32, #tpu.memory_space<hbm>>
    tpu.enqueue_dma source(%dma_start3A_107 : memref<20000xf32, #tpu.memory_space<hbm>>) target(%arg8 : memref<20000xf32, #tpu.memory_space<vmem>>) target_semaphore(%dma_start3A_106 : memref<!tpu.dma_semaphore, #tpu.memory_space<semaphore_mem>>)
    %dma_wait3A_108 = arith.constant 1 : i32
    %dma_wait3A_109 = tpu.memref_slice %arg2[%add3A_72] : memref<3200000xi32, #tpu.memory_space<hbm>> -> memref<20000xi32, #tpu.memory_space<hbm>>
    %dma_wait3A_110 = tpu.memref_slice %arg13[%dma_wait3A_108] : memref<2x!tpu.dma_semaphore, #tpu.memory_space<semaphore_mem>> -> memref<1x!tpu.dma_semaphore, #tpu.memory_space<semaphore_mem>>
    %dma_wait3A_111 = tpu.memref_squeeze %dma_wait3A_110 : memref<1x!tpu.dma_semaphore, #tpu.memory_space<semaphore_mem>> -> memref<!tpu.dma_semaphore, #tpu.memory_space<semaphore_mem>>
    %dma_wait3A_112 = tpu.memref_slice %arg2[%add3A_72] : memref<3200000xi32, #tpu.memory_space<hbm>> -> memref<20000xi32, #tpu.memory_space<hbm>>
    tpu.wait_dma2 semaphore(%dma_wait3A_111 : memref<!tpu.dma_semaphore, #tpu.memory_space<semaphore_mem>>) src(%dma_wait3A_112 : memref<20000xi32, #tpu.memory_space<hbm>>) dst(%arg7 : memref<20000xi32, #tpu.memory_space<vmem>>)
    %dma_wait3A_113 = arith.constant 1 : i32
    %dma_wait3A_114 = tpu.memref_slice %arg3[%add3A_72] : memref<3200000xf32, #tpu.memory_space<hbm>> -> memref<20000xf32, #tpu.memory_space<hbm>>
    %dma_wait3A_115 = tpu.memref_slice %arg13[%dma_wait3A_113] : memref<2x!tpu.dma_semaphore, #tpu.memory_space<semaphore_mem>> -> memref<1x!tpu.dma_semaphore, #tpu.memory_space<semaphore_mem>>
    %dma_wait3A_116 = tpu.memref_squeeze %dma_wait3A_115 : memref<1x!tpu.dma_semaphore, #tpu.memory_space<semaphore_mem>> -> memref<!tpu.dma_semaphore, #tpu.memory_space<semaphore_mem>>
    %dma_wait3A_117 = tpu.memref_slice %arg3[%add3A_72] : memref<3200000xf32, #tpu.memory_space<hbm>> -> memref<20000xf32, #tpu.memory_space<hbm>>
    tpu.wait_dma2 semaphore(%dma_wait3A_116 : memref<!tpu.dma_semaphore, #tpu.memory_space<semaphore_mem>>) src(%dma_wait3A_117 : memref<20000xf32, #tpu.memory_space<hbm>>) dst(%arg9 : memref<20000xf32, #tpu.memory_space<vmem>>)
    %parallel_loop3A_118 = arith.constant 0 : i32
    %parallel_loop3A_119 = arith.constant 1250 : i32
    %parallel_loop3A_120 = arith.constant 5 : i32
    scf.for %parallel_loop3A_144 = %parallel_loop3A_118 to %parallel_loop3A_119 step %parallel_loop3A_120  : i32 {
      %parallel_loop3A_145 = arith.constant 0 : i32
      %parallel_loop3A_146 = arith.addi %parallel_loop3A_144, %parallel_loop3A_145 : i32
      %parallel_loop3A_147 = arith.constant 16 : i32
      %parallel_loop3A_148 = arith.muli %parallel_loop3A_146, %parallel_loop3A_147 : i32
      %parallel_loop3A_149 = arith.index_cast %parallel_loop3A_148 : i32 to index
      %parallel_loop3A_150 = tpu.vector_load %arg7[%parallel_loop3A_149] {strides = array<i32>} : memref<20000xi32, #tpu.memory_space<vmem>>, vector<16xi32>,
      %parallel_loop3A_151 = arith.index_cast %parallel_loop3A_148 : i32 to index
      %parallel_loop3A_152 = tpu.vector_load %arg9[%parallel_loop3A_151] {strides = array<i32>} : memref<20000xf32, #tpu.memory_space<vmem>>, vector<16xf32>,
      %parallel_loop3A_153 = arith.addi %mul3A_5, %parallel_loop3A_150 : vector<16xi32>
      tpu.vector_store_idx %arg10[%parallel_loop3A_153], %parallel_loop3A_152 {add = true} : memref<16400xf32, #tpu.memory_space<vmem>>[vector<16xi32>], vector<16xf32>,
      tpu.vector_store_idx %arg11[%parallel_loop3A_153], %broadcast_in_dim3A_6 {add = true} : memref<16400xf32, #tpu.memory_space<vmem>>[vector<16xi32>], vector<16xf32>,
      %parallel_loop3A_154 = arith.constant 1 : i32
      %parallel_loop3A_155 = arith.addi %parallel_loop3A_144, %parallel_loop3A_154 : i32
      %parallel_loop3A_156 = arith.constant 16 : i32
      %parallel_loop3A_157 = arith.muli %parallel_loop3A_155, %parallel_loop3A_156 : i32
      %parallel_loop3A_158 = arith.index_cast %parallel_loop3A_157 : i32 to index
      %parallel_loop3A_159 = tpu.vector_load %arg7[%parallel_loop3A_158] {strides = array<i32>} : memref<20000xi32, #tpu.memory_space<vmem>>, vector<16xi32>,
      %parallel_loop3A_160 = arith.index_cast %parallel_loop3A_157 : i32 to index
      %parallel_loop3A_161 = tpu.vector_load %arg9[%parallel_loop3A_160] {strides = array<i32>} : memref<20000xf32, #tpu.memory_space<vmem>>, vector<16xf32>,
      %parallel_loop3A_162 = arith.addi %mul3A_5, %parallel_loop3A_159 : vector<16xi32>
      tpu.vector_store_idx %arg10[%parallel_loop3A_162], %parallel_loop3A_161 {add = true} : memref<16400xf32, #tpu.memory_space<vmem>>[vector<16xi32>], vector<16xf32>,
      tpu.vector_store_idx %arg11[%parallel_loop3A_162], %broadcast_in_dim3A_6 {add = true} : memref<16400xf32, #tpu.memory_space<vmem>>[vector<16xi32>], vector<16xf32>,
      %parallel_loop3A_163 = arith.constant 2 : i32
      %parallel_loop3A_164 = arith.addi %parallel_loop3A_144, %parallel_loop3A_163 : i32
      %parallel_loop3A_165 = arith.constant 16 : i32
      %parallel_loop3A_166 = arith.muli %parallel_loop3A_164, %parallel_loop3A_165 : i32
      %parallel_loop3A_167 = arith.index_cast %parallel_loop3A_166 : i32 to index
      %parallel_loop3A_168 = tpu.vector_load %arg7[%parallel_loop3A_167] {strides = array<i32>} : memref<20000xi32, #tpu.memory_space<vmem>>, vector<16xi32>,
      %parallel_loop3A_169 = arith.index_cast %parallel_loop3A_166 : i32 to index
      %parallel_loop3A_170 = tpu.vector_load %arg9[%parallel_loop3A_169] {strides = array<i32>} : memref<20000xf32, #tpu.memory_space<vmem>>, vector<16xf32>,
      %parallel_loop3A_171 = arith.addi %mul3A_5, %parallel_loop3A_168 : vector<16xi32>
      tpu.vector_store_idx %arg10[%parallel_loop3A_171], %parallel_loop3A_170 {add = true} : memref<16400xf32, #tpu.memory_space<vmem>>[vector<16xi32>], vector<16xf32>,
      tpu.vector_store_idx %arg11[%parallel_loop3A_171], %broadcast_in_dim3A_6 {add = true} : memref<16400xf32, #tpu.memory_space<vmem>>[vector<16xi32>], vector<16xf32>,
      %parallel_loop3A_172 = arith.constant 3 : i32
      %parallel_loop3A_173 = arith.addi %parallel_loop3A_144, %parallel_loop3A_172 : i32
      %parallel_loop3A_174 = arith.constant 16 : i32
      %parallel_loop3A_175 = arith.muli %parallel_loop3A_173, %parallel_loop3A_174 : i32
      %parallel_loop3A_176 = arith.index_cast %parallel_loop3A_175 : i32 to index
      %parallel_loop3A_177 = tpu.vector_load %arg7[%parallel_loop3A_176] {strides = array<i32>} : memref<20000xi32, #tpu.memory_space<vmem>>, vector<16xi32>,
      %parallel_loop3A_178 = arith.index_cast %parallel_loop3A_175 : i32 to index
      %parallel_loop3A_179 = tpu.vector_load %arg9[%parallel_loop3A_178] {strides = array<i32>} : memref<20000xf32, #tpu.memory_space<vmem>>, vector<16xf32>,
      %parallel_loop3A_180 = arith.addi %mul3A_5, %parallel_loop3A_177 : vector<16xi32>
      tpu.vector_store_idx %arg10[%parallel_loop3A_180], %parallel_loop3A_179 {add = true} : memref<16400xf32, #tpu.memory_space<vmem>>[vector<16xi32>], vector<16xf32>,
      tpu.vector_store_idx %arg11[%parallel_loop3A_180], %broadcast_in_dim3A_6 {add = true} : memref<16400xf32, #tpu.memory_space<vmem>>[vector<16xi32>], vector<16xf32>,
      %parallel_loop3A_181 = arith.constant 4 : i32
      %parallel_loop3A_182 = arith.addi %parallel_loop3A_144, %parallel_loop3A_181 : i32
      %parallel_loop3A_183 = arith.constant 16 : i32
      %parallel_loop3A_184 = arith.muli %parallel_loop3A_182, %parallel_loop3A_183 : i32
      %parallel_loop3A_185 = arith.index_cast %parallel_loop3A_184 : i32 to index
      %parallel_loop3A_186 = tpu.vector_load %arg7[%parallel_loop3A_185] {strides = array<i32>} : memref<20000xi32, #tpu.memory_space<vmem>>, vector<16xi32>,
      %parallel_loop3A_187 = arith.index_cast %parallel_loop3A_184 : i32 to index
      %parallel_loop3A_188 = tpu.vector_load %arg9[%parallel_loop3A_187] {strides = array<i32>} : memref<20000xf32, #tpu.memory_space<vmem>>, vector<16xf32>,
      %parallel_loop3A_189 = arith.addi %mul3A_5, %parallel_loop3A_186 : vector<16xi32>
      tpu.vector_store_idx %arg10[%parallel_loop3A_189], %parallel_loop3A_188 {add = true} : memref<16400xf32, #tpu.memory_space<vmem>>[vector<16xi32>], vector<16xf32>,
      tpu.vector_store_idx %arg11[%parallel_loop3A_189], %broadcast_in_dim3A_6 {add = true} : memref<16400xf32, #tpu.memory_space<vmem>>[vector<16xi32>], vector<16xf32>,
    } {sc.loop_unroll_factor = 2 : i64, sc.parallel_access}
    %dma_wait3A_121 = arith.constant 0 : i32
    %dma_wait3A_122 = tpu.memref_slice %arg2[%add3A_97] : memref<3200000xi32, #tpu.memory_space<hbm>> -> memref<20000xi32, #tpu.memory_space<hbm>>
    %dma_wait3A_123 = tpu.memref_slice %arg13[%dma_wait3A_121] : memref<2x!tpu.dma_semaphore, #tpu.memory_space<semaphore_mem>> -> memref<1x!tpu.dma_semaphore, #tpu.memory_space<semaphore_mem>>
    %dma_wait3A_124 = tpu.memref_squeeze %dma_wait3A_123 : memref<1x!tpu.dma_semaphore, #tpu.memory_space<semaphore_mem>> -> memref<!tpu.dma_semaphore, #tpu.memory_space<semaphore_mem>>
    %dma_wait3A_125 = tpu.memref_slice %arg2[%add3A_97] : memref<3200000xi32, #tpu.memory_space<hbm>> -> memref<20000xi32, #tpu.memory_space<hbm>>
    tpu.wait_dma2 semaphore(%dma_wait3A_124 : memref<!tpu.dma_semaphore, #tpu.memory_space<semaphore_mem>>) src(%dma_wait3A_125 : memref<20000xi32, #tpu.memory_space<hbm>>) dst(%arg6 : memref<20000xi32, #tpu.memory_space<vmem>>)
    %dma_wait3A_126 = arith.constant 0 : i32
    %dma_wait3A_127 = tpu.memref_slice %arg3[%add3A_97] : memref<3200000xf32, #tpu.memory_space<hbm>> -> memref<20000xf32, #tpu.memory_space<hbm>>
    %dma_wait3A_128 = tpu.memref_slice %arg13[%dma_wait3A_126] : memref<2x!tpu.dma_semaphore, #tpu.memory_space<semaphore_mem>> -> memref<1x!tpu.dma_semaphore, #tpu.memory_space<semaphore_mem>>
    %dma_wait3A_129 = tpu.memref_squeeze %dma_wait3A_128 : memref<1x!tpu.dma_semaphore, #tpu.memory_space<semaphore_mem>> -> memref<!tpu.dma_semaphore, #tpu.memory_space<semaphore_mem>>
    %dma_wait3A_130 = tpu.memref_slice %arg3[%add3A_97] : memref<3200000xf32, #tpu.memory_space<hbm>> -> memref<20000xf32, #tpu.memory_space<hbm>>
    tpu.wait_dma2 semaphore(%dma_wait3A_129 : memref<!tpu.dma_semaphore, #tpu.memory_space<semaphore_mem>>) src(%dma_wait3A_130 : memref<20000xf32, #tpu.memory_space<hbm>>) dst(%arg8 : memref<20000xf32, #tpu.memory_space<vmem>>)
    %parallel_loop3A_131 = arith.constant 0 : i32
    %parallel_loop3A_132 = arith.constant 1250 : i32
    %parallel_loop3A_133 = arith.constant 5 : i32
    scf.for %parallel_loop3A_144 = %parallel_loop3A_131 to %parallel_loop3A_132 step %parallel_loop3A_133  : i32 {
      %parallel_loop3A_145 = arith.constant 0 : i32
      %parallel_loop3A_146 = arith.addi %parallel_loop3A_144, %parallel_loop3A_145 : i32
      %parallel_loop3A_147 = arith.constant 16 : i32
      %parallel_loop3A_148 = arith.muli %parallel_loop3A_146, %parallel_loop3A_147 : i32
      %parallel_loop3A_149 = arith.index_cast %parallel_loop3A_148 : i32 to index
      %parallel_loop3A_150 = tpu.vector_load %arg6[%parallel_loop3A_149] {strides = array<i32>} : memref<20000xi32, #tpu.memory_space<vmem>>, vector<16xi32>,
      %parallel_loop3A_151 = arith.index_cast %parallel_loop3A_148 : i32 to index
      %parallel_loop3A_152 = tpu.vector_load %arg8[%parallel_loop3A_151] {strides = array<i32>} : memref<20000xf32, #tpu.memory_space<vmem>>, vector<16xf32>,
      %parallel_loop3A_153 = arith.addi %mul3A_5, %parallel_loop3A_150 : vector<16xi32>
      tpu.vector_store_idx %arg10[%parallel_loop3A_153], %parallel_loop3A_152 {add = true} : memref<16400xf32, #tpu.memory_space<vmem>>[vector<16xi32>], vector<16xf32>,
      tpu.vector_store_idx %arg11[%parallel_loop3A_153], %broadcast_in_dim3A_6 {add = true} : memref<16400xf32, #tpu.memory_space<vmem>>[vector<16xi32>], vector<16xf32>,
      %parallel_loop3A_154 = arith.constant 1 : i32
      %parallel_loop3A_155 = arith.addi %parallel_loop3A_144, %parallel_loop3A_154 : i32
      %parallel_loop3A_156 = arith.constant 16 : i32
      %parallel_loop3A_157 = arith.muli %parallel_loop3A_155, %parallel_loop3A_156 : i32
      %parallel_loop3A_158 = arith.index_cast %parallel_loop3A_157 : i32 to index
      %parallel_loop3A_159 = tpu.vector_load %arg6[%parallel_loop3A_158] {strides = array<i32>} : memref<20000xi32, #tpu.memory_space<vmem>>, vector<16xi32>,
      %parallel_loop3A_160 = arith.index_cast %parallel_loop3A_157 : i32 to index
      %parallel_loop3A_161 = tpu.vector_load %arg8[%parallel_loop3A_160] {strides = array<i32>} : memref<20000xf32, #tpu.memory_space<vmem>>, vector<16xf32>,
      %parallel_loop3A_162 = arith.addi %mul3A_5, %parallel_loop3A_159 : vector<16xi32>
      tpu.vector_store_idx %arg10[%parallel_loop3A_162], %parallel_loop3A_161 {add = true} : memref<16400xf32, #tpu.memory_space<vmem>>[vector<16xi32>], vector<16xf32>,
      tpu.vector_store_idx %arg11[%parallel_loop3A_162], %broadcast_in_dim3A_6 {add = true} : memref<16400xf32, #tpu.memory_space<vmem>>[vector<16xi32>], vector<16xf32>,
      %parallel_loop3A_163 = arith.constant 2 : i32
      %parallel_loop3A_164 = arith.addi %parallel_loop3A_144, %parallel_loop3A_163 : i32
      %parallel_loop3A_165 = arith.constant 16 : i32
      %parallel_loop3A_166 = arith.muli %parallel_loop3A_164, %parallel_loop3A_165 : i32
      %parallel_loop3A_167 = arith.index_cast %parallel_loop3A_166 : i32 to index
      %parallel_loop3A_168 = tpu.vector_load %arg6[%parallel_loop3A_167] {strides = array<i32>} : memref<20000xi32, #tpu.memory_space<vmem>>, vector<16xi32>,
      %parallel_loop3A_169 = arith.index_cast %parallel_loop3A_166 : i32 to index
      %parallel_loop3A_170 = tpu.vector_load %arg8[%parallel_loop3A_169] {strides = array<i32>} : memref<20000xf32, #tpu.memory_space<vmem>>, vector<16xf32>,
      %parallel_loop3A_171 = arith.addi %mul3A_5, %parallel_loop3A_168 : vector<16xi32>
      tpu.vector_store_idx %arg10[%parallel_loop3A_171], %parallel_loop3A_170 {add = true} : memref<16400xf32, #tpu.memory_space<vmem>>[vector<16xi32>], vector<16xf32>,
      tpu.vector_store_idx %arg11[%parallel_loop3A_171], %broadcast_in_dim3A_6 {add = true} : memref<16400xf32, #tpu.memory_space<vmem>>[vector<16xi32>], vector<16xf32>,
      %parallel_loop3A_172 = arith.constant 3 : i32
      %parallel_loop3A_173 = arith.addi %parallel_loop3A_144, %parallel_loop3A_172 : i32
      %parallel_loop3A_174 = arith.constant 16 : i32
      %parallel_loop3A_175 = arith.muli %parallel_loop3A_173, %parallel_loop3A_174 : i32
      %parallel_loop3A_176 = arith.index_cast %parallel_loop3A_175 : i32 to index
      %parallel_loop3A_177 = tpu.vector_load %arg6[%parallel_loop3A_176] {strides = array<i32>} : memref<20000xi32, #tpu.memory_space<vmem>>, vector<16xi32>,
      %parallel_loop3A_178 = arith.index_cast %parallel_loop3A_175 : i32 to index
      %parallel_loop3A_179 = tpu.vector_load %arg8[%parallel_loop3A_178] {strides = array<i32>} : memref<20000xf32, #tpu.memory_space<vmem>>, vector<16xf32>,
      %parallel_loop3A_180 = arith.addi %mul3A_5, %parallel_loop3A_177 : vector<16xi32>
      tpu.vector_store_idx %arg10[%parallel_loop3A_180], %parallel_loop3A_179 {add = true} : memref<16400xf32, #tpu.memory_space<vmem>>[vector<16xi32>], vector<16xf32>,
      tpu.vector_store_idx %arg11[%parallel_loop3A_180], %broadcast_in_dim3A_6 {add = true} : memref<16400xf32, #tpu.memory_space<vmem>>[vector<16xi32>], vector<16xf32>,
      %parallel_loop3A_181 = arith.constant 4 : i32
      %parallel_loop3A_182 = arith.addi %parallel_loop3A_144, %parallel_loop3A_181 : i32
      %parallel_loop3A_183 = arith.constant 16 : i32
      %parallel_loop3A_184 = arith.muli %parallel_loop3A_182, %parallel_loop3A_183 : i32
      %parallel_loop3A_185 = arith.index_cast %parallel_loop3A_184 : i32 to index
      %parallel_loop3A_186 = tpu.vector_load %arg6[%parallel_loop3A_185] {strides = array<i32>} : memref<20000xi32, #tpu.memory_space<vmem>>, vector<16xi32>,
      %parallel_loop3A_187 = arith.index_cast %parallel_loop3A_184 : i32 to index
      %parallel_loop3A_188 = tpu.vector_load %arg8[%parallel_loop3A_187] {strides = array<i32>} : memref<20000xf32, #tpu.memory_space<vmem>>, vector<16xf32>,
      %parallel_loop3A_189 = arith.addi %mul3A_5, %parallel_loop3A_186 : vector<16xi32>
      tpu.vector_store_idx %arg10[%parallel_loop3A_189], %parallel_loop3A_188 {add = true} : memref<16400xf32, #tpu.memory_space<vmem>>[vector<16xi32>], vector<16xf32>,
      tpu.vector_store_idx %arg11[%parallel_loop3A_189], %broadcast_in_dim3A_6 {add = true} : memref<16400xf32, #tpu.memory_space<vmem>>[vector<16xi32>], vector<16xf32>,
    } {sc.loop_unroll_factor = 2 : i64, sc.parallel_access}
    %parallel_loop3A_134 = arith.constant 0 : i32
    %parallel_loop3A_135 = arith.constant 64 : i32
    %parallel_loop3A_136 = arith.constant 1 : i32
    scf.for %parallel_loop3A_144 = %parallel_loop3A_134 to %parallel_loop3A_135 step %parallel_loop3A_136  : i32 {
      %parallel_loop3A_145 = arith.constant 16 : i32
      %parallel_loop3A_146 = arith.muli %parallel_loop3A_144, %parallel_loop3A_145 : i32
      %parallel_loop3A_147 = arith.index_cast %parallel_loop3A_146 : i32 to index
      %parallel_loop3A_148 = tpu.vector_load %arg10[%parallel_loop3A_147] {strides = array<i32>} : memref<16400xf32, #tpu.memory_space<vmem>>, vector<16xf32>,
      %parallel_loop3A_149 = arith.constant 16 : i32
      %parallel_loop3A_150 = arith.muli %parallel_loop3A_144, %parallel_loop3A_149 : i32
      %parallel_loop3A_151 = arith.constant 1025 : i32
      %parallel_loop3A_152 = arith.addi %parallel_loop3A_151, %parallel_loop3A_150 : i32
      %parallel_loop3A_153 = arith.index_cast %parallel_loop3A_152 : i32 to index
      %parallel_loop3A_154 = tpu.vector_load %arg10[%parallel_loop3A_153] {strides = array<i32>} : memref<16400xf32, #tpu.memory_space<vmem>>, vector<16xf32>,
      %parallel_loop3A_155 = arith.addf %parallel_loop3A_148, %parallel_loop3A_154 : vector<16xf32>
      %parallel_loop3A_156 = arith.constant 16 : i32
      %parallel_loop3A_157 = arith.muli %parallel_loop3A_144, %parallel_loop3A_156 : i32
      %parallel_loop3A_158 = arith.constant 2050 : i32
      %parallel_loop3A_159 = arith.addi %parallel_loop3A_158, %parallel_loop3A_157 : i32
      %parallel_loop3A_160 = arith.index_cast %parallel_loop3A_159 : i32 to index
      %parallel_loop3A_161 = tpu.vector_load %arg10[%parallel_loop3A_160] {strides = array<i32>} : memref<16400xf32, #tpu.memory_space<vmem>>, vector<16xf32>,
      %parallel_loop3A_162 = arith.addf %parallel_loop3A_155, %parallel_loop3A_161 : vector<16xf32>
      %parallel_loop3A_163 = arith.constant 16 : i32
      %parallel_loop3A_164 = arith.muli %parallel_loop3A_144, %parallel_loop3A_163 : i32
      %parallel_loop3A_165 = arith.constant 3075 : i32
      %parallel_loop3A_166 = arith.addi %parallel_loop3A_165, %parallel_loop3A_164 : i32
      %parallel_loop3A_167 = arith.index_cast %parallel_loop3A_166 : i32 to index
      %parallel_loop3A_168 = tpu.vector_load %arg10[%parallel_loop3A_167] {strides = array<i32>} : memref<16400xf32, #tpu.memory_space<vmem>>, vector<16xf32>,
      %parallel_loop3A_169 = arith.addf %parallel_loop3A_162, %parallel_loop3A_168 : vector<16xf32>
      %parallel_loop3A_170 = arith.constant 16 : i32
      %parallel_loop3A_171 = arith.muli %parallel_loop3A_144, %parallel_loop3A_170 : i32
      %parallel_loop3A_172 = arith.constant 4100 : i32
      %parallel_loop3A_173 = arith.addi %parallel_loop3A_172, %parallel_loop3A_171 : i32
      %parallel_loop3A_174 = arith.index_cast %parallel_loop3A_173 : i32 to index
      %parallel_loop3A_175 = tpu.vector_load %arg10[%parallel_loop3A_174] {strides = array<i32>} : memref<16400xf32, #tpu.memory_space<vmem>>, vector<16xf32>,
      %parallel_loop3A_176 = arith.addf %parallel_loop3A_169, %parallel_loop3A_175 : vector<16xf32>
      %parallel_loop3A_177 = arith.constant 16 : i32
      %parallel_loop3A_178 = arith.muli %parallel_loop3A_144, %parallel_loop3A_177 : i32
      %parallel_loop3A_179 = arith.constant 5125 : i32
      %parallel_loop3A_180 = arith.addi %parallel_loop3A_179, %parallel_loop3A_178 : i32
      %parallel_loop3A_181 = arith.index_cast %parallel_loop3A_180 : i32 to index
      %parallel_loop3A_182 = tpu.vector_load %arg10[%parallel_loop3A_181] {strides = array<i32>} : memref<16400xf32, #tpu.memory_space<vmem>>, vector<16xf32>,
      %parallel_loop3A_183 = arith.addf %parallel_loop3A_176, %parallel_loop3A_182 : vector<16xf32>
      %parallel_loop3A_184 = arith.constant 16 : i32
      %parallel_loop3A_185 = arith.muli %parallel_loop3A_144, %parallel_loop3A_184 : i32
      %parallel_loop3A_186 = arith.constant 6150 : i32
      %parallel_loop3A_187 = arith.addi %parallel_loop3A_186, %parallel_loop3A_185 : i32
      %parallel_loop3A_188 = arith.index_cast %parallel_loop3A_187 : i32 to index
      %parallel_loop3A_189 = tpu.vector_load %arg10[%parallel_loop3A_188] {strides = array<i32>} : memref<16400xf32, #tpu.memory_space<vmem>>, vector<16xf32>,
      %parallel_loop3A_190 = arith.addf %parallel_loop3A_183, %parallel_loop3A_189 : vector<16xf32>
      %parallel_loop3A_191 = arith.constant 16 : i32
      %parallel_loop3A_192 = arith.muli %parallel_loop3A_144, %parallel_loop3A_191 : i32
      %parallel_loop3A_193 = arith.constant 7175 : i32
      %parallel_loop3A_194 = arith.addi %parallel_loop3A_193, %parallel_loop3A_192 : i32
      %parallel_loop3A_195 = arith.index_cast %parallel_loop3A_194 : i32 to index
      %parallel_loop3A_196 = tpu.vector_load %arg10[%parallel_loop3A_195] {strides = array<i32>} : memref<16400xf32, #tpu.memory_space<vmem>>, vector<16xf32>,
      %parallel_loop3A_197 = arith.addf %parallel_loop3A_190, %parallel_loop3A_196 : vector<16xf32>
      %parallel_loop3A_198 = arith.constant 16 : i32
      %parallel_loop3A_199 = arith.muli %parallel_loop3A_144, %parallel_loop3A_198 : i32
      %parallel_loop3A_200 = arith.constant 8200 : i32
      %parallel_loop3A_201 = arith.addi %parallel_loop3A_200, %parallel_loop3A_199 : i32
      %parallel_loop3A_202 = arith.index_cast %parallel_loop3A_201 : i32 to index
      %parallel_loop3A_203 = tpu.vector_load %arg10[%parallel_loop3A_202] {strides = array<i32>} : memref<16400xf32, #tpu.memory_space<vmem>>, vector<16xf32>,
      %parallel_loop3A_204 = arith.addf %parallel_loop3A_197, %parallel_loop3A_203 : vector<16xf32>
      %parallel_loop3A_205 = arith.constant 16 : i32
      %parallel_loop3A_206 = arith.muli %parallel_loop3A_144, %parallel_loop3A_205 : i32
      %parallel_loop3A_207 = arith.constant 9225 : i32
      %parallel_loop3A_208 = arith.addi %parallel_loop3A_207, %parallel_loop3A_206 : i32
      %parallel_loop3A_209 = arith.index_cast %parallel_loop3A_208 : i32 to index
      %parallel_loop3A_210 = tpu.vector_load %arg10[%parallel_loop3A_209] {strides = array<i32>} : memref<16400xf32, #tpu.memory_space<vmem>>, vector<16xf32>,
      %parallel_loop3A_211 = arith.addf %parallel_loop3A_204, %parallel_loop3A_210 : vector<16xf32>
      %parallel_loop3A_212 = arith.constant 16 : i32
      %parallel_loop3A_213 = arith.muli %parallel_loop3A_144, %parallel_loop3A_212 : i32
      %parallel_loop3A_214 = arith.constant 10250 : i32
      %parallel_loop3A_215 = arith.addi %parallel_loop3A_214, %parallel_loop3A_213 : i32
      %parallel_loop3A_216 = arith.index_cast %parallel_loop3A_215 : i32 to index
      %parallel_loop3A_217 = tpu.vector_load %arg10[%parallel_loop3A_216] {strides = array<i32>} : memref<16400xf32, #tpu.memory_space<vmem>>, vector<16xf32>,
      %parallel_loop3A_218 = arith.addf %parallel_loop3A_211, %parallel_loop3A_217 : vector<16xf32>
      %parallel_loop3A_219 = arith.constant 16 : i32
      %parallel_loop3A_220 = arith.muli %parallel_loop3A_144, %parallel_loop3A_219 : i32
      %parallel_loop3A_221 = arith.constant 11275 : i32
      %parallel_loop3A_222 = arith.addi %parallel_loop3A_221, %parallel_loop3A_220 : i32
      %parallel_loop3A_223 = arith.index_cast %parallel_loop3A_222 : i32 to index
      %parallel_loop3A_224 = tpu.vector_load %arg10[%parallel_loop3A_223] {strides = array<i32>} : memref<16400xf32, #tpu.memory_space<vmem>>, vector<16xf32>,
      %parallel_loop3A_225 = arith.addf %parallel_loop3A_218, %parallel_loop3A_224 : vector<16xf32>
      %parallel_loop3A_226 = arith.constant 16 : i32
      %parallel_loop3A_227 = arith.muli %parallel_loop3A_144, %parallel_loop3A_226 : i32
      %parallel_loop3A_228 = arith.constant 12300 : i32
      %parallel_loop3A_229 = arith.addi %parallel_loop3A_228, %parallel_loop3A_227 : i32
      %parallel_loop3A_230 = arith.index_cast %parallel_loop3A_229 : i32 to index
      %parallel_loop3A_231 = tpu.vector_load %arg10[%parallel_loop3A_230] {strides = array<i32>} : memref<16400xf32, #tpu.memory_space<vmem>>, vector<16xf32>,
      %parallel_loop3A_232 = arith.addf %parallel_loop3A_225, %parallel_loop3A_231 : vector<16xf32>
      %parallel_loop3A_233 = arith.constant 16 : i32
      %parallel_loop3A_234 = arith.muli %parallel_loop3A_144, %parallel_loop3A_233 : i32
      %parallel_loop3A_235 = arith.constant 13325 : i32
      %parallel_loop3A_236 = arith.addi %parallel_loop3A_235, %parallel_loop3A_234 : i32
      %parallel_loop3A_237 = arith.index_cast %parallel_loop3A_236 : i32 to index
      %parallel_loop3A_238 = tpu.vector_load %arg10[%parallel_loop3A_237] {strides = array<i32>} : memref<16400xf32, #tpu.memory_space<vmem>>, vector<16xf32>,
      %parallel_loop3A_239 = arith.addf %parallel_loop3A_232, %parallel_loop3A_238 : vector<16xf32>
      %parallel_loop3A_240 = arith.constant 16 : i32
      %parallel_loop3A_241 = arith.muli %parallel_loop3A_144, %parallel_loop3A_240 : i32
      %parallel_loop3A_242 = arith.constant 14350 : i32
      %parallel_loop3A_243 = arith.addi %parallel_loop3A_242, %parallel_loop3A_241 : i32
      %parallel_loop3A_244 = arith.index_cast %parallel_loop3A_243 : i32 to index
      %parallel_loop3A_245 = tpu.vector_load %arg10[%parallel_loop3A_244] {strides = array<i32>} : memref<16400xf32, #tpu.memory_space<vmem>>, vector<16xf32>,
      %parallel_loop3A_246 = arith.addf %parallel_loop3A_239, %parallel_loop3A_245 : vector<16xf32>
      %parallel_loop3A_247 = arith.constant 16 : i32
      %parallel_loop3A_248 = arith.muli %parallel_loop3A_144, %parallel_loop3A_247 : i32
      %parallel_loop3A_249 = arith.constant 15375 : i32
      %parallel_loop3A_250 = arith.addi %parallel_loop3A_249, %parallel_loop3A_248 : i32
      %parallel_loop3A_251 = arith.index_cast %parallel_loop3A_250 : i32 to index
      %parallel_loop3A_252 = tpu.vector_load %arg10[%parallel_loop3A_251] {strides = array<i32>} : memref<16400xf32, #tpu.memory_space<vmem>>, vector<16xf32>,
      %parallel_loop3A_253 = arith.addf %parallel_loop3A_246, %parallel_loop3A_252 : vector<16xf32>
      %parallel_loop3A_254 = arith.index_cast %parallel_loop3A_146 : i32 to index
      %parallel_loop3A_255 = tpu.vector_load %arg12[%parallel_loop3A_254] {strides = array<i32>} : memref<1024xf32, #tpu.memory_space<vmem>>, vector<16xf32>,
      tpu.vector_store %arg12[%parallel_loop3A_254], %parallel_loop3A_253 {strides = array<i32>} : memref<1024xf32, #tpu.memory_space<vmem>>, vector<16xf32>,
    } {sc.loop_unroll_factor = 2 : i64, sc.parallel_access}
    %mul3A_137 = arith.constant 1024 : i32
    %mul3A_138 = arith.muli %add3A, %mul3A_137 : i32
    "tpu.region"() ({
      %run_scoped3A = tpu.sem_alloc : memref<!tpu.dma_semaphore, #tpu.memory_space<semaphore_mem>>
      %dma_start3A_144 = tpu.memref_slice %arg4[%mul3A_138] : memref<32768xf32, #tpu.memory_space<hbm>> -> memref<1024xf32, #tpu.memory_space<hbm>>
      %dma_start3A_145 = tpu.memref_slice %arg4[%mul3A_138] : memref<32768xf32, #tpu.memory_space<hbm>> -> memref<1024xf32, #tpu.memory_space<hbm>>
      tpu.enqueue_dma source(%arg12 : memref<1024xf32, #tpu.memory_space<vmem>>) target(%dma_start3A_145 : memref<1024xf32, #tpu.memory_space<hbm>>) target_semaphore(%run_scoped3A : memref<!tpu.dma_semaphore, #tpu.memory_space<semaphore_mem>>)
      %dma_wait3A_146 = tpu.memref_slice %arg4[%mul3A_138] : memref<32768xf32, #tpu.memory_space<hbm>> -> memref<1024xf32, #tpu.memory_space<hbm>>
      %dma_wait3A_147 = tpu.memref_slice %arg4[%mul3A_138] : memref<32768xf32, #tpu.memory_space<hbm>> -> memref<1024xf32, #tpu.memory_space<hbm>>
      tpu.wait_dma2 semaphore(%run_scoped3A : memref<!tpu.dma_semaphore, #tpu.memory_space<semaphore_mem>>) src(%arg12 : memref<1024xf32, #tpu.memory_space<vmem>>) dst(%dma_wait3A_147 : memref<1024xf32, #tpu.memory_space<hbm>>)
      tpu.yield
    }) : () -> ()
    %parallel_loop3A_139 = arith.constant 0 : i32
    %parallel_loop3A_140 = arith.constant 64 : i32
    %parallel_loop3A_141 = arith.constant 1 : i32
    scf.for %parallel_loop3A_144 = %parallel_loop3A_139 to %parallel_loop3A_140 step %parallel_loop3A_141  : i32 {
      %parallel_loop3A_145 = arith.constant 16 : i32
      %parallel_loop3A_146 = arith.muli %parallel_loop3A_144, %parallel_loop3A_145 : i32
      %parallel_loop3A_147 = arith.index_cast %parallel_loop3A_146 : i32 to index
      %parallel_loop3A_148 = tpu.vector_load %arg11[%parallel_loop3A_147] {strides = array<i32>} : memref<16400xf32, #tpu.memory_space<vmem>>, vector<16xf32>,
      %parallel_loop3A_149 = arith.constant 16 : i32
      %parallel_loop3A_150 = arith.muli %parallel_loop3A_144, %parallel_loop3A_149 : i32
      %parallel_loop3A_151 = arith.constant 1025 : i32
      %parallel_loop3A_152 = arith.addi %parallel_loop3A_151, %parallel_loop3A_150 : i32
      %parallel_loop3A_153 = arith.index_cast %parallel_loop3A_152 : i32 to index
      %parallel_loop3A_154 = tpu.vector_load %arg11[%parallel_loop3A_153] {strides = array<i32>} : memref<16400xf32, #tpu.memory_space<vmem>>, vector<16xf32>,
      %parallel_loop3A_155 = arith.addf %parallel_loop3A_148, %parallel_loop3A_154 : vector<16xf32>
      %parallel_loop3A_156 = arith.constant 16 : i32
      %parallel_loop3A_157 = arith.muli %parallel_loop3A_144, %parallel_loop3A_156 : i32
      %parallel_loop3A_158 = arith.constant 2050 : i32
      %parallel_loop3A_159 = arith.addi %parallel_loop3A_158, %parallel_loop3A_157 : i32
      %parallel_loop3A_160 = arith.index_cast %parallel_loop3A_159 : i32 to index
      %parallel_loop3A_161 = tpu.vector_load %arg11[%parallel_loop3A_160] {strides = array<i32>} : memref<16400xf32, #tpu.memory_space<vmem>>, vector<16xf32>,
      %parallel_loop3A_162 = arith.addf %parallel_loop3A_155, %parallel_loop3A_161 : vector<16xf32>
      %parallel_loop3A_163 = arith.constant 16 : i32
      %parallel_loop3A_164 = arith.muli %parallel_loop3A_144, %parallel_loop3A_163 : i32
      %parallel_loop3A_165 = arith.constant 3075 : i32
      %parallel_loop3A_166 = arith.addi %parallel_loop3A_165, %parallel_loop3A_164 : i32
      %parallel_loop3A_167 = arith.index_cast %parallel_loop3A_166 : i32 to index
      %parallel_loop3A_168 = tpu.vector_load %arg11[%parallel_loop3A_167] {strides = array<i32>} : memref<16400xf32, #tpu.memory_space<vmem>>, vector<16xf32>,
      %parallel_loop3A_169 = arith.addf %parallel_loop3A_162, %parallel_loop3A_168 : vector<16xf32>
      %parallel_loop3A_170 = arith.constant 16 : i32
      %parallel_loop3A_171 = arith.muli %parallel_loop3A_144, %parallel_loop3A_170 : i32
      %parallel_loop3A_172 = arith.constant 4100 : i32
      %parallel_loop3A_173 = arith.addi %parallel_loop3A_172, %parallel_loop3A_171 : i32
      %parallel_loop3A_174 = arith.index_cast %parallel_loop3A_173 : i32 to index
      %parallel_loop3A_175 = tpu.vector_load %arg11[%parallel_loop3A_174] {strides = array<i32>} : memref<16400xf32, #tpu.memory_space<vmem>>, vector<16xf32>,
      %parallel_loop3A_176 = arith.addf %parallel_loop3A_169, %parallel_loop3A_175 : vector<16xf32>
      %parallel_loop3A_177 = arith.constant 16 : i32
      %parallel_loop3A_178 = arith.muli %parallel_loop3A_144, %parallel_loop3A_177 : i32
      %parallel_loop3A_179 = arith.constant 5125 : i32
      %parallel_loop3A_180 = arith.addi %parallel_loop3A_179, %parallel_loop3A_178 : i32
      %parallel_loop3A_181 = arith.index_cast %parallel_loop3A_180 : i32 to index
      %parallel_loop3A_182 = tpu.vector_load %arg11[%parallel_loop3A_181] {strides = array<i32>} : memref<16400xf32, #tpu.memory_space<vmem>>, vector<16xf32>,
      %parallel_loop3A_183 = arith.addf %parallel_loop3A_176, %parallel_loop3A_182 : vector<16xf32>
      %parallel_loop3A_184 = arith.constant 16 : i32
      %parallel_loop3A_185 = arith.muli %parallel_loop3A_144, %parallel_loop3A_184 : i32
      %parallel_loop3A_186 = arith.constant 6150 : i32
      %parallel_loop3A_187 = arith.addi %parallel_loop3A_186, %parallel_loop3A_185 : i32
      %parallel_loop3A_188 = arith.index_cast %parallel_loop3A_187 : i32 to index
      %parallel_loop3A_189 = tpu.vector_load %arg11[%parallel_loop3A_188] {strides = array<i32>} : memref<16400xf32, #tpu.memory_space<vmem>>, vector<16xf32>,
      %parallel_loop3A_190 = arith.addf %parallel_loop3A_183, %parallel_loop3A_189 : vector<16xf32>
      %parallel_loop3A_191 = arith.constant 16 : i32
      %parallel_loop3A_192 = arith.muli %parallel_loop3A_144, %parallel_loop3A_191 : i32
      %parallel_loop3A_193 = arith.constant 7175 : i32
      %parallel_loop3A_194 = arith.addi %parallel_loop3A_193, %parallel_loop3A_192 : i32
      %parallel_loop3A_195 = arith.index_cast %parallel_loop3A_194 : i32 to index
      %parallel_loop3A_196 = tpu.vector_load %arg11[%parallel_loop3A_195] {strides = array<i32>} : memref<16400xf32, #tpu.memory_space<vmem>>, vector<16xf32>,
      %parallel_loop3A_197 = arith.addf %parallel_loop3A_190, %parallel_loop3A_196 : vector<16xf32>
      %parallel_loop3A_198 = arith.constant 16 : i32
      %parallel_loop3A_199 = arith.muli %parallel_loop3A_144, %parallel_loop3A_198 : i32
      %parallel_loop3A_200 = arith.constant 8200 : i32
      %parallel_loop3A_201 = arith.addi %parallel_loop3A_200, %parallel_loop3A_199 : i32
      %parallel_loop3A_202 = arith.index_cast %parallel_loop3A_201 : i32 to index
      %parallel_loop3A_203 = tpu.vector_load %arg11[%parallel_loop3A_202] {strides = array<i32>} : memref<16400xf32, #tpu.memory_space<vmem>>, vector<16xf32>,
      %parallel_loop3A_204 = arith.addf %parallel_loop3A_197, %parallel_loop3A_203 : vector<16xf32>
      %parallel_loop3A_205 = arith.constant 16 : i32
      %parallel_loop3A_206 = arith.muli %parallel_loop3A_144, %parallel_loop3A_205 : i32
      %parallel_loop3A_207 = arith.constant 9225 : i32
      %parallel_loop3A_208 = arith.addi %parallel_loop3A_207, %parallel_loop3A_206 : i32
      %parallel_loop3A_209 = arith.index_cast %parallel_loop3A_208 : i32 to index
      %parallel_loop3A_210 = tpu.vector_load %arg11[%parallel_loop3A_209] {strides = array<i32>} : memref<16400xf32, #tpu.memory_space<vmem>>, vector<16xf32>,
      %parallel_loop3A_211 = arith.addf %parallel_loop3A_204, %parallel_loop3A_210 : vector<16xf32>
      %parallel_loop3A_212 = arith.constant 16 : i32
      %parallel_loop3A_213 = arith.muli %parallel_loop3A_144, %parallel_loop3A_212 : i32
      %parallel_loop3A_214 = arith.constant 10250 : i32
      %parallel_loop3A_215 = arith.addi %parallel_loop3A_214, %parallel_loop3A_213 : i32
      %parallel_loop3A_216 = arith.index_cast %parallel_loop3A_215 : i32 to index
      %parallel_loop3A_217 = tpu.vector_load %arg11[%parallel_loop3A_216] {strides = array<i32>} : memref<16400xf32, #tpu.memory_space<vmem>>, vector<16xf32>,
      %parallel_loop3A_218 = arith.addf %parallel_loop3A_211, %parallel_loop3A_217 : vector<16xf32>
      %parallel_loop3A_219 = arith.constant 16 : i32
      %parallel_loop3A_220 = arith.muli %parallel_loop3A_144, %parallel_loop3A_219 : i32
      %parallel_loop3A_221 = arith.constant 11275 : i32
      %parallel_loop3A_222 = arith.addi %parallel_loop3A_221, %parallel_loop3A_220 : i32
      %parallel_loop3A_223 = arith.index_cast %parallel_loop3A_222 : i32 to index
      %parallel_loop3A_224 = tpu.vector_load %arg11[%parallel_loop3A_223] {strides = array<i32>} : memref<16400xf32, #tpu.memory_space<vmem>>, vector<16xf32>,
      %parallel_loop3A_225 = arith.addf %parallel_loop3A_218, %parallel_loop3A_224 : vector<16xf32>
      %parallel_loop3A_226 = arith.constant 16 : i32
      %parallel_loop3A_227 = arith.muli %parallel_loop3A_144, %parallel_loop3A_226 : i32
      %parallel_loop3A_228 = arith.constant 12300 : i32
      %parallel_loop3A_229 = arith.addi %parallel_loop3A_228, %parallel_loop3A_227 : i32
      %parallel_loop3A_230 = arith.index_cast %parallel_loop3A_229 : i32 to index
      %parallel_loop3A_231 = tpu.vector_load %arg11[%parallel_loop3A_230] {strides = array<i32>} : memref<16400xf32, #tpu.memory_space<vmem>>, vector<16xf32>,
      %parallel_loop3A_232 = arith.addf %parallel_loop3A_225, %parallel_loop3A_231 : vector<16xf32>
      %parallel_loop3A_233 = arith.constant 16 : i32
      %parallel_loop3A_234 = arith.muli %parallel_loop3A_144, %parallel_loop3A_233 : i32
      %parallel_loop3A_235 = arith.constant 13325 : i32
      %parallel_loop3A_236 = arith.addi %parallel_loop3A_235, %parallel_loop3A_234 : i32
      %parallel_loop3A_237 = arith.index_cast %parallel_loop3A_236 : i32 to index
      %parallel_loop3A_238 = tpu.vector_load %arg11[%parallel_loop3A_237] {strides = array<i32>} : memref<16400xf32, #tpu.memory_space<vmem>>, vector<16xf32>,
      %parallel_loop3A_239 = arith.addf %parallel_loop3A_232, %parallel_loop3A_238 : vector<16xf32>
      %parallel_loop3A_240 = arith.constant 16 : i32
      %parallel_loop3A_241 = arith.muli %parallel_loop3A_144, %parallel_loop3A_240 : i32
      %parallel_loop3A_242 = arith.constant 14350 : i32
      %parallel_loop3A_243 = arith.addi %parallel_loop3A_242, %parallel_loop3A_241 : i32
      %parallel_loop3A_244 = arith.index_cast %parallel_loop3A_243 : i32 to index
      %parallel_loop3A_245 = tpu.vector_load %arg11[%parallel_loop3A_244] {strides = array<i32>} : memref<16400xf32, #tpu.memory_space<vmem>>, vector<16xf32>,
      %parallel_loop3A_246 = arith.addf %parallel_loop3A_239, %parallel_loop3A_245 : vector<16xf32>
      %parallel_loop3A_247 = arith.constant 16 : i32
      %parallel_loop3A_248 = arith.muli %parallel_loop3A_144, %parallel_loop3A_247 : i32
      %parallel_loop3A_249 = arith.constant 15375 : i32
      %parallel_loop3A_250 = arith.addi %parallel_loop3A_249, %parallel_loop3A_248 : i32
      %parallel_loop3A_251 = arith.index_cast %parallel_loop3A_250 : i32 to index
      %parallel_loop3A_252 = tpu.vector_load %arg11[%parallel_loop3A_251] {strides = array<i32>} : memref<16400xf32, #tpu.memory_space<vmem>>, vector<16xf32>,
      %parallel_loop3A_253 = arith.addf %parallel_loop3A_246, %parallel_loop3A_252 : vector<16xf32>
      %parallel_loop3A_254 = arith.index_cast %parallel_loop3A_146 : i32 to index
      %parallel_loop3A_255 = tpu.vector_load %arg12[%parallel_loop3A_254] {strides = array<i32>} : memref<1024xf32, #tpu.memory_space<vmem>>, vector<16xf32>,
      tpu.vector_store %arg12[%parallel_loop3A_254], %parallel_loop3A_253 {strides = array<i32>} : memref<1024xf32, #tpu.memory_space<vmem>>, vector<16xf32>,
    } {sc.loop_unroll_factor = 2 : i64, sc.parallel_access}
    %mul3A_142 = arith.constant 1024 : i32
    %mul3A_143 = arith.muli %add3A, %mul3A_142 : i32
    "tpu.region"() ({
      %run_scoped3A = tpu.sem_alloc : memref<!tpu.dma_semaphore, #tpu.memory_space<semaphore_mem>>
      %dma_start3A_144 = tpu.memref_slice %arg5[%mul3A_143] : memref<32768xf32, #tpu.memory_space<hbm>> -> memref<1024xf32, #tpu.memory_space<hbm>>
      %dma_start3A_145 = tpu.memref_slice %arg5[%mul3A_143] : memref<32768xf32, #tpu.memory_space<hbm>> -> memref<1024xf32, #tpu.memory_space<hbm>>
      tpu.enqueue_dma source(%arg12 : memref<1024xf32, #tpu.memory_space<vmem>>) target(%dma_start3A_145 : memref<1024xf32, #tpu.memory_space<hbm>>) target_semaphore(%run_scoped3A : memref<!tpu.dma_semaphore, #tpu.memory_space<semaphore_mem>>)
      %dma_wait3A_146 = tpu.memref_slice %arg5[%mul3A_143] : memref<32768xf32, #tpu.memory_space<hbm>> -> memref<1024xf32, #tpu.memory_space<hbm>>
      %dma_wait3A_147 = tpu.memref_slice %arg5[%mul3A_143] : memref<32768xf32, #tpu.memory_space<hbm>> -> memref<1024xf32, #tpu.memory_space<hbm>>
      tpu.wait_dma2 semaphore(%run_scoped3A : memref<!tpu.dma_semaphore, #tpu.memory_space<semaphore_mem>>) src(%arg12 : memref<1024xf32, #tpu.memory_space<vmem>>) dst(%dma_wait3A_147 : memref<1024xf32, #tpu.memory_space<hbm>>)
      tpu.yield
    }) : () -> ()
    return
  }
}

</mosaic_0001>

<sc_bundles>
// kernel: kernel.4.cloned.1.call-start
scs
__scs_entry_jumppad:
0x0: {  	(pc) =	sbr.rel $0x88, $3  }
0x1: {  	(tag) =	ssettag $0x0;
	lr =	simm.s32 $0x1  }
0x2: {  	[smem:$0x3F9E] =	sst lr;
	_ =	strace $0xD0000000  }
0x3: {  	_ = 	snop  }
0x4: {  	_ = 	snop  }
0x5: {  	_ = 	snop  }
0x6: {  	_ = 	snop  }
0x7: {  	_ = 	snop  }
__scs_overlays_trampoline_lowered:
0x8: {  	[smem:$0x3FAD] =	sst s0  }
0x9: {  	[smem:$0x3FAE] =	sst s1  }
0xa: {  	[smem:$0x3FAF] =	sst s2  }
0xb: {  	[smem:$0x3FB0] =	sst s3  }
0xc: {  	[smem:$0x3FB1] =	sst s4  }
0xd: {  	[smem:$0x3FB2] =	sst s5  }
0xe: {  	[smem:$0x3FB3] =	sst s6  }
0xf: {  	[smem:$0x3FB4] =	sst s7  }
0x10: {  	[smem:$0x3FB5] =	sst s8  }
0x11: {  	[smem:$0x3FB6] =	sst s9;
	s0 =	simm.s32 @!p0 $0x0  }
0x12: {  	s1 =	sld [smem:$0x3F9C];
	s0 =	simm.s32 @p0 $0x1  }
0x13: {  	[smem:$0x3FB7] =	sst s0;
	s0 =	simm.s32 @!p1 $0x0  }
0x14: {  	s2 =	sld [smem:$0x3F9B];
	s0 =	simm.s32 @p1 $0x1  }
0x15: {  	[smem:$0x3FB8] =	sst s0;
	s0 =	simm.s32 @!p2 $0x0  }
0x16: {  	s3 =	sld [smem:$0x3FDB];
	s0 =	simm.s32 @p2 $0x1  }
0x17: {  	s4 =	simm.s32 $0x1BF5;
	[smem:$0x3FBA] =	sst s0  }
0x18: {  	s0 =	sld [smem:$0x3F9D];
	_ =	swait.ge [sflag:s4], $0x0  }
0x19: {  	s7 =	sld [smem:$0x3F9E]  }
0x1a: {  	s8 =	sadd.s32 $0xFFFFE003, lr  }
0x1b: {  	s9 =	sadd.s32 $0xFFFFFEF7, lr;
	s5 =	simm.s32 $0xFFFFFFFF;
	p2 =	slt.u32 s8, $0xFFFFF086  }
0x1c: {  	p1 =	slt.u32 s9, $0xF7A;
	s5 =	simm.s32 @!p2 $0x0  }
0x1d: {  	s5 =	simm.s32 @p1 $0x1;
	p0 =	seq.s32 s7, s2  }
0x1e: {  	s7 =	smul.u32 @!p0 $0xF7A, s2;
	p2 =	seq.s32 @!p0 s5, $0x0  }
0x1f: {  	s9 =	smul.u32 $0xF7A, s1;
	s8 =	simm.s32 @!p0 $0x1BF5;
	p2 =	por !p2, p0  }
0x20: {  	[sflag:s8] =	ssyncset.s32 @!p0 $0xFFFFF086;
	s6 =	sadd.s32 @!p0 s3, s7;
	s7 =	simm.s32 @!p0 $0x108  }
0x21: {  	s3 =	sadd.s32 s3, s9;
	s6 =	sadd.s32 @!p0 $0x88, s6;
	s7 =	simm.s32 @p2 $0x1082  }
0x22: {  	[simem:s7], [sflag:s8] =	dma.local @!p0 [hbm:s6], $0xF7A  }
0x23: {  	s9 =	sor.u32 $0xD0000000, s2;
	s6 =	simm.s32 $0x108;
	_ =	swait.ge @!p0 [sflag:s8], $0x0  }
0x24: {  	s3 =	sadd.s32 $0x88, s3;
	s6 =	simm.s32 @!p1 $0x1082;
	[sflag:s4] =	ssyncset.s32 $0xFFFFF086  }
0x25: {  	[simem:s6], [sflag:s4] =	dma.local [hbm:s3], $0xF7A  }
0x26: {  	[smem:$0x3F9E] =	sst s1;
	(tag) =	ssettag s2;
	_ =	strace s9  }
0x27: {  	s1 =	sld [smem:$0x3FAE]  }
0x28: {  	s2 =	sld [smem:$0x3FAF]  }
0x29: {  	s4 =	sld [smem:$0x3FB1]  }
0x2a: {  	p0 =	seq.s32 s5, $0x0;
	s5 =	sld [smem:$0x3FB2]  }
0x2b: {  	s6 =	sld [smem:$0x3FB3]  }
0x2c: {  	s7 =	sld [smem:$0x3FB4]  }
0x2d: {  	s3 =	simm.s32 $0x108;
	s8 =	sld [smem:$0x3FB5]  }
0x2e: {  	s3 =	simm.s32 @!p0 $0x1082;
	s9 =	sld [smem:$0x3FB6]  }
0x2f: {  	lr =	sadd.s32 s0, s3;
	s0 =	sld [smem:$0x3FAD]  }
0x30: {  	s3 =	sld [smem:$0x3FB0]  }
0x31: {  	[smem:$0x3FB9] =	sst s10  }
0x32: {  	s10 =	sld [smem:$0x3FB7];
	_ =	sdelay $0x3  }
0x33: {  	p0 =	seq.s32 s10, $0x1;
	s10 =	sld [smem:$0x3FB9];
	_ =	sdelay $0x3  }
0x34: {  	[smem:$0x3FB9] =	sst s10  }
0x35: {  	s10 =	sld [smem:$0x3FB8];
	_ =	sdelay $0x3  }
0x36: {  	p1 =	seq.s32 s10, $0x1;
	s10 =	sld [smem:$0x3FB9];
	_ =	sdelay $0x3  }
0x37: {  	[smem:$0x3FB9] =	sst s10  }
0x38: {  	s10 =	sld [smem:$0x3FBA]  }
0x39: {  	_ = 	snop;
	(pc) =	sbr.ind lr, $3  }
0x3a: {  	_ = 	snop  }
0x3b: {  	_ = 	snop  }
0x3c: {  	p2 =	seq.s32 s10, $0x1;
	s10 =	sld [smem:$0x3FB9]  }
0x3d: {  	_ =	shalt  }
0x3e: {  	_ =	shalt  }
0x3f: {  	_ =	shalt  }
0x40: {  	_ =	shalt  }
0x41: {  	_ =	shalt  }
0x42: {  	_ =	shalt  }
0x43: {  	_ =	shalt  }
0x44: {  	_ =	shalt  }
0x45: {  	_ =	shalt  }
0x46: {  	_ =	shalt  }
0x47: {  	_ =	shalt  }
0x48: {  	_ =	shalt  }
0x49: {  	_ =	shalt  }
0x4a: {  	_ =	shalt  }
0x4b: {  	_ =	shalt  }
0x4c: {  	_ =	shalt  }
0x4d: {  	_ =	shalt  }
0x4e: {  	_ =	shalt  }
0x4f: {  	_ =	shalt  }
0x50: {  	_ =	shalt  }
0x51: {  	_ =	shalt  }
0x52: {  	_ =	shalt  }
0x53: {  	_ =	shalt  }
0x54: {  	_ =	shalt  }
0x55: {  	_ =	shalt  }
0x56: {  	_ =	shalt  }
0x57: {  	_ =	shalt  }
0x58: {  	_ =	shalt  }
0x59: {  	_ =	shalt  }
0x5a: {  	_ =	shalt  }
0x5b: {  	_ =	shalt  }
0x5c: {  	_ =	shalt  }
0x5d: {  	_ =	shalt  }
0x5e: {  	_ =	shalt  }
0x5f: {  	_ =	shalt  }
0x60: {  	_ =	shalt  }
0x61: {  	_ =	shalt  }
0x62: {  	_ =	shalt  }
0x63: {  	_ =	shalt  }
0x64: {  	_ =	shalt  }
0x65: {  	_ =	shalt  }
0x66: {  	_ =	shalt  }
0x67: {  	_ =	shalt  }
0x68: {  	_ =	shalt  }
0x69: {  	_ =	shalt  }
0x6a: {  	_ =	shalt  }
0x6b: {  	_ =	shalt  }
0x6c: {  	_ =	shalt  }
0x6d: {  	_ =	shalt  }
0x6e: {  	_ =	shalt  }
0x6f: {  	_ =	shalt  }
0x70: {  	_ =	shalt  }
0x71: {  	_ =	shalt  }
0x72: {  	_ =	shalt  }
0x73: {  	_ =	shalt  }
0x74: {  	_ =	shalt  }
0x75: {  	_ =	shalt  }
0x76: {  	_ =	shalt  }
0x77: {  	_ =	shalt  }
0x78: {  	_ =	shalt  }
0x79: {  	_ =	shalt  }
0x7a: {  	_ =	shalt  }
0x7b: {  	_ =	shalt  }
0x7c: {  	_ =	shalt  }
0x7d: {  	_ =	shalt  }
0x7e: {  	_ =	shalt  }
0x7f: {  	_ =	shalt  }
0x80: {  	_ =	shalt  }
0x81: {  	_ =	shalt  }
0x82: {  	_ =	shalt  }
0x83: {  	_ =	shalt  }
0x84: {  	_ =	shalt  }
0x85: {  	_ =	shalt  }
0x86: {  	_ =	shalt  }
0x87: {  	_ =	shalt  }
.Lfunc_end0:
.L_simem_size_0:
called_computation_lowered:
.L_overlay_start_0:
0x88: {  	s2 =	sld [smem:$0x3FD9]  }
0x89: {  	s3 =	sld [smem:$0x3FFE];
	_ =	sdelay $0x1  }
0x8a: {  	s1 =	srdreg.scid  }
0x8b: {  	s0 =	sand.u32 $0x1, s1  }
0x8c: {  	s17 =	sshll.u32 s0, $0xA;
	s2 =	sadd.s32 s3, s2  }
0x8d: {  	s2 =	sadd.s32 s2, s17  }
0x8e: {  	[smem:$0x3FC5] =	sst s2  }
0x8f: {  	_ = 	snop  }
0x90: {  	s2 =	sld [smem:$0x3FC9]  }
0x91: {  	s18 =	sld [smem:$0x3FC7];
	(tm) =	ssettm $0x1  }
0x92: {  	s4 =	sld [smem:$0x3FFB];
	_ =	sdelay $0x3  }
0x93: {  	_ =	strace s4  }
0x94: {  	s4 =	sld [smem:$0x3FFC];
	_ =	sdelay $0x3  }
0x95: {  	_ =	strace s4  }
0x96: {  	s4 =	sld [smem:$0x3FFD];
	_ =	sdelay $0x3  }
0x97: {  	_ =	strace s4  }
0x98: {  	_ =	strace $0x8FFFFFFF  }
0x99: {  	s19 =	sld [smem:$0x3FDB];
	_ =	sdelay $0x1  }
0x9a: {  	s5 =	simm.s32 $_scs_section_size  }
0x9b: {  	s6 =	simm.s32 $_size__tile_overlayer_lowered;
	s7 =	simm.s32 $_tile_overlayer_lowered  }
0x9c: {  	s22 =	simm.s32 $0x1BFF;
	s21 =	sshll.u32 s7, $0x1;
	s4 =	sadd.s32 s5, s19  }
0x9d: {  	s8 =	simm.s32 $0x0;
	s20 =	sshll.u32 s6, $0x1;
	s6 =	sadd.s32 s21, s4  }
0x9e: {  	[timem:s8], [sflag:s22] =	dma.local [hbm:s6], s20  }
0x9f: {  	_ =	swait.ge [sflag:s22], s20  }
0xa0: {  	s5 =	ssub.s32 $0x0, s20;
	[sflag:s22] =	ssyncset.done $0x0  }
0xa1: {  	[sflag:s22] =	ssyncadd.s32 s5;
	_ =	sdelay $0x1  }
0xa2: {  	s23 =	simm.s32 $0x1B8B  }
0xa3: {  	_ =	swait.ge [sflag:s23], $0x1  }
0xa4: {  	[sflag:s23] =	ssyncset.done $0x0  }
0xa5: {  	s25 =	simm.s32 $0x1B8E;
	s24 =	sld [smem:$0x3FFE];
	[sflag:s23] =	ssyncadd.s32 $0xFFFFFFFF  }
0xa6: {  	s26 =	simm.s32 $execute0_lowered;
	[smem:$0x3FD2] =	sst s25  }
0xa7: {  	s6 =	sshll.u32 s26, $0x1;
	_ =	strace $0x80000046;
	[dreg:$0x1] =	wrdreg $0xFFFFFFFF  }
0xa8: {  	s28 =	simm.s32 $_size_execute0_lowered;
	s4 =	sadd.s32 s4, s6;
	[dreg:$0x0] =	wrdreg $0x0  }
0xa9: {  	s6 =	sshll.u32 s28, $0x1;
	[dreg:$0x2] =	wrdreg s4  }
0xaa: {  	[dreg:$0x3] =	wrdreg s6  }
0xab: {  	[dreg:$0x4] =	wrdreg $0xC0  }
0xac: {  	_ =	task [dreg:s8], $0x5FFFF  }
0xad: {  	[dreg:$0x1] =	wrdreg $0xFFFFFFFF  }
0xae: {  	[dreg:$0x0] =	wrdreg $0x60  }
0xaf: {  	[dreg:$0x2] =	wrdreg s18  }
0xb0: {  	[dreg:$0x3] =	wrdreg s2  }
0xb1: {  	[dreg:$0x4] =	wrdreg s24  }
0xb2: {  	[dreg:$0x5] =	wrdreg $0x9  }
0xb3: {  	_ =	task.clear_ibuf [dreg:s8], $0x6FFFF;
	_ =	strace $0x90000046  }
0xb4: {  	s29 =	simm.s32 $0x9;
	_ =	strace $0x80000048  }
0xb5: {  	_ =	swait.ge [sflag:s29], $0x1  }
0xb6: {  	[sflag:s29] =	ssyncadd.s32 $0xFFFFFFFF  }
0xb7: {  	_ =	strace $0x90000048  }
0xb8: {  	_ =	sfence  }
0xb9: {  	s30 =	sld [smem:$0x0];
	_ =	sdelay $0x2  }
0xba: {  	s31 =	sshll.u32 s1, $0xD;
	s1 =	sshrl.u32 s1, $0x2  }
0xbb: {  	s3 =	sand.u32 $0x4000, s31;
	s1 =	sadd.s32 s1, s30  }
0xbc: {  	s0 =	sor.u32 s3, s0;
	s1 =	sshll.u32 s1, $0x11  }
0xbd: {  	s0 =	sor.u32 s1, s0  }
0xbe: {  	s0 =	sadd.s32 $0x8F2B, s0  }
0xbf: {  	[sflag:s0] =	ssyncadd.remote.s32 $0x1  }
0xc0: {  	_ =	sfence.sel $0xFFFF  }
0xc1: {  	[dreg:$0x0] =	wrdreg $0xFFFFFFFF;
	(pc) =	sbr.abs _section_cstart, $3  }
0xc2: {  	[dreg:$0x1] =	wrdreg $0xFFFFFFFF  }
0xc3: {  	_ =	task.clear_ibuf [dreg:s8], $0x2FFFF;
	_ =	strace $0x9FFFFFFF  }
0xc4: {  	(tm) =	ssettm $0x7FFFFFFF  }
0xc5: {  	_ =	shalt  }
tec
execute0_lowered:
.L_overlay_start_1:
0x0: {  	(tag) =	ssettag $0x1  }
0x1: {  	s0 =	rddreg [dreg:$0x0]  }
0x2: {  	s1 =	rddreg [dreg:$0x1];
	s2 =	srdreg.scid  }
0x3: {  	s5 =	stileid.u32;
	s3 =	rddreg [dreg:$0x2];
	s16 =	simm.s32 $0x9D00  }
0x4: {  	s17 =	simm.s32 $0x4E80;
	s18 =	simm.s32 $0xEB80;
	s19 =	simm.s32 $0x1  }
0x5: {  	s20 =	simm.s32 $0x13A00;
	s21 =	simm.s32 $0x17A80;
	s22 =	simm.s32 $0x2  }
0x6: {  	s23 =	simm.s32 $0x1BB00;
	s24 =	simm.s32 $0x3;
	s25 =	simm.s32 $0x0  }
0x7: {  	s4 =	sand.u32 $0x1, s2;
	s5 =	sshll.u32 s5, $0x1;
	s2 =	simm.s32 $0x0  }
0x8: {  	s5 =	sor.u32 s4, s5;
	[smem:$0x7FF] =	sst s2;
	s4 =	ssub.s32 $0x2, s4  }
0x9: {  	s6 =	smul.u32 $0x186A0, s5;
	s5 =	sshll.u32 s5, $0x7;
	s7 =	sshrl.u32 s4, $0x1  }
0xa: {  	_ =	strace $0x80000047;
	s14 =	sadd.s32 s5, s3;
	s15 =	ssub.s32 s4, s7  }
0xb: {  	s11 =	sshrl.u32 s6, $0x3;
	s13 =	sadd.s32 $0xE00, s14;
	s14 =	sadd.s32 $0x1E00, s14  }
0xc: {  	s15 =	smax.u32 s15, $0x1;
	s3 =	sadd.s32 s0, s11;
	s4 =	sadd.s32 s1, s11  }
0xd: {  	s6 =	sadd.s32 $0x9C4, s11;
	s8 =	sadd.s32 $0x1388, s11;
	s10 =	sadd.s32 $0x1D4C, s11  }
0xe: {  	s12 =	sadd.s32 $0x2710, s11;
	s5 =	sadd.s32 s0, s6;
	s6 =	sadd.s32 s1, s6  }
0xf: {  	v1 =	vlaneseq.u32;
	s7 =	sadd.s32 s0, s8;
	s8 =	sadd.s32 s1, s8;
	s9 =	sadd.s32 s0, s10  }
0x10: {  	v0 =	vimm.f32 $0.0e+00;
	v2 =	vimm.f32 $1.000000000e+00;
	v1 =	vmul.u32 $0x401, v1;
	s10 =	sadd.s32 s1, s10;
	s11 =	sadd.s32 s0, s12;
	s12 =	sadd.s32 s1, s12  }
.LBB2_1:
0x11: {  	[tilespmem:s2], [sflag:$0x1] =	stream.linear.gather [hbm4b:s3+s2], $0x4E20, $0x38;
	[tilespmem:$0x1BF00] =	vst v63  }
0x12: {  	s1 =	simm.s32 $0x13A20  }
0x13: {  	[tilespmem:s16], [sflag:$0x1] =	stream.linear.gather [hbm4b:s4+s2], $0x4E20, $0x38;
	[tilespmem:$0x1BF00] =	vst v63  }
0x14: {  	[tilespmem:s1+$0xFFFFFFF0] =	vst v0  }
0x15: {  	[tilespmem:s1+$0xFFFFFFE0] =	vst v0  }
0x16: {  	[tilespmem:s1+$0x0] =	vst v0  }
0x17: {  	[tilespmem:s1+$0x10] =	vst v0  }
0x18: {  	s26 =	simm.s32 $0x17AA0;
	[tilespmem:s1+$0x20] =	vst v0  }
0x19: {  	[tilespmem:s26+$0xFFFFFFE0] =	vst v0  }
0x1a: {  	[tilespmem:s26+$0x20] =	vst v0  }
0x1b: {  	[tilespmem:s26+$0x10] =	vst v0  }
0x1c: {  	s0 =	simm.s32 $0x0;
	[tilespmem:s26+$0x0] =	vst v0  }
.LBB2_2:
0x1d: {  	s0 =	sadd.s32 $0x5, s0;
	[tilespmem:s26+$0xFFFFFFF0] =	vst v0;
	s1 =	sadd.s32 $0x50, s1;
	s26 =	sadd.s32 $0x50, s26  }
0x1e: {  	[tilespmem:s1+$0xFFFFFFF0] =	vst v0;
	p0 =	slt.u32 s0, $0x3FC  }
0x1f: {  	[tilespmem:s1+$0xFFFFFFE0] =	vst v0  }
0x20: {  	[tilespmem:s26+$0xFFFFFFE0] =	vst v0  }
0x21: {  	[tilespmem:s1+$0x0] =	vst v0  }
.Ltmp0:
0x22: {  	[tilespmem:s1+$0x10] =	vst v0;
	(pc) =	sbr.rel @p0 .LBB2_2-.Ltmp0, $4  }
0x23: {  	[tilespmem:s1+$0x20] =	vst v0  }
0x24: {  	[tilespmem:s26+$0x20] =	vst v0  }
0x25: {  	[tilespmem:s26+$0x10] =	vst v0  }
0x26: {  	[tilespmem:s26+$0x0] =	vst v0  }
0x27: {  	[tilespmem:s26+$0xFFFFFFF0] =	vst v0;
	s0 =	simm.s32 $0x0  }
0x28: {  	[tilespmem:s17], [sflag:$0x2] =	stream.linear.gather [hbm4b:s5+s0], $0x4E20, $0x38;
	[tilespmem:$0x1BF00] =	vst v63  }
0x29: {  	_ = 	snop  }
0x2a: {  	[tilespmem:s18], [sflag:$0x2] =	stream.linear.gather [hbm4b:s6+s0], $0x4E20, $0x38;
	[tilespmem:$0x1BF00] =	vst v63  }
0x2b: {  	_ =	swait.ge [sflag:s19], $0x4E20  }
0x2c: {  	[sflag:s19] =	ssyncset.done $0x0  }
0x2d: {  	[sflag:s19] =	ssyncadd.s32 $0xFFFFB1E0  }
0x2e: {  	_ =	swait.ge [sflag:s19], $0x4E20  }
0x2f: {  	[sflag:s19] =	ssyncset.done $0x0  }
0x30: {  	s29 =	simm.s32 $0x50;
	[sflag:s19] =	ssyncadd.s32 $0xFFFFB1E0  }
0x31: {  	v3 =	vld [tilespmem:s29+$0x0];
	_ =	sdelay $0x3  }
0x32: {  	s1 =	simm.s32 $0x9D50  }
0x33: {  	v4 =	vld [tilespmem:s1+$0x0];
	v3 =	vadd.s32 v1, v3  }
0x34: {  	v5 =	vld [tilespmem:s29+$0xFFFFFFB0];
	_ =	sdelay $0x3  }
0x35: {  	[tilespmem:v3+s20+$0x0] =	vst.idx.add.f32.msk $0xffff, v4  }
0x36: {  	v4 =	vadd.s32 v1, v5;
	v5 =	vld [tilespmem:s1+$0xFFFFFFB0]  }
0x37: {  	[tilespmem:v3+s21+$0x0] =	vst.idx.add.f32.msk $0xffff, v2  }
0x38: {  	v3 =	vld [tilespmem:s29+$0x10];
	_ =	sdelay $0x2  }
0x39: {  	v6 =	vld [tilespmem:s1+$0x10]  }
0x3a: {  	[tilespmem:v4+s20+$0x0] =	vst.idx.add.f32.msk $0xffff, v5  }
0x3b: {  	[tilespmem:v4+s21+$0x0] =	vst.idx.add.f32.msk $0xffff, v2;
	v3 =	vadd.s32 v1, v3  }
0x3c: {  	v4 =	vld [tilespmem:s29+$0xFFFFFFC0];
	_ =	sdelay $0x2  }
0x3d: {  	v5 =	vld [tilespmem:s1+$0xFFFFFFC0]  }
0x3e: {  	[tilespmem:v3+s20+$0x0] =	vst.idx.add.f32.msk $0xffff, v6  }
0x3f: {  	v4 =	vadd.s32 v1, v4;
	[tilespmem:v3+s21+$0x0] =	vst.idx.add.f32.msk $0xffff, v2  }
0x40: {  	v3 =	vld [tilespmem:s29+$0x20];
	_ =	sdelay $0x2  }
0x41: {  	v6 =	vld [tilespmem:s1+$0x20]  }
0x42: {  	[tilespmem:v4+s20+$0x0] =	vst.idx.add.f32.msk $0xffff, v5  }
0x43: {  	[tilespmem:v4+s21+$0x0] =	vst.idx.add.f32.msk $0xffff, v2;
	v3 =	vadd.s32 v1, v3  }
0x44: {  	v4 =	vld [tilespmem:s29+$0xFFFFFFD0];
	_ =	sdelay $0x2  }
0x45: {  	v5 =	vld [tilespmem:s1+$0xFFFFFFD0]  }
0x46: {  	s26 =	simm.s32 $0xF0;
	[tilespmem:v3+s20+$0x0] =	vst.idx.add.f32.msk $0xffff, v6  }
0x47: {  	v4 =	vadd.s32 v1, v4;
	v6 =	vld [tilespmem:s26+$0x0]  }
0x48: {  	s0 =	sand.u32 $0x7FE0, s0;
	[tilespmem:v3+s21+$0x0] =	vst.idx.add.f32.msk $0xffff, v2  }
0x49: {  	v3 =	vld [tilespmem:s0+$0x80];
	_ =	sdelay $0x2  }
0x4a: {  	s28 =	simm.s32 $0x9DF0;
	[tilespmem:v4+s20+$0x0] =	vst.idx.add.f32.msk $0xffff, v5  }
0x4b: {  	v5 =	vld [tilespmem:s28+$0x0];
	v6 =	vadd.s32 v1, v6  }
0x4c: {  	v7 =	vld [tilespmem:s0+$0x9D80];
	v3 =	vadd.s32 v1, v3  }
0x4d: {  	[tilespmem:v4+s21+$0x0] =	vst.idx.add.f32.msk $0xffff, v2  }
0x4e: {  	v4 =	vld [tilespmem:s26+$0xFFFFFFB0];
	_ =	sdelay $0x1  }
0x4f: {  	[tilespmem:v6+s20+$0x0] =	vst.idx.add.f32.msk $0xffff, v5  }
0x50: {  	[tilespmem:v3+s20+$0x0] =	vst.idx.add.f32.msk $0xffff, v7  }
0x51: {  	v7 =	vld [tilespmem:s28+$0xFFFFFFB0]  }
0x52: {  	v4 =	vadd.s32 v1, v4;
	[tilespmem:v3+s21+$0x0] =	vst.idx.add.f32.msk $0xffff, v2  }
0x53: {  	v3 =	vld [tilespmem:s29+$0x40]  }
0x54: {  	[tilespmem:v6+s21+$0x0] =	vst.idx.add.f32.msk $0xffff, v2  }
0x55: {  	v5 =	vld [tilespmem:s26+$0x10]  }
0x56: {  	v6 =	vld [tilespmem:s1+$0x40]  }
0x57: {  	[tilespmem:v4+s20+$0x0] =	vst.idx.add.f32.msk $0xffff, v7  }
0x58: {  	[tilespmem:v4+s21+$0x0] =	vst.idx.add.f32.msk $0xffff, v2;
	v3 =	vadd.s32 v1, v3  }
0x59: {  	v4 =	vld [tilespmem:s26+$0xFFFFFFC0]  }
0x5a: {  	v8 =	vld [tilespmem:s28+$0x10];
	v5 =	vadd.s32 v1, v5  }
0x5b: {  	v9 =	vld [tilespmem:s1+$0xFFFFFFE0]  }
0x5c: {  	v7 =	vld [tilespmem:s29+$0xFFFFFFE0]  }
0x5d: {  	[tilespmem:v3+s20+$0x0] =	vst.idx.add.f32.msk $0xffff, v6  }
0x5e: {  	v6 =	vld [tilespmem:s28+$0xFFFFFFC0];
	v4 =	vadd.s32 v1, v4  }
0x5f: {  	[tilespmem:v5+s20+$0x0] =	vst.idx.add.f32.msk $0xffff, v8  }
0x60: {  	[tilespmem:v5+s21+$0x0] =	vst.idx.add.f32.msk $0xffff, v2  }
0x61: {  	v5 =	vld [tilespmem:s26+$0x20]  }
0x62: {  	[tilespmem:v3+s21+$0x0] =	vst.idx.add.f32.msk $0xffff, v2;
	v3 =	vadd.s32 v1, v7  }
0x63: {  	[tilespmem:v4+s20+$0x0] =	vst.idx.add.f32.msk $0xffff, v6  }
0x64: {  	[tilespmem:v4+s21+$0x0] =	vst.idx.add.f32.msk $0xffff, v2  }
0x65: {  	v4 =	vld [tilespmem:s26+$0xFFFFFFD0]  }
0x66: {  	v6 =	vld [tilespmem:s28+$0x20];
	v5 =	vadd.s32 v1, v5  }
0x67: {  	[tilespmem:v3+s20+$0x0] =	vst.idx.add.f32.msk $0xffff, v9  }
0x68: {  	[tilespmem:v3+s21+$0x0] =	vst.idx.add.f32.msk $0xffff, v2  }
0x69: {  	v3 =	vld [tilespmem:s28+$0xFFFFFFD0]  }
0x6a: {  	v7 =	vld [tilespmem:s29+$0xFFFFFFF0];
	v63 =	vadd.s32 v1, v4  }
0x6b: {  	s29 =	simm.s32 $0xA0;
	[tilespmem:v5+s20+$0x0] =	vst.idx.add.f32.msk $0xffff, v6  }
0x6c: {  	s0 =	sand.u32 $0x7FE0, s29;
	[tilespmem:v5+s21+$0x0] =	vst.idx.add.f32.msk $0xffff, v2  }
0x6d: {  	v5 =	vld [tilespmem:s0+$0x80]  }
0x6e: {  	v4 =	vld [tilespmem:s1+$0xFFFFFFF0]  }
0x6f: {  	[tilespmem:v63+s20+$0x0] =	vst.idx.add.f32.msk $0xffff, v3  }
0x70: {  	s30 =	simm.s32 $0xA;
	s31 =	simm.s32 $0x190;
	s1 =	simm.s32 $0x9DF0;
	v3 =	vadd.s32 v1, v7;
	[tilespmem:v63+s21+$0x0] =	vst.idx.add.f32.msk $0xffff, v2  }
.LBB2_4:
0x71: {  	v6 =	vld [tilespmem:s31+$0x0]  }
0x72: {  	v7 =	vld [tilespmem:s0+$0x9D80];
	v5 =	vadd.s32 v1, v5  }
0x73: {  	v8 =	vld [tilespmem:s31+$0xFFFFFFB0]  }
0x74: {  	v9 =	vld [tilespmem:s26+$0xFFFFFFE0]  }
0x75: {  	s1 =	sadd.s32 $0xA0, s1;
	v10 =	vld [tilespmem:s28+$0xFFFFFFE0]  }
0x76: {  	s30 =	sadd.s32 $0xA, s30;
	v11 =	vld [tilespmem:s1+$0x0];
	v6 =	vadd.s32 v1, v6  }
0x77: {  	p0 =	slt.u32 s30, $0x4D8;
	[tilespmem:v5+s20+$0x0] =	vst.idx.add.f32.msk $0xffff, v7  }
0x78: {  	v7 =	vadd.s32 v1, v8;
	[tilespmem:v5+s21+$0x0] =	vst.idx.add.f32.msk $0xffff, v2  }
0x79: {  	v5 =	vadd.s32 v1, v9;
	v8 =	vld [tilespmem:s26+$0x40]  }
0x7a: {  	v9 =	vld [tilespmem:s1+$0xFFFFFFB0]  }
0x7b: {  	[tilespmem:v6+s20+$0x0] =	vst.idx.add.f32.msk $0xffff, v11  }
0x7c: {  	[tilespmem:v6+s21+$0x0] =	vst.idx.add.f32.msk $0xffff, v2  }
0x7d: {  	v6 =	vld [tilespmem:s31+$0x10]  }
0x7e: {  	v11 =	vld [tilespmem:s28+$0x40];
	v8 =	vadd.s32 v1, v8  }
0x7f: {  	[tilespmem:v7+s20+$0x0] =	vst.idx.add.f32.msk $0xffff, v9  }
0x80: {  	[tilespmem:v7+s21+$0x0] =	vst.idx.add.f32.msk $0xffff, v2  }
0x81: {  	v7 =	vld [tilespmem:s31+$0xFFFFFFC0]  }
0x82: {  	v9 =	vld [tilespmem:s1+$0x10];
	v6 =	vadd.s32 v1, v6  }
0x83: {  	[tilespmem:v8+s20+$0x0] =	vst.idx.add.f32.msk $0xffff, v11  }
0x84: {  	[tilespmem:v8+s21+$0x0] =	vst.idx.add.f32.msk $0xffff, v2  }
0x85: {  	v8 =	vld [tilespmem:s1+$0xFFFFFFC0]  }
0x86: {  	v7 =	vadd.s32 v1, v7;
	[tilespmem:v5+s20+$0x0] =	vst.idx.add.f32.msk $0xffff, v10  }
0x87: {  	[tilespmem:v6+s20+$0x0] =	vst.idx.add.f32.msk $0xffff, v9  }
0x88: {  	[tilespmem:v6+s21+$0x0] =	vst.idx.add.f32.msk $0xffff, v2  }
0x89: {  	v6 =	vld [tilespmem:s31+$0x20]  }
0x8a: {  	[tilespmem:v5+s21+$0x0] =	vst.idx.add.f32.msk $0xffff, v2  }
0x8b: {  	[tilespmem:v7+s20+$0x0] =	vst.idx.add.f32.msk $0xffff, v8  }
0x8c: {  	[tilespmem:v7+s21+$0x0] =	vst.idx.add.f32.msk $0xffff, v2  }
0x8d: {  	v5 =	vld [tilespmem:s31+$0xFFFFFFD0]  }
0x8e: {  	v7 =	vld [tilespmem:s1+$0x20];
	v6 =	vadd.s32 v1, v6  }
0x8f: {  	v8 =	vld [tilespmem:s1+$0xFFFFFFD0]  }
0x90: {  	v9 =	vld [tilespmem:s26+$0xFFFFFFF0];
	s26 =	smov.u32 s31  }
0x91: {  	v10 =	vld [tilespmem:s28+$0xFFFFFFF0];
	s28 =	smov.u32 s1  }
0x92: {  	v11 =	vadd.s32 v1, v5;
	[tilespmem:v3+s20+$0x0] =	vst.idx.add.f32.msk $0xffff, v4  }
0x93: {  	s29 =	sadd.s32 $0xA0, s29;
	[tilespmem:v6+s20+$0x0] =	vst.idx.add.f32.msk $0xffff, v7  }
.Ltmp1:
0x94: {  	s0 =	sand.u32 $0x7FE0, s29;
	[tilespmem:v6+s21+$0x0] =	vst.idx.add.f32.msk $0xffff, v2;
	(pc) =	sbr.rel @p0 .LBB2_4-.Ltmp1, $4  }
0x95: {  	v5 =	vld [tilespmem:s0+$0x80];
	v6 =	vadd.s32 v1, v9  }
0x96: {  	[tilespmem:v3+s21+$0x0] =	vst.idx.add.f32.msk $0xffff, v2;
	v4 =	vmov v10;
	v3 =	vmov v6  }
0x97: {  	[tilespmem:v11+s20+$0x0] =	vst.idx.add.f32.msk $0xffff, v8  }
0x98: {  	s31 =	sadd.s32 $0xA0, s31;
	[tilespmem:v11+s21+$0x0] =	vst.idx.add.f32.msk $0xffff, v2  }
0x99: {  	v6 =	vld [tilespmem:s26+$0xFFFFFFE0];
	_ =	sdelay $0x1  }
0x9a: {  	v7 =	vld [tilespmem:s0+$0x9D80];
	v5 =	vadd.s32 v1, v5;
	_ =	sdelay $0x2  }
0x9b: {  	v8 =	vld [tilespmem:s28+$0xFFFFFFE0];
	v6 =	vadd.s32 v1, v6;
	_ =	sdelay $0x1  }
0x9c: {  	[tilespmem:v5+s20+$0x0] =	vst.idx.add.f32.msk $0xffff, v7  }
0x9d: {  	[tilespmem:v5+s21+$0x0] =	vst.idx.add.f32.msk $0xffff, v2  }
0x9e: {  	v5 =	vld [tilespmem:s26+$0x40]  }
0x9f: {  	[tilespmem:v6+s20+$0x0] =	vst.idx.add.f32.msk $0xffff, v8  }
0xa0: {  	[tilespmem:v6+s21+$0x0] =	vst.idx.add.f32.msk $0xffff, v2  }
0xa1: {  	v6 =	vld [tilespmem:s26+$0xFFFFFFF0];
	_ =	sdelay $0x2  }
0xa2: {  	v7 =	vld [tilespmem:s28+$0x40];
	v5 =	vadd.s32 v1, v5;
	_ =	sdelay $0x1  }
0xa3: {  	v8 =	vld [tilespmem:s28+$0xFFFFFFF0];
	v6 =	vadd.s32 v1, v6  }
0xa4: {  	[tilespmem:v3+s20+$0x0] =	vst.idx.add.f32.msk $0xffff, v4  }
0xa5: {  	[tilespmem:v3+s21+$0x0] =	vst.idx.add.f32.msk $0xffff, v2  }
0xa6: {  	[tilespmem:v5+s20+$0x0] =	vst.idx.add.f32.msk $0xffff, v7  }
0xa7: {  	[tilespmem:v5+s21+$0x0] =	vst.idx.add.f32.msk $0xffff, v2  }
0xa8: {  	[tilespmem:v6+s20+$0x0] =	vst.idx.add.f32.msk $0xffff, v8  }
0xa9: {  	s26 =	simm.s32 $0x0;
	[tilespmem:v6+s21+$0x0] =	vst.idx.add.f32.msk $0xffff, v2  }
0xaa: {  	[tilespmem:s26], [sflag:$0x1] =	stream.linear.gather [hbm4b:s7+s26], $0x4E20, $0x38;
	[tilespmem:$0x1BF00] =	vst v63  }
0xab: {  	_ = 	snop  }
0xac: {  	[tilespmem:s16], [sflag:$0x1] =	stream.linear.gather [hbm4b:s8+s26], $0x4E20, $0x38;
	[tilespmem:$0x1BF00] =	vst v63  }
0xad: {  	_ =	swait.ge [sflag:s22], $0x4E20  }
0xae: {  	[sflag:s22] =	ssyncset.done $0x0  }
0xaf: {  	[sflag:s22] =	ssyncadd.s32 $0xFFFFB1E0  }
0xb0: {  	_ =	swait.ge [sflag:s22], $0x4E20  }
0xb1: {  	[sflag:s22] =	ssyncset.done $0x0  }
0xb2: {  	s29 =	simm.s32 $0x4ED0;
	[sflag:s22] =	ssyncadd.s32 $0xFFFFB1E0  }
0xb3: {  	v3 =	vld [tilespmem:s29+$0x0];
	_ =	sdelay $0x3  }
0xb4: {  	s1 =	simm.s32 $0xEBD0  }
0xb5: {  	v4 =	vld [tilespmem:s1+$0x0];
	v3 =	vadd.s32 v1, v3  }
0xb6: {  	v5 =	vld [tilespmem:s29+$0xFFFFFFB0];
	_ =	sdelay $0x3  }
0xb7: {  	[tilespmem:v3+s20+$0x0] =	vst.idx.add.f32.msk $0xffff, v4  }
0xb8: {  	v4 =	vadd.s32 v1, v5;
	v5 =	vld [tilespmem:s1+$0xFFFFFFB0]  }
0xb9: {  	[tilespmem:v3+s21+$0x0] =	vst.idx.add.f32.msk $0xffff, v2  }
0xba: {  	v3 =	vld [tilespmem:s29+$0x10];
	_ =	sdelay $0x2  }
0xbb: {  	v6 =	vld [tilespmem:s1+$0x10]  }
0xbc: {  	[tilespmem:v4+s20+$0x0] =	vst.idx.add.f32.msk $0xffff, v5  }
0xbd: {  	[tilespmem:v4+s21+$0x0] =	vst.idx.add.f32.msk $0xffff, v2;
	v3 =	vadd.s32 v1, v3  }
0xbe: {  	v4 =	vld [tilespmem:s29+$0xFFFFFFC0];
	_ =	sdelay $0x2  }
0xbf: {  	v5 =	vld [tilespmem:s1+$0xFFFFFFC0]  }
0xc0: {  	[tilespmem:v3+s20+$0x0] =	vst.idx.add.f32.msk $0xffff, v6  }
0xc1: {  	v4 =	vadd.s32 v1, v4;
	[tilespmem:v3+s21+$0x0] =	vst.idx.add.f32.msk $0xffff, v2  }
0xc2: {  	v3 =	vld [tilespmem:s29+$0x20];
	_ =	sdelay $0x2  }
0xc3: {  	v6 =	vld [tilespmem:s1+$0x20]  }
0xc4: {  	[tilespmem:v4+s20+$0x0] =	vst.idx.add.f32.msk $0xffff, v5  }
0xc5: {  	[tilespmem:v4+s21+$0x0] =	vst.idx.add.f32.msk $0xffff, v2;
	v3 =	vadd.s32 v1, v3  }
0xc6: {  	v4 =	vld [tilespmem:s29+$0xFFFFFFD0];
	_ =	sdelay $0x2  }
0xc7: {  	v5 =	vld [tilespmem:s1+$0xFFFFFFD0]  }
0xc8: {  	s0 =	sand.u32 $0x7FE0, s26;
	s26 =	simm.s32 $0x4F70;
	[tilespmem:v3+s20+$0x0] =	vst.idx.add.f32.msk $0xffff, v6  }
0xc9: {  	v4 =	vadd.s32 v1, v4;
	v6 =	vld [tilespmem:s26+$0x0]  }
0xca: {  	[tilespmem:v3+s21+$0x0] =	vst.idx.add.f32.msk $0xffff, v2  }
0xcb: {  	v3 =	vld [tilespmem:s0+$0x4F00];
	_ =	sdelay $0x2  }
0xcc: {  	s28 =	simm.s32 $0xEC70;
	[tilespmem:v4+s20+$0x0] =	vst.idx.add.f32.msk $0xffff, v5  }
0xcd: {  	v5 =	vld [tilespmem:s28+$0x0];
	v6 =	vadd.s32 v1, v6  }
0xce: {  	v7 =	vld [tilespmem:s0+$0xEC00];
	v3 =	vadd.s32 v1, v3  }
0xcf: {  	[tilespmem:v4+s21+$0x0] =	vst.idx.add.f32.msk $0xffff, v2  }
0xd0: {  	v4 =	vld [tilespmem:s26+$0xFFFFFFB0];
	_ =	sdelay $0x1  }
0xd1: {  	[tilespmem:v6+s20+$0x0] =	vst.idx.add.f32.msk $0xffff, v5  }
0xd2: {  	[tilespmem:v3+s20+$0x0] =	vst.idx.add.f32.msk $0xffff, v7  }
0xd3: {  	v7 =	vld [tilespmem:s28+$0xFFFFFFB0]  }
0xd4: {  	v4 =	vadd.s32 v1, v4;
	[tilespmem:v3+s21+$0x0] =	vst.idx.add.f32.msk $0xffff, v2  }
0xd5: {  	v3 =	vld [tilespmem:s29+$0x40]  }
0xd6: {  	[tilespmem:v6+s21+$0x0] =	vst.idx.add.f32.msk $0xffff, v2  }
0xd7: {  	v5 =	vld [tilespmem:s26+$0x10]  }
0xd8: {  	v6 =	vld [tilespmem:s1+$0x40]  }
0xd9: {  	[tilespmem:v4+s20+$0x0] =	vst.idx.add.f32.msk $0xffff, v7  }
0xda: {  	[tilespmem:v4+s21+$0x0] =	vst.idx.add.f32.msk $0xffff, v2;
	v3 =	vadd.s32 v1, v3  }
0xdb: {  	v4 =	vld [tilespmem:s26+$0xFFFFFFC0]  }
0xdc: {  	v62 =	vld [tilespmem:s28+$0x10];
	v5 =	vadd.s32 v1, v5  }
0xdd: {  	v9 =	vld [tilespmem:s1+$0xFFFFFFE0]  }
0xde: {  	v7 =	vld [tilespmem:s29+$0xFFFFFFE0]  }
0xdf: {  	[tilespmem:v3+s20+$0x0] =	vst.idx.add.f32.msk $0xffff, v6  }
0xe0: {  	v6 =	vld [tilespmem:s28+$0xFFFFFFC0];
	v4 =	vadd.s32 v1, v4  }
0xe1: {  	[tilespmem:v5+s20+$0x0] =	vst.idx.add.f32.msk $0xffff, v62  }
0xe2: {  	[tilespmem:v5+s21+$0x0] =	vst.idx.add.f32.msk $0xffff, v2  }
0xe3: {  	v5 =	vld [tilespmem:s26+$0x20]  }
0xe4: {  	[tilespmem:v3+s21+$0x0] =	vst.idx.add.f32.msk $0xffff, v2;
	v3 =	vadd.s32 v1, v7  }
0xe5: {  	[tilespmem:v4+s20+$0x0] =	vst.idx.add.f32.msk $0xffff, v6  }
0xe6: {  	[tilespmem:v4+s21+$0x0] =	vst.idx.add.f32.msk $0xffff, v2  }
0xe7: {  	v4 =	vld [tilespmem:s26+$0xFFFFFFD0]  }
0xe8: {  	v6 =	vld [tilespmem:s28+$0x20];
	v5 =	vadd.s32 v1, v5  }
0xe9: {  	[tilespmem:v3+s20+$0x0] =	vst.idx.add.f32.msk $0xffff, v9  }
0xea: {  	[tilespmem:v3+s21+$0x0] =	vst.idx.add.f32.msk $0xffff, v2  }
0xeb: {  	v3 =	vld [tilespmem:s28+$0xFFFFFFD0]  }
0xec: {  	v7 =	vld [tilespmem:s29+$0xFFFFFFF0];
	v63 =	vadd.s32 v1, v4  }
0xed: {  	s29 =	simm.s32 $0xA0;
	[tilespmem:v5+s20+$0x0] =	vst.idx.add.f32.msk $0xffff, v6  }
0xee: {  	s0 =	sand.u32 $0x7FE0, s29;
	[tilespmem:v5+s21+$0x0] =	vst.idx.add.f32.msk $0xffff, v2  }
0xef: {  	v5 =	vld [tilespmem:s0+$0x4F00]  }
0xf0: {  	v4 =	vld [tilespmem:s1+$0xFFFFFFF0]  }
0xf1: {  	[tilespmem:v63+s20+$0x0] =	vst.idx.add.f32.msk $0xffff, v3  }
0xf2: {  	s30 =	simm.s32 $0xA;
	s31 =	simm.s32 $0x5010;
	s1 =	simm.s32 $0xEC70;
	v3 =	vadd.s32 v1, v7;
	[tilespmem:v63+s21+$0x0] =	vst.idx.add.f32.msk $0xffff, v2  }
.LBB2_6:
0xf3: {  	v6 =	vld [tilespmem:s31+$0x0]  }
0xf4: {  	v7 =	vld [tilespmem:s0+$0xEC00];
	v5 =	vadd.s32 v1, v5  }
0xf5: {  	v8 =	vld [tilespmem:s31+$0xFFFFFFB0]  }
0xf6: {  	v9 =	vld [tilespmem:s26+$0xFFFFFFE0]  }
0xf7: {  	s1 =	sadd.s32 $0xA0, s1;
	v10 =	vld [tilespmem:s28+$0xFFFFFFE0]  }
0xf8: {  	s30 =	sadd.s32 $0xA, s30;
	v11 =	vld [tilespmem:s1+$0x0];
	v6 =	vadd.s32 v1, v6  }
0xf9: {  	p0 =	slt.u32 s30, $0x4D8;
	[tilespmem:v5+s20+$0x0] =	vst.idx.add.f32.msk $0xffff, v7  }
0xfa: {  	v7 =	vadd.s32 v1, v8;
	[tilespmem:v5+s21+$0x0] =	vst.idx.add.f32.msk $0xffff, v2  }
0xfb: {  	v5 =	vadd.s32 v1, v9;
	v8 =	vld [tilespmem:s26+$0x40]  }
0xfc: {  	v9 =	vld [tilespmem:s1+$0xFFFFFFB0]  }
0xfd: {  	[tilespmem:v6+s20+$0x0] =	vst.idx.add.f32.msk $0xffff, v11  }
0xfe: {  	[tilespmem:v6+s21+$0x0] =	vst.idx.add.f32.msk $0xffff, v2  }
0xff: {  	v6 =	vld [tilespmem:s31+$0x10]  }
0x100: {  	v11 =	vld [tilespmem:s28+$0x40];
	v8 =	vadd.s32 v1, v8  }
0x101: {  	[tilespmem:v7+s20+$0x0] =	vst.idx.add.f32.msk $0xffff, v9  }
0x102: {  	[tilespmem:v7+s21+$0x0] =	vst.idx.add.f32.msk $0xffff, v2  }
0x103: {  	v7 =	vld [tilespmem:s31+$0xFFFFFFC0]  }
0x104: {  	v9 =	vld [tilespmem:s1+$0x10];
	v6 =	vadd.s32 v1, v6  }
0x105: {  	[tilespmem:v8+s20+$0x0] =	vst.idx.add.f32.msk $0xffff, v11  }
0x106: {  	[tilespmem:v8+s21+$0x0] =	vst.idx.add.f32.msk $0xffff, v2  }
0x107: {  	v8 =	vld [tilespmem:s1+$0xFFFFFFC0]  }
0x108: {  	v7 =	vadd.s32 v1, v7;
	[tilespmem:v5+s20+$0x0] =	vst.idx.add.f32.msk $0xffff, v10  }
0x109: {  	[tilespmem:v6+s20+$0x0] =	vst.idx.add.f32.msk $0xffff, v9  }
0x10a: {  	[tilespmem:v6+s21+$0x0] =	vst.idx.add.f32.msk $0xffff, v2  }
0x10b: {  	v6 =	vld [tilespmem:s31+$0x20]  }
0x10c: {  	[tilespmem:v5+s21+$0x0] =	vst.idx.add.f32.msk $0xffff, v2  }
0x10d: {  	[tilespmem:v7+s20+$0x0] =	vst.idx.add.f32.msk $0xffff, v8  }
0x10e: {  	[tilespmem:v7+s21+$0x0] =	vst.idx.add.f32.msk $0xffff, v2  }
0x10f: {  	v5 =	vld [tilespmem:s31+$0xFFFFFFD0]  }
0x110: {  	v7 =	vld [tilespmem:s1+$0x20];
	v6 =	vadd.s32 v1, v6  }
0x111: {  	v8 =	vld [tilespmem:s1+$0xFFFFFFD0]  }
0x112: {  	v9 =	vld [tilespmem:s26+$0xFFFFFFF0];
	s26 =	smov.u32 s31  }
0x113: {  	v10 =	vld [tilespmem:s28+$0xFFFFFFF0];
	s28 =	smov.u32 s1  }
0x114: {  	v11 =	vadd.s32 v1, v5;
	[tilespmem:v3+s20+$0x0] =	vst.idx.add.f32.msk $0xffff, v4  }
0x115: {  	s29 =	sadd.s32 $0xA0, s29;
	[tilespmem:v6+s20+$0x0] =	vst.idx.add.f32.msk $0xffff, v7  }
.Ltmp2:
0x116: {  	s0 =	sand.u32 $0x7FE0, s29;
	[tilespmem:v6+s21+$0x0] =	vst.idx.add.f32.msk $0xffff, v2;
	(pc) =	sbr.rel @p0 .LBB2_6-.Ltmp2, $4  }
0x117: {  	v5 =	vld [tilespmem:s0+$0x4F00];
	v6 =	vadd.s32 v1, v9  }
0x118: {  	[tilespmem:v3+s21+$0x0] =	vst.idx.add.f32.msk $0xffff, v2;
	v4 =	vmov v10;
	v3 =	vmov v6  }
0x119: {  	[tilespmem:v11+s20+$0x0] =	vst.idx.add.f32.msk $0xffff, v8  }
0x11a: {  	s31 =	sadd.s32 $0xA0, s31;
	[tilespmem:v11+s21+$0x0] =	vst.idx.add.f32.msk $0xffff, v2  }
0x11b: {  	v6 =	vld [tilespmem:s26+$0xFFFFFFE0];
	_ =	sdelay $0x1  }
0x11c: {  	v7 =	vld [tilespmem:s0+$0xEC00];
	v5 =	vadd.s32 v1, v5;
	_ =	sdelay $0x2  }
0x11d: {  	v8 =	vld [tilespmem:s28+$0xFFFFFFE0];
	v6 =	vadd.s32 v1, v6;
	_ =	sdelay $0x1  }
0x11e: {  	[tilespmem:v5+s20+$0x0] =	vst.idx.add.f32.msk $0xffff, v7  }
0x11f: {  	[tilespmem:v5+s21+$0x0] =	vst.idx.add.f32.msk $0xffff, v2  }
0x120: {  	v5 =	vld [tilespmem:s26+$0x40]  }
0x121: {  	[tilespmem:v6+s20+$0x0] =	vst.idx.add.f32.msk $0xffff, v8  }
0x122: {  	[tilespmem:v6+s21+$0x0] =	vst.idx.add.f32.msk $0xffff, v2  }
0x123: {  	v6 =	vld [tilespmem:s26+$0xFFFFFFF0];
	_ =	sdelay $0x2  }
0x124: {  	v7 =	vld [tilespmem:s28+$0x40];
	v5 =	vadd.s32 v1, v5;
	_ =	sdelay $0x1  }
0x125: {  	v8 =	vld [tilespmem:s28+$0xFFFFFFF0];
	v6 =	vadd.s32 v1, v6  }
0x126: {  	[tilespmem:v3+s20+$0x0] =	vst.idx.add.f32.msk $0xffff, v4  }
0x127: {  	[tilespmem:v3+s21+$0x0] =	vst.idx.add.f32.msk $0xffff, v2  }
0x128: {  	[tilespmem:v5+s20+$0x0] =	vst.idx.add.f32.msk $0xffff, v7  }
0x129: {  	[tilespmem:v5+s21+$0x0] =	vst.idx.add.f32.msk $0xffff, v2  }
0x12a: {  	[tilespmem:v6+s20+$0x0] =	vst.idx.add.f32.msk $0xffff, v8  }
0x12b: {  	s26 =	simm.s32 $0x0;
	[tilespmem:v6+s21+$0x0] =	vst.idx.add.f32.msk $0xffff, v2  }
0x12c: {  	[tilespmem:s17], [sflag:$0x2] =	stream.linear.gather [hbm4b:s9+s26], $0x4E20, $0x38;
	[tilespmem:$0x1BF00] =	vst v63  }
0x12d: {  	_ = 	snop  }
0x12e: {  	[tilespmem:s18], [sflag:$0x2] =	stream.linear.gather [hbm4b:s10+s26], $0x4E20, $0x38;
	[tilespmem:$0x1BF00] =	vst v63  }
0x12f: {  	_ =	swait.ge [sflag:s19], $0x4E20  }
0x130: {  	[sflag:s19] =	ssyncset.done $0x0  }
0x131: {  	[sflag:s19] =	ssyncadd.s32 $0xFFFFB1E0  }
0x132: {  	_ =	swait.ge [sflag:s19], $0x4E20  }
0x133: {  	[sflag:s19] =	ssyncset.done $0x0  }
0x134: {  	s29 =	simm.s32 $0x50;
	[sflag:s19] =	ssyncadd.s32 $0xFFFFB1E0  }
0x135: {  	v3 =	vld [tilespmem:s29+$0x0];
	_ =	sdelay $0x3  }
0x136: {  	s1 =	simm.s32 $0x9D50  }
0x137: {  	v4 =	vld [tilespmem:s1+$0x0];
	v3 =	vadd.s32 v1, v3  }
0x138: {  	v5 =	vld [tilespmem:s29+$0xFFFFFFB0];
	_ =	sdelay $0x3  }
0x139: {  	[tilespmem:v3+s20+$0x0] =	vst.idx.add.f32.msk $0xffff, v4  }
0x13a: {  	v4 =	vadd.s32 v1, v5;
	v5 =	vld [tilespmem:s1+$0xFFFFFFB0]  }
0x13b: {  	[tilespmem:v3+s21+$0x0] =	vst.idx.add.f32.msk $0xffff, v2  }
0x13c: {  	v3 =	vld [tilespmem:s29+$0x10];
	_ =	sdelay $0x2  }
0x13d: {  	v6 =	vld [tilespmem:s1+$0x10]  }
0x13e: {  	[tilespmem:v4+s20+$0x0] =	vst.idx.add.f32.msk $0xffff, v5  }
0x13f: {  	[tilespmem:v4+s21+$0x0] =	vst.idx.add.f32.msk $0xffff, v2;
	v3 =	vadd.s32 v1, v3  }
0x140: {  	v4 =	vld [tilespmem:s29+$0xFFFFFFC0];
	_ =	sdelay $0x2  }
0x141: {  	v5 =	vld [tilespmem:s1+$0xFFFFFFC0]  }
0x142: {  	[tilespmem:v3+s20+$0x0] =	vst.idx.add.f32.msk $0xffff, v6  }
0x143: {  	v4 =	vadd.s32 v1, v4;
	[tilespmem:v3+s21+$0x0] =	vst.idx.add.f32.msk $0xffff, v2  }
0x144: {  	v3 =	vld [tilespmem:s29+$0x20];
	_ =	sdelay $0x2  }
0x145: {  	v6 =	vld [tilespmem:s1+$0x20]  }
0x146: {  	[tilespmem:v4+s20+$0x0] =	vst.idx.add.f32.msk $0xffff, v5  }
0x147: {  	[tilespmem:v4+s21+$0x0] =	vst.idx.add.f32.msk $0xffff, v2;
	v3 =	vadd.s32 v1, v3  }
0x148: {  	v4 =	vld [tilespmem:s29+$0xFFFFFFD0];
	_ =	sdelay $0x2  }
0x149: {  	v5 =	vld [tilespmem:s1+$0xFFFFFFD0]  }
0x14a: {  	s0 =	sand.u32 $0x7FE0, s26;
	s26 =	simm.s32 $0xF0;
	[tilespmem:v3+s20+$0x0] =	vst.idx.add.f32.msk $0xffff, v6  }
0x14b: {  	v4 =	vadd.s32 v1, v4;
	v6 =	vld [tilespmem:s26+$0x0]  }
0x14c: {  	[tilespmem:v3+s21+$0x0] =	vst.idx.add.f32.msk $0xffff, v2  }
0x14d: {  	v3 =	vld [tilespmem:s0+$0x80];
	_ =	sdelay $0x2  }
0x14e: {  	s28 =	simm.s32 $0x9DF0;
	[tilespmem:v4+s20+$0x0] =	vst.idx.add.f32.msk $0xffff, v5  }
0x14f: {  	v5 =	vld [tilespmem:s28+$0x0];
	v6 =	vadd.s32 v1, v6  }
0x150: {  	v7 =	vld [tilespmem:s0+$0x9D80];
	v3 =	vadd.s32 v1, v3  }
0x151: {  	[tilespmem:v4+s21+$0x0] =	vst.idx.add.f32.msk $0xffff, v2  }
0x152: {  	v4 =	vld [tilespmem:s26+$0xFFFFFFB0];
	_ =	sdelay $0x1  }
0x153: {  	[tilespmem:v6+s20+$0x0] =	vst.idx.add.f32.msk $0xffff, v5  }
0x154: {  	[tilespmem:v3+s20+$0x0] =	vst.idx.add.f32.msk $0xffff, v7  }
0x155: {  	v7 =	vld [tilespmem:s28+$0xFFFFFFB0]  }
0x156: {  	v4 =	vadd.s32 v1, v4;
	[tilespmem:v3+s21+$0x0] =	vst.idx.add.f32.msk $0xffff, v2  }
0x157: {  	v3 =	vld [tilespmem:s29+$0x40]  }
0x158: {  	[tilespmem:v6+s21+$0x0] =	vst.idx.add.f32.msk $0xffff, v2  }
0x159: {  	v5 =	vld [tilespmem:s26+$0x10]  }
0x15a: {  	v6 =	vld [tilespmem:s1+$0x40]  }
0x15b: {  	[tilespmem:v4+s20+$0x0] =	vst.idx.add.f32.msk $0xffff, v7  }
0x15c: {  	[tilespmem:v4+s21+$0x0] =	vst.idx.add.f32.msk $0xffff, v2;
	v3 =	vadd.s32 v1, v3  }
0x15d: {  	v4 =	vld [tilespmem:s26+$0xFFFFFFC0]  }
0x15e: {  	v62 =	vld [tilespmem:s28+$0x10];
	v5 =	vadd.s32 v1, v5  }
0x15f: {  	v9 =	vld [tilespmem:s1+$0xFFFFFFE0]  }
0x160: {  	v7 =	vld [tilespmem:s29+$0xFFFFFFE0]  }
0x161: {  	[tilespmem:v3+s20+$0x0] =	vst.idx.add.f32.msk $0xffff, v6  }
0x162: {  	v6 =	vld [tilespmem:s28+$0xFFFFFFC0];
	v4 =	vadd.s32 v1, v4  }
0x163: {  	[tilespmem:v5+s20+$0x0] =	vst.idx.add.f32.msk $0xffff, v62  }
0x164: {  	[tilespmem:v5+s21+$0x0] =	vst.idx.add.f32.msk $0xffff, v2  }
0x165: {  	v5 =	vld [tilespmem:s26+$0x20]  }
0x166: {  	[tilespmem:v3+s21+$0x0] =	vst.idx.add.f32.msk $0xffff, v2;
	v3 =	vadd.s32 v1, v7  }
0x167: {  	[tilespmem:v4+s20+$0x0] =	vst.idx.add.f32.msk $0xffff, v6  }
0x168: {  	[tilespmem:v4+s21+$0x0] =	vst.idx.add.f32.msk $0xffff, v2  }
0x169: {  	v4 =	vld [tilespmem:s26+$0xFFFFFFD0]  }
0x16a: {  	v6 =	vld [tilespmem:s28+$0x20];
	v5 =	vadd.s32 v1, v5  }
0x16b: {  	[tilespmem:v3+s20+$0x0] =	vst.idx.add.f32.msk $0xffff, v9  }
0x16c: {  	[tilespmem:v3+s21+$0x0] =	vst.idx.add.f32.msk $0xffff, v2  }
0x16d: {  	v3 =	vld [tilespmem:s28+$0xFFFFFFD0]  }
0x16e: {  	v7 =	vld [tilespmem:s29+$0xFFFFFFF0];
	v63 =	vadd.s32 v1, v4  }
0x16f: {  	s29 =	simm.s32 $0xA0;
	[tilespmem:v5+s20+$0x0] =	vst.idx.add.f32.msk $0xffff, v6  }
0x170: {  	s0 =	sand.u32 $0x7FE0, s29;
	[tilespmem:v5+s21+$0x0] =	vst.idx.add.f32.msk $0xffff, v2  }
0x171: {  	v5 =	vld [tilespmem:s0+$0x80]  }
0x172: {  	v4 =	vld [tilespmem:s1+$0xFFFFFFF0]  }
0x173: {  	[tilespmem:v63+s20+$0x0] =	vst.idx.add.f32.msk $0xffff, v3  }
0x174: {  	s30 =	simm.s32 $0xA;
	s31 =	simm.s32 $0x190;
	s1 =	simm.s32 $0x9DF0;
	v3 =	vadd.s32 v1, v7;
	[tilespmem:v63+s21+$0x0] =	vst.idx.add.f32.msk $0xffff, v2  }
.LBB2_8:
0x175: {  	v6 =	vld [tilespmem:s31+$0x0]  }
0x176: {  	v7 =	vld [tilespmem:s0+$0x9D80];
	v5 =	vadd.s32 v1, v5  }
0x177: {  	v8 =	vld [tilespmem:s31+$0xFFFFFFB0]  }
0x178: {  	v9 =	vld [tilespmem:s26+$0xFFFFFFE0]  }
0x179: {  	s1 =	sadd.s32 $0xA0, s1;
	v10 =	vld [tilespmem:s28+$0xFFFFFFE0]  }
0x17a: {  	s30 =	sadd.s32 $0xA, s30;
	v11 =	vld [tilespmem:s1+$0x0];
	v6 =	vadd.s32 v1, v6  }
0x17b: {  	p0 =	slt.u32 s30, $0x4D8;
	[tilespmem:v5+s20+$0x0] =	vst.idx.add.f32.msk $0xffff, v7  }
0x17c: {  	v7 =	vadd.s32 v1, v8;
	[tilespmem:v5+s21+$0x0] =	vst.idx.add.f32.msk $0xffff, v2  }
0x17d: {  	v5 =	vadd.s32 v1, v9;
	v8 =	vld [tilespmem:s26+$0x40]  }
0x17e: {  	v9 =	vld [tilespmem:s1+$0xFFFFFFB0]  }
0x17f: {  	[tilespmem:v6+s20+$0x0] =	vst.idx.add.f32.msk $0xffff, v11  }
0x180: {  	[tilespmem:v6+s21+$0x0] =	vst.idx.add.f32.msk $0xffff, v2  }
0x181: {  	v6 =	vld [tilespmem:s31+$0x10]  }
0x182: {  	v11 =	vld [tilespmem:s28+$0x40];
	v8 =	vadd.s32 v1, v8  }
0x183: {  	[tilespmem:v7+s20+$0x0] =	vst.idx.add.f32.msk $0xffff, v9  }
0x184: {  	[tilespmem:v7+s21+$0x0] =	vst.idx.add.f32.msk $0xffff, v2  }
0x185: {  	v7 =	vld [tilespmem:s31+$0xFFFFFFC0]  }
0x186: {  	v9 =	vld [tilespmem:s1+$0x10];
	v6 =	vadd.s32 v1, v6  }
0x187: {  	[tilespmem:v8+s20+$0x0] =	vst.idx.add.f32.msk $0xffff, v11  }
0x188: {  	[tilespmem:v8+s21+$0x0] =	vst.idx.add.f32.msk $0xffff, v2  }
0x189: {  	v8 =	vld [tilespmem:s1+$0xFFFFFFC0]  }
0x18a: {  	v7 =	vadd.s32 v1, v7;
	[tilespmem:v5+s20+$0x0] =	vst.idx.add.f32.msk $0xffff, v10  }
0x18b: {  	[tilespmem:v6+s20+$0x0] =	vst.idx.add.f32.msk $0xffff, v9  }
0x18c: {  	[tilespmem:v6+s21+$0x0] =	vst.idx.add.f32.msk $0xffff, v2  }
0x18d: {  	v6 =	vld [tilespmem:s31+$0x20]  }
0x18e: {  	[tilespmem:v5+s21+$0x0] =	vst.idx.add.f32.msk $0xffff, v2  }
0x18f: {  	[tilespmem:v7+s20+$0x0] =	vst.idx.add.f32.msk $0xffff, v8  }
0x190: {  	[tilespmem:v7+s21+$0x0] =	vst.idx.add.f32.msk $0xffff, v2  }
0x191: {  	v5 =	vld [tilespmem:s31+$0xFFFFFFD0]  }
0x192: {  	v7 =	vld [tilespmem:s1+$0x20];
	v6 =	vadd.s32 v1, v6  }
0x193: {  	v8 =	vld [tilespmem:s1+$0xFFFFFFD0]  }
0x194: {  	v9 =	vld [tilespmem:s26+$0xFFFFFFF0];
	s26 =	smov.u32 s31  }
0x195: {  	v10 =	vld [tilespmem:s28+$0xFFFFFFF0];
	s28 =	smov.u32 s1  }
0x196: {  	v11 =	vadd.s32 v1, v5;
	[tilespmem:v3+s20+$0x0] =	vst.idx.add.f32.msk $0xffff, v4  }
0x197: {  	s29 =	sadd.s32 $0xA0, s29;
	[tilespmem:v6+s20+$0x0] =	vst.idx.add.f32.msk $0xffff, v7  }
.Ltmp3:
0x198: {  	s0 =	sand.u32 $0x7FE0, s29;
	[tilespmem:v6+s21+$0x0] =	vst.idx.add.f32.msk $0xffff, v2;
	(pc) =	sbr.rel @p0 .LBB2_8-.Ltmp3, $4  }
0x199: {  	v5 =	vld [tilespmem:s0+$0x80];
	v6 =	vadd.s32 v1, v9  }
0x19a: {  	[tilespmem:v3+s21+$0x0] =	vst.idx.add.f32.msk $0xffff, v2;
	v4 =	vmov v10;
	v3 =	vmov v6  }
0x19b: {  	[tilespmem:v11+s20+$0x0] =	vst.idx.add.f32.msk $0xffff, v8  }
0x19c: {  	s31 =	sadd.s32 $0xA0, s31;
	[tilespmem:v11+s21+$0x0] =	vst.idx.add.f32.msk $0xffff, v2  }
0x19d: {  	v6 =	vld [tilespmem:s26+$0xFFFFFFE0];
	_ =	sdelay $0x1  }
0x19e: {  	v7 =	vld [tilespmem:s0+$0x9D80];
	v5 =	vadd.s32 v1, v5;
	_ =	sdelay $0x2  }
0x19f: {  	v8 =	vld [tilespmem:s28+$0xFFFFFFE0];
	v6 =	vadd.s32 v1, v6;
	_ =	sdelay $0x1  }
0x1a0: {  	[tilespmem:v5+s20+$0x0] =	vst.idx.add.f32.msk $0xffff, v7  }
0x1a1: {  	[tilespmem:v5+s21+$0x0] =	vst.idx.add.f32.msk $0xffff, v2  }
0x1a2: {  	v5 =	vld [tilespmem:s26+$0x40]  }
0x1a3: {  	[tilespmem:v6+s20+$0x0] =	vst.idx.add.f32.msk $0xffff, v8  }
0x1a4: {  	[tilespmem:v6+s21+$0x0] =	vst.idx.add.f32.msk $0xffff, v2  }
0x1a5: {  	v6 =	vld [tilespmem:s26+$0xFFFFFFF0];
	_ =	sdelay $0x2  }
0x1a6: {  	v7 =	vld [tilespmem:s28+$0x40];
	v5 =	vadd.s32 v1, v5;
	_ =	sdelay $0x1  }
0x1a7: {  	v8 =	vld [tilespmem:s28+$0xFFFFFFF0];
	v6 =	vadd.s32 v1, v6  }
0x1a8: {  	[tilespmem:v3+s20+$0x0] =	vst.idx.add.f32.msk $0xffff, v4  }
0x1a9: {  	[tilespmem:v3+s21+$0x0] =	vst.idx.add.f32.msk $0xffff, v2  }
0x1aa: {  	[tilespmem:v5+s20+$0x0] =	vst.idx.add.f32.msk $0xffff, v7  }
0x1ab: {  	[tilespmem:v5+s21+$0x0] =	vst.idx.add.f32.msk $0xffff, v2  }
0x1ac: {  	[tilespmem:v6+s20+$0x0] =	vst.idx.add.f32.msk $0xffff, v8  }
0x1ad: {  	s26 =	simm.s32 $0x0;
	[tilespmem:v6+s21+$0x0] =	vst.idx.add.f32.msk $0xffff, v2  }
0x1ae: {  	[tilespmem:s26], [sflag:$0x1] =	stream.linear.gather [hbm4b:s11+s26], $0x4E20, $0x38;
	[tilespmem:$0x1BF00] =	vst v63  }
0x1af: {  	_ = 	snop  }
0x1b0: {  	[tilespmem:s16], [sflag:$0x1] =	stream.linear.gather [hbm4b:s12+s26], $0x4E20, $0x38;
	[tilespmem:$0x1BF00] =	vst v63  }
0x1b1: {  	_ =	swait.ge [sflag:s22], $0x4E20  }
0x1b2: {  	[sflag:s22] =	ssyncset.done $0x0  }
0x1b3: {  	[sflag:s22] =	ssyncadd.s32 $0xFFFFB1E0  }
0x1b4: {  	_ =	swait.ge [sflag:s22], $0x4E20  }
0x1b5: {  	[sflag:s22] =	ssyncset.done $0x0  }
0x1b6: {  	s29 =	simm.s32 $0x4ED0;
	[sflag:s22] =	ssyncadd.s32 $0xFFFFB1E0  }
0x1b7: {  	v3 =	vld [tilespmem:s29+$0x0];
	_ =	sdelay $0x3  }
0x1b8: {  	s1 =	simm.s32 $0xEBD0  }
0x1b9: {  	v4 =	vld [tilespmem:s1+$0x0];
	v3 =	vadd.s32 v1, v3  }
0x1ba: {  	v5 =	vld [tilespmem:s29+$0xFFFFFFB0];
	_ =	sdelay $0x3  }
0x1bb: {  	[tilespmem:v3+s20+$0x0] =	vst.idx.add.f32.msk $0xffff, v4  }
0x1bc: {  	v4 =	vadd.s32 v1, v5;
	v5 =	vld [tilespmem:s1+$0xFFFFFFB0]  }
0x1bd: {  	[tilespmem:v3+s21+$0x0] =	vst.idx.add.f32.msk $0xffff, v2  }
0x1be: {  	v3 =	vld [tilespmem:s29+$0x10];
	_ =	sdelay $0x2  }
0x1bf: {  	v6 =	vld [tilespmem:s1+$0x10]  }
0x1c0: {  	[tilespmem:v4+s20+$0x0] =	vst.idx.add.f32.msk $0xffff, v5  }
0x1c1: {  	[tilespmem:v4+s21+$0x0] =	vst.idx.add.f32.msk $0xffff, v2;
	v3 =	vadd.s32 v1, v3  }
0x1c2: {  	v4 =	vld [tilespmem:s29+$0xFFFFFFC0];
	_ =	sdelay $0x2  }
0x1c3: {  	v5 =	vld [tilespmem:s1+$0xFFFFFFC0]  }
0x1c4: {  	[tilespmem:v3+s20+$0x0] =	vst.idx.add.f32.msk $0xffff, v6  }
0x1c5: {  	v4 =	vadd.s32 v1, v4;
	[tilespmem:v3+s21+$0x0] =	vst.idx.add.f32.msk $0xffff, v2  }
0x1c6: {  	v3 =	vld [tilespmem:s29+$0x20];
	_ =	sdelay $0x2  }
0x1c7: {  	v6 =	vld [tilespmem:s1+$0x20]  }
0x1c8: {  	[tilespmem:v4+s20+$0x0] =	vst.idx.add.f32.msk $0xffff, v5  }
0x1c9: {  	[tilespmem:v4+s21+$0x0] =	vst.idx.add.f32.msk $0xffff, v2;
	v3 =	vadd.s32 v1, v3  }
0x1ca: {  	v4 =	vld [tilespmem:s29+$0xFFFFFFD0];
	_ =	sdelay $0x2  }
0x1cb: {  	v5 =	vld [tilespmem:s1+$0xFFFFFFD0]  }
0x1cc: {  	s0 =	sand.u32 $0x7FE0, s26;
	s26 =	simm.s32 $0x4F70;
	[tilespmem:v3+s20+$0x0] =	vst.idx.add.f32.msk $0xffff, v6  }
0x1cd: {  	v4 =	vadd.s32 v1, v4;
	v6 =	vld [tilespmem:s26+$0x0]  }
0x1ce: {  	[tilespmem:v3+s21+$0x0] =	vst.idx.add.f32.msk $0xffff, v2  }
0x1cf: {  	v3 =	vld [tilespmem:s0+$0x4F00];
	_ =	sdelay $0x2  }
0x1d0: {  	s28 =	simm.s32 $0xEC70;
	[tilespmem:v4+s20+$0x0] =	vst.idx.add.f32.msk $0xffff, v5  }
0x1d1: {  	v5 =	vld [tilespmem:s28+$0x0];
	v6 =	vadd.s32 v1, v6  }
0x1d2: {  	v7 =	vld [tilespmem:s0+$0xEC00];
	v3 =	vadd.s32 v1, v3  }
0x1d3: {  	[tilespmem:v4+s21+$0x0] =	vst.idx.add.f32.msk $0xffff, v2  }
0x1d4: {  	v4 =	vld [tilespmem:s26+$0xFFFFFFB0];
	_ =	sdelay $0x1  }
0x1d5: {  	[tilespmem:v6+s20+$0x0] =	vst.idx.add.f32.msk $0xffff, v5  }
0x1d6: {  	[tilespmem:v3+s20+$0x0] =	vst.idx.add.f32.msk $0xffff, v7  }
0x1d7: {  	v7 =	vld [tilespmem:s28+$0xFFFFFFB0]  }
0x1d8: {  	v4 =	vadd.s32 v1, v4;
	[tilespmem:v3+s21+$0x0] =	vst.idx.add.f32.msk $0xffff, v2  }
0x1d9: {  	v3 =	vld [tilespmem:s29+$0x40]  }
0x1da: {  	[tilespmem:v6+s21+$0x0] =	vst.idx.add.f32.msk $0xffff, v2  }
0x1db: {  	v5 =	vld [tilespmem:s26+$0x10]  }
0x1dc: {  	v6 =	vld [tilespmem:s1+$0x40]  }
0x1dd: {  	[tilespmem:v4+s20+$0x0] =	vst.idx.add.f32.msk $0xffff, v7  }
0x1de: {  	[tilespmem:v4+s21+$0x0] =	vst.idx.add.f32.msk $0xffff, v2;
	v3 =	vadd.s32 v1, v3  }
0x1df: {  	v4 =	vld [tilespmem:s26+$0xFFFFFFC0]  }
0x1e0: {  	v62 =	vld [tilespmem:s28+$0x10];
	v5 =	vadd.s32 v1, v5  }
0x1e1: {  	v9 =	vld [tilespmem:s1+$0xFFFFFFE0]  }
0x1e2: {  	v7 =	vld [tilespmem:s29+$0xFFFFFFE0]  }
0x1e3: {  	[tilespmem:v3+s20+$0x0] =	vst.idx.add.f32.msk $0xffff, v6  }
0x1e4: {  	v6 =	vld [tilespmem:s28+$0xFFFFFFC0];
	v4 =	vadd.s32 v1, v4  }
0x1e5: {  	[tilespmem:v5+s20+$0x0] =	vst.idx.add.f32.msk $0xffff, v62  }
0x1e6: {  	[tilespmem:v5+s21+$0x0] =	vst.idx.add.f32.msk $0xffff, v2  }
0x1e7: {  	v5 =	vld [tilespmem:s26+$0x20]  }
0x1e8: {  	[tilespmem:v3+s21+$0x0] =	vst.idx.add.f32.msk $0xffff, v2;
	v3 =	vadd.s32 v1, v7  }
0x1e9: {  	[tilespmem:v4+s20+$0x0] =	vst.idx.add.f32.msk $0xffff, v6  }
0x1ea: {  	[tilespmem:v4+s21+$0x0] =	vst.idx.add.f32.msk $0xffff, v2  }
0x1eb: {  	v4 =	vld [tilespmem:s26+$0xFFFFFFD0]  }
0x1ec: {  	v6 =	vld [tilespmem:s28+$0x20];
	v5 =	vadd.s32 v1, v5  }
0x1ed: {  	[tilespmem:v3+s20+$0x0] =	vst.idx.add.f32.msk $0xffff, v9  }
0x1ee: {  	[tilespmem:v3+s21+$0x0] =	vst.idx.add.f32.msk $0xffff, v2  }
0x1ef: {  	v3 =	vld [tilespmem:s28+$0xFFFFFFD0]  }
0x1f0: {  	v7 =	vld [tilespmem:s29+$0xFFFFFFF0];
	v63 =	vadd.s32 v1, v4  }
0x1f1: {  	s29 =	simm.s32 $0xA0;
	[tilespmem:v5+s20+$0x0] =	vst.idx.add.f32.msk $0xffff, v6  }
0x1f2: {  	s0 =	sand.u32 $0x7FE0, s29;
	[tilespmem:v5+s21+$0x0] =	vst.idx.add.f32.msk $0xffff, v2  }
0x1f3: {  	v5 =	vld [tilespmem:s0+$0x4F00]  }
0x1f4: {  	v4 =	vld [tilespmem:s1+$0xFFFFFFF0]  }
0x1f5: {  	[tilespmem:v63+s20+$0x0] =	vst.idx.add.f32.msk $0xffff, v3  }
0x1f6: {  	s30 =	simm.s32 $0xA;
	s31 =	simm.s32 $0x5010;
	s1 =	simm.s32 $0xEC70;
	v3 =	vadd.s32 v1, v7;
	[tilespmem:v63+s21+$0x0] =	vst.idx.add.f32.msk $0xffff, v2  }
.LBB2_10:
0x1f7: {  	v6 =	vld [tilespmem:s31+$0x0]  }
0x1f8: {  	v7 =	vld [tilespmem:s0+$0xEC00];
	v5 =	vadd.s32 v1, v5  }
0x1f9: {  	v8 =	vld [tilespmem:s31+$0xFFFFFFB0]  }
0x1fa: {  	v9 =	vld [tilespmem:s26+$0xFFFFFFE0]  }
0x1fb: {  	s1 =	sadd.s32 $0xA0, s1;
	v10 =	vld [tilespmem:s28+$0xFFFFFFE0]  }
0x1fc: {  	s30 =	sadd.s32 $0xA, s30;
	v11 =	vld [tilespmem:s1+$0x0];
	v6 =	vadd.s32 v1, v6  }
0x1fd: {  	p0 =	slt.u32 s30, $0x4D8;
	[tilespmem:v5+s20+$0x0] =	vst.idx.add.f32.msk $0xffff, v7  }
0x1fe: {  	v7 =	vadd.s32 v1, v8;
	[tilespmem:v5+s21+$0x0] =	vst.idx.add.f32.msk $0xffff, v2  }
0x1ff: {  	v5 =	vadd.s32 v1, v9;
	v8 =	vld [tilespmem:s26+$0x40]  }
0x200: {  	v9 =	vld [tilespmem:s1+$0xFFFFFFB0]  }
0x201: {  	[tilespmem:v6+s20+$0x0] =	vst.idx.add.f32.msk $0xffff, v11  }
0x202: {  	[tilespmem:v6+s21+$0x0] =	vst.idx.add.f32.msk $0xffff, v2  }
0x203: {  	v6 =	vld [tilespmem:s31+$0x10]  }
0x204: {  	v11 =	vld [tilespmem:s28+$0x40];
	v8 =	vadd.s32 v1, v8  }
0x205: {  	[tilespmem:v7+s20+$0x0] =	vst.idx.add.f32.msk $0xffff, v9  }
0x206: {  	[tilespmem:v7+s21+$0x0] =	vst.idx.add.f32.msk $0xffff, v2  }
0x207: {  	v7 =	vld [tilespmem:s31+$0xFFFFFFC0]  }
0x208: {  	v9 =	vld [tilespmem:s1+$0x10];
	v6 =	vadd.s32 v1, v6  }
0x209: {  	[tilespmem:v8+s20+$0x0] =	vst.idx.add.f32.msk $0xffff, v11  }
0x20a: {  	[tilespmem:v8+s21+$0x0] =	vst.idx.add.f32.msk $0xffff, v2  }
0x20b: {  	v8 =	vld [tilespmem:s1+$0xFFFFFFC0]  }
0x20c: {  	v7 =	vadd.s32 v1, v7;
	[tilespmem:v5+s20+$0x0] =	vst.idx.add.f32.msk $0xffff, v10  }
0x20d: {  	[tilespmem:v6+s20+$0x0] =	vst.idx.add.f32.msk $0xffff, v9  }
0x20e: {  	[tilespmem:v6+s21+$0x0] =	vst.idx.add.f32.msk $0xffff, v2  }
0x20f: {  	v6 =	vld [tilespmem:s31+$0x20]  }
0x210: {  	[tilespmem:v5+s21+$0x0] =	vst.idx.add.f32.msk $0xffff, v2  }
0x211: {  	[tilespmem:v7+s20+$0x0] =	vst.idx.add.f32.msk $0xffff, v8  }
0x212: {  	[tilespmem:v7+s21+$0x0] =	vst.idx.add.f32.msk $0xffff, v2  }
0x213: {  	v5 =	vld [tilespmem:s31+$0xFFFFFFD0]  }
0x214: {  	v7 =	vld [tilespmem:s1+$0x20];
	v6 =	vadd.s32 v1, v6  }
0x215: {  	v8 =	vld [tilespmem:s1+$0xFFFFFFD0]  }
0x216: {  	v9 =	vld [tilespmem:s26+$0xFFFFFFF0];
	s26 =	smov.u32 s31  }
0x217: {  	v10 =	vld [tilespmem:s28+$0xFFFFFFF0];
	s28 =	smov.u32 s1  }
0x218: {  	v11 =	vadd.s32 v1, v5;
	[tilespmem:v3+s20+$0x0] =	vst.idx.add.f32.msk $0xffff, v4  }
0x219: {  	s29 =	sadd.s32 $0xA0, s29;
	[tilespmem:v6+s20+$0x0] =	vst.idx.add.f32.msk $0xffff, v7  }
.Ltmp4:
0x21a: {  	s0 =	sand.u32 $0x7FE0, s29;
	[tilespmem:v6+s21+$0x0] =	vst.idx.add.f32.msk $0xffff, v2;
	(pc) =	sbr.rel @p0 .LBB2_10-.Ltmp4, $4  }
0x21b: {  	v5 =	vld [tilespmem:s0+$0x4F00];
	v6 =	vadd.s32 v1, v9  }
0x21c: {  	[tilespmem:v3+s21+$0x0] =	vst.idx.add.f32.msk $0xffff, v2;
	v4 =	vmov v10;
	v3 =	vmov v6  }
0x21d: {  	[tilespmem:v11+s20+$0x0] =	vst.idx.add.f32.msk $0xffff, v8  }
0x21e: {  	s31 =	sadd.s32 $0xA0, s31;
	[tilespmem:v11+s21+$0x0] =	vst.idx.add.f32.msk $0xffff, v2  }
0x21f: {  	v6 =	vld [tilespmem:s26+$0xFFFFFFE0];
	_ =	sdelay $0x1  }
0x220: {  	v7 =	vld [tilespmem:s0+$0xEC00];
	v5 =	vadd.s32 v1, v5;
	_ =	sdelay $0x2  }
0x221: {  	v8 =	vld [tilespmem:s28+$0xFFFFFFE0];
	v6 =	vadd.s32 v1, v6;
	_ =	sdelay $0x1  }
0x222: {  	[tilespmem:v5+s20+$0x0] =	vst.idx.add.f32.msk $0xffff, v7  }
0x223: {  	[tilespmem:v5+s21+$0x0] =	vst.idx.add.f32.msk $0xffff, v2  }
0x224: {  	v5 =	vld [tilespmem:s26+$0x40]  }
0x225: {  	[tilespmem:v6+s20+$0x0] =	vst.idx.add.f32.msk $0xffff, v8  }
0x226: {  	[tilespmem:v6+s21+$0x0] =	vst.idx.add.f32.msk $0xffff, v2  }
0x227: {  	v6 =	vld [tilespmem:s26+$0xFFFFFFF0];
	_ =	sdelay $0x2  }
0x228: {  	v7 =	vld [tilespmem:s28+$0x40];
	v5 =	vadd.s32 v1, v5;
	_ =	sdelay $0x1  }
0x229: {  	v8 =	vld [tilespmem:s28+$0xFFFFFFF0];
	v6 =	vadd.s32 v1, v6  }
0x22a: {  	[tilespmem:v3+s20+$0x0] =	vst.idx.add.f32.msk $0xffff, v4  }
0x22b: {  	[tilespmem:v3+s21+$0x0] =	vst.idx.add.f32.msk $0xffff, v2  }
0x22c: {  	[tilespmem:v5+s20+$0x0] =	vst.idx.add.f32.msk $0xffff, v7  }
0x22d: {  	[tilespmem:v5+s21+$0x0] =	vst.idx.add.f32.msk $0xffff, v2  }
0x22e: {  	[tilespmem:v6+s20+$0x0] =	vst.idx.add.f32.msk $0xffff, v8  }
0x22f: {  	[tilespmem:v6+s21+$0x0] =	vst.idx.add.f32.msk $0xffff, v2  }
0x230: {  	_ =	swait.ge [sflag:s19], $0x4E20  }
0x231: {  	[sflag:s19] =	ssyncset.done $0x0  }
0x232: {  	[sflag:s19] =	ssyncadd.s32 $0xFFFFB1E0  }
0x233: {  	_ =	swait.ge [sflag:s19], $0x4E20  }
0x234: {  	[sflag:s19] =	ssyncset.done $0x0  }
0x235: {  	s29 =	simm.s32 $0x50;
	[sflag:s19] =	ssyncadd.s32 $0xFFFFB1E0  }
0x236: {  	v3 =	vld [tilespmem:s29+$0x0];
	_ =	sdelay $0x3  }
0x237: {  	s1 =	simm.s32 $0x9D50  }
0x238: {  	v4 =	vld [tilespmem:s1+$0x0];
	v3 =	vadd.s32 v1, v3  }
0x239: {  	v5 =	vld [tilespmem:s29+$0xFFFFFFB0];
	_ =	sdelay $0x3  }
0x23a: {  	[tilespmem:v3+s20+$0x0] =	vst.idx.add.f32.msk $0xffff, v4  }
0x23b: {  	v4 =	vadd.s32 v1, v5;
	v5 =	vld [tilespmem:s1+$0xFFFFFFB0]  }
0x23c: {  	[tilespmem:v3+s21+$0x0] =	vst.idx.add.f32.msk $0xffff, v2  }
0x23d: {  	v3 =	vld [tilespmem:s29+$0x10];
	_ =	sdelay $0x2  }
0x23e: {  	v6 =	vld [tilespmem:s1+$0x10]  }
0x23f: {  	[tilespmem:v4+s20+$0x0] =	vst.idx.add.f32.msk $0xffff, v5  }
0x240: {  	[tilespmem:v4+s21+$0x0] =	vst.idx.add.f32.msk $0xffff, v2;
	v3 =	vadd.s32 v1, v3  }
0x241: {  	v4 =	vld [tilespmem:s29+$0xFFFFFFC0];
	_ =	sdelay $0x2  }
0x242: {  	v5 =	vld [tilespmem:s1+$0xFFFFFFC0]  }
0x243: {  	[tilespmem:v3+s20+$0x0] =	vst.idx.add.f32.msk $0xffff, v6  }
0x244: {  	v4 =	vadd.s32 v1, v4;
	[tilespmem:v3+s21+$0x0] =	vst.idx.add.f32.msk $0xffff, v2  }
0x245: {  	v3 =	vld [tilespmem:s29+$0x20];
	_ =	sdelay $0x2  }
0x246: {  	v6 =	vld [tilespmem:s1+$0x20]  }
0x247: {  	[tilespmem:v4+s20+$0x0] =	vst.idx.add.f32.msk $0xffff, v5  }
0x248: {  	[tilespmem:v4+s21+$0x0] =	vst.idx.add.f32.msk $0xffff, v2;
	v3 =	vadd.s32 v1, v3  }
0x249: {  	v4 =	vld [tilespmem:s29+$0xFFFFFFD0];
	_ =	sdelay $0x2  }
0x24a: {  	s26 =	simm.s32 $0x0;
	v5 =	vld [tilespmem:s1+$0xFFFFFFD0]  }
0x24b: {  	s0 =	sand.u32 $0x7FE0, s26;
	s26 =	simm.s32 $0xF0;
	[tilespmem:v3+s20+$0x0] =	vst.idx.add.f32.msk $0xffff, v6  }
0x24c: {  	v4 =	vadd.s32 v1, v4;
	v6 =	vld [tilespmem:s26+$0x0]  }
0x24d: {  	[tilespmem:v3+s21+$0x0] =	vst.idx.add.f32.msk $0xffff, v2  }
0x24e: {  	v3 =	vld [tilespmem:s0+$0x80];
	_ =	sdelay $0x2  }
0x24f: {  	s28 =	simm.s32 $0x9DF0;
	[tilespmem:v4+s20+$0x0] =	vst.idx.add.f32.msk $0xffff, v5  }
0x250: {  	v5 =	vld [tilespmem:s28+$0x0];
	v6 =	vadd.s32 v1, v6  }
0x251: {  	v7 =	vld [tilespmem:s0+$0x9D80];
	v3 =	vadd.s32 v1, v3  }
0x252: {  	[tilespmem:v4+s21+$0x0] =	vst.idx.add.f32.msk $0xffff, v2  }
0x253: {  	v4 =	vld [tilespmem:s26+$0xFFFFFFB0];
	_ =	sdelay $0x1  }
0x254: {  	[tilespmem:v6+s20+$0x0] =	vst.idx.add.f32.msk $0xffff, v5  }
0x255: {  	[tilespmem:v3+s20+$0x0] =	vst.idx.add.f32.msk $0xffff, v7  }
0x256: {  	v7 =	vld [tilespmem:s28+$0xFFFFFFB0]  }
0x257: {  	v4 =	vadd.s32 v1, v4;
	[tilespmem:v3+s21+$0x0] =	vst.idx.add.f32.msk $0xffff, v2  }
0x258: {  	v3 =	vld [tilespmem:s29+$0x40]  }
0x259: {  	[tilespmem:v6+s21+$0x0] =	vst.idx.add.f32.msk $0xffff, v2  }
0x25a: {  	v5 =	vld [tilespmem:s26+$0x10]  }
0x25b: {  	v6 =	vld [tilespmem:s1+$0x40]  }
0x25c: {  	[tilespmem:v4+s20+$0x0] =	vst.idx.add.f32.msk $0xffff, v7  }
0x25d: {  	[tilespmem:v4+s21+$0x0] =	vst.idx.add.f32.msk $0xffff, v2;
	v3 =	vadd.s32 v1, v3  }
0x25e: {  	v4 =	vld [tilespmem:s26+$0xFFFFFFC0]  }
0x25f: {  	v62 =	vld [tilespmem:s28+$0x10];
	v5 =	vadd.s32 v1, v5  }
0x260: {  	v9 =	vld [tilespmem:s1+$0xFFFFFFE0]  }
0x261: {  	v7 =	vld [tilespmem:s29+$0xFFFFFFE0]  }
0x262: {  	[tilespmem:v3+s20+$0x0] =	vst.idx.add.f32.msk $0xffff, v6  }
0x263: {  	v6 =	vld [tilespmem:s28+$0xFFFFFFC0];
	v4 =	vadd.s32 v1, v4  }
0x264: {  	[tilespmem:v5+s20+$0x0] =	vst.idx.add.f32.msk $0xffff, v62  }
0x265: {  	[tilespmem:v5+s21+$0x0] =	vst.idx.add.f32.msk $0xffff, v2  }
0x266: {  	v5 =	vld [tilespmem:s26+$0x20]  }
0x267: {  	[tilespmem:v3+s21+$0x0] =	vst.idx.add.f32.msk $0xffff, v2;
	v3 =	vadd.s32 v1, v7  }
0x268: {  	[tilespmem:v4+s20+$0x0] =	vst.idx.add.f32.msk $0xffff, v6  }
0x269: {  	[tilespmem:v4+s21+$0x0] =	vst.idx.add.f32.msk $0xffff, v2  }
0x26a: {  	v4 =	vld [tilespmem:s26+$0xFFFFFFD0]  }
0x26b: {  	v6 =	vld [tilespmem:s28+$0x20];
	v5 =	vadd.s32 v1, v5  }
0x26c: {  	[tilespmem:v3+s20+$0x0] =	vst.idx.add.f32.msk $0xffff, v9  }
0x26d: {  	[tilespmem:v3+s21+$0x0] =	vst.idx.add.f32.msk $0xffff, v2  }
0x26e: {  	v3 =	vld [tilespmem:s28+$0xFFFFFFD0]  }
0x26f: {  	v7 =	vld [tilespmem:s29+$0xFFFFFFF0];
	v63 =	vadd.s32 v1, v4  }
0x270: {  	s29 =	simm.s32 $0xA0;
	[tilespmem:v5+s20+$0x0] =	vst.idx.add.f32.msk $0xffff, v6  }
0x271: {  	s0 =	sand.u32 $0x7FE0, s29;
	[tilespmem:v5+s21+$0x0] =	vst.idx.add.f32.msk $0xffff, v2  }
0x272: {  	v5 =	vld [tilespmem:s0+$0x80]  }
0x273: {  	v4 =	vld [tilespmem:s1+$0xFFFFFFF0]  }
0x274: {  	[tilespmem:v63+s20+$0x0] =	vst.idx.add.f32.msk $0xffff, v3  }
0x275: {  	s30 =	simm.s32 $0xA;
	s31 =	simm.s32 $0x190;
	s1 =	simm.s32 $0x9DF0;
	v3 =	vadd.s32 v1, v7;
	[tilespmem:v63+s21+$0x0] =	vst.idx.add.f32.msk $0xffff, v2  }
.LBB2_12:
0x276: {  	v6 =	vld [tilespmem:s31+$0x0]  }
0x277: {  	v7 =	vld [tilespmem:s0+$0x9D80];
	v5 =	vadd.s32 v1, v5  }
0x278: {  	v8 =	vld [tilespmem:s31+$0xFFFFFFB0]  }
0x279: {  	v9 =	vld [tilespmem:s26+$0xFFFFFFE0]  }
0x27a: {  	s1 =	sadd.s32 $0xA0, s1;
	v10 =	vld [tilespmem:s28+$0xFFFFFFE0]  }
0x27b: {  	s30 =	sadd.s32 $0xA, s30;
	v11 =	vld [tilespmem:s1+$0x0];
	v6 =	vadd.s32 v1, v6  }
0x27c: {  	p0 =	slt.u32 s30, $0x4D8;
	[tilespmem:v5+s20+$0x0] =	vst.idx.add.f32.msk $0xffff, v7  }
0x27d: {  	v7 =	vadd.s32 v1, v8;
	[tilespmem:v5+s21+$0x0] =	vst.idx.add.f32.msk $0xffff, v2  }
0x27e: {  	v5 =	vadd.s32 v1, v9;
	v8 =	vld [tilespmem:s26+$0x40]  }
0x27f: {  	v9 =	vld [tilespmem:s1+$0xFFFFFFB0]  }
0x280: {  	[tilespmem:v6+s20+$0x0] =	vst.idx.add.f32.msk $0xffff, v11  }
0x281: {  	[tilespmem:v6+s21+$0x0] =	vst.idx.add.f32.msk $0xffff, v2  }
0x282: {  	v6 =	vld [tilespmem:s31+$0x10]  }
0x283: {  	v11 =	vld [tilespmem:s28+$0x40];
	v8 =	vadd.s32 v1, v8  }
0x284: {  	[tilespmem:v7+s20+$0x0] =	vst.idx.add.f32.msk $0xffff, v9  }
0x285: {  	[tilespmem:v7+s21+$0x0] =	vst.idx.add.f32.msk $0xffff, v2  }
0x286: {  	v7 =	vld [tilespmem:s31+$0xFFFFFFC0]  }
0x287: {  	v9 =	vld [tilespmem:s1+$0x10];
	v6 =	vadd.s32 v1, v6  }
0x288: {  	[tilespmem:v8+s20+$0x0] =	vst.idx.add.f32.msk $0xffff, v11  }
0x289: {  	[tilespmem:v8+s21+$0x0] =	vst.idx.add.f32.msk $0xffff, v2  }
0x28a: {  	v8 =	vld [tilespmem:s1+$0xFFFFFFC0]  }
0x28b: {  	v7 =	vadd.s32 v1, v7;
	[tilespmem:v5+s20+$0x0] =	vst.idx.add.f32.msk $0xffff, v10  }
0x28c: {  	[tilespmem:v6+s20+$0x0] =	vst.idx.add.f32.msk $0xffff, v9  }
0x28d: {  	[tilespmem:v6+s21+$0x0] =	vst.idx.add.f32.msk $0xffff, v2  }
0x28e: {  	v6 =	vld [tilespmem:s31+$0x20]  }
0x28f: {  	[tilespmem:v5+s21+$0x0] =	vst.idx.add.f32.msk $0xffff, v2  }
0x290: {  	[tilespmem:v7+s20+$0x0] =	vst.idx.add.f32.msk $0xffff, v8  }
0x291: {  	[tilespmem:v7+s21+$0x0] =	vst.idx.add.f32.msk $0xffff, v2  }
0x292: {  	v5 =	vld [tilespmem:s31+$0xFFFFFFD0]  }
0x293: {  	v7 =	vld [tilespmem:s1+$0x20];
	v6 =	vadd.s32 v1, v6  }
0x294: {  	v8 =	vld [tilespmem:s1+$0xFFFFFFD0]  }
0x295: {  	v9 =	vld [tilespmem:s26+$0xFFFFFFF0];
	s26 =	smov.u32 s31  }
0x296: {  	v10 =	vld [tilespmem:s28+$0xFFFFFFF0];
	s28 =	smov.u32 s1  }
0x297: {  	v11 =	vadd.s32 v1, v5;
	[tilespmem:v3+s20+$0x0] =	vst.idx.add.f32.msk $0xffff, v4  }
0x298: {  	s29 =	sadd.s32 $0xA0, s29;
	[tilespmem:v6+s20+$0x0] =	vst.idx.add.f32.msk $0xffff, v7  }
.Ltmp5:
0x299: {  	s0 =	sand.u32 $0x7FE0, s29;
	[tilespmem:v6+s21+$0x0] =	vst.idx.add.f32.msk $0xffff, v2;
	(pc) =	sbr.rel @p0 .LBB2_12-.Ltmp5, $4  }
0x29a: {  	v5 =	vld [tilespmem:s0+$0x80];
	v6 =	vadd.s32 v1, v9  }
0x29b: {  	[tilespmem:v3+s21+$0x0] =	vst.idx.add.f32.msk $0xffff, v2;
	v4 =	vmov v10;
	v3 =	vmov v6  }
0x29c: {  	[tilespmem:v11+s20+$0x0] =	vst.idx.add.f32.msk $0xffff, v8  }
0x29d: {  	s31 =	sadd.s32 $0xA0, s31;
	[tilespmem:v11+s21+$0x0] =	vst.idx.add.f32.msk $0xffff, v2  }
0x29e: {  	v6 =	vld [tilespmem:s26+$0xFFFFFFE0];
	_ =	sdelay $0x1  }
0x29f: {  	v7 =	vld [tilespmem:s0+$0x9D80];
	v5 =	vadd.s32 v1, v5;
	_ =	sdelay $0x2  }
0x2a0: {  	v8 =	vld [tilespmem:s28+$0xFFFFFFE0];
	v6 =	vadd.s32 v1, v6;
	_ =	sdelay $0x1  }
0x2a1: {  	[tilespmem:v5+s20+$0x0] =	vst.idx.add.f32.msk $0xffff, v7  }
0x2a2: {  	[tilespmem:v5+s21+$0x0] =	vst.idx.add.f32.msk $0xffff, v2  }
0x2a3: {  	v5 =	vld [tilespmem:s26+$0x40]  }
0x2a4: {  	[tilespmem:v6+s20+$0x0] =	vst.idx.add.f32.msk $0xffff, v8  }
0x2a5: {  	[tilespmem:v6+s21+$0x0] =	vst.idx.add.f32.msk $0xffff, v2  }
0x2a6: {  	v6 =	vld [tilespmem:s26+$0xFFFFFFF0];
	_ =	sdelay $0x2  }
0x2a7: {  	v7 =	vld [tilespmem:s28+$0x40];
	v5 =	vadd.s32 v1, v5;
	_ =	sdelay $0x1  }
0x2a8: {  	v8 =	vld [tilespmem:s28+$0xFFFFFFF0];
	v6 =	vadd.s32 v1, v6  }
0x2a9: {  	[tilespmem:v3+s20+$0x0] =	vst.idx.add.f32.msk $0xffff, v4  }
0x2aa: {  	[tilespmem:v3+s21+$0x0] =	vst.idx.add.f32.msk $0xffff, v2  }
0x2ab: {  	[tilespmem:v5+s20+$0x0] =	vst.idx.add.f32.msk $0xffff, v7  }
0x2ac: {  	[tilespmem:v5+s21+$0x0] =	vst.idx.add.f32.msk $0xffff, v2  }
0x2ad: {  	[tilespmem:v6+s20+$0x0] =	vst.idx.add.f32.msk $0xffff, v8  }
0x2ae: {  	s31 =	simm.s32 $0x15A08;
	[tilespmem:v6+s21+$0x0] =	vst.idx.add.f32.msk $0xffff, v2  }
0x2af: {  	v3 =	vld [tilespmem:s31+$0xFFFFE008]  }
0x2b0: {  	v4 =	vld [tilespmem:s31+$0xFFFFE409]  }
0x2b1: {  	v5 =	vld [tilespmem:s31+$0xFFFFE3F9]  }
0x2b2: {  	v6 =	vld [tilespmem:s31+$0xFFFFE80A]  }
0x2b3: {  	v7 =	vld [tilespmem:s31+$0xFFFFDFF8]  }
0x2b4: {  	v8 =	vld [tilespmem:s31+$0xFFFFEC0B]  }
0x2b5: {  	v9 =	vld [tilespmem:s31+$0xFFFFE7FA]  }
0x2b6: {  	v10 =	vld [tilespmem:s31+$0xFFFFEBFB];
	v3 =	vadd.f32 v4, v3  }
0x2b7: {  	v4 =	vld [tilespmem:s31+$0xFFFFF00C]  }
0x2b8: {  	v5 =	vadd.f32 v5, v7;
	v7 =	vld [tilespmem:s31+$0xFFFFEFFC];
	v3 =	vadd.f32 v6, v3  }
0x2b9: {  	v6 =	vld [tilespmem:s31+$0xFFFFF40D]  }
0x2ba: {  	v5 =	vadd.f32 v9, v5;
	v9 =	vld [tilespmem:s31+$0xFFFFF3FD];
	v3 =	vadd.f32 v8, v3  }
0x2bb: {  	v8 =	vld [tilespmem:s31+$0xFFFFF80E]  }
0x2bc: {  	v3 =	vadd.f32 v4, v3;
	v4 =	vadd.f32 v10, v5;
	v5 =	vld [tilespmem:s31+$0xFFFFFC0F]  }
0x2bd: {  	v10 =	vld [tilespmem:s31+$0xFFFFF7FE]  }
0x2be: {  	v3 =	vadd.f32 v6, v3;
	v4 =	vadd.f32 v7, v4;
	v6 =	vld [tilespmem:s31+$0x10]  }
0x2bf: {  	v7 =	vld [tilespmem:s31+$0xFFFFFBFF]  }
0x2c0: {  	v3 =	vadd.f32 v8, v3;
	v4 =	vadd.f32 v9, v4;
	v8 =	vld [tilespmem:s31+$0x411]  }
0x2c1: {  	v9 =	vld [tilespmem:s31+$0x0]  }
0x2c2: {  	v3 =	vadd.f32 v5, v3;
	v4 =	vadd.f32 v10, v4;
	v5 =	vld [tilespmem:s31+$0x812]  }
0x2c3: {  	v10 =	vld [tilespmem:s31+$0x401]  }
0x2c4: {  	v3 =	vadd.f32 v6, v3;
	v4 =	vadd.f32 v7, v4;
	v6 =	vld [tilespmem:s31+$0xC13]  }
0x2c5: {  	v7 =	vld [tilespmem:s31+$0x802]  }
0x2c6: {  	v3 =	vadd.f32 v8, v3;
	v4 =	vadd.f32 v9, v4;
	v8 =	vld [tilespmem:s31+$0x1014]  }
0x2c7: {  	v9 =	vld [tilespmem:s31+$0xC03]  }
0x2c8: {  	v3 =	vadd.f32 v5, v3;
	v4 =	vadd.f32 v10, v4;
	v5 =	vld [tilespmem:s31+$0x1415]  }
0x2c9: {  	p1 =	por $0x1, $0x1;
	v10 =	vld [tilespmem:s31+$0x1004]  }
.Ltmp6:
0x2ca: {  	v11 =	vadd.f32 v6, v3;
	v4 =	vadd.f32 v7, v4;
	v3 =	vld [tilespmem:s31+$0x1816];
	(pc) =	sbr.rel @!p1 .LBB2_14-.Ltmp6, $4  }
0x2cb: {  	v6 =	vld [tilespmem:s31+$0x1405]  }
0x2cc: {  	v7 =	vld [tilespmem:s31+$0x1806];
	v8 =	vadd.f32 v8, v11;
	v9 =	vadd.f32 v9, v4  }
0x2cd: {  	v4 =	vld [tilespmem:s31+$0x1C17]  }
0x2ce: {  	s1 =	simm.s32 $0x15A28;
	p0 =	por $0x0, $0x0;
	s26 =	simm.s32 $0x1BB10;
	v8 =	vadd.f32 v5, v8;
	v9 =	vadd.f32 v10, v9;
	v5 =	vld [tilespmem:s31+$0x1C07]  }
0x2cf: {  	v10 =	vld [tilespmem:s1+$0xFFFFE008]  }
0x2d0: {  	v11 =	vld [tilespmem:s1+$0xFFFFE409]  }
0x2d1: {  	v12 =	vld [tilespmem:s1+$0xFFFFE3F9]  }
0x2d2: {  	v13 =	vld [tilespmem:s1+$0xFFFFE80A]  }
0x2d3: {  	v14 =	vld [tilespmem:s1+$0xFFFFDFF8]  }
0x2d4: {  	v15 =	vld [tilespmem:s1+$0xFFFFEC0B]  }
0x2d5: {  	v16 =	vld [tilespmem:s1+$0xFFFFE7FA];
	v10 =	vadd.f32 v11, v10  }
0x2d6: {  	v11 =	vld [tilespmem:s1+$0xFFFFF00C]  }
0x2d7: {  	v17 =	vld [tilespmem:s1+$0xFFFFEBFB];
	v10 =	vadd.f32 v13, v10  }
0x2d8: {  	v47 =	vld [tilespmem:s1+$0xFFFFF40D];
	v12 =	vadd.f32 v12, v14  }
0x2d9: {  	v48 =	vld [tilespmem:s1+$0xFFFFEFFC];
	v10 =	vadd.f32 v15, v10  }
0x2da: {  	v49 =	vld [tilespmem:s1+$0xFFFFF80E];
	v12 =	vadd.f32 v16, v12  }
0x2db: {  	v50 =	vld [tilespmem:s1+$0xFFFFF3FD];
	v10 =	vadd.f32 v11, v10  }
0x2dc: {  	v51 =	vld [tilespmem:s1+$0xFFFFFC0F];
	v11 =	vadd.f32 v17, v12  }
0x2dd: {  	v52 =	vld [tilespmem:s1+$0xFFFFF7FE];
	v10 =	vadd.f32 v47, v10  }
0x2de: {  	v53 =	vld [tilespmem:s1+$0x10];
	v11 =	vadd.f32 v48, v11  }
0x2df: {  	v54 =	vld [tilespmem:s1+$0xFFFFFBFF];
	v10 =	vadd.f32 v49, v10  }
0x2e0: {  	v55 =	vld [tilespmem:s1+$0x411];
	v11 =	vadd.f32 v50, v11  }
0x2e1: {  	v56 =	vld [tilespmem:s1+$0x0];
	v10 =	vadd.f32 v51, v10  }
0x2e2: {  	v57 =	vld [tilespmem:s1+$0x812];
	v11 =	vadd.f32 v52, v11  }
0x2e3: {  	v58 =	vld [tilespmem:s1+$0x401];
	v10 =	vadd.f32 v53, v10  }
0x2e4: {  	v59 =	vld [tilespmem:s1+$0xC13];
	v11 =	vadd.f32 v54, v11  }
0x2e5: {  	v60 =	vld [tilespmem:s1+$0x802];
	v10 =	vadd.f32 v55, v10  }
0x2e6: {  	v61 =	vld [tilespmem:s1+$0x1014];
	v11 =	vadd.f32 v56, v11  }
0x2e7: {  	v6 =	vadd.f32 v6, v9;
	v9 =	vld [tilespmem:s1+$0xC03];
	v10 =	vadd.f32 v57, v10  }
0x2e8: {  	v62 =	vld [tilespmem:s1+$0x1415];
	v8 =	vadd.f32 v3, v8;
	v11 =	vadd.f32 v58, v11  }
0x2e9: {  	v63 =	vld [tilespmem:s1+$0x1004];
	p1 =	por $0x1, $0x1;
	v6 =	vadd.f32 v7, v6;
	v7 =	vadd.f32 v59, v10  }
.Ltmp7:
0x2ea: {  	v3 =	vld [tilespmem:s1+$0x1816];
	v8 =	vadd.f32 v4, v8;
	v10 =	vadd.f32 v60, v11;
	(pc) =	sbr.rel @!p1 .LBB2_16-.Ltmp7, $4  }
0x2eb: {  	v5 =	vadd.f32 v5, v6;
	v6 =	vld [tilespmem:s1+$0x1405];
	v11 =	vadd.f32 v61, v7  }
0x2ec: {  	v4 =	vld [tilespmem:s1+$0x1C17];
	v9 =	vadd.f32 v9, v10  }
0x2ed: {  	s28 =	simm.s32 $0x2;
	[tilespmem:s26+$0x0] =	vst v8;
	v7 =	vld [tilespmem:s1+$0x1806];
	v8 =	vadd.f32 v62, v11  }
0x2ee: {  	s30 =	simm.s32 $0x15A48;
	p0 =	por $0x1, $0x1;
	s29 =	simm.s32 $0x1BB10;
	[tilespmem:s26+$0xFFFFFFF0] =	vst v5;
	v5 =	vld [tilespmem:s1+$0x1C07];
	v9 =	vadd.f32 v63, v9  }
.LBB2_17:
0x2ef: {  	v10 =	vld [tilespmem:s30+$0xFFFFE008];
	v3 =	vadd.f32 v3, v8  }
0x2f0: {  	s28 =	sadd.s32 $0x2, s28;
	v8 =	vld [tilespmem:s30+$0xFFFFE409];
	v6 =	vadd.f32 v6, v9  }
0x2f1: {  	p1 =	slt.u32 s28, $0x3E;
	v9 =	vld [tilespmem:s30+$0xFFFFE3F9];
	v3 =	vadd.f32 v4, v3  }
0x2f2: {  	s29 =	sadd.s32 $0x20, s29;
	v4 =	vld [tilespmem:s30+$0xFFFFE80A];
	v6 =	vadd.f32 v7, v6  }
0x2f3: {  	v7 =	vld [tilespmem:s30+$0xFFFFDFF8];
	[tilespmem:s29+$0x0] =	vst v3  }
0x2f4: {  	v3 =	vld [tilespmem:s30+$0xFFFFEC0B];
	v5 =	vadd.f32 v5, v6  }
0x2f5: {  	v6 =	vld [tilespmem:s30+$0xFFFFE7FA];
	v8 =	vadd.f32 v8, v10  }
0x2f6: {  	v10 =	vld [tilespmem:s30+$0xFFFFF00C];
	[tilespmem:s29+$0xFFFFFFF0] =	vst v5  }
0x2f7: {  	v5 =	vld [tilespmem:s30+$0xFFFFEBFB];
	v4 =	vadd.f32 v4, v8  }
0x2f8: {  	v7 =	vadd.f32 v9, v7;
	v8 =	vld [tilespmem:s30+$0xFFFFF40D]  }
0x2f9: {  	v9 =	vld [tilespmem:s30+$0xFFFFEFFC];
	v3 =	vadd.f32 v3, v4  }
0x2fa: {  	v4 =	vadd.f32 v6, v7;
	v6 =	vld [tilespmem:s30+$0xFFFFF80E]  }
0x2fb: {  	v7 =	vld [tilespmem:s30+$0xFFFFF3FD];
	v3 =	vadd.f32 v10, v3  }
0x2fc: {  	v4 =	vadd.f32 v5, v4;
	v5 =	vld [tilespmem:s30+$0xFFFFFC0F]  }
0x2fd: {  	v10 =	vld [tilespmem:s30+$0xFFFFF7FE];
	v3 =	vadd.f32 v8, v3  }
0x2fe: {  	v4 =	vadd.f32 v9, v4;
	v8 =	vld [tilespmem:s30+$0x10]  }
0x2ff: {  	v9 =	vld [tilespmem:s30+$0xFFFFFBFF];
	v3 =	vadd.f32 v6, v3  }
0x300: {  	v4 =	vadd.f32 v7, v4;
	v6 =	vld [tilespmem:s30+$0x411]  }
0x301: {  	v7 =	vld [tilespmem:s30+$0x0];
	v3 =	vadd.f32 v5, v3  }
0x302: {  	v4 =	vadd.f32 v10, v4;
	v5 =	vld [tilespmem:s30+$0x812]  }
0x303: {  	v10 =	vld [tilespmem:s30+$0x401];
	v3 =	vadd.f32 v8, v3  }
0x304: {  	v4 =	vadd.f32 v9, v4;
	v8 =	vld [tilespmem:s30+$0xC13]  }
0x305: {  	v9 =	vld [tilespmem:s30+$0x802];
	v3 =	vadd.f32 v6, v3  }
0x306: {  	v4 =	vadd.f32 v7, v4;
	v7 =	vld [tilespmem:s30+$0x1014]  }
0x307: {  	v11 =	vld [tilespmem:s30+$0xC03];
	v3 =	vadd.f32 v5, v3  }
0x308: {  	v4 =	vadd.f32 v10, v4;
	v5 =	vld [tilespmem:s30+$0x1415]  }
0x309: {  	v10 =	vld [tilespmem:s30+$0x1004];
	v8 =	vadd.f32 v8, v3  }
.Ltmp8:
0x30a: {  	v4 =	vadd.f32 v9, v4;
	v3 =	vld [tilespmem:s30+$0x1816];
	(pc) =	sbr.rel @p1 .LBB2_17-.Ltmp8, $4  }
0x30b: {  	v6 =	vld [tilespmem:s30+$0x1405];
	v8 =	vadd.f32 v7, v8  }
0x30c: {  	v9 =	vadd.f32 v11, v4;
	v4 =	vld [tilespmem:s30+$0x1C17]  }
0x30d: {  	v7 =	vld [tilespmem:s30+$0x1806];
	v8 =	vadd.f32 v5, v8  }
0x30e: {  	v9 =	vadd.f32 v10, v9;
	v5 =	vld [tilespmem:s30+$0x1C07];
	s30 =	sadd.s32 $0x20, s30  }
.LBB2_18:
0x30f: {  	_ = 	snop  }
0x310: {  	v6 =	vadd.f32 v6, v9  }
0x311: {  	v3 =	vadd.f32 v3, v8  }
0x312: {  	v6 =	vadd.f32 v7, v6  }
0x313: {  	s0 =	sadd.s32 @p0 $0x20, s29;
	s1 =	simm.s32 $0x1BB10;
	v3 =	vadd.f32 v4, v3  }
0x314: {  	s1 =	smov.u32 @p0 s0;
	v4 =	vadd.f32 v5, v6  }
0x315: {  	[tilespmem:s1+$0x0] =	vst v3  }
0x316: {  	[tilespmem:s1+$0xFFFFFFF0] =	vst v4  }
0x317: {  	[hbm4b:s13+s2] =	stream.linear.scatter [tilespmem:s23], [sflag:$0x3], $0x400, $0x38;
	[tilespmem:$0x1BF00] =	vst v63  }
0x318: {  	_ =	swait.ge [sflag:s24], $0x400  }
0x319: {  	[sflag:s24] =	ssyncset.done $0x0  }
0x31a: {  	s30 =	simm.s32 $0x19A88;
	[sflag:s24] =	ssyncadd.s32 $0xFFFFFC00  }
0x31b: {  	v3 =	vld [tilespmem:s30+$0xFFFFE008]  }
0x31c: {  	v4 =	vld [tilespmem:s30+$0xFFFFE409]  }
0x31d: {  	v5 =	vld [tilespmem:s30+$0xFFFFE3F9]  }
0x31e: {  	v6 =	vld [tilespmem:s30+$0xFFFFE80A]  }
0x31f: {  	v7 =	vld [tilespmem:s30+$0xFFFFDFF8]  }
0x320: {  	v8 =	vld [tilespmem:s30+$0xFFFFEC0B]  }
0x321: {  	v9 =	vld [tilespmem:s30+$0xFFFFE7FA]  }
0x322: {  	v10 =	vld [tilespmem:s30+$0xFFFFF00C]  }
0x323: {  	v11 =	vld [tilespmem:s30+$0xFFFFEBFB]  }
0x324: {  	v12 =	vld [tilespmem:s30+$0xFFFFF40D]  }
0x325: {  	v13 =	vld [tilespmem:s30+$0xFFFFEFFC]  }
0x326: {  	v14 =	vld [tilespmem:s30+$0xFFFFF80E]  }
0x327: {  	v15 =	vld [tilespmem:s30+$0xFFFFF3FD]  }
0x328: {  	v16 =	vld [tilespmem:s30+$0xFFFFFC0F]  }
0x329: {  	v17 =	vld [tilespmem:s30+$0xFFFFF7FE]  }
0x32a: {  	v18 =	vld [tilespmem:s30+$0x10]  }
0x32b: {  	v19 =	vld [tilespmem:s30+$0xFFFFFBFF]  }
0x32c: {  	v20 =	vld [tilespmem:s30+$0x411]  }
0x32d: {  	v21 =	vld [tilespmem:s30+$0x0]  }
0x32e: {  	v22 =	vld [tilespmem:s30+$0x812]  }
0x32f: {  	v23 =	vld [tilespmem:s30+$0x401]  }
0x330: {  	v24 =	vld [tilespmem:s30+$0xC13]  }
0x331: {  	v25 =	vld [tilespmem:s30+$0x802]  }
0x332: {  	v26 =	vld [tilespmem:s30+$0x1014]  }
0x333: {  	v27 =	vld [tilespmem:s30+$0xC03]  }
0x334: {  	v28 =	vld [tilespmem:s30+$0x1415]  }
0x335: {  	v29 =	vld [tilespmem:s30+$0x1004]  }
0x336: {  	v30 =	vld [tilespmem:s30+$0x1816]  }
0x337: {  	v31 =	vld [tilespmem:s30+$0x1405]  }
0x338: {  	v32 =	vld [tilespmem:s30+$0x1C17]  }
0x339: {  	v33 =	vld [tilespmem:s30+$0x1806]  }
0x33a: {  	s31 =	simm.s32 $0x19AA8;
	v34 =	vld [tilespmem:s30+$0x1C07];
	v3 =	vadd.f32 v4, v3  }
0x33b: {  	v4 =	vadd.f32 v5, v7;
	v5 =	vld [tilespmem:s31+$0xFFFFE008]  }
0x33c: {  	v7 =	vld [tilespmem:s31+$0xFFFFE409];
	v3 =	vadd.f32 v6, v3  }
0x33d: {  	v4 =	vadd.f32 v9, v4;
	v6 =	vld [tilespmem:s31+$0xFFFFE3F9]  }
0x33e: {  	v9 =	vld [tilespmem:s31+$0xFFFFE80A];
	v3 =	vadd.f32 v8, v3  }
0x33f: {  	v4 =	vadd.f32 v11, v4;
	v8 =	vld [tilespmem:s31+$0xFFFFDFF8]  }
0x340: {  	v11 =	vld [tilespmem:s31+$0xFFFFEC0B];
	v3 =	vadd.f32 v10, v3  }
0x341: {  	v5 =	vadd.f32 v7, v5;
	v4 =	vadd.f32 v13, v4;
	v10 =	vld [tilespmem:s31+$0xFFFFE7FA]  }
0x342: {  	v7 =	vld [tilespmem:s31+$0xFFFFF00C];
	v3 =	vadd.f32 v12, v3  }
0x343: {  	v59 =	vld [tilespmem:s31+$0xFFFFEBFB];
	v5 =	vadd.f32 v9, v5;
	v4 =	vadd.f32 v15, v4  }
0x344: {  	v6 =	vadd.f32 v6, v8;
	v8 =	vld [tilespmem:s31+$0xFFFFF40D];
	v3 =	vadd.f32 v14, v3  }
0x345: {  	v9 =	vld [tilespmem:s31+$0xFFFFEFFC];
	v5 =	vadd.f32 v11, v5;
	v4 =	vadd.f32 v17, v4  }
0x346: {  	v6 =	vadd.f32 v10, v6;
	v10 =	vld [tilespmem:s31+$0xFFFFF80E];
	v3 =	vadd.f32 v16, v3  }
0x347: {  	v11 =	vld [tilespmem:s31+$0xFFFFF3FD];
	v5 =	vadd.f32 v7, v5;
	v4 =	vadd.f32 v19, v4  }
0x348: {  	v7 =	vld [tilespmem:s31+$0xFFFFFC0F];
	v6 =	vadd.f32 v59, v6;
	v3 =	vadd.f32 v18, v3  }
0x349: {  	v60 =	vld [tilespmem:s31+$0xFFFFF7FE];
	v4 =	vadd.f32 v21, v4;
	v5 =	vadd.f32 v8, v5  }
0x34a: {  	v8 =	vld [tilespmem:s31+$0x10];
	v6 =	vadd.f32 v9, v6;
	v3 =	vadd.f32 v20, v3  }
0x34b: {  	v9 =	vld [tilespmem:s31+$0xFFFFFBFF];
	v4 =	vadd.f32 v23, v4;
	v5 =	vadd.f32 v10, v5  }
0x34c: {  	v10 =	vld [tilespmem:s31+$0x411];
	v6 =	vadd.f32 v11, v6;
	v3 =	vadd.f32 v22, v3  }
0x34d: {  	v11 =	vld [tilespmem:s31+$0x0];
	v4 =	vadd.f32 v25, v4;
	v5 =	vadd.f32 v7, v5  }
0x34e: {  	v7 =	vld [tilespmem:s31+$0x812];
	v6 =	vadd.f32 v60, v6;
	v3 =	vadd.f32 v24, v3  }
0x34f: {  	v61 =	vld [tilespmem:s31+$0x401];
	v4 =	vadd.f32 v27, v4;
	v5 =	vadd.f32 v8, v5  }
0x350: {  	v8 =	vld [tilespmem:s31+$0xC13];
	v6 =	vadd.f32 v9, v6;
	v3 =	vadd.f32 v26, v3  }
0x351: {  	v9 =	vld [tilespmem:s31+$0x802];
	v4 =	vadd.f32 v29, v4;
	v5 =	vadd.f32 v10, v5  }
0x352: {  	v10 =	vld [tilespmem:s31+$0x1014];
	v6 =	vadd.f32 v11, v6;
	v3 =	vadd.f32 v28, v3  }
0x353: {  	v11 =	vld [tilespmem:s31+$0xC03];
	v4 =	vadd.f32 v31, v4;
	v5 =	vadd.f32 v7, v5  }
0x354: {  	v62 =	vld [tilespmem:s31+$0x1415];
	v6 =	vadd.f32 v61, v6;
	v7 =	vadd.f32 v30, v3  }
0x355: {  	v63 =	vld [tilespmem:s31+$0x1004];
	v4 =	vadd.f32 v33, v4;
	v5 =	vadd.f32 v8, v5  }
0x356: {  	v3 =	vld [tilespmem:s31+$0x1816];
	v6 =	vadd.f32 v9, v6;
	v7 =	vadd.f32 v32, v7  }
0x357: {  	v8 =	vadd.f32 v34, v4;
	v4 =	vld [tilespmem:s31+$0x1405];
	v9 =	vadd.f32 v10, v5  }
0x358: {  	v5 =	vld [tilespmem:s31+$0x1C17];
	v6 =	vadd.f32 v11, v6;
	[tilespmem:s26+$0x0] =	vst v7  }
0x359: {  	v7 =	vld [tilespmem:s31+$0x1806];
	[tilespmem:s26+$0xFFFFFFF0] =	vst v8;
	v8 =	vadd.f32 v62, v9  }
0x35a: {  	s28 =	simm.s32 $0x2;
	s1 =	simm.s32 $0x19AC8;
	v9 =	vadd.f32 v63, v6;
	v6 =	vld [tilespmem:s31+$0x1C07]  }
.LBB2_19:
0x35b: {  	v10 =	vld [tilespmem:s1+$0xFFFFE008];
	v3 =	vadd.f32 v3, v8  }
0x35c: {  	s28 =	sadd.s32 $0x2, s28;
	v8 =	vld [tilespmem:s1+$0xFFFFE409];
	v4 =	vadd.f32 v4, v9  }
0x35d: {  	p0 =	slt.u32 s28, $0x3E;
	v9 =	vld [tilespmem:s1+$0xFFFFE3F9];
	v3 =	vadd.f32 v5, v3  }
0x35e: {  	s26 =	sadd.s32 $0x20, s26;
	v5 =	vld [tilespmem:s1+$0xFFFFE80A];
	v4 =	vadd.f32 v7, v4  }
0x35f: {  	v7 =	vld [tilespmem:s1+$0xFFFFDFF8];
	[tilespmem:s26+$0x0] =	vst v3  }
0x360: {  	v3 =	vld [tilespmem:s1+$0xFFFFEC0B];
	v4 =	vadd.f32 v6, v4  }
0x361: {  	v6 =	vld [tilespmem:s1+$0xFFFFE7FA];
	v8 =	vadd.f32 v8, v10  }
0x362: {  	v10 =	vld [tilespmem:s1+$0xFFFFF00C];
	[tilespmem:s26+$0xFFFFFFF0] =	vst v4  }
0x363: {  	v4 =	vld [tilespmem:s1+$0xFFFFEBFB];
	v5 =	vadd.f32 v5, v8  }
0x364: {  	v7 =	vadd.f32 v9, v7;
	v8 =	vld [tilespmem:s1+$0xFFFFF40D]  }
0x365: {  	v9 =	vld [tilespmem:s1+$0xFFFFEFFC];
	v3 =	vadd.f32 v3, v5  }
0x366: {  	v5 =	vadd.f32 v6, v7;
	v6 =	vld [tilespmem:s1+$0xFFFFF80E]  }
0x367: {  	v7 =	vld [tilespmem:s1+$0xFFFFF3FD];
	v3 =	vadd.f32 v10, v3  }
0x368: {  	v4 =	vadd.f32 v4, v5;
	v5 =	vld [tilespmem:s1+$0xFFFFFC0F]  }
0x369: {  	v10 =	vld [tilespmem:s1+$0xFFFFF7FE];
	v3 =	vadd.f32 v8, v3  }
0x36a: {  	v4 =	vadd.f32 v9, v4;
	v8 =	vld [tilespmem:s1+$0x10]  }
0x36b: {  	v9 =	vld [tilespmem:s1+$0xFFFFFBFF];
	v3 =	vadd.f32 v6, v3  }
0x36c: {  	v4 =	vadd.f32 v7, v4;
	v6 =	vld [tilespmem:s1+$0x411]  }
0x36d: {  	v7 =	vld [tilespmem:s1+$0x0];
	v3 =	vadd.f32 v5, v3  }
0x36e: {  	v4 =	vadd.f32 v10, v4;
	v5 =	vld [tilespmem:s1+$0x812]  }
0x36f: {  	v10 =	vld [tilespmem:s1+$0x401];
	v3 =	vadd.f32 v8, v3  }
0x370: {  	v4 =	vadd.f32 v9, v4;
	v8 =	vld [tilespmem:s1+$0xC13]  }
0x371: {  	v9 =	vld [tilespmem:s1+$0x802];
	v3 =	vadd.f32 v6, v3  }
0x372: {  	v4 =	vadd.f32 v7, v4;
	v6 =	vld [tilespmem:s1+$0x1014]  }
0x373: {  	v7 =	vld [tilespmem:s1+$0xC03];
	v3 =	vadd.f32 v5, v3  }
0x374: {  	v4 =	vadd.f32 v10, v4;
	v10 =	vld [tilespmem:s1+$0x1415]  }
0x375: {  	v11 =	vld [tilespmem:s1+$0x1004];
	v5 =	vadd.f32 v8, v3  }
.Ltmp9:
0x376: {  	v8 =	vadd.f32 v9, v4;
	v3 =	vld [tilespmem:s1+$0x1816];
	(pc) =	sbr.rel @p0 .LBB2_19-.Ltmp9, $4  }
0x377: {  	v4 =	vld [tilespmem:s1+$0x1405];
	v6 =	vadd.f32 v6, v5  }
0x378: {  	v9 =	vadd.f32 v7, v8;
	v5 =	vld [tilespmem:s1+$0x1C17]  }
0x379: {  	v7 =	vld [tilespmem:s1+$0x1806];
	v8 =	vadd.f32 v10, v6  }
0x37a: {  	v9 =	vadd.f32 v11, v9;
	v6 =	vld [tilespmem:s1+$0x1C07];
	s1 =	sadd.s32 $0x20, s1  }
0x37b: {  	_ = 	snop  }
0x37c: {  	v4 =	vadd.f32 v4, v9  }
0x37d: {  	v3 =	vadd.f32 v3, v8  }
0x37e: {  	v4 =	vadd.f32 v7, v4  }
0x37f: {  	v3 =	vadd.f32 v5, v3  }
0x380: {  	s0 =	sadd.s32 $0x20, s26;
	v4 =	vadd.f32 v6, v4  }
0x381: {  	s25 =	sadd.s32 $0x1, s25;
	[tilespmem:s0+$0x0] =	vst v3  }
0x382: {  	p0 =	sne.s32 s25, s15;
	[tilespmem:s0+$0xFFFFFFF0] =	vst v4  }
0x383: {  	[hbm4b:s14+s2] =	stream.linear.scatter [tilespmem:s23], [sflag:$0x3], $0x400, $0x38;
	[tilespmem:$0x1BF00] =	vst v63  }
.Ltmp10:
0x384: {  	_ = 	snop;
	(pc) =	sbr.rel @p0 .LBB2_1-.Ltmp10, $4  }
.Ltmp11:
0x385: {  	_ = 	snop;
	(pc) =	sbr.rel @!p0 .LBB2_21-.Ltmp11, $4  }
0x386: {  	_ =	swait.ge [sflag:s24], $0x400  }
0x387: {  	[sflag:s24] =	ssyncset.done $0x0  }
0x388: {  	[sflag:s24] =	ssyncadd.s32 $0xFFFFFC00  }
0x389: {  	_ = 	snop  }
.LBB2_14:
.Ltmp12:
0x38a: {  	(pc) =	sbr.rel .LBB2_18-.Ltmp12, $2  }
0x38b: {  	_ =	sdelay $0x2  }
0x38c: {  	s29 =	simm.s32 $0x1BB10  }
.LBB2_16:
.Ltmp13:
0x38d: {  	(pc) =	sbr.rel .LBB2_18-.Ltmp13, $2  }
0x38e: {  	_ =	sdelay $0x2  }
0x38f: {  	s29 =	simm.s32 $0x1BB10  }
.LBB2_21:
0x390: {  	_ =	sfence.sel $0x180000  }
0x391: {  	[bflag:$0x0] =	sbarrier.arrive $0xFFFF  }
0x392: {  	_ =	strace $0x90000047  }
0x393: {  	s0 =	stileid.u32;
	[bflag:$0x2] =	sbarrier.arrive $0xFFFF  }
0x394: {  	p0 =	sne.s32 s0, $0x0;
	s0 =	rddreg [dreg:$0x3]  }
0x395: {  	s0 =	sadd.s32 @!p0 $0x100000, s0  }
0x396: {  	[sflag:s0] =	ssyncadd.tile.s32 @!p0 $0x1;
	_ =	shalt  }
.Lfunc_end2:
_tile_overlayer_lowered:
.L_overlay_start_2:
0x397: {  	(tag) =	ssettag $0x2  }
0x398: {  	s0 =	rddreg [dreg:$0x0];
	s2 =	stileid.u32  }
0x399: {  	s1 =	rddreg [dreg:$0x1];
	p0 =	sne.s32 s2, $0x0  }
0x39a: {  	s3 =	rddreg [dreg:$0x2];
	[bflag:$0x3] =	sbarrier.arrive $0xFFFF;
	s2 =	simm.s32 @!p0 $0x1C03  }
0x39b: {  	[timem:s3], [sflag:s2] =	dma.local @!p0 [hbm:s0], s1  }
0x39c: {  	s0 =	simm.s32 @!p0 $0x3  }
0x39d: {  	_ =	swait.ge @!p0 [sflag:s0], s1  }
0x39e: {  	s1 =	ssub.s32 @!p0 $0x0, s1;
	[sflag:s0] =	ssyncset.done @!p0 $0x0  }
0x39f: {  	[sflag:s0] =	ssyncadd.s32 @!p0 s1  }
0x3a0: {  	[bflag:$0x3] =	sbarrier.arrive $0xFFFF  }
0x3a1: {  	_ =	shalt  }

// kernel: kernel.7.cloned.1.call-start
scs
__scs_entry_jumppad:
0x0: {  	(pc) =	sbr.rel $0x88, $3  }
0x1: {  	(tag) =	ssettag $0x0;
	lr =	simm.s32 $0x1  }
0x2: {  	[smem:$0x3F9E] =	sst lr;
	_ =	strace $0xD0000000  }
0x3: {  	_ = 	snop  }
0x4: {  	_ = 	snop  }
0x5: {  	_ = 	snop  }
0x6: {  	_ = 	snop  }
0x7: {  	_ = 	snop  }
__scs_overlays_trampoline_lowered:
0x8: {  	[smem:$0x3FAD] =	sst s0  }
0x9: {  	[smem:$0x3FAE] =	sst s1  }
0xa: {  	[smem:$0x3FAF] =	sst s2  }
0xb: {  	[smem:$0x3FB0] =	sst s3  }
0xc: {  	[smem:$0x3FB1] =	sst s4  }
0xd: {  	[smem:$0x3FB2] =	sst s5  }
0xe: {  	[smem:$0x3FB3] =	sst s6  }
0xf: {  	[smem:$0x3FB4] =	sst s7  }
0x10: {  	[smem:$0x3FB5] =	sst s8  }
0x11: {  	[smem:$0x3FB6] =	sst s9;
	s0 =	simm.s32 @!p0 $0x0  }
0x12: {  	s1 =	sld [smem:$0x3F9C];
	s0 =	simm.s32 @p0 $0x1  }
0x13: {  	[smem:$0x3FB7] =	sst s0;
	s0 =	simm.s32 @!p1 $0x0  }
0x14: {  	s2 =	sld [smem:$0x3F9B];
	s0 =	simm.s32 @p1 $0x1  }
0x15: {  	[smem:$0x3FB8] =	sst s0;
	s0 =	simm.s32 @!p2 $0x0  }
0x16: {  	s3 =	sld [smem:$0x3FDB];
	s0 =	simm.s32 @p2 $0x1  }
0x17: {  	s4 =	simm.s32 $0x1BF5;
	[smem:$0x3FBA] =	sst s0  }
0x18: {  	s0 =	sld [smem:$0x3F9D];
	_ =	swait.ge [sflag:s4], $0x0  }
0x19: {  	s7 =	sld [smem:$0x3F9E]  }
0x1a: {  	s8 =	sadd.s32 $0xFFFFE003, lr  }
0x1b: {  	s9 =	sadd.s32 $0xFFFFFEF7, lr;
	s5 =	simm.s32 $0xFFFFFFFF;
	p2 =	slt.u32 s8, $0xFFFFF086  }
0x1c: {  	p1 =	slt.u32 s9, $0xF7A;
	s5 =	simm.s32 @!p2 $0x0  }
0x1d: {  	s5 =	simm.s32 @p1 $0x1;
	p0 =	seq.s32 s7, s2  }
0x1e: {  	s7 =	smul.u32 @!p0 $0xF7A, s2;
	p2 =	seq.s32 @!p0 s5, $0x0  }
0x1f: {  	s9 =	smul.u32 $0xF7A, s1;
	s8 =	simm.s32 @!p0 $0x1BF5;
	p2 =	por !p2, p0  }
0x20: {  	[sflag:s8] =	ssyncset.s32 @!p0 $0xFFFFF086;
	s6 =	sadd.s32 @!p0 s3, s7;
	s7 =	simm.s32 @!p0 $0x108  }
0x21: {  	s3 =	sadd.s32 s3, s9;
	s6 =	sadd.s32 @!p0 $0x88, s6;
	s7 =	simm.s32 @p2 $0x1082  }
0x22: {  	[simem:s7], [sflag:s8] =	dma.local @!p0 [hbm:s6], $0xF7A  }
0x23: {  	s9 =	sor.u32 $0xD0000000, s2;
	s6 =	simm.s32 $0x108;
	_ =	swait.ge @!p0 [sflag:s8], $0x0  }
0x24: {  	s3 =	sadd.s32 $0x88, s3;
	s6 =	simm.s32 @!p1 $0x1082;
	[sflag:s4] =	ssyncset.s32 $0xFFFFF086  }
0x25: {  	[simem:s6], [sflag:s4] =	dma.local [hbm:s3], $0xF7A  }
0x26: {  	[smem:$0x3F9E] =	sst s1;
	(tag) =	ssettag s2;
	_ =	strace s9  }
0x27: {  	s1 =	sld [smem:$0x3FAE]  }
0x28: {  	s2 =	sld [smem:$0x3FAF]  }
0x29: {  	s4 =	sld [smem:$0x3FB1]  }
0x2a: {  	p0 =	seq.s32 s5, $0x0;
	s5 =	sld [smem:$0x3FB2]  }
0x2b: {  	s6 =	sld [smem:$0x3FB3]  }
0x2c: {  	s7 =	sld [smem:$0x3FB4]  }
0x2d: {  	s3 =	simm.s32 $0x108;
	s8 =	sld [smem:$0x3FB5]  }
0x2e: {  	s3 =	simm.s32 @!p0 $0x1082;
	s9 =	sld [smem:$0x3FB6]  }
0x2f: {  	lr =	sadd.s32 s0, s3;
	s0 =	sld [smem:$0x3FAD]  }
0x30: {  	s3 =	sld [smem:$0x3FB0]  }
0x31: {  	[smem:$0x3FB9] =	sst s10  }
0x32: {  	s10 =	sld [smem:$0x3FB7];
	_ =	sdelay $0x3  }
0x33: {  	p0 =	seq.s32 s10, $0x1;
	s10 =	sld [smem:$0x3FB9];
	_ =	sdelay $0x3  }
0x34: {  	[smem:$0x3FB9] =	sst s10  }
0x35: {  	s10 =	sld [smem:$0x3FB8];
	_ =	sdelay $0x3  }
0x36: {  	p1 =	seq.s32 s10, $0x1;
	s10 =	sld [smem:$0x3FB9];
	_ =	sdelay $0x3  }
0x37: {  	[smem:$0x3FB9] =	sst s10  }
0x38: {  	s10 =	sld [smem:$0x3FBA]  }
0x39: {  	_ = 	snop;
	(pc) =	sbr.ind lr, $3  }
0x3a: {  	_ = 	snop  }
0x3b: {  	_ = 	snop  }
0x3c: {  	p2 =	seq.s32 s10, $0x1;
	s10 =	sld [smem:$0x3FB9]  }
0x3d: {  	_ =	shalt  }
0x3e: {  	_ =	shalt  }
0x3f: {  	_ =	shalt  }
0x40: {  	_ =	shalt  }
0x41: {  	_ =	shalt  }
0x42: {  	_ =	shalt  }
0x43: {  	_ =	shalt  }
0x44: {  	_ =	shalt  }
0x45: {  	_ =	shalt  }
0x46: {  	_ =	shalt  }
0x47: {  	_ =	shalt  }
0x48: {  	_ =	shalt  }
0x49: {  	_ =	shalt  }
0x4a: {  	_ =	shalt  }
0x4b: {  	_ =	shalt  }
0x4c: {  	_ =	shalt  }
0x4d: {  	_ =	shalt  }
0x4e: {  	_ =	shalt  }
0x4f: {  	_ =	shalt  }
0x50: {  	_ =	shalt  }
0x51: {  	_ =	shalt  }
0x52: {  	_ =	shalt  }
0x53: {  	_ =	shalt  }
0x54: {  	_ =	shalt  }
0x55: {  	_ =	shalt  }
0x56: {  	_ =	shalt  }
0x57: {  	_ =	shalt  }
0x58: {  	_ =	shalt  }
0x59: {  	_ =	shalt  }
0x5a: {  	_ =	shalt  }
0x5b: {  	_ =	shalt  }
0x5c: {  	_ =	shalt  }
0x5d: {  	_ =	shalt  }
0x5e: {  	_ =	shalt  }
0x5f: {  	_ =	shalt  }
0x60: {  	_ =	shalt  }
0x61: {  	_ =	shalt  }
0x62: {  	_ =	shalt  }
0x63: {  	_ =	shalt  }
0x64: {  	_ =	shalt  }
0x65: {  	_ =	shalt  }
0x66: {  	_ =	shalt  }
0x67: {  	_ =	shalt  }
0x68: {  	_ =	shalt  }
0x69: {  	_ =	shalt  }
0x6a: {  	_ =	shalt  }
0x6b: {  	_ =	shalt  }
0x6c: {  	_ =	shalt  }
0x6d: {  	_ =	shalt  }
0x6e: {  	_ =	shalt  }
0x6f: {  	_ =	shalt  }
0x70: {  	_ =	shalt  }
0x71: {  	_ =	shalt  }
0x72: {  	_ =	shalt  }
0x73: {  	_ =	shalt  }
0x74: {  	_ =	shalt  }
0x75: {  	_ =	shalt  }
0x76: {  	_ =	shalt  }
0x77: {  	_ =	shalt  }
0x78: {  	_ =	shalt  }
0x79: {  	_ =	shalt  }
0x7a: {  	_ =	shalt  }
0x7b: {  	_ =	shalt  }
0x7c: {  	_ =	shalt  }
0x7d: {  	_ =	shalt  }
0x7e: {  	_ =	shalt  }
0x7f: {  	_ =	shalt  }
0x80: {  	_ =	shalt  }
0x81: {  	_ =	shalt  }
0x82: {  	_ =	shalt  }
0x83: {  	_ =	shalt  }
0x84: {  	_ =	shalt  }
0x85: {  	_ =	shalt  }
0x86: {  	_ =	shalt  }
0x87: {  	_ =	shalt  }
.Lfunc_end0:
.L_simem_size_0:
called_computation.1_lowered:
.L_overlay_start_0:
0x88: {  	s2 =	sld [smem:$0x3FD9]  }
0x89: {  	s3 =	sld [smem:$0x3FFE];
	_ =	sdelay $0x1  }
0x8a: {  	s1 =	srdreg.scid  }
0x8b: {  	s0 =	sand.u32 $0x1, s1  }
0x8c: {  	s14 =	sshll.u32 s0, $0xA;
	s2 =	sadd.s32 s3, s2  }
0x8d: {  	s2 =	sadd.s32 s2, s14  }
0x8e: {  	[smem:$0x3FC5] =	sst s2  }
0x8f: {  	_ = 	snop  }
0x90: {  	s2 =	sld [smem:$0x3FD0];
	_ =	sdelay $0x1  }
0x91: {  	s15 =	sld [smem:$0x3FC9]  }
0x92: {  	s5 =	simm.s32 $0xA;
	s6 =	simm.s32 $0x10;
	s4 =	sld [smem:$0x3FC8]  }
0x93: {  	[smem:s6], [sflag:s5] =	dma.local [hbm:s2], $0x1  }
0x94: {  	_ =	swait.eq [sflag:s5], $0x1  }
0x95: {  	[sflag:s5] =	ssyncset.done $0x0  }
0x96: {  	s16 =	sld [smem:$0x10];
	[sflag:s5] =	ssyncadd.s32 $0xFFFFFFFF  }
0x97: {  	s17 =	sld [smem:$0x11];
	(tm) =	ssettm $0x1  }
0x98: {  	s18 =	sld [smem:$0x3FFB];
	_ =	sdelay $0x3  }
0x99: {  	_ =	strace s18  }
0x9a: {  	s6 =	sld [smem:$0x3FFC];
	_ =	sdelay $0x3  }
0x9b: {  	_ =	strace s6  }
0x9c: {  	s6 =	sld [smem:$0x3FFD];
	_ =	sdelay $0x3  }
0x9d: {  	_ =	strace s6  }
0x9e: {  	_ =	strace $0x8FFFFFFF  }
0x9f: {  	s19 =	sld [smem:$0x3FDB];
	_ =	sdelay $0x1  }
0xa0: {  	s7 =	simm.s32 $_scs_section_size  }
0xa1: {  	s8 =	simm.s32 $_size__tile_overlayer_lowered;
	s9 =	simm.s32 $_tile_overlayer_lowered  }
0xa2: {  	s22 =	simm.s32 $0x1BFF;
	s21 =	sshll.u32 s9, $0x1;
	s6 =	sadd.s32 s7, s19  }
0xa3: {  	s10 =	simm.s32 $0x0;
	s20 =	sshll.u32 s8, $0x1;
	s8 =	sadd.s32 s21, s6  }
0xa4: {  	[timem:s10], [sflag:s22] =	dma.local [hbm:s8], s20  }
0xa5: {  	_ =	swait.ge [sflag:s22], s20  }
0xa6: {  	s7 =	ssub.s32 $0x0, s20;
	[sflag:s22] =	ssyncset.done $0x0  }
0xa7: {  	[sflag:s22] =	ssyncadd.s32 s7;
	_ =	sdelay $0x1  }
0xa8: {  	s23 =	simm.s32 $0x1B8B  }
0xa9: {  	_ =	swait.ge [sflag:s23], $0x1  }
0xaa: {  	[sflag:s23] =	ssyncset.done $0x0  }
0xab: {  	s25 =	simm.s32 $0x1B8E;
	s24 =	sld [smem:$0x3FFE];
	[sflag:s23] =	ssyncadd.s32 $0xFFFFFFFF  }
0xac: {  	s26 =	simm.s32 $execute0_lowered;
	[smem:$0x3FD2] =	sst s25  }
0xad: {  	s8 =	sshll.u32 s26, $0x1;
	_ =	strace $0x80000049;
	[dreg:$0x1] =	wrdreg $0xFFFFFFFF  }
0xae: {  	s28 =	simm.s32 $_size_execute0_lowered;
	s6 =	sadd.s32 s6, s8;
	[dreg:$0x0] =	wrdreg $0x0  }
0xaf: {  	s8 =	sshll.u32 s28, $0x1;
	[dreg:$0x2] =	wrdreg s6  }
0xb0: {  	[dreg:$0x3] =	wrdreg s8  }
0xb1: {  	[dreg:$0x4] =	wrdreg $0xC0  }
0xb2: {  	_ =	task [dreg:s10], $0x5FFFF  }
0xb3: {  	[dreg:$0x1] =	wrdreg $0xFFFFFFFF  }
0xb4: {  	[dreg:$0x0] =	wrdreg $0x60  }
0xb5: {  	[dreg:$0x2] =	wrdreg s15  }
0xb6: {  	[dreg:$0x3] =	wrdreg s4  }
0xb7: {  	[dreg:$0x4] =	wrdreg s24  }
0xb8: {  	[dreg:$0x5] =	wrdreg s16  }
0xb9: {  	[dreg:$0x6] =	wrdreg s17  }
0xba: {  	[dreg:$0x7] =	wrdreg $0x9  }
0xbb: {  	_ =	task.clear_ibuf [dreg:s10], $0x8FFFF;
	_ =	strace $0x90000049  }
0xbc: {  	s29 =	simm.s32 $0x9;
	_ =	strace $0x8000004B  }
0xbd: {  	_ =	swait.ge [sflag:s29], $0x1  }
0xbe: {  	[sflag:s29] =	ssyncadd.s32 $0xFFFFFFFF  }
0xbf: {  	_ =	strace $0x9000004B  }
0xc0: {  	_ =	sfence  }
0xc1: {  	s30 =	sld [smem:$0x0];
	_ =	sdelay $0x2  }
0xc2: {  	s31 =	sshll.u32 s1, $0xD;
	s1 =	sshrl.u32 s1, $0x2  }
0xc3: {  	s3 =	sand.u32 $0x4000, s31;
	s1 =	sadd.s32 s1, s30  }
0xc4: {  	s0 =	sor.u32 s3, s0;
	s1 =	sshll.u32 s1, $0x11  }
0xc5: {  	s0 =	sor.u32 s1, s0  }
0xc6: {  	s0 =	sadd.s32 $0x8F2B, s0  }
0xc7: {  	[sflag:s0] =	ssyncadd.remote.s32 $0x1  }
0xc8: {  	_ =	sfence.sel $0xFFFF  }
0xc9: {  	[dreg:$0x0] =	wrdreg $0xFFFFFFFF;
	(pc) =	sbr.abs _section_cstart, $3  }
0xca: {  	[dreg:$0x1] =	wrdreg $0xFFFFFFFF  }
0xcb: {  	_ =	task.clear_ibuf [dreg:s10], $0x2FFFF;
	_ =	strace $0x9FFFFFFF  }
0xcc: {  	(tm) =	ssettm $0x7FFFFFFF  }
0xcd: {  	_ =	shalt  }
tec
execute0_lowered:
.L_overlay_start_1:
0x0: {  	(tag) =	ssettag $0x1  }
0x1: {  	s0 =	rddreg [dreg:$0x0]  }
0x2: {  	s1 =	rddreg [dreg:$0x2]  }
0x3: {  	s2 =	rddreg [dreg:$0x3]  }
0x4: {  	s3 =	srdreg.scid;
	s4 =	stileid.u32;
	s29 =	simm.s32 $0x1  }
0x5: {  	s30 =	simm.s32 $0x9D00;
	s3 =	sand.u32 $0x1, s3;
	s5 =	sshll.u32 s4, $0x1  }
0x6: {  	s4 =	simm.s32 $0x0;
	s7 =	sadd.s32 $0xE00, s1;
	s1 =	sadd.s32 $0x1E00, s1  }
0x7: {  	s6 =	sor.u32 s3, s5;
	[smem:$0x7FF] =	sst s4;
	s3 =	ssub.s32 $0x2, s3  }
0x8: {  	s5 =	smul.u32 $0x186A0, s6;
	_ =	strace $0x8000004A;
	[dreg:$0x6] =	wrdreg s7  }
0x9: {  	s31 =	simm.s32 $0x2;
	[dreg:$0x7] =	wrdreg s1;
	s20 =	sshrl.u32 s3, $0x1  }
0xa: {  	p0 =	sne.s32 s6, $0x0;
	s1 =	ssub.s32 s3, s20;
	s8 =	sadd.s32 $0x4E20, s5  }
0xb: {  	s21 =	sshrl.u32 s5, $0x3;
	s11 =	sadd.s32 $0x9C40, s5;
	s13 =	sadd.s32 $0xEA60, s5  }
0xc: {  	s15 =	sadd.s32 $0x13880, s5;
	s22 =	sshrl.u32 s8, $0x3;
	s9 =	sadd.s32 s0, s21  }
0xd: {  	s3 =	sadd.s32 s2, s21;
	s24 =	sshrl.u32 s11, $0x3;
	s26 =	sshrl.u32 s13, $0x3  }
0xe: {  	s28 =	sshrl.u32 s15, $0x3;
	s21 =	sadd.s32 $0x186A0, s5;
	[dreg:$0x8] =	wrdreg s9  }
0xf: {  	s23 =	sadd.s32 s0, s22;
	[dreg:$0xa] =	wrdreg s3;
	s25 =	sadd.s32 s0, s24  }
.Ltmp0:
0x10: {  	s16 =	sadd.s32 s2, s22;
	s17 =	sadd.s32 s0, s26;
	(pc) =	sbr.rel .LBB2_1-.Ltmp0, $4  }
0x11: {  	s18 =	sadd.s32 s2, s24;
	s19 =	sadd.s32 s0, s28;
	s20 =	sadd.s32 s2, s26  }
0x12: {  	s22 =	sadd.s32 s2, s28;
	s9 =	simm.s32 $0x13A00;
	[dreg:$0x9] =	wrdreg s23  }
0x13: {  	v0 =	vlaneseq.u32;
	s0 =	simm.s32 $0x3;
	s3 =	simm.s32 $0x0;
	[dreg:$0xb] =	wrdreg s25  }
0x14: {  	v1 =	vimm.s32 $0x30D400;
	v2 =	vadd.s32 $0x1, v0;
	s23 =	smax.u32 s1, $0x1;
	s25 =	simm.s32 $0x5;
	s1 =	simm.s32 $0x4  }
.LBB2_93:
0x15: {  	[hbm4b:s22+s4] =	stream.linear.scatter [tilespmem:s30], [sflag:$0x3], $0x4E20, $0x38;
	[tilespmem:$0x1CF00] =	vst v63  }
0x16: {  	s3 =	sadd.s32 $0x1, s3  }
0x17: {  	_ =	swait.ge [sflag:s0], $0x4E20;
	p1 =	sne.s32 s3, s23  }
.Ltmp1:
0x18: {  	[sflag:s0] =	ssyncset.done $0x0;
	(pc) =	sbr.rel @!p1 .LBB2_94-.Ltmp1, $4  }
0x19: {  	[sflag:s0] =	ssyncadd.s32 $0xFFFFB1E0  }
0x1a: {  	_ =	swait.ge [sflag:s1], $0x4E20  }
0x1b: {  	[sflag:s1] =	ssyncset.done $0x0  }
0x1c: {  	s9 =	simm.s32 $0x13A00;
	[sflag:s1] =	ssyncadd.s32 $0xFFFFB1E0  }
.LBB2_1:
0x1d: {  	s2 =	rddreg [dreg:$0x8]  }
0x1e: {  	[tilespmem:s4], [sflag:$0x1] =	stream.linear.gather [hbm4b:s2+s4], $0x4E20, $0x38;
	[tilespmem:$0x1CF00] =	vst v63  }
0x1f: {  	s24 =	rddreg [dreg:$0x1];
	s6 =	simm.s32 $0x1C280  }
0x20: {  	[tilespmem:s6], [sflag:$0x5] =	stream.linear.gather [hbm4b:s24+s4], $0x400, $0x38;
	[tilespmem:$0x1CF00] =	vst v63  }
0x21: {  	_ =	swait.ge [sflag:s25], $0x400  }
0x22: {  	[sflag:s25] =	ssyncset.done $0x0  }
0x23: {  	s26 =	rddreg [dreg:$0x6];
	[sflag:s25] =	ssyncadd.s32 $0xFFFFFC00  }
0x24: {  	[tilespmem:s9], [sflag:$0x5] =	stream.linear.gather [hbm4b:s26+s4], $0x8000, $0x38;
	[tilespmem:$0x1CF00] =	vst v63  }
0x25: {  	_ =	swait.ge [sflag:s25], $0x8000  }
0x26: {  	[sflag:s25] =	ssyncset.done $0x0  }
0x27: {  	s26 =	sand.u32 $0x3E0, s4;
	[sflag:s25] =	ssyncadd.s32 $0xFFFF8000  }
0x28: {  	s24 =	simm.s32 $0x0;
	v3 =	vld [tilespmem:s26+$0x13E00]  }
0x29: {  	v4 =	vld [tilespmem:s24+$0x13A10]  }
0x2a: {  	v5 =	vld [tilespmem:s24+$0x13E10]  }
0x2b: {  	v6 =	vld [tilespmem:s24+$0x13A00]  }
0x2c: {  	v7 =	vld [tilespmem:s24+$0x14210]  }
0x2d: {  	v8 =	vld [tilespmem:s26+$0x14200]  }
0x2e: {  	v9 =	vld [tilespmem:s24+$0x14610]  }
0x2f: {  	v10 =	vld [tilespmem:s26+$0x14600];
	v4 =	vadd.f32 v5, v4  }
0x30: {  	v3 =	vadd.f32 v3, v6;
	v5 =	vld [tilespmem:s24+$0x14A10]  }
0x31: {  	v6 =	vld [tilespmem:s26+$0x14A00];
	v4 =	vadd.f32 v7, v4  }
0x32: {  	v3 =	vadd.f32 v8, v3;
	v7 =	vld [tilespmem:s24+$0x14E10]  }
0x33: {  	v8 =	vld [tilespmem:s26+$0x14E00];
	v4 =	vadd.f32 v9, v4  }
0x34: {  	v3 =	vadd.f32 v10, v3;
	v9 =	vld [tilespmem:s24+$0x15210]  }
0x35: {  	v10 =	vld [tilespmem:s26+$0x15200];
	v4 =	vadd.f32 v5, v4  }
0x36: {  	v3 =	vadd.f32 v6, v3;
	v5 =	vld [tilespmem:s24+$0x15610]  }
0x37: {  	v6 =	vld [tilespmem:s26+$0x15600];
	v4 =	vadd.f32 v7, v4  }
0x38: {  	v3 =	vadd.f32 v8, v3;
	v7 =	vld [tilespmem:s24+$0x15A10]  }
0x39: {  	v8 =	vld [tilespmem:s26+$0x15A00];
	v4 =	vadd.f32 v9, v4  }
0x3a: {  	v3 =	vadd.f32 v10, v3;
	v9 =	vld [tilespmem:s24+$0x15E10]  }
0x3b: {  	v10 =	vld [tilespmem:s26+$0x15E00];
	v4 =	vadd.f32 v5, v4  }
0x3c: {  	v3 =	vadd.f32 v6, v3;
	v5 =	vld [tilespmem:s24+$0x16210]  }
0x3d: {  	v6 =	vld [tilespmem:s26+$0x16200];
	v4 =	vadd.f32 v7, v4  }
0x3e: {  	v3 =	vadd.f32 v8, v3;
	v7 =	vld [tilespmem:s24+$0x16610]  }
0x3f: {  	v8 =	vld [tilespmem:s26+$0x16600];
	v4 =	vadd.f32 v9, v4  }
0x40: {  	v3 =	vadd.f32 v10, v3;
	v9 =	vld [tilespmem:s24+$0x16A10]  }
0x41: {  	v10 =	vld [tilespmem:s26+$0x16A00];
	v4 =	vadd.f32 v5, v4  }
0x42: {  	v3 =	vadd.f32 v6, v3;
	v5 =	vld [tilespmem:s24+$0x16E10]  }
0x43: {  	v6 =	vld [tilespmem:s26+$0x16E00];
	v4 =	vadd.f32 v7, v4  }
0x44: {  	v3 =	vadd.f32 v8, v3;
	v7 =	vld [tilespmem:s24+$0x17210]  }
0x45: {  	v8 =	vld [tilespmem:s26+$0x17200];
	v4 =	vadd.f32 v9, v4  }
0x46: {  	v3 =	vadd.f32 v10, v3;
	v9 =	vld [tilespmem:s24+$0x17610]  }
0x47: {  	v10 =	vld [tilespmem:s26+$0x17600];
	v4 =	vadd.f32 v5, v4  }
0x48: {  	v3 =	vadd.f32 v6, v3;
	v5 =	vld [tilespmem:s24+$0x17A10]  }
0x49: {  	v6 =	vld [tilespmem:s26+$0x17A00];
	v4 =	vadd.f32 v7, v4  }
0x4a: {  	v3 =	vadd.f32 v8, v3;
	v7 =	vld [tilespmem:s24+$0x17E10]  }
0x4b: {  	v8 =	vld [tilespmem:s26+$0x17E00];
	v4 =	vadd.f32 v9, v4  }
0x4c: {  	v3 =	vadd.f32 v10, v3;
	v9 =	vld [tilespmem:s24+$0x18210]  }
0x4d: {  	v10 =	vld [tilespmem:s26+$0x18200];
	v4 =	vadd.f32 v5, v4  }
0x4e: {  	v3 =	vadd.f32 v6, v3;
	v5 =	vld [tilespmem:s24+$0x18610]  }
0x4f: {  	v6 =	vld [tilespmem:s26+$0x18600];
	v4 =	vadd.f32 v7, v4  }
0x50: {  	v3 =	vadd.f32 v8, v3;
	v7 =	vld [tilespmem:s24+$0x18A10]  }
0x51: {  	v8 =	vld [tilespmem:s26+$0x18A00];
	v4 =	vadd.f32 v9, v4  }
0x52: {  	v3 =	vadd.f32 v10, v3;
	v9 =	vld [tilespmem:s24+$0x18E10]  }
0x53: {  	v10 =	vld [tilespmem:s26+$0x18E00];
	v4 =	vadd.f32 v5, v4  }
0x54: {  	v3 =	vadd.f32 v6, v3;
	v5 =	vld [tilespmem:s24+$0x19210]  }
0x55: {  	v6 =	vld [tilespmem:s26+$0x19200];
	v4 =	vadd.f32 v7, v4  }
0x56: {  	v3 =	vadd.f32 v8, v3;
	v7 =	vld [tilespmem:s24+$0x19610]  }
0x57: {  	v8 =	vld [tilespmem:s26+$0x19600];
	v4 =	vadd.f32 v9, v4  }
0x58: {  	v3 =	vadd.f32 v10, v3;
	v9 =	vld [tilespmem:s24+$0x19A10]  }
0x59: {  	v10 =	vld [tilespmem:s26+$0x19A00];
	v4 =	vadd.f32 v5, v4  }
0x5a: {  	v3 =	vadd.f32 v6, v3;
	v5 =	vld [tilespmem:s24+$0x19E10]  }
0x5b: {  	v6 =	vld [tilespmem:s26+$0x19E00];
	v4 =	vadd.f32 v7, v4  }
0x5c: {  	v3 =	vadd.f32 v8, v3;
	v7 =	vld [tilespmem:s24+$0x1A210]  }
0x5d: {  	v8 =	vld [tilespmem:s26+$0x1A200];
	v4 =	vadd.f32 v9, v4  }
0x5e: {  	v3 =	vadd.f32 v10, v3;
	v9 =	vld [tilespmem:s24+$0x1A610]  }
0x5f: {  	v10 =	vld [tilespmem:s26+$0x1A600];
	v4 =	vadd.f32 v5, v4  }
0x60: {  	v11 =	vld [tilespmem:s24+$0x1AA10];
	v3 =	vadd.f32 v6, v3  }
0x61: {  	v12 =	vld [tilespmem:s26+$0x1AA00];
	v4 =	vadd.f32 v7, v4  }
0x62: {  	v6 =	vld [tilespmem:s24+$0x1AE10];
	v5 =	vadd.f32 v8, v3  }
0x63: {  	v3 =	vld [tilespmem:s26+$0x1AE00];
	v7 =	vadd.f32 v9, v4  }
0x64: {  	v8 =	vadd.f32 v10, v5;
	v5 =	vld [tilespmem:s24+$0x1B210]  }
0x65: {  	v4 =	vld [tilespmem:s26+$0x1B200];
	v9 =	vadd.f32 v11, v7  }
0x66: {  	s28 =	simm.s32 $0x0;
	s2 =	simm.s32 $0x0;
	s6 =	simm.s32 $0x20;
	v8 =	vadd.f32 v12, v8;
	v7 =	vld [tilespmem:s24+$0x1B610]  }
.LBB2_2:
0x67: {  	v10 =	vld [tilespmem:s26+$0x1B600];
	s26 =	sand.u32 $0x3E0, s6;
	v6 =	vadd.f32 v6, v9;
	s28 =	sadd.s32 $0x80, s28  }
0x68: {  	s7 =	sshra.s32 s28, $0x2;
	v9 =	vld [tilespmem:s26+$0x13E00];
	v3 =	vadd.f32 v3, v8  }
0x69: {  	s2 =	sadd.s32 $0x2, s2;
	v8 =	vld [tilespmem:s7+$0x13A10];
	v5 =	vadd.f32 v5, v6  }
0x6a: {  	p1 =	slt.u32 s2, $0x3E;
	v6 =	vld [tilespmem:s7+$0x13E10];
	v3 =	vadd.f32 v4, v3  }
0x6b: {  	v4 =	vld [tilespmem:s7+$0x13A00];
	v5 =	vadd.f32 v7, v5  }
0x6c: {  	v7 =	vld [tilespmem:s7+$0x14210];
	v3 =	vadd.f32 v10, v3  }
0x6d: {  	v10 =	vld [tilespmem:s26+$0x14200];
	[tilespmem:s24+$0x1C690] =	vst v5  }
0x6e: {  	v5 =	vld [tilespmem:s7+$0x14610];
	[tilespmem:s24+$0x1C680] =	vst v3;
	s24 =	smov.u32 s7  }
0x6f: {  	v3 =	vld [tilespmem:s26+$0x14600];
	v6 =	vadd.f32 v6, v8  }
0x70: {  	v4 =	vadd.f32 v9, v4;
	v8 =	vld [tilespmem:s24+$0x14A10]  }
0x71: {  	v9 =	vld [tilespmem:s26+$0x14A00];
	v6 =	vadd.f32 v7, v6  }
0x72: {  	v4 =	vadd.f32 v10, v4;
	v7 =	vld [tilespmem:s24+$0x14E10]  }
0x73: {  	v10 =	vld [tilespmem:s26+$0x14E00];
	v5 =	vadd.f32 v5, v6  }
0x74: {  	v3 =	vadd.f32 v3, v4;
	v4 =	vld [tilespmem:s24+$0x15210]  }
0x75: {  	v6 =	vld [tilespmem:s26+$0x15200];
	v5 =	vadd.f32 v8, v5  }
0x76: {  	v3 =	vadd.f32 v9, v3;
	v8 =	vld [tilespmem:s24+$0x15610]  }
0x77: {  	v9 =	vld [tilespmem:s26+$0x15600];
	v5 =	vadd.f32 v7, v5  }
0x78: {  	v3 =	vadd.f32 v10, v3;
	v7 =	vld [tilespmem:s24+$0x15A10]  }
0x79: {  	v10 =	vld [tilespmem:s26+$0x15A00];
	v4 =	vadd.f32 v4, v5  }
0x7a: {  	v3 =	vadd.f32 v6, v3;
	v5 =	vld [tilespmem:s24+$0x15E10]  }
0x7b: {  	v6 =	vld [tilespmem:s26+$0x15E00];
	v4 =	vadd.f32 v8, v4  }
0x7c: {  	v3 =	vadd.f32 v9, v3;
	v8 =	vld [tilespmem:s24+$0x16210]  }
0x7d: {  	v9 =	vld [tilespmem:s26+$0x16200];
	v4 =	vadd.f32 v7, v4  }
0x7e: {  	v3 =	vadd.f32 v10, v3;
	v7 =	vld [tilespmem:s24+$0x16610]  }
0x7f: {  	v10 =	vld [tilespmem:s26+$0x16600];
	v4 =	vadd.f32 v5, v4  }
0x80: {  	v3 =	vadd.f32 v6, v3;
	v5 =	vld [tilespmem:s24+$0x16A10]  }
0x81: {  	v6 =	vld [tilespmem:s26+$0x16A00];
	v4 =	vadd.f32 v8, v4  }
0x82: {  	v3 =	vadd.f32 v9, v3;
	v8 =	vld [tilespmem:s24+$0x16E10]  }
0x83: {  	v9 =	vld [tilespmem:s26+$0x16E00];
	v4 =	vadd.f32 v7, v4  }
0x84: {  	v3 =	vadd.f32 v10, v3;
	v7 =	vld [tilespmem:s24+$0x17210]  }
0x85: {  	v10 =	vld [tilespmem:s26+$0x17200];
	v4 =	vadd.f32 v5, v4  }
0x86: {  	v3 =	vadd.f32 v6, v3;
	v5 =	vld [tilespmem:s24+$0x17610]  }
0x87: {  	v6 =	vld [tilespmem:s26+$0x17600];
	v4 =	vadd.f32 v8, v4  }
0x88: {  	v3 =	vadd.f32 v9, v3;
	v8 =	vld [tilespmem:s24+$0x17A10]  }
0x89: {  	v9 =	vld [tilespmem:s26+$0x17A00];
	v4 =	vadd.f32 v7, v4  }
0x8a: {  	v3 =	vadd.f32 v10, v3;
	v7 =	vld [tilespmem:s24+$0x17E10]  }
0x8b: {  	v10 =	vld [tilespmem:s26+$0x17E00];
	v4 =	vadd.f32 v5, v4  }
0x8c: {  	v3 =	vadd.f32 v6, v3;
	v5 =	vld [tilespmem:s24+$0x18210]  }
0x8d: {  	v6 =	vld [tilespmem:s26+$0x18200];
	v4 =	vadd.f32 v8, v4  }
0x8e: {  	v3 =	vadd.f32 v9, v3;
	v8 =	vld [tilespmem:s24+$0x18610]  }
0x8f: {  	v9 =	vld [tilespmem:s26+$0x18600];
	v4 =	vadd.f32 v7, v4  }
0x90: {  	v3 =	vadd.f32 v10, v3;
	v7 =	vld [tilespmem:s24+$0x18A10]  }
0x91: {  	v10 =	vld [tilespmem:s26+$0x18A00];
	v4 =	vadd.f32 v5, v4  }
0x92: {  	v3 =	vadd.f32 v6, v3;
	v5 =	vld [tilespmem:s24+$0x18E10]  }
0x93: {  	v6 =	vld [tilespmem:s26+$0x18E00];
	v4 =	vadd.f32 v8, v4  }
0x94: {  	v3 =	vadd.f32 v9, v3;
	v8 =	vld [tilespmem:s24+$0x19210]  }
0x95: {  	v9 =	vld [tilespmem:s26+$0x19200];
	v4 =	vadd.f32 v7, v4  }
0x96: {  	v3 =	vadd.f32 v10, v3;
	v7 =	vld [tilespmem:s24+$0x19610]  }
0x97: {  	v10 =	vld [tilespmem:s26+$0x19600];
	v4 =	vadd.f32 v5, v4  }
0x98: {  	v3 =	vadd.f32 v6, v3;
	v5 =	vld [tilespmem:s24+$0x19A10]  }
0x99: {  	v6 =	vld [tilespmem:s26+$0x19A00];
	v4 =	vadd.f32 v8, v4  }
0x9a: {  	v3 =	vadd.f32 v9, v3;
	v8 =	vld [tilespmem:s24+$0x19E10]  }
0x9b: {  	v9 =	vld [tilespmem:s26+$0x19E00];
	v4 =	vadd.f32 v7, v4  }
0x9c: {  	v3 =	vadd.f32 v10, v3;
	v7 =	vld [tilespmem:s24+$0x1A210]  }
0x9d: {  	v10 =	vld [tilespmem:s26+$0x1A200];
	v4 =	vadd.f32 v5, v4  }
0x9e: {  	v3 =	vadd.f32 v6, v3;
	v5 =	vld [tilespmem:s24+$0x1A610]  }
0x9f: {  	v11 =	vld [tilespmem:s26+$0x1A600];
	v4 =	vadd.f32 v8, v4  }
0xa0: {  	v3 =	vadd.f32 v9, v3;
	v8 =	vld [tilespmem:s24+$0x1AA10]  }
0xa1: {  	v12 =	vld [tilespmem:s26+$0x1AA00];
	v4 =	vadd.f32 v7, v4  }
.Ltmp2:
0xa2: {  	v7 =	vadd.f32 v10, v3;
	v6 =	vld [tilespmem:s24+$0x1AE10];
	(pc) =	sbr.rel @p1 .LBB2_2-.Ltmp2, $4  }
0xa3: {  	v3 =	vld [tilespmem:s26+$0x1AE00];
	v9 =	vadd.f32 v5, v4  }
0xa4: {  	v7 =	vadd.f32 v11, v7;
	v5 =	vld [tilespmem:s24+$0x1B210]  }
0xa5: {  	v4 =	vld [tilespmem:s26+$0x1B200];
	v9 =	vadd.f32 v8, v9  }
0xa6: {  	s6 =	sadd.s32 $0x20, s6;
	v8 =	vadd.f32 v12, v7;
	v7 =	vld [tilespmem:s24+$0x1B610]  }
0xa7: {  	v10 =	vld [tilespmem:s26+$0x1B600];
	v6 =	vadd.f32 v6, v9  }
0xa8: {  	v3 =	vadd.f32 v3, v8  }
0xa9: {  	v5 =	vadd.f32 v5, v6  }
0xaa: {  	v3 =	vadd.f32 v4, v3  }
0xab: {  	v4 =	vadd.f32 v7, v5  }
0xac: {  	v3 =	vadd.f32 v10, v3  }
0xad: {  	[tilespmem:s24+$0x1C690] =	vst v4  }
0xae: {  	[tilespmem:s24+$0x1C680] =	vst v3  }
0xaf: {  	s26 =	simm.s32 $0x0;
	s2 =	rddreg [dreg:$0x7]  }
0xb0: {  	[tilespmem:s9], [sflag:$0x5] =	stream.linear.gather [hbm4b:s2+s26], $0x8000, $0x38;
	[tilespmem:$0x1CF00] =	vst v63  }
0xb1: {  	_ =	swait.ge [sflag:s25], $0x8000  }
0xb2: {  	[sflag:s25] =	ssyncset.done $0x0  }
0xb3: {  	s28 =	sand.u32 $0x3E0, s26;
	[sflag:s25] =	ssyncadd.s32 $0xFFFF8000  }
0xb4: {  	v3 =	vld [tilespmem:s28+$0x14600]  }
0xb5: {  	s24 =	simm.s32 $0x0;
	v4 =	vld [tilespmem:s28+$0x14200]  }
0xb6: {  	v5 =	vld [tilespmem:s24+$0x13A10]  }
0xb7: {  	v6 =	vld [tilespmem:s24+$0x13E10]  }
0xb8: {  	v7 =	vld [tilespmem:s28+$0x13E00]  }
0xb9: {  	v8 =	vld [tilespmem:s24+$0x14210]  }
0xba: {  	v9 =	vld [tilespmem:s24+$0x13A00]  }
0xbb: {  	v10 =	vld [tilespmem:s24+$0x14610]  }
0xbc: {  	v11 =	vld [tilespmem:s24+$0x1C280];
	v5 =	vadd.f32 v6, v5  }
0xbd: {  	v6 =	vld [tilespmem:s24+$0x14A10]  }
0xbe: {  	v12 =	vld [tilespmem:s24+$0x1C680];
	v5 =	vadd.f32 v8, v5  }
0xbf: {  	v7 =	vadd.f32 v7, v9;
	v8 =	vld [tilespmem:s24+$0x14E10]  }
0xc0: {  	v9 =	vld [tilespmem:s28+$0x14A00];
	v5 =	vadd.f32 v10, v5  }
0xc1: {  	v4 =	vadd.f32 v4, v7;
	v10 =	vld [tilespmem:s24+$0x15210]  }
0xc2: {  	v7 =	vld [tilespmem:s28+$0x14E00];
	v5 =	vadd.f32 v6, v5  }
0xc3: {  	v3 =	vadd.f32 v3, v4;
	v6 =	vld [tilespmem:s24+$0x15610]  }
0xc4: {  	v4 =	vld [tilespmem:s28+$0x15200];
	v5 =	vadd.f32 v8, v5  }
0xc5: {  	v3 =	vadd.f32 v9, v3;
	v8 =	vld [tilespmem:s24+$0x15A10]  }
0xc6: {  	v9 =	vld [tilespmem:s28+$0x15600];
	v5 =	vadd.f32 v10, v5  }
0xc7: {  	v3 =	vadd.f32 v7, v3;
	v10 =	vld [tilespmem:s24+$0x15E10]  }
0xc8: {  	v7 =	vld [tilespmem:s28+$0x15A00];
	v5 =	vadd.f32 v6, v5  }
0xc9: {  	v3 =	vadd.f32 v4, v3;
	v6 =	vld [tilespmem:s24+$0x16210]  }
0xca: {  	v4 =	vld [tilespmem:s28+$0x15E00];
	v5 =	vadd.f32 v8, v5  }
0xcb: {  	v3 =	vadd.f32 v9, v3;
	v8 =	vld [tilespmem:s24+$0x16610]  }
0xcc: {  	v9 =	vld [tilespmem:s28+$0x16200];
	v5 =	vadd.f32 v10, v5  }
0xcd: {  	v3 =	vadd.f32 v7, v3;
	v10 =	vld [tilespmem:s24+$0x16A10]  }
0xce: {  	v7 =	vld [tilespmem:s28+$0x16600];
	v5 =	vadd.f32 v6, v5  }
0xcf: {  	v3 =	vadd.f32 v4, v3;
	v6 =	vld [tilespmem:s24+$0x16E10]  }
0xd0: {  	v4 =	vld [tilespmem:s28+$0x16A00];
	v5 =	vadd.f32 v8, v5  }
0xd1: {  	v3 =	vadd.f32 v9, v3;
	v8 =	vld [tilespmem:s24+$0x17210]  }
0xd2: {  	v9 =	vld [tilespmem:s28+$0x16E00];
	v5 =	vadd.f32 v10, v5  }
0xd3: {  	v3 =	vadd.f32 v7, v3;
	v10 =	vld [tilespmem:s24+$0x17610]  }
0xd4: {  	v7 =	vld [tilespmem:s28+$0x17200];
	v5 =	vadd.f32 v6, v5  }
0xd5: {  	v3 =	vadd.f32 v4, v3;
	v6 =	vld [tilespmem:s24+$0x17A10]  }
0xd6: {  	v4 =	vld [tilespmem:s28+$0x17600];
	v5 =	vadd.f32 v8, v5  }
0xd7: {  	v3 =	vadd.f32 v9, v3;
	v8 =	vld [tilespmem:s24+$0x17E10]  }
0xd8: {  	v9 =	vld [tilespmem:s28+$0x17A00];
	v5 =	vadd.f32 v10, v5  }
0xd9: {  	v3 =	vadd.f32 v7, v3;
	v10 =	vld [tilespmem:s24+$0x18210]  }
0xda: {  	v7 =	vld [tilespmem:s28+$0x17E00];
	v5 =	vadd.f32 v6, v5  }
0xdb: {  	v3 =	vadd.f32 v4, v3;
	v6 =	vld [tilespmem:s24+$0x18610]  }
0xdc: {  	v4 =	vld [tilespmem:s28+$0x18200];
	v5 =	vadd.f32 v8, v5  }
0xdd: {  	v3 =	vadd.f32 v9, v3;
	v8 =	vld [tilespmem:s24+$0x18A10]  }
0xde: {  	v9 =	vld [tilespmem:s28+$0x18600];
	v5 =	vadd.f32 v10, v5  }
0xdf: {  	v3 =	vadd.f32 v7, v3;
	v10 =	vld [tilespmem:s24+$0x18E10]  }
0xe0: {  	v7 =	vld [tilespmem:s28+$0x18A00];
	v5 =	vadd.f32 v6, v5  }
0xe1: {  	v3 =	vadd.f32 v4, v3;
	v6 =	vld [tilespmem:s24+$0x19210]  }
0xe2: {  	v4 =	vld [tilespmem:s28+$0x18E00];
	v5 =	vadd.f32 v8, v5  }
0xe3: {  	v3 =	vadd.f32 v9, v3;
	v8 =	vld [tilespmem:s24+$0x19610]  }
0xe4: {  	v9 =	vld [tilespmem:s28+$0x19200];
	v5 =	vadd.f32 v10, v5  }
0xe5: {  	v3 =	vadd.f32 v7, v3;
	v10 =	vld [tilespmem:s24+$0x19A10]  }
0xe6: {  	v7 =	vld [tilespmem:s28+$0x19600];
	v5 =	vadd.f32 v6, v5  }
0xe7: {  	v3 =	vadd.f32 v4, v3;
	v6 =	vld [tilespmem:s24+$0x19E10]  }
0xe8: {  	v4 =	vld [tilespmem:s28+$0x19A00];
	v5 =	vadd.f32 v8, v5  }
0xe9: {  	v3 =	vadd.f32 v9, v3;
	v8 =	vld [tilespmem:s24+$0x1A210]  }
0xea: {  	v9 =	vld [tilespmem:s28+$0x19E00];
	v5 =	vadd.f32 v10, v5  }
0xeb: {  	v3 =	vadd.f32 v7, v3;
	v10 =	vld [tilespmem:s24+$0x1A610]  }
0xec: {  	v7 =	vld [tilespmem:s28+$0x1A200];
	v5 =	vadd.f32 v6, v5  }
0xed: {  	v13 =	vld [tilespmem:s24+$0x1AA10];
	v3 =	vadd.f32 v4, v3  }
0xee: {  	v14 =	vld [tilespmem:s28+$0x1A600];
	v4 =	vadd.f32 v8, v5  }
0xef: {  	v15 =	vld [tilespmem:s24+$0x1AE10];
	v3 =	vadd.f32 v9, v3  }
0xf0: {  	v5 =	vld [tilespmem:s28+$0x1AA00];
	v8 =	vadd.f32 v10, v4  }
0xf1: {  	v9 =	vadd.f32 v7, v3;
	v4 =	vld [tilespmem:s24+$0x1B210]  }
0xf2: {  	v6 =	vld [tilespmem:s28+$0x1AE00];
	v13 =	vadd.f32 v13, v8  }
0xf3: {  	v7 =	vld [tilespmem:s24+$0x1B610];
	v10 =	vadd.f32 v14, v9  }
0xf4: {  	s6 =	simm.s32 $0x20;
	s2 =	simm.s32 $0x0;
	v3 =	vsub.f32 v11, v12;
	v8 =	vld [tilespmem:s28+$0x1B200];
	v9 =	vadd.f32 v15, v13  }
.LBB2_4:
0xf5: {  	v5 =	vadd.f32 v5, v10;
	v10 =	vld [tilespmem:s28+$0x1B600];
	s28 =	sand.u32 $0x3E0, s6  }
0xf6: {  	v11 =	vld [tilespmem:s28+$0x14600];
	v4 =	vadd.f32 v4, v9  }
0xf7: {  	v9 =	vld [tilespmem:s28+$0x14200];
	v5 =	vadd.f32 v6, v5  }
0xf8: {  	s26 =	sadd.s32 $0x80, s26;
	v6 =	vld [tilespmem:s28+$0x13E00];
	v4 =	vadd.f32 v7, v4  }
0xf9: {  	s7 =	sshra.s32 s26, $0x2;
	v5 =	vadd.f32 v8, v5;
	v7 =	vld [tilespmem:s24+$0x1C290]  }
0xfa: {  	s2 =	sadd.s32 $0x2, s2;
	v8 =	vld [tilespmem:s7+$0x13A10];
	[tilespmem:s24+$0x1BE90] =	vst v4;
	(erf) = vrcp.f32 v4  }
0xfb: {  	p1 =	slt.u32 s2, $0x3E;
	v4 =	vld [tilespmem:s7+$0x13E10];
	v5 =	vadd.f32 v10, v5  }
0xfc: {  	v10 =	vld [tilespmem:s24+$0x1C690]  }
0xfd: {  	v12 =	vld [tilespmem:s7+$0x14210];
	[tilespmem:s24+$0x1BE80] =	vst v5;
	(erf) = vrcp.f32 v5  }
0xfe: {  	v5 =	vld [tilespmem:s7+$0x13A00]  }
0xff: {  	v13 =	vld [tilespmem:s7+$0x14610]  }
0x100: {  	v14 =	vld [tilespmem:s7+$0x1C280];
	v4 =	vadd.f32 v4, v8  }
0x101: {  	v8 =	vld [tilespmem:s7+$0x14A10]  }
0x102: {  	v7 =	vsub.f32 v7, v10;
	v15 =	vld [tilespmem:s7+$0x1C680];
	v4 =	vadd.f32 v12, v4  }
0x103: {  	v5 =	vadd.f32 v6, v5;
	v6 =	vld [tilespmem:s7+$0x14E10];
	v10 =	vpop (erf)  }
0x104: {  	v12 =	vld [tilespmem:s28+$0x14A00];
	v4 =	vadd.f32 v13, v4;
	v13 =	vmul.f32 v7, v10  }
0x105: {  	v5 =	vadd.f32 v9, v5;
	v9 =	vld [tilespmem:s7+$0x15210]  }
0x106: {  	v10 =	vld [tilespmem:s28+$0x14E00];
	v4 =	vadd.f32 v8, v4;
	[tilespmem:s24+$0x1BA10] =	vst v13;
	v7 =	vpop (erf)  }
0x107: {  	v5 =	vadd.f32 v11, v5;
	v8 =	vld [tilespmem:s7+$0x15610];
	v7 =	vmul.f32 v3, v7;
	v3 =	vsub.f32 v14, v15  }
0x108: {  	v11 =	vld [tilespmem:s28+$0x15200];
	v4 =	vadd.f32 v6, v4  }
0x109: {  	v5 =	vadd.f32 v12, v5;
	v6 =	vld [tilespmem:s7+$0x15A10];
	[tilespmem:s24+$0x1BA00] =	vst v7;
	s24 =	smov.u32 s7  }
0x10a: {  	v7 =	vld [tilespmem:s28+$0x15600];
	v4 =	vadd.f32 v9, v4  }
0x10b: {  	v5 =	vadd.f32 v10, v5;
	v9 =	vld [tilespmem:s24+$0x15E10]  }
0x10c: {  	v10 =	vld [tilespmem:s28+$0x15A00];
	v4 =	vadd.f32 v8, v4  }
0x10d: {  	v5 =	vadd.f32 v11, v5;
	v8 =	vld [tilespmem:s24+$0x16210]  }
0x10e: {  	v11 =	vld [tilespmem:s28+$0x15E00];
	v4 =	vadd.f32 v6, v4  }
0x10f: {  	v5 =	vadd.f32 v7, v5;
	v6 =	vld [tilespmem:s24+$0x16610]  }
0x110: {  	v7 =	vld [tilespmem:s28+$0x16200];
	v4 =	vadd.f32 v9, v4  }
0x111: {  	v5 =	vadd.f32 v10, v5;
	v9 =	vld [tilespmem:s24+$0x16A10]  }
0x112: {  	v10 =	vld [tilespmem:s28+$0x16600];
	v4 =	vadd.f32 v8, v4  }
0x113: {  	v5 =	vadd.f32 v11, v5;
	v8 =	vld [tilespmem:s24+$0x16E10]  }
0x114: {  	v11 =	vld [tilespmem:s28+$0x16A00];
	v4 =	vadd.f32 v6, v4  }
0x115: {  	v5 =	vadd.f32 v7, v5;
	v6 =	vld [tilespmem:s24+$0x17210]  }
0x116: {  	v7 =	vld [tilespmem:s28+$0x16E00];
	v4 =	vadd.f32 v9, v4  }
0x117: {  	v5 =	vadd.f32 v10, v5;
	v9 =	vld [tilespmem:s24+$0x17610]  }
0x118: {  	v10 =	vld [tilespmem:s28+$0x17200];
	v4 =	vadd.f32 v8, v4  }
0x119: {  	v5 =	vadd.f32 v11, v5;
	v8 =	vld [tilespmem:s24+$0x17A10]  }
0x11a: {  	v11 =	vld [tilespmem:s28+$0x17600];
	v4 =	vadd.f32 v6, v4  }
0x11b: {  	v5 =	vadd.f32 v7, v5;
	v6 =	vld [tilespmem:s24+$0x17E10]  }
0x11c: {  	v7 =	vld [tilespmem:s28+$0x17A00];
	v4 =	vadd.f32 v9, v4  }
0x11d: {  	v5 =	vadd.f32 v10, v5;
	v9 =	vld [tilespmem:s24+$0x18210]  }
0x11e: {  	v10 =	vld [tilespmem:s28+$0x17E00];
	v4 =	vadd.f32 v8, v4  }
0x11f: {  	v5 =	vadd.f32 v11, v5;
	v8 =	vld [tilespmem:s24+$0x18610]  }
0x120: {  	v11 =	vld [tilespmem:s28+$0x18200];
	v4 =	vadd.f32 v6, v4  }
0x121: {  	v5 =	vadd.f32 v7, v5;
	v6 =	vld [tilespmem:s24+$0x18A10]  }
0x122: {  	v7 =	vld [tilespmem:s28+$0x18600];
	v4 =	vadd.f32 v9, v4  }
0x123: {  	v5 =	vadd.f32 v10, v5;
	v9 =	vld [tilespmem:s24+$0x18E10]  }
0x124: {  	v10 =	vld [tilespmem:s28+$0x18A00];
	v4 =	vadd.f32 v8, v4  }
0x125: {  	v5 =	vadd.f32 v11, v5;
	v8 =	vld [tilespmem:s24+$0x19210]  }
0x126: {  	v11 =	vld [tilespmem:s28+$0x18E00];
	v4 =	vadd.f32 v6, v4  }
0x127: {  	v5 =	vadd.f32 v7, v5;
	v6 =	vld [tilespmem:s24+$0x19610]  }
0x128: {  	v7 =	vld [tilespmem:s28+$0x19200];
	v4 =	vadd.f32 v9, v4  }
0x129: {  	v5 =	vadd.f32 v10, v5;
	v9 =	vld [tilespmem:s24+$0x19A10]  }
0x12a: {  	v10 =	vld [tilespmem:s28+$0x19600];
	v4 =	vadd.f32 v8, v4  }
0x12b: {  	v5 =	vadd.f32 v11, v5;
	v8 =	vld [tilespmem:s24+$0x19E10]  }
0x12c: {  	v11 =	vld [tilespmem:s28+$0x19A00];
	v4 =	vadd.f32 v6, v4  }
0x12d: {  	v5 =	vadd.f32 v7, v5;
	v6 =	vld [tilespmem:s24+$0x1A210]  }
0x12e: {  	v7 =	vld [tilespmem:s28+$0x19E00];
	v4 =	vadd.f32 v9, v4  }
0x12f: {  	v5 =	vadd.f32 v10, v5;
	v9 =	vld [tilespmem:s24+$0x1A610]  }
0x130: {  	v10 =	vld [tilespmem:s28+$0x1A200];
	v4 =	vadd.f32 v8, v4  }
0x131: {  	v5 =	vadd.f32 v11, v5;
	v8 =	vld [tilespmem:s24+$0x1AA10]  }
0x132: {  	v11 =	vld [tilespmem:s28+$0x1A600];
	v4 =	vadd.f32 v6, v4  }
0x133: {  	v6 =	vadd.f32 v7, v5;
	v12 =	vld [tilespmem:s24+$0x1AE10]  }
.Ltmp3:
0x134: {  	v5 =	vld [tilespmem:s28+$0x1AA00];
	v7 =	vadd.f32 v9, v4;
	(pc) =	sbr.rel @p1 .LBB2_4-.Ltmp3, $4  }
0x135: {  	v9 =	vadd.f32 v10, v6;
	v4 =	vld [tilespmem:s24+$0x1B210]  }
0x136: {  	v6 =	vld [tilespmem:s28+$0x1AE00];
	v13 =	vadd.f32 v8, v7  }
0x137: {  	v10 =	vadd.f32 v11, v9;
	v7 =	vld [tilespmem:s24+$0x1B610]  }
0x138: {  	s6 =	sadd.s32 $0x20, s6;
	v8 =	vld [tilespmem:s28+$0x1B200];
	v9 =	vadd.f32 v12, v13  }
0x139: {  	v5 =	vadd.f32 v5, v10  }
0x13a: {  	v63 =	vld [tilespmem:s28+$0x1B600]  }
0x13b: {  	v5 =	vadd.f32 v6, v5  }
0x13c: {  	v4 =	vadd.f32 v4, v9  }
0x13d: {  	v5 =	vadd.f32 v8, v5  }
0x13e: {  	v4 =	vadd.f32 v7, v4  }
0x13f: {  	v5 =	vadd.f32 v63, v5  }
0x140: {  	(erf) = vrcp.f32 v4  }
0x141: {  	(erf) = vrcp.f32 v5  }
0x142: {  	v6 =	vld [tilespmem:s24+$0x1C290]  }
0x143: {  	[tilespmem:s24+$0x1BE90] =	vst v4;
	v4 =	vld [tilespmem:s24+$0x1C690];
	_ =	sdelay $0x4  }
0x144: {  	v4 =	vsub.f32 v6, v4  }
0x145: {  	v6 =	vpop (erf)  }
0x146: {  	v4 =	vmul.f32 v4, v6;
	v6 =	vpop (erf)  }
0x147: {  	[tilespmem:s24+$0x1BE80] =	vst v5;
	v3 =	vmul.f32 v3, v6  }
0x148: {  	[tilespmem:s24+$0x1BA10] =	vst v4  }
0x149: {  	s2 =	simm.s32 @!p0 $0x0;
	s6 =	simm.s32 @!p0 $0x1C680;
	s7 =	rddreg [dreg:$0x4];
	[tilespmem:s24+$0x1BA00] =	vst v3  }
0x14a: {  	[hbm4b:s7+s2] =	stream.linear.scatter @!p0 [tilespmem:s6], [sflag:$0x5], $0x400, $0x38;
	[tilespmem:$0x1CF00] =	vst v63  }
0x14b: {  	s2 =	simm.s32 @!p0 $0x5  }
0x14c: {  	_ =	swait.ge @!p0 [sflag:s2], $0x400  }
0x14d: {  	[sflag:s2] =	ssyncset.done @!p0 $0x0  }
0x14e: {  	s26 =	simm.s32 $0x0;
	[sflag:s2] =	ssyncadd.s32 @!p0 $0xFFFFFC00  }
0x14f: {  	v4 =	vld [tilespmem:s26+$0x1BE80]  }
0x150: {  	s6 =	simm.s32 $0x10  }
0x151: {  	s2 =	simm.s32 $0x20;
	v5 =	vld [tilespmem:s6+$0x1BE80]  }
0x152: {  	v7 =	vld [tilespmem:s2+$0x1BE80];
	_ =	sdelay $0x1  }
0x153: {  	(xrf2) =	vadd.scan.msk.f32 $0xffff, v4;
	_ =	sdelay $0x1  }
0x154: {  	(xrf2) =	vadd.scan.msk.f32 $0xffff, v5  }
0x155: {  	(xrf2) =	vadd.scan.msk.f32 $0xffff, v7;
	_ =	sdelay $0x6  }
0x156: {  	v6, _, _ =	vpop (xrf2)  }
0x157: {  	(v2sf) =	vpush v6, $0xF  }
0x158: {  	s24 =	simm.s32 $0x30;
	v4 =	vsub.f32 v6, v4;
	v6, _, _ =	vpop (xrf2)  }
0x159: {  	v3 =	vld [tilespmem:s24+$0x1BE80];
	(v2sf) =	vpush v6, $0xF;
	v8, _, _ =	vpop (xrf2)  }
0x15a: {  	(v2sf) =	vpush v8, $0xF;
	_ =	sdelay $0x3  }
0x15b: {  	s7 =	simm.s32 $0x40;
	(xrf2) =	vadd.scan.msk.f32 $0xffff, v3  }
0x15c: {  	v5 =	vsub.f32 v6, v5;
	v6 =	vld [tilespmem:s7+$0x1BE80];
	_ =	sdelay $0x3  }
0x15d: {  	s9 =	simm.f32 $0.0e+00;
	s28 =	simm.s32 $0x140;
	v7 =	vsub.f32 v8, v7  }
.LBB2_6:
0x15e: {  	s10 =	sshra.s32 s28, $0x2;
	p1 =	sne.s32 s28, $0xFC0;
	s28 =	sadd.s32 $0x40, s28;
	(xrf2) =	vadd.scan.msk.f32 $0xffff, v6;
	v8 =	vadd.f32 s9, v4;
	v9 =	vmov v6;
	v4 =	vmov v5  }
.Ltmp4:
0x15f: {  	s12 =	smov.u32 s24;
	s24 =	smov.u32 s7;
	v6 =	vld [tilespmem:s10+$0x1BE80];
	v5 =	vmov v7;
	(pc) =	sbr.rel @p1 .LBB2_6-.Ltmp4, $4  }
0x160: {  	s7 =	smov.u32 s10;
	v7 =	vtrunc.f32 v8;
	s14 =	spop (v2sf)  }
0x161: {  	v8 =	vcvt.f32.s32 v7;
	s9 =	sadd.f32 s14, s9  }
0x162: {  	v10, _, _ =	vpop (xrf2)  }
0x163: {  	v7 =	vsub.f32 v10, v3;
	(v2sf) =	vpush v10, $0xF;
	[tilespmem:s26+$0x1CA80] =	vst v8;
	v3 =	vmov v9;
	s26 =	smov.u32 s6;
	s6 =	smov.u32 s2;
	s2 =	smov.u32 s12  }
0x164: {  	_ =	sdelay $0x3  }
0x165: {  	v8, _, _ =	vpop (xrf2)  }
0x166: {  	(xrf2) =	vadd.scan.msk.f32 $0xffff, v6;
	(v2sf) =	vpush v8, $0xF;
	_ =	sdelay $0x8  }
0x167: {  	s10 =	spop (v2sf)  }
0x168: {  	s10 =	sadd.f32 s10, s9;
	v9, _, _ =	vpop (xrf2)  }
0x169: {  	s12 =	spop (v2sf);
	(v2sf) =	vpush v9, $0xF  }
0x16a: {  	s12 =	sadd.f32 s12, s10  }
0x16b: {  	s14 =	spop (v2sf)  }
0x16c: {  	v4 =	vadd.f32 s9, v4;
	s9 =	sadd.f32 s14, s12  }
0x16d: {  	v5 =	vadd.f32 s10, v5;
	v3 =	vsub.f32 v8, v3;
	s14 =	spop (v2sf)  }
0x16e: {  	v4 =	vtrunc.f32 v4;
	v7 =	vadd.f32 s12, v7;
	v60 =	vsub.f32 v9, v6;
	s10 =	sadd.f32 s14, s9  }
0x16f: {  	v4 =	vcvt.f32.s32 v4;
	v5 =	vtrunc.f32 v5;
	v3 =	vadd.f32 s9, v3  }
0x170: {  	v5 =	vcvt.f32.s32 v5;
	v7 =	vtrunc.f32 v7;
	v6 =	vadd.f32 s10, v60  }
0x171: {  	[tilespmem:s26+$0x1CA80] =	vst v4;
	v61 =	vcvt.f32.s32 v7;
	v3 =	vtrunc.f32 v3  }
0x172: {  	[tilespmem:s6+$0x1CA80] =	vst v5;
	v3 =	vcvt.f32.s32 v3;
	v62 =	vtrunc.f32 v6  }
0x173: {  	[tilespmem:s2+$0x1CA80] =	vst v61;
	v63 =	vcvt.f32.s32 v62  }
0x174: {  	[tilespmem:s24+$0x1CA80] =	vst v3;
	s10 =	simm.s32 $0x400  }
0x175: {  	p1 =	por $0x0, $0x0;
	s9 =	simm.s32 $0x4E80;
	s2 =	sand.u32 $0x1, s10;
	[tilespmem:s7+$0x1CA80] =	vst v63  }
0x176: {  	s24 =	simm.s32 $0x0;
	p2 =	seq.s32 s2, $0x1;
	s7 =	rddreg [dreg:$0x9];
	[tilespmem:$0x1CE80] =	vst v1  }
0x177: {  	[tilespmem:s9], [sflag:$0x2] =	stream.linear.gather [hbm4b:s7+s24], $0x4E20, $0x38;
	[tilespmem:$0x1CF00] =	vst v63  }
0x178: {  	p1 =	por !p1, !p2;
	s12 =	spop (v2sf)  }
0x179: {  	s2 =	simm.s32 $0x1;
	p1 =	por !p1, !p1;
	_ =	swait.ge [sflag:s29], $0x4E20  }
0x17a: {  	s2 =	simm.s32 @!p1 $0x0;
	[sflag:s29] =	ssyncset.done $0x0  }
0x17b: {  	s26 =	ssub.s32 $0x200, s2;
	[sflag:s29] =	ssyncadd.s32 $0xFFFFB1E0  }
0x17c: {  	v3 =	vld [tilespmem:s26+$0x1CA80];
	_ =	sdelay $0x4  }
0x17d: {  	(v2sf) =	vpush v3, $0x0;
	_ =	sdelay $0xc  }
0x17e: {  	s28 =	simm.s32 $0x400  }
0x17f: {  	s6 =	simm.s32 $0x0;
	s10 =	simm.s32 $0x0;
	p2 =	por $0x1, $0x1  }
0x180: {  	s2 =	simm.s32 $0x400;
	s7 =	sadd.s32 $0x1, s26;
	s14 =	spop (v2sf)  }
0x181: {  	s12 =	simm.s32 $0x400;
	p1 =	sle.s32 s14, s5;
	p3 =	sgt.s32 s14, s5  }
0x182: {  	s9 =	simm.s32 $0xA;
	s10 =	smov.u32 @p1 s7;
	s12 =	smov.u32 @p3 s26  }
.LBB2_8:
0x183: {  	p1 =	seq.s32 s9, $0x1;
	s6 =	smov.u32 @p2 s10;
	s28 =	smov.u32 @p2 s12  }
0x184: {  	s9 =	sadd.s32 $0xFFFFFFFF, s9;
	s10 =	sadd.s32 s6, s28  }
0x185: {  	s12 =	sshrl.u32 s10, $0x1F;
	s14 =	sand.u32 $0x1, s10  }
0x186: {  	p2 =	slt.s32 s10, $0x1;
	s12 =	sadd.s32 s12, s10;
	p3 =	seq.s32 s14, $0x1  }
0x187: {  	p2 =	por !p2, !p3  }
0x188: {  	s10 =	sshra.s32 s12, $0x1;
	s12 =	simm.s32 $0x1;
	p2 =	por !p2, !p2  }
0x189: {  	s12 =	simm.s32 @!p2 $0x0  }
0x18a: {  	s14 =	ssub.s32 s10, s12  }
0x18b: {  	v3 =	vld [tilespmem:s14+$0x1CA80];
	_ =	sdelay $0x4  }
0x18c: {  	(v2sf) =	vpush v3, $0x0;
	_ =	sdelay $0xd  }
.Ltmp5:
0x18d: {  	(pc) =	sbr.rel @!p1 .LBB2_8-.Ltmp5, $4  }
0x18e: {  	s12 =	sadd.s32 $0x1, s14;
	s10 =	spop (v2sf)  }
0x18f: {  	p3 =	sle.s32 s10, s5;
	p4 =	sgt.s32 s10, s5;
	s10 =	smov.u32 s6  }
0x190: {  	s10 =	smov.u32 @p3 s12;
	s12 =	smov.u32 s28  }
0x191: {  	p2 =	sgt.s32 s28, s6;
	s12 =	smov.u32 @p4 s14  }
0x192: {  	v3 =	vld [tilespmem:s26+$0x1CA80];
	_ =	sdelay $0x4  }
0x193: {  	(v2sf) =	vpush v3, $0x0;
	_ =	sdelay $0xd  }
0x194: {  	s6 =	smov.u32 @p2 s10  }
0x195: {  	s9 =	simm.s32 $0xA;
	s10 =	simm.s32 $0x0;
	s28 =	spop (v2sf)  }
0x196: {  	s12 =	simm.s32 $0x400;
	p1 =	slt.s32 s28, s8;
	p3 =	sge.s32 s28, s8  }
0x197: {  	p2 =	por $0x1, $0x1;
	s10 =	smov.u32 @p1 s7;
	s12 =	smov.u32 @p3 s26  }
.LBB2_10:
0x198: {  	p1 =	seq.s32 s9, $0x1;
	s24 =	smov.u32 @p2 s10;
	s2 =	smov.u32 @p2 s12  }
0x199: {  	s9 =	sadd.s32 $0xFFFFFFFF, s9;
	s7 =	sadd.s32 s24, s2  }
0x19a: {  	s10 =	sshrl.u32 s7, $0x1F;
	s12 =	sand.u32 $0x1, s7  }
0x19b: {  	p2 =	slt.s32 s7, $0x1;
	s10 =	sadd.s32 s10, s7;
	p3 =	seq.s32 s12, $0x1  }
0x19c: {  	p2 =	por !p2, !p3  }
0x19d: {  	s7 =	sshra.s32 s10, $0x1;
	s10 =	simm.s32 $0x1;
	p2 =	por !p2, !p2  }
0x19e: {  	s10 =	simm.s32 @!p2 $0x0  }
0x19f: {  	s7 =	ssub.s32 s7, s10  }
0x1a0: {  	v3 =	vld [tilespmem:s7+$0x1CA80];
	_ =	sdelay $0x4  }
0x1a1: {  	(v2sf) =	vpush v3, $0x0;
	_ =	sdelay $0xd  }
.Ltmp6:
0x1a2: {  	(pc) =	sbr.rel @!p1 .LBB2_10-.Ltmp6, $4  }
0x1a3: {  	s12 =	sadd.s32 $0x1, s7;
	s10 =	spop (v2sf)  }
0x1a4: {  	p3 =	slt.s32 s10, s8;
	p4 =	sge.s32 s10, s8;
	s10 =	smov.u32 s24  }
0x1a5: {  	s10 =	smov.u32 @p3 s12;
	s12 =	smov.u32 s2  }
0x1a6: {  	p2 =	sgt.s32 s2, s24;
	s12 =	smov.u32 @p4 s7  }
0x1a7: {  	s24 =	smov.u32 @p2 s10  }
0x1a8: {  	p1 =	sgt.s32 s6, s24  }
.Ltmp7:
0x1a9: {  	_ = 	snop;
	(pc) =	sbr.rel @!p1 .LBB2_12-.Ltmp7, $1  }
0x1aa: {  	_ =	sdelay $0x3  }
.LBB2_21:
0x1ab: {  	s24 =	simm.s32 $0x0;
	s2 =	rddreg [dreg:$0xa];
	s26 =	simm.s32 $0x400  }
0x1ac: {  	[hbm4b:s2+s24] =	stream.linear.scatter [tilespmem:s30], [sflag:$0x3], $0x4E20, $0x38;
	[tilespmem:$0x1CF00] =	vst v63  }
0x1ad: {  	s2 =	sand.u32 $0x1, s26  }
0x1ae: {  	s14 =	rddreg [dreg:$0xb];
	p1 =	por $0x0, $0x0;
	p2 =	seq.s32 s2, $0x1  }
0x1af: {  	[tilespmem:s24], [sflag:$0x1] =	stream.linear.gather [hbm4b:s14+s24], $0x4E20, $0x38;
	[tilespmem:$0x1CF00] =	vst v63  }
0x1b0: {  	p1 =	por !p1, !p2  }
0x1b1: {  	s2 =	simm.s32 $0x1;
	_ =	swait.ge [sflag:s31], $0x4E20;
	p1 =	por !p1, !p1  }
0x1b2: {  	[sflag:s31] =	ssyncset.done $0x0;
	s2 =	simm.s32 @!p1 $0x0  }
0x1b3: {  	[sflag:s31] =	ssyncadd.s32 $0xFFFFB1E0;
	s26 =	ssub.s32 $0x200, s2  }
0x1b4: {  	v3 =	vld [tilespmem:s26+$0x1CA80];
	_ =	sdelay $0x4  }
0x1b5: {  	(v2sf) =	vpush v3, $0x0;
	_ =	sdelay $0xc  }
0x1b6: {  	s9 =	simm.s32 $0xA  }
0x1b7: {  	s10 =	simm.s32 $0x0;
	s12 =	simm.s32 $0x400;
	s28 =	simm.s32 $0x400  }
0x1b8: {  	p2 =	por $0x1, $0x1;
	s2 =	simm.s32 $0x400;
	s6 =	spop (v2sf)  }
0x1b9: {  	s7 =	sadd.s32 $0x1, s26;
	p1 =	sle.s32 s6, s8;
	p3 =	sgt.s32 s6, s8  }
0x1ba: {  	s6 =	simm.s32 $0x0;
	s10 =	smov.u32 @p1 s7;
	s12 =	smov.u32 @p3 s26  }
.LBB2_22:
0x1bb: {  	p1 =	seq.s32 s9, $0x1;
	s6 =	smov.u32 @p2 s10;
	s28 =	smov.u32 @p2 s12  }
0x1bc: {  	s9 =	sadd.s32 $0xFFFFFFFF, s9;
	s10 =	sadd.s32 s6, s28  }
0x1bd: {  	s12 =	sshrl.u32 s10, $0x1F;
	s14 =	sand.u32 $0x1, s10  }
0x1be: {  	p2 =	slt.s32 s10, $0x1;
	s12 =	sadd.s32 s12, s10;
	p3 =	seq.s32 s14, $0x1  }
0x1bf: {  	p2 =	por !p2, !p3  }
0x1c0: {  	s10 =	sshra.s32 s12, $0x1;
	s12 =	simm.s32 $0x1;
	p2 =	por !p2, !p2  }
0x1c1: {  	s12 =	simm.s32 @!p2 $0x0  }
0x1c2: {  	s14 =	ssub.s32 s10, s12  }
0x1c3: {  	v3 =	vld [tilespmem:s14+$0x1CA80];
	_ =	sdelay $0x4  }
0x1c4: {  	(v2sf) =	vpush v3, $0x0;
	_ =	sdelay $0xd  }
.Ltmp8:
0x1c5: {  	(pc) =	sbr.rel @!p1 .LBB2_22-.Ltmp8, $4  }
0x1c6: {  	s12 =	sadd.s32 $0x1, s14;
	s10 =	spop (v2sf)  }
0x1c7: {  	p3 =	sle.s32 s10, s8;
	p4 =	sgt.s32 s10, s8;
	s10 =	smov.u32 s6  }
0x1c8: {  	s10 =	smov.u32 @p3 s12;
	s12 =	smov.u32 s28  }
0x1c9: {  	p2 =	sgt.s32 s28, s6;
	s12 =	smov.u32 @p4 s14  }
0x1ca: {  	v3 =	vld [tilespmem:s26+$0x1CA80];
	_ =	sdelay $0x4  }
0x1cb: {  	(v2sf) =	vpush v3, $0x0;
	_ =	sdelay $0xd  }
0x1cc: {  	s6 =	smov.u32 @p2 s10  }
0x1cd: {  	s9 =	simm.s32 $0xA;
	s10 =	simm.s32 $0x0;
	s28 =	spop (v2sf)  }
0x1ce: {  	s12 =	simm.s32 $0x400;
	p1 =	slt.s32 s28, s11;
	p3 =	sge.s32 s28, s11  }
0x1cf: {  	p2 =	por $0x1, $0x1;
	s10 =	smov.u32 @p1 s7;
	s12 =	smov.u32 @p3 s26  }
.LBB2_24:
0x1d0: {  	p1 =	seq.s32 s9, $0x1;
	s24 =	smov.u32 @p2 s10;
	s2 =	smov.u32 @p2 s12  }
0x1d1: {  	s9 =	sadd.s32 $0xFFFFFFFF, s9;
	s7 =	sadd.s32 s24, s2  }
0x1d2: {  	s10 =	sshrl.u32 s7, $0x1F;
	s12 =	sand.u32 $0x1, s7  }
0x1d3: {  	p2 =	slt.s32 s7, $0x1;
	s10 =	sadd.s32 s10, s7;
	p3 =	seq.s32 s12, $0x1  }
0x1d4: {  	p2 =	por !p2, !p3  }
0x1d5: {  	s7 =	sshra.s32 s10, $0x1;
	s10 =	simm.s32 $0x1;
	p2 =	por !p2, !p2  }
0x1d6: {  	s10 =	simm.s32 @!p2 $0x0  }
0x1d7: {  	s7 =	ssub.s32 s7, s10  }
0x1d8: {  	v3 =	vld [tilespmem:s7+$0x1CA80];
	_ =	sdelay $0x4  }
0x1d9: {  	(v2sf) =	vpush v3, $0x0;
	_ =	sdelay $0xd  }
.Ltmp9:
0x1da: {  	(pc) =	sbr.rel @!p1 .LBB2_24-.Ltmp9, $4  }
0x1db: {  	s12 =	sadd.s32 $0x1, s7;
	s10 =	spop (v2sf)  }
0x1dc: {  	p3 =	slt.s32 s10, s11;
	p4 =	sge.s32 s10, s11;
	s10 =	smov.u32 s24  }
0x1dd: {  	s10 =	smov.u32 @p3 s12;
	s12 =	smov.u32 s2  }
0x1de: {  	p2 =	sgt.s32 s2, s24;
	s12 =	smov.u32 @p4 s7  }
0x1df: {  	s24 =	smov.u32 @p2 s10  }
0x1e0: {  	p1 =	sgt.s32 s6, s24  }
.Ltmp10:
0x1e1: {  	_ = 	snop;
	(pc) =	sbr.rel @!p1 .LBB2_26-.Ltmp10, $1  }
0x1e2: {  	_ =	sdelay $0x3  }
.LBB2_39:
0x1e3: {  	s24 =	simm.s32 $0x0;
	s2 =	simm.s32 $0xEB80  }
0x1e4: {  	[hbm4b:s16+s24] =	stream.linear.scatter [tilespmem:s2], [sflag:$0x4], $0x4E20, $0x38;
	[tilespmem:$0x1CF00] =	vst v63  }
0x1e5: {  	s14 =	simm.s32 $0x4E80;
	s26 =	simm.s32 $0x400  }
0x1e6: {  	[tilespmem:s14], [sflag:$0x2] =	stream.linear.gather [hbm4b:s17+s24], $0x4E20, $0x38;
	[tilespmem:$0x1CF00] =	vst v63  }
0x1e7: {  	s2 =	sand.u32 $0x1, s26;
	_ =	swait.ge [sflag:s29], $0x4E20  }
0x1e8: {  	p1 =	por $0x0, $0x0;
	p2 =	seq.s32 s2, $0x1;
	[sflag:s29] =	ssyncset.done $0x0  }
0x1e9: {  	p1 =	por !p1, !p2;
	[sflag:s29] =	ssyncadd.s32 $0xFFFFB1E0  }
0x1ea: {  	s2 =	simm.s32 $0x1;
	p1 =	por !p1, !p1;
	_ =	swait.ge [sflag:s0], $0x4E20  }
0x1eb: {  	s2 =	simm.s32 @!p1 $0x0;
	[sflag:s0] =	ssyncset.done $0x0  }
0x1ec: {  	s26 =	ssub.s32 $0x200, s2;
	[sflag:s0] =	ssyncadd.s32 $0xFFFFB1E0  }
0x1ed: {  	v3 =	vld [tilespmem:s26+$0x1CA80];
	_ =	sdelay $0x4  }
0x1ee: {  	(v2sf) =	vpush v3, $0x0;
	_ =	sdelay $0xc  }
0x1ef: {  	s9 =	simm.s32 $0xA  }
0x1f0: {  	s10 =	simm.s32 $0x0;
	s12 =	simm.s32 $0x400;
	s28 =	simm.s32 $0x400  }
0x1f1: {  	p2 =	por $0x1, $0x1;
	s2 =	simm.s32 $0x400;
	s6 =	spop (v2sf)  }
0x1f2: {  	s7 =	sadd.s32 $0x1, s26;
	p1 =	sle.s32 s6, s11;
	p3 =	sgt.s32 s6, s11  }
0x1f3: {  	s6 =	simm.s32 $0x0;
	s10 =	smov.u32 @p1 s7;
	s12 =	smov.u32 @p3 s26  }
.LBB2_40:
0x1f4: {  	p1 =	seq.s32 s9, $0x1;
	s6 =	smov.u32 @p2 s10;
	s28 =	smov.u32 @p2 s12  }
0x1f5: {  	s9 =	sadd.s32 $0xFFFFFFFF, s9;
	s10 =	sadd.s32 s6, s28  }
0x1f6: {  	s12 =	sshrl.u32 s10, $0x1F;
	s14 =	sand.u32 $0x1, s10  }
0x1f7: {  	p2 =	slt.s32 s10, $0x1;
	s12 =	sadd.s32 s12, s10;
	p3 =	seq.s32 s14, $0x1  }
0x1f8: {  	p2 =	por !p2, !p3  }
0x1f9: {  	s10 =	sshra.s32 s12, $0x1;
	s12 =	simm.s32 $0x1;
	p2 =	por !p2, !p2  }
0x1fa: {  	s12 =	simm.s32 @!p2 $0x0  }
0x1fb: {  	s14 =	ssub.s32 s10, s12  }
0x1fc: {  	v3 =	vld [tilespmem:s14+$0x1CA80];
	_ =	sdelay $0x4  }
0x1fd: {  	(v2sf) =	vpush v3, $0x0;
	_ =	sdelay $0xd  }
.Ltmp11:
0x1fe: {  	(pc) =	sbr.rel @!p1 .LBB2_40-.Ltmp11, $4  }
0x1ff: {  	s12 =	sadd.s32 $0x1, s14;
	s10 =	spop (v2sf)  }
0x200: {  	p3 =	sle.s32 s10, s11;
	p4 =	sgt.s32 s10, s11;
	s10 =	smov.u32 s6  }
0x201: {  	s10 =	smov.u32 @p3 s12;
	s12 =	smov.u32 s28  }
0x202: {  	p2 =	sgt.s32 s28, s6;
	s12 =	smov.u32 @p4 s14  }
0x203: {  	v3 =	vld [tilespmem:s26+$0x1CA80];
	_ =	sdelay $0x4  }
0x204: {  	(v2sf) =	vpush v3, $0x0;
	_ =	sdelay $0xd  }
0x205: {  	s6 =	smov.u32 @p2 s10  }
0x206: {  	s9 =	simm.s32 $0xA;
	s10 =	simm.s32 $0x0;
	s28 =	spop (v2sf)  }
0x207: {  	s12 =	simm.s32 $0x400;
	p1 =	slt.s32 s28, s13;
	p3 =	sge.s32 s28, s13  }
0x208: {  	p2 =	por $0x1, $0x1;
	s10 =	smov.u32 @p1 s7;
	s12 =	smov.u32 @p3 s26  }
.LBB2_42:
0x209: {  	p1 =	seq.s32 s9, $0x1;
	s24 =	smov.u32 @p2 s10;
	s2 =	smov.u32 @p2 s12  }
0x20a: {  	s9 =	sadd.s32 $0xFFFFFFFF, s9;
	s7 =	sadd.s32 s24, s2  }
0x20b: {  	s10 =	sshrl.u32 s7, $0x1F;
	s12 =	sand.u32 $0x1, s7  }
0x20c: {  	p2 =	slt.s32 s7, $0x1;
	s10 =	sadd.s32 s10, s7;
	p3 =	seq.s32 s12, $0x1  }
0x20d: {  	p2 =	por !p2, !p3  }
0x20e: {  	s7 =	sshra.s32 s10, $0x1;
	s10 =	simm.s32 $0x1;
	p2 =	por !p2, !p2  }
0x20f: {  	s10 =	simm.s32 @!p2 $0x0  }
0x210: {  	s7 =	ssub.s32 s7, s10  }
0x211: {  	v3 =	vld [tilespmem:s7+$0x1CA80];
	_ =	sdelay $0x4  }
0x212: {  	(v2sf) =	vpush v3, $0x0;
	_ =	sdelay $0xd  }
.Ltmp12:
0x213: {  	(pc) =	sbr.rel @!p1 .LBB2_42-.Ltmp12, $4  }
0x214: {  	s12 =	sadd.s32 $0x1, s7;
	s10 =	spop (v2sf)  }
0x215: {  	p3 =	slt.s32 s10, s13;
	p4 =	sge.s32 s10, s13;
	s10 =	smov.u32 s24  }
0x216: {  	s10 =	smov.u32 @p3 s12;
	s12 =	smov.u32 s2  }
0x217: {  	p2 =	sgt.s32 s2, s24;
	s12 =	smov.u32 @p4 s7  }
0x218: {  	s24 =	smov.u32 @p2 s10  }
0x219: {  	p1 =	sgt.s32 s6, s24  }
.Ltmp13:
0x21a: {  	_ = 	snop;
	(pc) =	sbr.rel @!p1 .LBB2_44-.Ltmp13, $1  }
0x21b: {  	_ =	sdelay $0x3  }
.LBB2_57:
0x21c: {  	s24 =	simm.s32 $0x0  }
0x21d: {  	[hbm4b:s18+s24] =	stream.linear.scatter [tilespmem:s30], [sflag:$0x3], $0x4E20, $0x38;
	[tilespmem:$0x1CF00] =	vst v63  }
0x21e: {  	s2 =	simm.s32 $0x400  }
0x21f: {  	[tilespmem:s24], [sflag:$0x1] =	stream.linear.gather [hbm4b:s19+s24], $0x4E20, $0x38;
	[tilespmem:$0x1CF00] =	vst v63  }
0x220: {  	s2 =	sand.u32 $0x1, s2;
	_ =	swait.ge [sflag:s31], $0x4E20  }
0x221: {  	p1 =	por $0x0, $0x0;
	p2 =	seq.s32 s2, $0x1;
	[sflag:s31] =	ssyncset.done $0x0  }
0x222: {  	p1 =	por !p1, !p2;
	[sflag:s31] =	ssyncadd.s32 $0xFFFFB1E0  }
0x223: {  	s2 =	simm.s32 $0x1;
	p1 =	por !p1, !p1;
	_ =	swait.ge [sflag:s1], $0x4E20  }
0x224: {  	s2 =	simm.s32 @!p1 $0x0;
	[sflag:s1] =	ssyncset.done $0x0  }
0x225: {  	s26 =	ssub.s32 $0x200, s2;
	[sflag:s1] =	ssyncadd.s32 $0xFFFFB1E0  }
0x226: {  	v3 =	vld [tilespmem:s26+$0x1CA80];
	_ =	sdelay $0x4  }
0x227: {  	(v2sf) =	vpush v3, $0x0;
	_ =	sdelay $0xc  }
0x228: {  	s9 =	simm.s32 $0xA  }
0x229: {  	s10 =	simm.s32 $0x0;
	s12 =	simm.s32 $0x400;
	s28 =	simm.s32 $0x400  }
0x22a: {  	p2 =	por $0x1, $0x1;
	s2 =	simm.s32 $0x400;
	s6 =	spop (v2sf)  }
0x22b: {  	s7 =	sadd.s32 $0x1, s26;
	p1 =	sle.s32 s6, s13;
	p3 =	sgt.s32 s6, s13  }
0x22c: {  	s6 =	simm.s32 $0x0;
	s10 =	smov.u32 @p1 s7;
	s12 =	smov.u32 @p3 s26  }
.LBB2_58:
0x22d: {  	p1 =	seq.s32 s9, $0x1;
	s6 =	smov.u32 @p2 s10;
	s28 =	smov.u32 @p2 s12  }
0x22e: {  	s9 =	sadd.s32 $0xFFFFFFFF, s9;
	s10 =	sadd.s32 s6, s28  }
0x22f: {  	s12 =	sshrl.u32 s10, $0x1F;
	s14 =	sand.u32 $0x1, s10  }
0x230: {  	p2 =	slt.s32 s10, $0x1;
	s12 =	sadd.s32 s12, s10;
	p3 =	seq.s32 s14, $0x1  }
0x231: {  	p2 =	por !p2, !p3  }
0x232: {  	s10 =	sshra.s32 s12, $0x1;
	s12 =	simm.s32 $0x1;
	p2 =	por !p2, !p2  }
0x233: {  	s12 =	simm.s32 @!p2 $0x0  }
0x234: {  	s14 =	ssub.s32 s10, s12  }
0x235: {  	v3 =	vld [tilespmem:s14+$0x1CA80];
	_ =	sdelay $0x4  }
0x236: {  	(v2sf) =	vpush v3, $0x0;
	_ =	sdelay $0xd  }
.Ltmp14:
0x237: {  	(pc) =	sbr.rel @!p1 .LBB2_58-.Ltmp14, $4  }
0x238: {  	s12 =	sadd.s32 $0x1, s14;
	s10 =	spop (v2sf)  }
0x239: {  	p3 =	sle.s32 s10, s13;
	p4 =	sgt.s32 s10, s13;
	s10 =	smov.u32 s6  }
0x23a: {  	s10 =	smov.u32 @p3 s12;
	s12 =	smov.u32 s28  }
0x23b: {  	p2 =	sgt.s32 s28, s6;
	s12 =	smov.u32 @p4 s14  }
0x23c: {  	v3 =	vld [tilespmem:s26+$0x1CA80];
	_ =	sdelay $0x4  }
0x23d: {  	(v2sf) =	vpush v3, $0x0;
	_ =	sdelay $0xd  }
0x23e: {  	s6 =	smov.u32 @p2 s10  }
0x23f: {  	s9 =	simm.s32 $0xA;
	s10 =	simm.s32 $0x0;
	s28 =	spop (v2sf)  }
0x240: {  	s12 =	simm.s32 $0x400;
	p1 =	slt.s32 s28, s15;
	p3 =	sge.s32 s28, s15  }
0x241: {  	p2 =	por $0x1, $0x1;
	s10 =	smov.u32 @p1 s7;
	s12 =	smov.u32 @p3 s26  }
.LBB2_60:
0x242: {  	p1 =	seq.s32 s9, $0x1;
	s24 =	smov.u32 @p2 s10;
	s2 =	smov.u32 @p2 s12  }
0x243: {  	s9 =	sadd.s32 $0xFFFFFFFF, s9;
	s7 =	sadd.s32 s24, s2  }
0x244: {  	s10 =	sshrl.u32 s7, $0x1F;
	s12 =	sand.u32 $0x1, s7  }
0x245: {  	p2 =	slt.s32 s7, $0x1;
	s10 =	sadd.s32 s10, s7;
	p3 =	seq.s32 s12, $0x1  }
0x246: {  	p2 =	por !p2, !p3  }
0x247: {  	s7 =	sshra.s32 s10, $0x1;
	s10 =	simm.s32 $0x1;
	p2 =	por !p2, !p2  }
0x248: {  	s10 =	simm.s32 @!p2 $0x0  }
0x249: {  	s7 =	ssub.s32 s7, s10  }
0x24a: {  	v3 =	vld [tilespmem:s7+$0x1CA80];
	_ =	sdelay $0x4  }
0x24b: {  	(v2sf) =	vpush v3, $0x0;
	_ =	sdelay $0xd  }
.Ltmp15:
0x24c: {  	(pc) =	sbr.rel @!p1 .LBB2_60-.Ltmp15, $4  }
0x24d: {  	s12 =	sadd.s32 $0x1, s7;
	s10 =	spop (v2sf)  }
0x24e: {  	p3 =	slt.s32 s10, s15;
	p4 =	sge.s32 s10, s15;
	s10 =	smov.u32 s24  }
0x24f: {  	s10 =	smov.u32 @p3 s12;
	s12 =	smov.u32 s2  }
0x250: {  	p2 =	sgt.s32 s2, s24;
	s12 =	smov.u32 @p4 s7  }
0x251: {  	s24 =	smov.u32 @p2 s10  }
0x252: {  	p1 =	sgt.s32 s6, s24  }
.Ltmp16:
0x253: {  	_ = 	snop;
	(pc) =	sbr.rel @!p1 .LBB2_62-.Ltmp16, $1  }
0x254: {  	_ =	sdelay $0x3  }
.LBB2_75:
0x255: {  	s24 =	simm.s32 $0x0;
	s2 =	simm.s32 $0xEB80;
	s26 =	simm.s32 $0x400  }
0x256: {  	[hbm4b:s20+s24] =	stream.linear.scatter [tilespmem:s2], [sflag:$0x4], $0x4E20, $0x38;
	[tilespmem:$0x1CF00] =	vst v63  }
0x257: {  	s2 =	sand.u32 $0x1, s26;
	_ =	swait.ge [sflag:s29], $0x4E20  }
0x258: {  	p1 =	por $0x0, $0x0;
	p2 =	seq.s32 s2, $0x1;
	[sflag:s29] =	ssyncset.done $0x0  }
0x259: {  	p1 =	por !p1, !p2;
	[sflag:s29] =	ssyncadd.s32 $0xFFFFB1E0  }
0x25a: {  	s2 =	simm.s32 $0x1;
	p1 =	por !p1, !p1;
	_ =	swait.ge [sflag:s0], $0x4E20  }
0x25b: {  	s2 =	simm.s32 @!p1 $0x0;
	[sflag:s0] =	ssyncset.done $0x0  }
0x25c: {  	s26 =	ssub.s32 $0x200, s2;
	[sflag:s0] =	ssyncadd.s32 $0xFFFFB1E0  }
0x25d: {  	v3 =	vld [tilespmem:s26+$0x1CA80];
	_ =	sdelay $0x4  }
0x25e: {  	(v2sf) =	vpush v3, $0x0;
	_ =	sdelay $0xc  }
0x25f: {  	s9 =	simm.s32 $0xA  }
0x260: {  	s10 =	simm.s32 $0x0;
	s12 =	simm.s32 $0x400;
	s28 =	simm.s32 $0x400  }
0x261: {  	p2 =	por $0x1, $0x1;
	s2 =	simm.s32 $0x400;
	s6 =	spop (v2sf)  }
0x262: {  	s7 =	sadd.s32 $0x1, s26;
	p1 =	sle.s32 s6, s15;
	p3 =	sgt.s32 s6, s15  }
0x263: {  	s6 =	simm.s32 $0x0;
	s10 =	smov.u32 @p1 s7;
	s12 =	smov.u32 @p3 s26  }
.LBB2_76:
0x264: {  	p1 =	seq.s32 s9, $0x1;
	s6 =	smov.u32 @p2 s10;
	s28 =	smov.u32 @p2 s12  }
0x265: {  	s9 =	sadd.s32 $0xFFFFFFFF, s9;
	s10 =	sadd.s32 s6, s28  }
0x266: {  	s12 =	sshrl.u32 s10, $0x1F;
	s14 =	sand.u32 $0x1, s10  }
0x267: {  	p2 =	slt.s32 s10, $0x1;
	s12 =	sadd.s32 s12, s10;
	p3 =	seq.s32 s14, $0x1  }
0x268: {  	p2 =	por !p2, !p3  }
0x269: {  	s10 =	sshra.s32 s12, $0x1;
	s12 =	simm.s32 $0x1;
	p2 =	por !p2, !p2  }
0x26a: {  	s12 =	simm.s32 @!p2 $0x0  }
0x26b: {  	s14 =	ssub.s32 s10, s12  }
0x26c: {  	v3 =	vld [tilespmem:s14+$0x1CA80];
	_ =	sdelay $0x4  }
0x26d: {  	(v2sf) =	vpush v3, $0x0;
	_ =	sdelay $0xd  }
.Ltmp17:
0x26e: {  	(pc) =	sbr.rel @!p1 .LBB2_76-.Ltmp17, $4  }
0x26f: {  	s12 =	sadd.s32 $0x1, s14;
	s10 =	spop (v2sf)  }
0x270: {  	p3 =	sle.s32 s10, s15;
	p4 =	sgt.s32 s10, s15;
	s10 =	smov.u32 s6  }
0x271: {  	s10 =	smov.u32 @p3 s12;
	s12 =	smov.u32 s28  }
0x272: {  	p2 =	sgt.s32 s28, s6;
	s12 =	smov.u32 @p4 s14  }
0x273: {  	v3 =	vld [tilespmem:s26+$0x1CA80];
	_ =	sdelay $0x4  }
0x274: {  	(v2sf) =	vpush v3, $0x0;
	_ =	sdelay $0xd  }
0x275: {  	s6 =	smov.u32 @p2 s10  }
0x276: {  	s9 =	simm.s32 $0xA;
	s10 =	simm.s32 $0x0;
	s28 =	spop (v2sf)  }
0x277: {  	s12 =	simm.s32 $0x400;
	p1 =	slt.s32 s28, s21;
	p3 =	sge.s32 s28, s21  }
0x278: {  	p2 =	por $0x1, $0x1;
	s10 =	smov.u32 @p1 s7;
	s12 =	smov.u32 @p3 s26  }
.LBB2_78:
0x279: {  	p1 =	seq.s32 s9, $0x1;
	s24 =	smov.u32 @p2 s10;
	s2 =	smov.u32 @p2 s12  }
0x27a: {  	s9 =	sadd.s32 $0xFFFFFFFF, s9;
	s7 =	sadd.s32 s24, s2  }
0x27b: {  	s10 =	sshrl.u32 s7, $0x1F;
	s12 =	sand.u32 $0x1, s7  }
0x27c: {  	p2 =	slt.s32 s7, $0x1;
	s10 =	sadd.s32 s10, s7;
	p3 =	seq.s32 s12, $0x1  }
0x27d: {  	p2 =	por !p2, !p3  }
0x27e: {  	s7 =	sshra.s32 s10, $0x1;
	s10 =	simm.s32 $0x1;
	p2 =	por !p2, !p2  }
0x27f: {  	s10 =	simm.s32 @!p2 $0x0  }
0x280: {  	s7 =	ssub.s32 s7, s10  }
0x281: {  	v3 =	vld [tilespmem:s7+$0x1CA80];
	_ =	sdelay $0x4  }
0x282: {  	(v2sf) =	vpush v3, $0x0;
	_ =	sdelay $0xd  }
.Ltmp18:
0x283: {  	(pc) =	sbr.rel @!p1 .LBB2_78-.Ltmp18, $4  }
0x284: {  	s12 =	sadd.s32 $0x1, s7;
	s10 =	spop (v2sf)  }
0x285: {  	p3 =	slt.s32 s10, s21;
	p4 =	sge.s32 s10, s21;
	s10 =	smov.u32 s24  }
0x286: {  	s10 =	smov.u32 @p3 s12;
	s12 =	smov.u32 s2  }
0x287: {  	p2 =	sgt.s32 s2, s24;
	s12 =	smov.u32 @p4 s7  }
0x288: {  	s24 =	smov.u32 @p2 s10  }
0x289: {  	p1 =	sgt.s32 s6, s24  }
.Ltmp19:
0x28a: {  	_ = 	snop;
	(pc) =	sbr.rel @p1 .LBB2_93-.Ltmp19, $1  }
0x28b: {  	_ =	sdelay $0x3  }
.Ltmp20:
0x28c: {  	(pc) =	sbr.rel .LBB2_81-.Ltmp20, $2  }
0x28d: {  	_ =	sdelay $0x2  }
0x28e: {  	s2 =	sadd.s32 $0xFFFFFFFF, s6  }
.LBB2_92:
0x28f: {  	s2 =	sadd.s32 $0x1, s2  }
0x290: {  	p1 =	sne.s32 s2, s24  }
.Ltmp21:
0x291: {  	_ = 	snop;
	(pc) =	sbr.rel @!p1 .LBB2_93-.Ltmp21, $1  }
0x292: {  	_ =	sdelay $0x3  }
.LBB2_81:
0x293: {  	v3 =	vld [tilespmem:s2+$0x1CA80]  }
0x294: {  	v4 =	vld [tilespmem:s2+$0x1CA81];
	_ =	sdelay $0x3  }
0x295: {  	(v2sf) =	vpush v3, $0x0  }
0x296: {  	(v2sf) =	vpush v4, $0x0;
	_ =	sdelay $0xd  }
0x297: {  	s10 =	spop (v2sf)  }
0x298: {  	s9 =	smov.u32 s15;
	s6 =	spop (v2sf)  }
0x299: {  	s7 =	smov.u32 s21;
	p1 =	sgt.s32 s10, s15;
	p2 =	slt.s32 s6, s21  }
0x29a: {  	s9 =	smov.u32 @p1 s10;
	s7 =	smov.u32 @p2 s6  }
0x29b: {  	s6 =	ssub.s32 s9, s15;
	s7 =	ssub.s32 s7, s15  }
0x29c: {  	p1 =	sle.s32 s7, s6  }
.Ltmp22:
0x29d: {  	_ = 	snop;
	(pc) =	sbr.rel @p1 .LBB2_92-.Ltmp22, $1  }
0x29e: {  	_ =	sdelay $0x3  }
0x29f: {  	p1 =	slt.s32 s15, s10;
	s10 =	simm.s32 $0x1  }
0x2a0: {  	s12 =	sshra.s32 s6, $0x1F;
	s10 =	simm.s32 @!p1 $0x0  }
0x2a1: {  	s9 =	sand.u32 $0xF, s9;
	s10 =	sor.u32 s10, s12  }
0x2a2: {  	p2 =	sne.s32 s9, $0x0;
	p4 =	sne.s32 s10, $0x1  }
0x2a3: {  	s14 =	sshrl.u32 s12, $0x1C;
	p1 =	por !p2, !p4  }
0x2a4: {  	s9 =	sadd.s32 s14, s6;
	s10 =	simm.s32 $0x1;
	p1 =	por !p1, !p1  }
0x2a5: {  	s9 =	sshra.s32 s9, $0x4;
	s10 =	simm.s32 @!p1 $0x0  }
0x2a6: {  	s9 =	ssub.s32 s9, s10  }
0x2a7: {  	s10 =	sshll.u32 s9, $0x4  }
0x2a8: {  	p1 =	seq.s32 s6, s10;
	s12 =	sadd.s32 $0x9D00, s10  }
0x2a9: {  	v3 =	vld.msk [tilespmem:s2+$0x1BA00 ss:$0x0], $0xffff;
	s12 =	smov.u32 @p1 s10  }
0x2aa: {  	s14 =	sadd.s32 $0xFFFFFFFF, s7;
	s6 =	ssub.s32 s6, s10;
	v4 =	vld [tilespmem:s12+$0x0];
	s12 =	ssub.s32 s7, s10  }
0x2ab: {  	s26 =	sand.u32 $0xF, s14;
	v5 =	vmov s6;
	v6 =	vmov s12  }
0x2ac: {  	p6 =	slt.s32 s7, $0x2;
	p5 =	sne.s32 s26, $0x0;
	s26 =	sshra.s32 s14, $0x1F;
	vm0 =	vlt.s32 v5, v2;
	vm1 =	vgt.s32 v6, v0  }
0x2ad: {  	s6 =	sshrl.u32 s26, $0x1C;
	p1 =	por !p6, !p5;
	vm0 =	vmand vm0, vm1  }
0x2ae: {  	s6 =	sadd.s32 s6, s14;
	p1 =	por !p1, !p1;
	s12 =	simm.s32 $0x1;
	v5 =	vnsel vm0, $0x0, v3  }
0x2af: {  	s6 =	sshra.s32 s6, $0x4;
	s12 =	simm.s32 @!p1 $0x0;
	v4 =	vadd.f32 v4, v5  }
0x2b0: {  	s6 =	ssub.s32 s6, s12  }
0x2b1: {  	p1 =	sle.s32 s6, s9;
	[tilespmem:s10+$0x9D00] =	vst v4;
	s10 =	sadd.s32 $0x1, s9  }
0x2b2: {  	s12 =	sshll.u32 @!p1 s6, $0x4;
	s26 =	ssub.s32 s6, s10  }
0x2b3: {  	s7 =	ssub.s32 @!p1 s7, s12;
	s14 =	sshrl.u32 s26, $0x1E  }
0x2b4: {  	v5 =	vmov @!p1 s7;
	v4 =	vld @!p1 [tilespmem:s12+$0x0];
	s7 =	sadd.s32 s14, s26  }
0x2b5: {  	s28 =	sand.u32 $0xFFFFFFFC, s7  }
0x2b6: {  	v6 =	vlaneseq.u32 @!p1;
	p2 =	slt.s32 s28, $0x1  }
.Ltmp23:
0x2b7: {  	vm0 =	vgt.s32 @!p1 v5, v6;
	(pc) =	sbr.rel @p2 .LBB2_89-.Ltmp23, $3  }
0x2b8: {  	v5 =	vnsel @!p1 vm0, $0x0, v3  }
0x2b9: {  	v4 =	vadd.f32 @!p1 v4, v5;
	_ =	sdelay $0x1  }
0x2ba: {  	s7 =	sadd.s32 s10, s28;
	[tilespmem:s12+$0x9D00] =	vst @!p1 v4  }
0x2bb: {  	s9 =	sshll.u32 s9, $0x6;
	s14 =	sadd.s32 $0x4, s10  }
0x2bc: {  	s9 =	sshra.s32 s9, $0x2;
	p2 =	slt.s32 s14, s7  }
.Ltmp24:
0x2bd: {  	s12 =	sadd.s32 $0x20, s9;
	(pc) =	sbr.rel @!p2 .LBB2_84-.Ltmp24, $4  }
0x2be: {  	v7 =	vld [tilespmem:s12+$0xFFFFFFF0]  }
0x2bf: {  	v5 =	vld [tilespmem:s12+$0x20]  }
0x2c0: {  	v4 =	vld [tilespmem:s12+$0x10]  }
0x2c1: {  	p1 =	por $0x0, $0x0;
	s9 =	sadd.s32 $0x9D40, s9;
	v6 =	vld [tilespmem:s12+$0x0]  }
0x2c2: {  	s10 =	sadd.s32 $0x40, s12;
	s12 =	sadd.s32 $0x4, s14  }
0x2c3: {  	p2 =	slt.s32 s12, s7  }
.Ltmp25:
0x2c4: {  	v8 =	vadd.f32 v7, v3;
	(pc) =	sbr.rel @!p2 .LBB2_96-.Ltmp25, $4  }
0x2c5: {  	v7 =	vld [tilespmem:s10+$0xFFFFFFF0];
	v9 =	vadd.f32 v5, v3  }
0x2c6: {  	v5 =	vld [tilespmem:s10+$0x20];
	[tilespmem:s9+$0xFFFFFFD0] =	vst v8;
	v10 =	vadd.f32 v4, v3  }
0x2c7: {  	v4 =	vld [tilespmem:s10+$0x10];
	[tilespmem:s9+$0x0] =	vst v9  }
0x2c8: {  	p1 =	por $0x1, $0x1;
	s14 =	smov.u32 s9;
	v8 =	vadd.f32 v6, v3;
	v6 =	vld [tilespmem:s10+$0x0];
	[tilespmem:s9+$0xFFFFFFF0] =	vst v10  }
.LBB2_97:
0x2c9: {  	s12 =	sadd.s32 $0x4, s12  }
0x2ca: {  	[tilespmem:s14+$0xFFFFFFE0] =	vst v8;
	s14 =	sadd.s32 $0x40, s14;
	p2 =	slt.s32 s12, s7  }
.Ltmp26:
0x2cb: {  	s10 =	sadd.s32 $0x40, s10;
	v8 =	vadd.f32 v7, v3;
	(pc) =	sbr.rel @p2 .LBB2_97-.Ltmp26, $4  }
0x2cc: {  	v7 =	vld [tilespmem:s10+$0xFFFFFFF0];
	v9 =	vadd.f32 v5, v3  }
0x2cd: {  	v5 =	vld [tilespmem:s10+$0x20];
	[tilespmem:s14+$0xFFFFFFD0] =	vst v8;
	v10 =	vadd.f32 v4, v3  }
0x2ce: {  	v4 =	vld [tilespmem:s10+$0x10];
	v8 =	vadd.f32 v6, v3;
	[tilespmem:s14+$0x0] =	vst v9  }
0x2cf: {  	v6 =	vld [tilespmem:s10+$0x0];
	[tilespmem:s14+$0xFFFFFFF0] =	vst v10  }
.LBB2_98:
0x2d0: {  	_ = 	snop  }
0x2d1: {  	s10 =	sadd.s32 @p1 $0x40, s14;
	v7 =	vadd.f32 v7, v3  }
0x2d2: {  	[tilespmem:s14+$0xFFFFFFE0] =	vst @p1 v8;
	s9 =	smov.u32 @p1 s10;
	v5 =	vadd.f32 v5, v3  }
0x2d3: {  	[tilespmem:s9+$0xFFFFFFD0] =	vst v7;
	v4 =	vadd.f32 v4, v3  }
0x2d4: {  	v6 =	vadd.f32 v6, v3;
	[tilespmem:s9+$0x0] =	vst v5  }
0x2d5: {  	[tilespmem:s9+$0xFFFFFFF0] =	vst v4  }
0x2d6: {  	[tilespmem:s9+$0xFFFFFFE0] =	vst v6  }
.LBB2_89:
0x2d7: {  	p1 =	sge.s32 s7, s6  }
.Ltmp27:
0x2d8: {  	_ = 	snop;
	(pc) =	sbr.rel @p1 .LBB2_92-.Ltmp27, $1  }
0x2d9: {  	_ =	sdelay $0x3  }
0x2da: {  	s6 =	sshll.u32 s7, $0x6  }
0x2db: {  	s6 =	sshra.s32 s6, $0x2  }
0x2dc: {  	s7 =	ssub.s32 s26, s28;
	s9 =	sadd.s32 $0x9D00, s6  }
.LBB2_91:
0x2dd: {  	v4 =	vld [tilespmem:s6+$0x0];
	_ =	sdelay $0x1  }
0x2de: {  	p1 =	sne.s32 s7, $0x1  }
.Ltmp28:
0x2df: {  	_ = 	snop;
	(pc) =	sbr.rel @p1 .LBB2_91-.Ltmp28, $3  }
0x2e0: {  	_ = 	snop  }
0x2e1: {  	v4 =	vadd.f32 v4, v3;
	_ =	sdelay $0x1  }
0x2e2: {  	s6 =	sadd.s32 $0x10, s6;
	s7 =	sadd.s32 $0xFFFFFFFF, s7;
	[tilespmem:s9+$0x0] =	vst v4;
	s9 =	sadd.s32 $0x10, s9  }
.Ltmp29:
0x2e3: {  	_ = 	snop;
	(pc) =	sbr.rel .LBB2_92-.Ltmp29, $1  }
0x2e4: {  	_ =	sdelay $0x3  }
.LBB2_84:
.Ltmp30:
0x2e5: {  	(pc) =	sbr.rel .LBB2_98-.Ltmp30, $2  }
0x2e6: {  	_ =	sdelay $0x2  }
0x2e7: {  	s14 =	smov.u32 s9  }
.LBB2_96:
.Ltmp31:
0x2e8: {  	(pc) =	sbr.rel .LBB2_98-.Ltmp31, $2  }
0x2e9: {  	_ =	sdelay $0x2  }
0x2ea: {  	s14 =	smov.u32 s9  }
.LBB2_12:
.Ltmp32:
0x2eb: {  	(pc) =	sbr.rel .LBB2_13-.Ltmp32, $2  }
0x2ec: {  	_ =	sdelay $0x2  }
0x2ed: {  	s2 =	sadd.s32 $0xFFFFFFFF, s6  }
.LBB2_20:
0x2ee: {  	s2 =	sadd.s32 $0x1, s2  }
0x2ef: {  	p1 =	sne.s32 s2, s24  }
.Ltmp33:
0x2f0: {  	_ = 	snop;
	(pc) =	sbr.rel @!p1 .LBB2_21-.Ltmp33, $1  }
0x2f1: {  	_ =	sdelay $0x3  }
.LBB2_13:
0x2f2: {  	v3 =	vld [tilespmem:s2+$0x1CA80]  }
0x2f3: {  	v4 =	vld [tilespmem:s2+$0x1CA81];
	_ =	sdelay $0x3  }
0x2f4: {  	(v2sf) =	vpush v3, $0x0  }
0x2f5: {  	(v2sf) =	vpush v4, $0x0;
	_ =	sdelay $0xd  }
0x2f6: {  	s10 =	spop (v2sf)  }
0x2f7: {  	s9 =	smov.u32 s5;
	s6 =	spop (v2sf)  }
0x2f8: {  	s7 =	smov.u32 s8;
	p1 =	sgt.s32 s10, s5;
	p2 =	slt.s32 s6, s8  }
0x2f9: {  	s9 =	smov.u32 @p1 s10;
	s7 =	smov.u32 @p2 s6  }
0x2fa: {  	s6 =	ssub.s32 s9, s5;
	s7 =	ssub.s32 s7, s5  }
0x2fb: {  	p1 =	sle.s32 s7, s6  }
.Ltmp34:
0x2fc: {  	_ = 	snop;
	(pc) =	sbr.rel @p1 .LBB2_20-.Ltmp34, $1  }
0x2fd: {  	_ =	sdelay $0x3  }
0x2fe: {  	p1 =	slt.s32 s5, s10;
	s10 =	simm.s32 $0x1  }
0x2ff: {  	s12 =	sshra.s32 s6, $0x1F;
	s10 =	simm.s32 @!p1 $0x0  }
0x300: {  	s9 =	sand.u32 $0xF, s9;
	s10 =	sor.u32 s10, s12  }
0x301: {  	p2 =	sne.s32 s9, $0x0;
	p4 =	sne.s32 s10, $0x1  }
0x302: {  	s14 =	sshrl.u32 s12, $0x1C;
	p1 =	por !p2, !p4  }
0x303: {  	s9 =	sadd.s32 s14, s6;
	s10 =	simm.s32 $0x1;
	p1 =	por !p1, !p1  }
0x304: {  	s9 =	sshra.s32 s9, $0x4;
	s10 =	simm.s32 @!p1 $0x0  }
0x305: {  	s9 =	ssub.s32 s9, s10  }
0x306: {  	s10 =	sshll.u32 s9, $0x4  }
0x307: {  	p1 =	seq.s32 s6, s10;
	s12 =	sadd.s32 $0x9D00, s10  }
0x308: {  	v3 =	vld.msk [tilespmem:s2+$0x1BA00 ss:$0x0], $0xffff;
	s12 =	smov.u32 @p1 s10  }
0x309: {  	s14 =	sadd.s32 $0xFFFFFFFF, s7;
	s6 =	ssub.s32 s6, s10;
	v4 =	vld [tilespmem:s12+$0x0];
	s12 =	ssub.s32 s7, s10  }
0x30a: {  	s26 =	sand.u32 $0xF, s14;
	v5 =	vmov s6;
	v6 =	vmov s12  }
0x30b: {  	p6 =	slt.s32 s7, $0x2;
	p5 =	sne.s32 s26, $0x0;
	s26 =	sshra.s32 s14, $0x1F;
	vm0 =	vlt.s32 v5, v2;
	vm1 =	vgt.s32 v6, v0  }
0x30c: {  	s6 =	sshrl.u32 s26, $0x1C;
	p1 =	por !p6, !p5;
	vm0 =	vmand vm0, vm1  }
0x30d: {  	s6 =	sadd.s32 s6, s14;
	p1 =	por !p1, !p1;
	s12 =	simm.s32 $0x1;
	v5 =	vnsel vm0, $0x0, v3  }
0x30e: {  	s6 =	sshra.s32 s6, $0x4;
	s12 =	simm.s32 @!p1 $0x0;
	v4 =	vadd.f32 v4, v5  }
0x30f: {  	s6 =	ssub.s32 s6, s12  }
0x310: {  	p1 =	sle.s32 s6, s9;
	[tilespmem:s10+$0x9D00] =	vst v4;
	s10 =	sadd.s32 $0x1, s9  }
0x311: {  	s12 =	sshll.u32 @!p1 s6, $0x4;
	s26 =	ssub.s32 s6, s10  }
0x312: {  	s7 =	ssub.s32 @!p1 s7, s12;
	s14 =	sshrl.u32 s26, $0x1E  }
0x313: {  	v5 =	vmov @!p1 s7;
	v4 =	vld @!p1 [tilespmem:s12+$0x0];
	s7 =	sadd.s32 s14, s26  }
0x314: {  	s28 =	sand.u32 $0xFFFFFFFC, s7  }
0x315: {  	v6 =	vlaneseq.u32 @!p1;
	p2 =	slt.s32 s28, $0x1  }
.Ltmp35:
0x316: {  	vm0 =	vgt.s32 @!p1 v5, v6;
	(pc) =	sbr.rel @p2 .LBB2_17-.Ltmp35, $3  }
0x317: {  	v5 =	vnsel @!p1 vm0, $0x0, v3  }
0x318: {  	v4 =	vadd.f32 @!p1 v4, v5;
	_ =	sdelay $0x1  }
0x319: {  	s7 =	sadd.s32 s10, s28;
	[tilespmem:s12+$0x9D00] =	vst @!p1 v4  }
0x31a: {  	s9 =	sshll.u32 s9, $0x6  }
0x31b: {  	s12 =	sshra.s32 s9, $0x2  }
0x31c: {  	s9 =	sadd.s32 $0x20, s12;
	s14 =	sadd.s32 $0x9D40, s12;
	s12 =	sadd.s32 $0x4, s10  }
0x31d: {  	p2 =	slt.s32 s12, s7  }
.Ltmp36:
0x31e: {  	_ = 	snop;
	(pc) =	sbr.rel @!p2 .LBB2_16-.Ltmp36, $4  }
0x31f: {  	v7 =	vld [tilespmem:s9+$0xFFFFFFF0]  }
0x320: {  	v5 =	vld [tilespmem:s9+$0x20]  }
0x321: {  	v4 =	vld [tilespmem:s9+$0x10]  }
0x322: {  	p1 =	por $0x0, $0x0;
	v6 =	vld [tilespmem:s9+$0x0]  }
0x323: {  	s12 =	sadd.s32 $0x4, s12  }
0x324: {  	p2 =	slt.s32 s12, s7  }
.Ltmp37:
0x325: {  	s10 =	sadd.s32 $0x40, s9;
	v8 =	vadd.f32 v7, v3;
	(pc) =	sbr.rel @!p2 .LBB2_32-.Ltmp37, $4  }
0x326: {  	v7 =	vld [tilespmem:s10+$0xFFFFFFF0];
	v9 =	vadd.f32 v5, v3  }
0x327: {  	v5 =	vld [tilespmem:s10+$0x20];
	[tilespmem:s14+$0xFFFFFFD0] =	vst v8;
	v10 =	vadd.f32 v4, v3  }
0x328: {  	v4 =	vld [tilespmem:s10+$0x10];
	[tilespmem:s14+$0x0] =	vst v9  }
0x329: {  	p1 =	por $0x1, $0x1;
	s9 =	smov.u32 s14;
	v8 =	vadd.f32 v6, v3;
	v6 =	vld [tilespmem:s10+$0x0];
	[tilespmem:s14+$0xFFFFFFF0] =	vst v10  }
.LBB2_33:
0x32a: {  	s12 =	sadd.s32 $0x4, s12  }
0x32b: {  	[tilespmem:s9+$0xFFFFFFE0] =	vst v8;
	s9 =	sadd.s32 $0x40, s9;
	p2 =	slt.s32 s12, s7  }
.Ltmp38:
0x32c: {  	s10 =	sadd.s32 $0x40, s10;
	v8 =	vadd.f32 v7, v3;
	(pc) =	sbr.rel @p2 .LBB2_33-.Ltmp38, $4  }
0x32d: {  	v7 =	vld [tilespmem:s10+$0xFFFFFFF0];
	v9 =	vadd.f32 v5, v3  }
0x32e: {  	v5 =	vld [tilespmem:s10+$0x20];
	[tilespmem:s9+$0xFFFFFFD0] =	vst v8;
	v10 =	vadd.f32 v4, v3  }
0x32f: {  	v4 =	vld [tilespmem:s10+$0x10];
	v8 =	vadd.f32 v6, v3;
	[tilespmem:s9+$0x0] =	vst v9  }
0x330: {  	v6 =	vld [tilespmem:s10+$0x0];
	[tilespmem:s9+$0xFFFFFFF0] =	vst v10  }
.LBB2_34:
0x331: {  	_ = 	snop  }
0x332: {  	s10 =	sadd.s32 @p1 $0x40, s9;
	v7 =	vadd.f32 v7, v3  }
0x333: {  	[tilespmem:s9+$0xFFFFFFE0] =	vst @p1 v8;
	s14 =	smov.u32 @p1 s10;
	v5 =	vadd.f32 v5, v3  }
0x334: {  	[tilespmem:s14+$0xFFFFFFD0] =	vst v7;
	v4 =	vadd.f32 v4, v3  }
0x335: {  	v6 =	vadd.f32 v6, v3;
	[tilespmem:s14+$0x0] =	vst v5  }
0x336: {  	[tilespmem:s14+$0xFFFFFFF0] =	vst v4  }
0x337: {  	[tilespmem:s14+$0xFFFFFFE0] =	vst v6  }
.LBB2_17:
0x338: {  	p1 =	sge.s32 s7, s6  }
.Ltmp39:
0x339: {  	_ = 	snop;
	(pc) =	sbr.rel @p1 .LBB2_20-.Ltmp39, $1  }
0x33a: {  	_ =	sdelay $0x3  }
0x33b: {  	s6 =	sshll.u32 s7, $0x6  }
0x33c: {  	s6 =	sshra.s32 s6, $0x2  }
0x33d: {  	s7 =	ssub.s32 s26, s28;
	s9 =	sadd.s32 $0x9D00, s6  }
.LBB2_19:
0x33e: {  	v4 =	vld [tilespmem:s6+$0x0];
	_ =	sdelay $0x1  }
0x33f: {  	p1 =	sne.s32 s7, $0x1  }
.Ltmp40:
0x340: {  	_ = 	snop;
	(pc) =	sbr.rel @p1 .LBB2_19-.Ltmp40, $3  }
0x341: {  	_ = 	snop  }
0x342: {  	v4 =	vadd.f32 v4, v3;
	_ =	sdelay $0x1  }
0x343: {  	s6 =	sadd.s32 $0x10, s6;
	s7 =	sadd.s32 $0xFFFFFFFF, s7;
	[tilespmem:s9+$0x0] =	vst v4;
	s9 =	sadd.s32 $0x10, s9  }
.Ltmp41:
0x344: {  	_ = 	snop;
	(pc) =	sbr.rel .LBB2_20-.Ltmp41, $1  }
0x345: {  	_ =	sdelay $0x3  }
.LBB2_16:
.Ltmp42:
0x346: {  	(pc) =	sbr.rel .LBB2_34-.Ltmp42, $2  }
0x347: {  	_ =	sdelay $0x2  }
0x348: {  	s9 =	smov.u32 s14  }
.LBB2_32:
.Ltmp43:
0x349: {  	(pc) =	sbr.rel .LBB2_34-.Ltmp43, $2  }
0x34a: {  	_ =	sdelay $0x2  }
0x34b: {  	s9 =	smov.u32 s14  }
.LBB2_26:
.Ltmp44:
0x34c: {  	(pc) =	sbr.rel .LBB2_27-.Ltmp44, $2  }
0x34d: {  	_ =	sdelay $0x2  }
0x34e: {  	s2 =	sadd.s32 $0xFFFFFFFF, s6  }
.LBB2_38:
0x34f: {  	s2 =	sadd.s32 $0x1, s2  }
0x350: {  	p1 =	sne.s32 s2, s24  }
.Ltmp45:
0x351: {  	_ = 	snop;
	(pc) =	sbr.rel @!p1 .LBB2_39-.Ltmp45, $1  }
0x352: {  	_ =	sdelay $0x3  }
.LBB2_27:
0x353: {  	v3 =	vld [tilespmem:s2+$0x1CA80]  }
0x354: {  	v4 =	vld [tilespmem:s2+$0x1CA81];
	_ =	sdelay $0x3  }
0x355: {  	(v2sf) =	vpush v3, $0x0  }
0x356: {  	(v2sf) =	vpush v4, $0x0;
	_ =	sdelay $0xd  }
0x357: {  	s10 =	spop (v2sf)  }
0x358: {  	s9 =	smov.u32 s8;
	s6 =	spop (v2sf)  }
0x359: {  	s7 =	smov.u32 s11;
	p1 =	sgt.s32 s10, s8;
	p2 =	slt.s32 s6, s11  }
0x35a: {  	s9 =	smov.u32 @p1 s10;
	s7 =	smov.u32 @p2 s6  }
0x35b: {  	s6 =	ssub.s32 s9, s8;
	s7 =	ssub.s32 s7, s8  }
0x35c: {  	p1 =	sle.s32 s7, s6  }
.Ltmp46:
0x35d: {  	_ = 	snop;
	(pc) =	sbr.rel @p1 .LBB2_38-.Ltmp46, $1  }
0x35e: {  	_ =	sdelay $0x3  }
0x35f: {  	p1 =	slt.s32 s8, s10;
	s10 =	simm.s32 $0x1  }
0x360: {  	s12 =	sshra.s32 s6, $0x1F;
	s10 =	simm.s32 @!p1 $0x0  }
0x361: {  	s9 =	sand.u32 $0xF, s9;
	s10 =	sor.u32 s10, s12  }
0x362: {  	p2 =	sne.s32 s9, $0x0;
	p4 =	sne.s32 s10, $0x1  }
0x363: {  	s10 =	sshrl.u32 s12, $0x1C;
	p1 =	por !p2, !p4  }
0x364: {  	s9 =	sadd.s32 s10, s6;
	s10 =	simm.s32 $0x1;
	p1 =	por !p1, !p1  }
0x365: {  	s9 =	sshra.s32 s9, $0x4;
	s10 =	simm.s32 @!p1 $0x0  }
0x366: {  	s9 =	ssub.s32 s9, s10  }
0x367: {  	s10 =	sshll.u32 s9, $0x4  }
0x368: {  	p1 =	seq.s32 s6, s10;
	s12 =	sadd.s32 $0x4E80, s10;
	s14 =	sadd.s32 $0xEB80, s10  }
0x369: {  	v3 =	vld.msk [tilespmem:s2+$0x1BA00 ss:$0x0], $0xffff;
	s14 =	smov.u32 @p1 s12  }
0x36a: {  	s26 =	sadd.s32 $0xFFFFFFFF, s7;
	s6 =	ssub.s32 s6, s10;
	v4 =	vld [tilespmem:s14+$0x0];
	s14 =	ssub.s32 s7, s10  }
0x36b: {  	s12 =	sand.u32 $0xF, s26;
	v5 =	vmov s6;
	v6 =	vmov s14  }
0x36c: {  	p6 =	slt.s32 s7, $0x2;
	p5 =	sne.s32 s12, $0x0;
	s12 =	sshra.s32 s26, $0x1F;
	vm0 =	vlt.s32 v5, v2;
	vm1 =	vgt.s32 v6, v0  }
0x36d: {  	s6 =	sshrl.u32 s12, $0x1C;
	p1 =	por !p6, !p5;
	vm0 =	vmand vm0, vm1  }
0x36e: {  	s12 =	simm.s32 $0x1;
	s6 =	sadd.s32 s6, s26;
	p1 =	por !p1, !p1;
	v5 =	vnsel vm0, $0x0, v3  }
0x36f: {  	s6 =	sshra.s32 s6, $0x4;
	s12 =	simm.s32 @!p1 $0x0;
	v4 =	vadd.f32 v4, v5  }
0x370: {  	s6 =	ssub.s32 s6, s12  }
0x371: {  	p1 =	sle.s32 s6, s9;
	[tilespmem:s10+$0xEB80] =	vst v4;
	s10 =	sadd.s32 $0x1, s9  }
0x372: {  	s12 =	sshll.u32 @!p1 s6, $0x4;
	s26 =	ssub.s32 s6, s10  }
0x373: {  	s7 =	ssub.s32 @!p1 s7, s12;
	s14 =	sshrl.u32 s26, $0x1E  }
0x374: {  	v4 =	vld @!p1 [tilespmem:s12+$0x4E80];
	v5 =	vmov @!p1 s7;
	s7 =	sadd.s32 s14, s26  }
0x375: {  	s28 =	sand.u32 $0xFFFFFFFC, s7  }
0x376: {  	v6 =	vlaneseq.u32 @!p1;
	p2 =	slt.s32 s28, $0x1  }
.Ltmp47:
0x377: {  	vm0 =	vgt.s32 @!p1 v5, v6;
	(pc) =	sbr.rel @p2 .LBB2_35-.Ltmp47, $3  }
0x378: {  	v5 =	vnsel @!p1 vm0, $0x0, v3  }
0x379: {  	v4 =	vadd.f32 @!p1 v4, v5;
	_ =	sdelay $0x1  }
0x37a: {  	s7 =	sadd.s32 s10, s28;
	[tilespmem:s12+$0xEB80] =	vst @!p1 v4  }
0x37b: {  	s9 =	sshll.u32 s9, $0x6;
	s14 =	sadd.s32 $0x4, s10  }
0x37c: {  	s9 =	sshra.s32 s9, $0x2;
	p2 =	slt.s32 s14, s7  }
.Ltmp48:
0x37d: {  	s12 =	sadd.s32 $0x4EA0, s9;
	(pc) =	sbr.rel @!p2 .LBB2_30-.Ltmp48, $4  }
0x37e: {  	v7 =	vld [tilespmem:s12+$0xFFFFFFF0]  }
0x37f: {  	v5 =	vld [tilespmem:s12+$0x20]  }
0x380: {  	v4 =	vld [tilespmem:s12+$0x10]  }
0x381: {  	p1 =	por $0x0, $0x0;
	s9 =	sadd.s32 $0xEBC0, s9;
	v6 =	vld [tilespmem:s12+$0x0]  }
0x382: {  	s10 =	sadd.s32 $0x40, s12;
	s12 =	sadd.s32 $0x4, s14  }
0x383: {  	p2 =	slt.s32 s12, s7  }
.Ltmp49:
0x384: {  	v8 =	vadd.f32 v7, v3;
	(pc) =	sbr.rel @!p2 .LBB2_50-.Ltmp49, $4  }
0x385: {  	v7 =	vld [tilespmem:s10+$0xFFFFFFF0];
	v9 =	vadd.f32 v5, v3  }
0x386: {  	v5 =	vld [tilespmem:s10+$0x20];
	[tilespmem:s9+$0xFFFFFFD0] =	vst v8;
	v10 =	vadd.f32 v4, v3  }
0x387: {  	v4 =	vld [tilespmem:s10+$0x10];
	[tilespmem:s9+$0x0] =	vst v9  }
0x388: {  	p1 =	por $0x1, $0x1;
	s14 =	smov.u32 s9;
	v8 =	vadd.f32 v6, v3;
	v6 =	vld [tilespmem:s10+$0x0];
	[tilespmem:s9+$0xFFFFFFF0] =	vst v10  }
.LBB2_51:
0x389: {  	s12 =	sadd.s32 $0x4, s12  }
0x38a: {  	[tilespmem:s14+$0xFFFFFFE0] =	vst v8;
	s14 =	sadd.s32 $0x40, s14;
	p2 =	slt.s32 s12, s7  }
.Ltmp50:
0x38b: {  	s10 =	sadd.s32 $0x40, s10;
	v8 =	vadd.f32 v7, v3;
	(pc) =	sbr.rel @p2 .LBB2_51-.Ltmp50, $4  }
0x38c: {  	v7 =	vld [tilespmem:s10+$0xFFFFFFF0];
	v9 =	vadd.f32 v5, v3  }
0x38d: {  	v5 =	vld [tilespmem:s10+$0x20];
	[tilespmem:s14+$0xFFFFFFD0] =	vst v8;
	v10 =	vadd.f32 v4, v3  }
0x38e: {  	v4 =	vld [tilespmem:s10+$0x10];
	v8 =	vadd.f32 v6, v3;
	[tilespmem:s14+$0x0] =	vst v9  }
0x38f: {  	v6 =	vld [tilespmem:s10+$0x0];
	[tilespmem:s14+$0xFFFFFFF0] =	vst v10  }
.LBB2_52:
0x390: {  	_ = 	snop  }
0x391: {  	s10 =	sadd.s32 @p1 $0x40, s14;
	v7 =	vadd.f32 v7, v3  }
0x392: {  	[tilespmem:s14+$0xFFFFFFE0] =	vst @p1 v8;
	s9 =	smov.u32 @p1 s10;
	v5 =	vadd.f32 v5, v3  }
0x393: {  	[tilespmem:s9+$0xFFFFFFD0] =	vst v7;
	v4 =	vadd.f32 v4, v3  }
0x394: {  	v6 =	vadd.f32 v6, v3;
	[tilespmem:s9+$0x0] =	vst v5  }
0x395: {  	[tilespmem:s9+$0xFFFFFFF0] =	vst v4  }
0x396: {  	[tilespmem:s9+$0xFFFFFFE0] =	vst v6  }
.LBB2_35:
0x397: {  	p1 =	sge.s32 s7, s6  }
.Ltmp51:
0x398: {  	_ = 	snop;
	(pc) =	sbr.rel @p1 .LBB2_38-.Ltmp51, $1  }
0x399: {  	_ =	sdelay $0x3  }
0x39a: {  	s6 =	sshll.u32 s7, $0x6  }
0x39b: {  	s9 =	sshra.s32 s6, $0x2  }
0x39c: {  	s6 =	ssub.s32 s26, s28;
	s7 =	sadd.s32 $0x4E80, s9;
	s9 =	sadd.s32 $0xEB80, s9  }
.LBB2_37:
0x39d: {  	v4 =	vld [tilespmem:s7+$0x0];
	_ =	sdelay $0x1  }
0x39e: {  	p1 =	sne.s32 s6, $0x1  }
.Ltmp52:
0x39f: {  	_ = 	snop;
	(pc) =	sbr.rel @p1 .LBB2_37-.Ltmp52, $3  }
0x3a0: {  	_ = 	snop  }
0x3a1: {  	v4 =	vadd.f32 v4, v3;
	_ =	sdelay $0x1  }
0x3a2: {  	s7 =	sadd.s32 $0x10, s7;
	s6 =	sadd.s32 $0xFFFFFFFF, s6;
	[tilespmem:s9+$0x0] =	vst v4;
	s9 =	sadd.s32 $0x10, s9  }
.Ltmp53:
0x3a3: {  	_ = 	snop;
	(pc) =	sbr.rel .LBB2_38-.Ltmp53, $1  }
0x3a4: {  	_ =	sdelay $0x3  }
.LBB2_30:
.Ltmp54:
0x3a5: {  	(pc) =	sbr.rel .LBB2_52-.Ltmp54, $2  }
0x3a6: {  	_ =	sdelay $0x2  }
0x3a7: {  	s14 =	smov.u32 s9  }
.LBB2_50:
.Ltmp55:
0x3a8: {  	(pc) =	sbr.rel .LBB2_52-.Ltmp55, $2  }
0x3a9: {  	_ =	sdelay $0x2  }
0x3aa: {  	s14 =	smov.u32 s9  }
.LBB2_44:
.Ltmp56:
0x3ab: {  	(pc) =	sbr.rel .LBB2_45-.Ltmp56, $2  }
0x3ac: {  	_ =	sdelay $0x2  }
0x3ad: {  	s2 =	sadd.s32 $0xFFFFFFFF, s6  }
.LBB2_56:
0x3ae: {  	s2 =	sadd.s32 $0x1, s2  }
0x3af: {  	p1 =	sne.s32 s2, s24  }
.Ltmp57:
0x3b0: {  	_ = 	snop;
	(pc) =	sbr.rel @!p1 .LBB2_57-.Ltmp57, $1  }
0x3b1: {  	_ =	sdelay $0x3  }
.LBB2_45:
0x3b2: {  	v3 =	vld [tilespmem:s2+$0x1CA80]  }
0x3b3: {  	v4 =	vld [tilespmem:s2+$0x1CA81];
	_ =	sdelay $0x3  }
0x3b4: {  	(v2sf) =	vpush v3, $0x0  }
0x3b5: {  	(v2sf) =	vpush v4, $0x0;
	_ =	sdelay $0xd  }
0x3b6: {  	s10 =	spop (v2sf)  }
0x3b7: {  	s9 =	smov.u32 s11;
	s6 =	spop (v2sf)  }
0x3b8: {  	s7 =	smov.u32 s13;
	p1 =	sgt.s32 s10, s11;
	p2 =	slt.s32 s6, s13  }
0x3b9: {  	s9 =	smov.u32 @p1 s10;
	s7 =	smov.u32 @p2 s6  }
0x3ba: {  	s6 =	ssub.s32 s9, s11;
	s7 =	ssub.s32 s7, s11  }
0x3bb: {  	p1 =	sle.s32 s7, s6  }
.Ltmp58:
0x3bc: {  	_ = 	snop;
	(pc) =	sbr.rel @p1 .LBB2_56-.Ltmp58, $1  }
0x3bd: {  	_ =	sdelay $0x3  }
0x3be: {  	p1 =	slt.s32 s11, s10;
	s10 =	simm.s32 $0x1  }
0x3bf: {  	s12 =	sshra.s32 s6, $0x1F;
	s10 =	simm.s32 @!p1 $0x0  }
0x3c0: {  	s9 =	sand.u32 $0xF, s9;
	s10 =	sor.u32 s10, s12  }
0x3c1: {  	p2 =	sne.s32 s9, $0x0;
	p4 =	sne.s32 s10, $0x1  }
0x3c2: {  	s14 =	sshrl.u32 s12, $0x1C;
	p1 =	por !p2, !p4  }
0x3c3: {  	s9 =	sadd.s32 s14, s6;
	s10 =	simm.s32 $0x1;
	p1 =	por !p1, !p1  }
0x3c4: {  	s9 =	sshra.s32 s9, $0x4;
	s10 =	simm.s32 @!p1 $0x0  }
0x3c5: {  	s9 =	ssub.s32 s9, s10  }
0x3c6: {  	s10 =	sshll.u32 s9, $0x4  }
0x3c7: {  	p1 =	seq.s32 s6, s10;
	s12 =	sadd.s32 $0x9D00, s10  }
0x3c8: {  	v3 =	vld.msk [tilespmem:s2+$0x1BA00 ss:$0x0], $0xffff;
	s12 =	smov.u32 @p1 s10  }
0x3c9: {  	s14 =	sadd.s32 $0xFFFFFFFF, s7;
	s6 =	ssub.s32 s6, s10;
	v4 =	vld [tilespmem:s12+$0x0];
	s12 =	ssub.s32 s7, s10  }
0x3ca: {  	s26 =	sand.u32 $0xF, s14;
	v5 =	vmov s6;
	v6 =	vmov s12  }
0x3cb: {  	p6 =	slt.s32 s7, $0x2;
	p5 =	sne.s32 s26, $0x0;
	s26 =	sshra.s32 s14, $0x1F;
	vm0 =	vlt.s32 v5, v2;
	vm1 =	vgt.s32 v6, v0  }
0x3cc: {  	s6 =	sshrl.u32 s26, $0x1C;
	p1 =	por !p6, !p5;
	vm0 =	vmand vm0, vm1  }
0x3cd: {  	s6 =	sadd.s32 s6, s14;
	p1 =	por !p1, !p1;
	s12 =	simm.s32 $0x1;
	v5 =	vnsel vm0, $0x0, v3  }
0x3ce: {  	s6 =	sshra.s32 s6, $0x4;
	s12 =	simm.s32 @!p1 $0x0;
	v4 =	vadd.f32 v4, v5  }
0x3cf: {  	s6 =	ssub.s32 s6, s12  }
0x3d0: {  	p1 =	sle.s32 s6, s9;
	[tilespmem:s10+$0x9D00] =	vst v4;
	s10 =	sadd.s32 $0x1, s9  }
0x3d1: {  	s12 =	sshll.u32 @!p1 s6, $0x4;
	s26 =	ssub.s32 s6, s10  }
0x3d2: {  	s7 =	ssub.s32 @!p1 s7, s12;
	s14 =	sshrl.u32 s26, $0x1E  }
0x3d3: {  	v5 =	vmov @!p1 s7;
	v4 =	vld @!p1 [tilespmem:s12+$0x0];
	s7 =	sadd.s32 s14, s26  }
0x3d4: {  	s28 =	sand.u32 $0xFFFFFFFC, s7  }
0x3d5: {  	v6 =	vlaneseq.u32 @!p1;
	p2 =	slt.s32 s28, $0x1  }
.Ltmp59:
0x3d6: {  	vm0 =	vgt.s32 @!p1 v5, v6;
	(pc) =	sbr.rel @p2 .LBB2_53-.Ltmp59, $3  }
0x3d7: {  	v5 =	vnsel @!p1 vm0, $0x0, v3  }
0x3d8: {  	v4 =	vadd.f32 @!p1 v4, v5;
	_ =	sdelay $0x1  }
0x3d9: {  	s7 =	sadd.s32 s10, s28;
	[tilespmem:s12+$0x9D00] =	vst @!p1 v4  }
0x3da: {  	s9 =	sshll.u32 s9, $0x6;
	s14 =	sadd.s32 $0x4, s10  }
0x3db: {  	s9 =	sshra.s32 s9, $0x2;
	p2 =	slt.s32 s14, s7  }
.Ltmp60:
0x3dc: {  	s12 =	sadd.s32 $0x20, s9;
	(pc) =	sbr.rel @!p2 .LBB2_48-.Ltmp60, $4  }
0x3dd: {  	v7 =	vld [tilespmem:s12+$0xFFFFFFF0]  }
0x3de: {  	v5 =	vld [tilespmem:s12+$0x20]  }
0x3df: {  	v4 =	vld [tilespmem:s12+$0x10]  }
0x3e0: {  	p1 =	por $0x0, $0x0;
	s9 =	sadd.s32 $0x9D40, s9;
	v6 =	vld [tilespmem:s12+$0x0]  }
0x3e1: {  	s10 =	sadd.s32 $0x40, s12;
	s12 =	sadd.s32 $0x4, s14  }
0x3e2: {  	p2 =	slt.s32 s12, s7  }
.Ltmp61:
0x3e3: {  	v8 =	vadd.f32 v7, v3;
	(pc) =	sbr.rel @!p2 .LBB2_68-.Ltmp61, $4  }
0x3e4: {  	v7 =	vld [tilespmem:s10+$0xFFFFFFF0];
	v9 =	vadd.f32 v5, v3  }
0x3e5: {  	v5 =	vld [tilespmem:s10+$0x20];
	[tilespmem:s9+$0xFFFFFFD0] =	vst v8;
	v10 =	vadd.f32 v4, v3  }
0x3e6: {  	v4 =	vld [tilespmem:s10+$0x10];
	[tilespmem:s9+$0x0] =	vst v9  }
0x3e7: {  	p1 =	por $0x1, $0x1;
	s14 =	smov.u32 s9;
	v8 =	vadd.f32 v6, v3;
	v6 =	vld [tilespmem:s10+$0x0];
	[tilespmem:s9+$0xFFFFFFF0] =	vst v10  }
.LBB2_69:
0x3e8: {  	s12 =	sadd.s32 $0x4, s12  }
0x3e9: {  	[tilespmem:s14+$0xFFFFFFE0] =	vst v8;
	s14 =	sadd.s32 $0x40, s14;
	p2 =	slt.s32 s12, s7  }
.Ltmp62:
0x3ea: {  	s10 =	sadd.s32 $0x40, s10;
	v8 =	vadd.f32 v7, v3;
	(pc) =	sbr.rel @p2 .LBB2_69-.Ltmp62, $4  }
0x3eb: {  	v7 =	vld [tilespmem:s10+$0xFFFFFFF0];
	v9 =	vadd.f32 v5, v3  }
0x3ec: {  	v5 =	vld [tilespmem:s10+$0x20];
	[tilespmem:s14+$0xFFFFFFD0] =	vst v8;
	v10 =	vadd.f32 v4, v3  }
0x3ed: {  	v4 =	vld [tilespmem:s10+$0x10];
	v8 =	vadd.f32 v6, v3;
	[tilespmem:s14+$0x0] =	vst v9  }
0x3ee: {  	v6 =	vld [tilespmem:s10+$0x0];
	[tilespmem:s14+$0xFFFFFFF0] =	vst v10  }
.LBB2_70:
0x3ef: {  	_ = 	snop  }
0x3f0: {  	s10 =	sadd.s32 @p1 $0x40, s14;
	v7 =	vadd.f32 v7, v3  }
0x3f1: {  	[tilespmem:s14+$0xFFFFFFE0] =	vst @p1 v8;
	s9 =	smov.u32 @p1 s10;
	v5 =	vadd.f32 v5, v3  }
0x3f2: {  	[tilespmem:s9+$0xFFFFFFD0] =	vst v7;
	v4 =	vadd.f32 v4, v3  }
0x3f3: {  	v6 =	vadd.f32 v6, v3;
	[tilespmem:s9+$0x0] =	vst v5  }
0x3f4: {  	[tilespmem:s9+$0xFFFFFFF0] =	vst v4  }
0x3f5: {  	[tilespmem:s9+$0xFFFFFFE0] =	vst v6  }
.LBB2_53:
0x3f6: {  	p1 =	sge.s32 s7, s6  }
.Ltmp63:
0x3f7: {  	_ = 	snop;
	(pc) =	sbr.rel @p1 .LBB2_56-.Ltmp63, $1  }
0x3f8: {  	_ =	sdelay $0x3  }
0x3f9: {  	s6 =	sshll.u32 s7, $0x6  }
0x3fa: {  	s6 =	sshra.s32 s6, $0x2  }
0x3fb: {  	s7 =	ssub.s32 s26, s28;
	s9 =	sadd.s32 $0x9D00, s6  }
.LBB2_55:
0x3fc: {  	v4 =	vld [tilespmem:s6+$0x0];
	_ =	sdelay $0x1  }
0x3fd: {  	p1 =	sne.s32 s7, $0x1  }
.Ltmp64:
0x3fe: {  	_ = 	snop;
	(pc) =	sbr.rel @p1 .LBB2_55-.Ltmp64, $3  }
0x3ff: {  	_ = 	snop  }
0x400: {  	v4 =	vadd.f32 v4, v3;
	_ =	sdelay $0x1  }
0x401: {  	s6 =	sadd.s32 $0x10, s6;
	s7 =	sadd.s32 $0xFFFFFFFF, s7;
	[tilespmem:s9+$0x0] =	vst v4;
	s9 =	sadd.s32 $0x10, s9  }
.Ltmp65:
0x402: {  	_ = 	snop;
	(pc) =	sbr.rel .LBB2_56-.Ltmp65, $1  }
0x403: {  	_ =	sdelay $0x3  }
.LBB2_48:
.Ltmp66:
0x404: {  	(pc) =	sbr.rel .LBB2_70-.Ltmp66, $2  }
0x405: {  	_ =	sdelay $0x2  }
0x406: {  	s14 =	smov.u32 s9  }
.LBB2_68:
.Ltmp67:
0x407: {  	(pc) =	sbr.rel .LBB2_70-.Ltmp67, $2  }
0x408: {  	_ =	sdelay $0x2  }
0x409: {  	s14 =	smov.u32 s9  }
.LBB2_62:
.Ltmp68:
0x40a: {  	(pc) =	sbr.rel .LBB2_63-.Ltmp68, $2  }
0x40b: {  	_ =	sdelay $0x2  }
0x40c: {  	s2 =	sadd.s32 $0xFFFFFFFF, s6  }
.LBB2_74:
0x40d: {  	s2 =	sadd.s32 $0x1, s2  }
0x40e: {  	p1 =	sne.s32 s2, s24  }
.Ltmp69:
0x40f: {  	_ = 	snop;
	(pc) =	sbr.rel @!p1 .LBB2_75-.Ltmp69, $1  }
0x410: {  	_ =	sdelay $0x3  }
.LBB2_63:
0x411: {  	v3 =	vld [tilespmem:s2+$0x1CA80]  }
0x412: {  	v4 =	vld [tilespmem:s2+$0x1CA81];
	_ =	sdelay $0x3  }
0x413: {  	(v2sf) =	vpush v3, $0x0  }
0x414: {  	(v2sf) =	vpush v4, $0x0;
	_ =	sdelay $0xd  }
0x415: {  	s10 =	spop (v2sf)  }
0x416: {  	s9 =	smov.u32 s13;
	s6 =	spop (v2sf)  }
0x417: {  	s7 =	smov.u32 s15;
	p1 =	sgt.s32 s10, s13;
	p2 =	slt.s32 s6, s15  }
0x418: {  	s9 =	smov.u32 @p1 s10;
	s7 =	smov.u32 @p2 s6  }
0x419: {  	s6 =	ssub.s32 s9, s13;
	s7 =	ssub.s32 s7, s13  }
0x41a: {  	p1 =	sle.s32 s7, s6  }
.Ltmp70:
0x41b: {  	_ = 	snop;
	(pc) =	sbr.rel @p1 .LBB2_74-.Ltmp70, $1  }
0x41c: {  	_ =	sdelay $0x3  }
0x41d: {  	p1 =	slt.s32 s13, s10;
	s10 =	simm.s32 $0x1  }
0x41e: {  	s12 =	sshra.s32 s6, $0x1F;
	s10 =	simm.s32 @!p1 $0x0  }
0x41f: {  	s9 =	sand.u32 $0xF, s9;
	s10 =	sor.u32 s10, s12  }
0x420: {  	p2 =	sne.s32 s9, $0x0;
	p4 =	sne.s32 s10, $0x1  }
0x421: {  	s10 =	sshrl.u32 s12, $0x1C;
	p1 =	por !p2, !p4  }
0x422: {  	s9 =	sadd.s32 s10, s6;
	s10 =	simm.s32 $0x1;
	p1 =	por !p1, !p1  }
0x423: {  	s9 =	sshra.s32 s9, $0x4;
	s10 =	simm.s32 @!p1 $0x0  }
0x424: {  	s9 =	ssub.s32 s9, s10  }
0x425: {  	s10 =	sshll.u32 s9, $0x4  }
0x426: {  	p1 =	seq.s32 s6, s10;
	s12 =	sadd.s32 $0x4E80, s10;
	s14 =	sadd.s32 $0xEB80, s10  }
0x427: {  	v3 =	vld.msk [tilespmem:s2+$0x1BA00 ss:$0x0], $0xffff;
	s14 =	smov.u32 @p1 s12  }
0x428: {  	s26 =	sadd.s32 $0xFFFFFFFF, s7;
	s6 =	ssub.s32 s6, s10;
	v4 =	vld [tilespmem:s14+$0x0];
	s14 =	ssub.s32 s7, s10  }
0x429: {  	s12 =	sand.u32 $0xF, s26;
	v5 =	vmov s6;
	v6 =	vmov s14  }
0x42a: {  	p6 =	slt.s32 s7, $0x2;
	p5 =	sne.s32 s12, $0x0;
	s12 =	sshra.s32 s26, $0x1F;
	vm0 =	vlt.s32 v5, v2;
	vm1 =	vgt.s32 v6, v0  }
0x42b: {  	s6 =	sshrl.u32 s12, $0x1C;
	p1 =	por !p6, !p5;
	vm0 =	vmand vm0, vm1  }
0x42c: {  	s12 =	simm.s32 $0x1;
	s6 =	sadd.s32 s6, s26;
	p1 =	por !p1, !p1;
	v5 =	vnsel vm0, $0x0, v3  }
0x42d: {  	s6 =	sshra.s32 s6, $0x4;
	s12 =	simm.s32 @!p1 $0x0;
	v4 =	vadd.f32 v4, v5  }
0x42e: {  	s6 =	ssub.s32 s6, s12  }
0x42f: {  	p1 =	sle.s32 s6, s9;
	[tilespmem:s10+$0xEB80] =	vst v4;
	s10 =	sadd.s32 $0x1, s9  }
0x430: {  	s12 =	sshll.u32 @!p1 s6, $0x4;
	s26 =	ssub.s32 s6, s10  }
0x431: {  	s7 =	ssub.s32 @!p1 s7, s12;
	s14 =	sshrl.u32 s26, $0x1E  }
0x432: {  	v4 =	vld @!p1 [tilespmem:s12+$0x4E80];
	v5 =	vmov @!p1 s7;
	s7 =	sadd.s32 s14, s26  }
0x433: {  	s28 =	sand.u32 $0xFFFFFFFC, s7  }
0x434: {  	v6 =	vlaneseq.u32 @!p1;
	p2 =	slt.s32 s28, $0x1  }
.Ltmp71:
0x435: {  	vm0 =	vgt.s32 @!p1 v5, v6;
	(pc) =	sbr.rel @p2 .LBB2_71-.Ltmp71, $3  }
0x436: {  	v5 =	vnsel @!p1 vm0, $0x0, v3  }
0x437: {  	v4 =	vadd.f32 @!p1 v4, v5;
	_ =	sdelay $0x1  }
0x438: {  	s7 =	sadd.s32 s10, s28;
	[tilespmem:s12+$0xEB80] =	vst @!p1 v4  }
0x439: {  	s9 =	sshll.u32 s9, $0x6;
	s14 =	sadd.s32 $0x4, s10  }
0x43a: {  	s9 =	sshra.s32 s9, $0x2;
	p2 =	slt.s32 s14, s7  }
.Ltmp72:
0x43b: {  	s12 =	sadd.s32 $0x4EA0, s9;
	(pc) =	sbr.rel @!p2 .LBB2_66-.Ltmp72, $4  }
0x43c: {  	v7 =	vld [tilespmem:s12+$0xFFFFFFF0]  }
0x43d: {  	v5 =	vld [tilespmem:s12+$0x20]  }
0x43e: {  	v4 =	vld [tilespmem:s12+$0x10]  }
0x43f: {  	p1 =	por $0x0, $0x0;
	s9 =	sadd.s32 $0xEBC0, s9;
	v6 =	vld [tilespmem:s12+$0x0]  }
0x440: {  	s10 =	sadd.s32 $0x40, s12;
	s12 =	sadd.s32 $0x4, s14  }
0x441: {  	p2 =	slt.s32 s12, s7  }
.Ltmp73:
0x442: {  	v8 =	vadd.f32 v7, v3;
	(pc) =	sbr.rel @!p2 .LBB2_86-.Ltmp73, $4  }
0x443: {  	v7 =	vld [tilespmem:s10+$0xFFFFFFF0];
	v9 =	vadd.f32 v5, v3  }
0x444: {  	v5 =	vld [tilespmem:s10+$0x20];
	[tilespmem:s9+$0xFFFFFFD0] =	vst v8;
	v10 =	vadd.f32 v4, v3  }
0x445: {  	v4 =	vld [tilespmem:s10+$0x10];
	[tilespmem:s9+$0x0] =	vst v9  }
0x446: {  	p1 =	por $0x1, $0x1;
	s14 =	smov.u32 s9;
	v8 =	vadd.f32 v6, v3;
	v6 =	vld [tilespmem:s10+$0x0];
	[tilespmem:s9+$0xFFFFFFF0] =	vst v10  }
.LBB2_87:
0x447: {  	s12 =	sadd.s32 $0x4, s12  }
0x448: {  	[tilespmem:s14+$0xFFFFFFE0] =	vst v8;
	s14 =	sadd.s32 $0x40, s14;
	p2 =	slt.s32 s12, s7  }
.Ltmp74:
0x449: {  	s10 =	sadd.s32 $0x40, s10;
	v8 =	vadd.f32 v7, v3;
	(pc) =	sbr.rel @p2 .LBB2_87-.Ltmp74, $4  }
0x44a: {  	v7 =	vld [tilespmem:s10+$0xFFFFFFF0];
	v9 =	vadd.f32 v5, v3  }
0x44b: {  	v5 =	vld [tilespmem:s10+$0x20];
	[tilespmem:s14+$0xFFFFFFD0] =	vst v8;
	v10 =	vadd.f32 v4, v3  }
0x44c: {  	v4 =	vld [tilespmem:s10+$0x10];
	v8 =	vadd.f32 v6, v3;
	[tilespmem:s14+$0x0] =	vst v9  }
0x44d: {  	v6 =	vld [tilespmem:s10+$0x0];
	[tilespmem:s14+$0xFFFFFFF0] =	vst v10  }
.LBB2_88:
0x44e: {  	_ = 	snop  }
0x44f: {  	s10 =	sadd.s32 @p1 $0x40, s14;
	v7 =	vadd.f32 v7, v3  }
0x450: {  	[tilespmem:s14+$0xFFFFFFE0] =	vst @p1 v8;
	s9 =	smov.u32 @p1 s10;
	v5 =	vadd.f32 v5, v3  }
0x451: {  	[tilespmem:s9+$0xFFFFFFD0] =	vst v7;
	v4 =	vadd.f32 v4, v3  }
0x452: {  	v6 =	vadd.f32 v6, v3;
	[tilespmem:s9+$0x0] =	vst v5  }
0x453: {  	[tilespmem:s9+$0xFFFFFFF0] =	vst v4  }
0x454: {  	[tilespmem:s9+$0xFFFFFFE0] =	vst v6  }
.LBB2_71:
0x455: {  	p1 =	sge.s32 s7, s6  }
.Ltmp75:
0x456: {  	_ = 	snop;
	(pc) =	sbr.rel @p1 .LBB2_74-.Ltmp75, $1  }
0x457: {  	_ =	sdelay $0x3  }
0x458: {  	s6 =	sshll.u32 s7, $0x6  }
0x459: {  	s9 =	sshra.s32 s6, $0x2  }
0x45a: {  	s6 =	ssub.s32 s26, s28;
	s7 =	sadd.s32 $0x4E80, s9;
	s9 =	sadd.s32 $0xEB80, s9  }
.LBB2_73:
0x45b: {  	v4 =	vld [tilespmem:s7+$0x0];
	_ =	sdelay $0x1  }
0x45c: {  	p1 =	sne.s32 s6, $0x1  }
.Ltmp76:
0x45d: {  	_ = 	snop;
	(pc) =	sbr.rel @p1 .LBB2_73-.Ltmp76, $3  }
0x45e: {  	_ = 	snop  }
0x45f: {  	v4 =	vadd.f32 v4, v3;
	_ =	sdelay $0x1  }
0x460: {  	s7 =	sadd.s32 $0x10, s7;
	s6 =	sadd.s32 $0xFFFFFFFF, s6;
	[tilespmem:s9+$0x0] =	vst v4;
	s9 =	sadd.s32 $0x10, s9  }
.Ltmp77:
0x461: {  	_ = 	snop;
	(pc) =	sbr.rel .LBB2_74-.Ltmp77, $1  }
0x462: {  	_ =	sdelay $0x3  }
.LBB2_66:
.Ltmp78:
0x463: {  	(pc) =	sbr.rel .LBB2_88-.Ltmp78, $2  }
0x464: {  	_ =	sdelay $0x2  }
0x465: {  	s14 =	smov.u32 s9  }
.LBB2_86:
.Ltmp79:
0x466: {  	(pc) =	sbr.rel .LBB2_88-.Ltmp79, $2  }
0x467: {  	_ =	sdelay $0x2  }
0x468: {  	s14 =	smov.u32 s9  }
.LBB2_94:
0x469: {  	_ =	sfence.sel $0x180000  }
0x46a: {  	[bflag:$0x0] =	sbarrier.arrive $0xFFFF  }
0x46b: {  	_ =	strace $0x9000004A  }
0x46c: {  	s0 =	stileid.u32;
	[bflag:$0x2] =	sbarrier.arrive $0xFFFF  }
0x46d: {  	p0 =	sne.s32 s0, $0x0;
	s0 =	rddreg [dreg:$0x5]  }
0x46e: {  	s0 =	sadd.s32 @!p0 $0x100000, s0  }
0x46f: {  	[sflag:s0] =	ssyncadd.tile.s32 @!p0 $0x1;
	_ =	shalt  }
.Lfunc_end2:
_tile_overlayer_lowered:
.L_overlay_start_2:
0x470: {  	(tag) =	ssettag $0x2  }
0x471: {  	s0 =	rddreg [dreg:$0x0];
	s2 =	stileid.u32  }
0x472: {  	s1 =	rddreg [dreg:$0x1];
	p0 =	sne.s32 s2, $0x0  }
0x473: {  	s3 =	rddreg [dreg:$0x2];
	[bflag:$0x3] =	sbarrier.arrive $0xFFFF;
	s2 =	simm.s32 @!p0 $0x1C05  }
0x474: {  	[timem:s3], [sflag:s2] =	dma.local @!p0 [hbm:s0], s1  }
0x475: {  	s0 =	simm.s32 @!p0 $0x5  }
0x476: {  	_ =	swait.ge @!p0 [sflag:s0], s1  }
0x477: {  	s1 =	ssub.s32 @!p0 $0x0, s1;
	[sflag:s0] =	ssyncset.done @!p0 $0x0  }
0x478: {  	[sflag:s0] =	ssyncadd.s32 @!p0 s1  }
0x479: {  	[bflag:$0x3] =	sbarrier.arrive $0xFFFF  }
0x47a: {  	_ =	shalt  }

</sc_bundles>
